<compile_context>
chip_gen: v7x
topology: tpu7x:2x2x1
jax: 0.10.2.dev20260603
libtpu: 0.0.44.dev20260713+nightly
codegen_flags: <defaults>
</compile_context>

<pallas_src>
import functools

import jax
import jax.numpy as jnp
from jax import lax
from jax.experimental import pallas as pl
from jax.experimental.pallas import tpu as pltpu
from jax.experimental.pallas import tpu_sc as plsc

_NX = 2048
_DT = 1.0
_SIGMA = 0.5
_DX = 2048.0 / _NX
_W = 2048
_NS = _W // 16
_H = 16


def _b16(x):
    return x.astype(jnp.bfloat16).astype(jnp.float32)


_SPLIT = 65537.0


def _round_bf16(x):
    t = x * _SPLIT
    return t - (t - x)


def _build_sc_call():
    mesh = plsc.VectorSubcoreMesh(core_axis_name="c", subcore_axis_name="s")

    @functools.partial(
        pl.kernel,
        mesh=mesh,
        out_type=jax.ShapeDtypeStruct((16,), jnp.float32),
        scratch_types=[
            pltpu.VMEM((_W + 2 * _H,), jnp.float32),
            pltpu.VMEM((_W + 2 * _H,), jnp.float32),
            pltpu.VMEM((_W + 2 * _H,), jnp.float32),
            pltpu.VMEM((_W,), jnp.float32),
            pltpu.VMEM((64,), jnp.float32),
            pltpu.VMEM((16,), jnp.int32),
            pltpu.VMEM((48,), jnp.float32),
            pltpu.VMEM((16,), jnp.float32),
        ],
    )
    def run(v0_h, iw_h, cf_h, st_h, out_h, va, vb, vr, iw, cf, st, scr, outv):
        first = (lax.axis_index("c") == 0) & (lax.axis_index("s") == 0)

        @pl.when(first)
        def _():
            zeros = jnp.zeros((16,), jnp.float32)

            def zbody(j, c):
                va[pl.ds(j * 16, 16)] = zeros
                vb[pl.ds(j * 16, 16)] = zeros
                vr[pl.ds(j * 16, 16)] = zeros
                return c

            lax.fori_loop(0, (_W + 2 * _H) // 16, zbody, 0)
            scr[pl.ds(0, 16)] = zeros
            scr[pl.ds(16, 16)] = zeros
            scr[pl.ds(32, 16)] = zeros

            pltpu.sync_copy(cf_h, cf)
            pltpu.sync_copy(st_h, st)
            pltpu.sync_copy(iw_h, iw)
            pltpu.sync_copy(v0_h, va.at[pl.ds(_H, _W)])

            p2v = cf[pl.ds(0, 16)]
            p0v = cf[pl.ds(16, 16)]
            p1v = cf[pl.ds(32, 16)]
            maskv = cf[pl.ds(48, 16)]
            nst = st[pl.ds(0, 16)][0]

            def lane_sum(x):
                for d in (8, 4, 2, 1):
                    scr[pl.ds(16, 16)] = x
                    x = x + scr[pl.ds(16 + d, 16)]
                return jnp.full((16,), x[0], jnp.float32)

            def full_step(src, dst, bvec, pvec):
                U = 8

                def rnd(o):
                    vr[pl.ds(o, 16)] = _round_bf16(src[pl.ds(o, 16)] / bvec)

                def abody(j, c):
                    o = _H + j * (16 * U)
                    for k in range(U):
                        rnd(o + 16 * k)
                    return c

                lax.fori_loop(0, _NS // U, abody, 0)

                def sl(o):
                    return (vr[pl.ds(o - 1, 16)] * p2v
                            + vr[pl.ds(o, 16)] * p0v
                            + vr[pl.ds(o + 1, 16)] * p1v)

                def st1(o, acc):
                    x = sl(o)
                    dst[pl.ds(o, 16)] = x
                    return acc + x

                def bbody(j, acc):
                    o = _H + j * (16 * U)
                    for k in range(U):
                        acc = st1(o + 16 * k, acc)
                    return acc

                acc = lax.fori_loop(0, (_NS - U) // U, bbody, zeros)
                o = _H + (_NS - U) * 16
                for k in range(U - 1):
                    acc = st1(o + 16 * k, acc)
                x = sl(_H + (_NS - 1) * 16) * maskv
                dst[pl.ds(_H + (_NS - 1) * 16, 16)] = x
                bnew = lane_sum(acc + x)
                return bnew, pvec * bnew

            ones = jnp.ones((16,), jnp.float32)

            def pair(t, carry):
                bvec, pvec = carry
                bvec, pvec = full_step(va, vb, bvec, pvec)
                bvec, pvec = full_step(vb, va, bvec, pvec)
                return (bvec, pvec)

            bvec, pvec = lax.fori_loop(0, nst // 2, pair, (ones, ones))

            def dot_pass(src, bvec):
                def dbody(j, acc):
                    o = _H + j * 16
                    return acc + (_round_bf16(src[pl.ds(o, 16)] / bvec)
                                  * iw[pl.ds(j * 16, 16)])

                return lax.fori_loop(0, _NS, dbody, zeros)

            is_odd = nst % 2 == 1

            @pl.when(is_odd)
            def _():
                bv2, pv2 = full_step(va, vb, bvec, pvec)
                outv[...] = dot_pass(vb, bv2) * pv2

            @pl.when(jnp.logical_not(is_odd))
            def _():
                outv[...] = dot_pass(va, bvec) * pvec
            pltpu.sync_copy(outv, out_h)

    return run


_sc_call = _build_sc_call()


def kernel(mu, init_dist, T, s):
    mu0 = mu[0].astype(jnp.float32)
    m1 = mu0 * _DT
    m2 = (mu0 * _DT) ** 2 + _SIGMA ** 2 * _DT
    p1f = ((m2 / _DX ** 2 + m1 / _DX) / 2.0).astype(jnp.float32)
    p2f = ((m2 / _DX ** 2 - m1 / _DX) / 2.0).astype(jnp.float32)
    p0f = (jnp.float32(1.0) - p1f - p2f).astype(jnp.float32)
    p1, p2, p0 = _b16(p1f), _b16(p2f), _b16(p0f)

    idx_T = jnp.round(jnp.asarray(T, jnp.float32) / _DT).astype(jnp.int32)
    idx_s = jnp.round(jnp.asarray(s, jnp.float32) / _DX).astype(jnp.int32)
    nsteps = jnp.maximum(idx_T - 1, 0)

    v0 = jnp.zeros((_W,), jnp.float32)

    def put(arr, row, val):
        ok = (row >= 1) & (row <= 2047)
        pos = jnp.where(ok, row - 1, 1 << 20)
        return arr.at[pos].set(val, mode="drop")

    v0 = put(v0, idx_s - 1, p1)
    v0 = put(v0, idx_s, p0)
    v0 = put(v0, idx_s + 1, p2)

    iw = _b16(init_dist[0, 1:_W + 1].astype(jnp.float32))

    mask16 = jnp.ones((16,), jnp.float32).at[15].set(0.0)
    cf = jnp.concatenate([
        jnp.full((16,), p2, jnp.float32),
        jnp.full((16,), p0, jnp.float32),
        jnp.full((16,), p1, jnp.float32),
        mask16,
    ])
    st = jnp.full((16,), nsteps, jnp.int32)

    out16 = _sc_call(v0, iw, cf, st)
    return jnp.sum(out16).reshape(1, 1)

# --- scband reference (transcript-rebuilt; emitter-appended) ---
"""Pipeline reference for scband-mcmodel-84559316123793 (READ-ONLY COPY).

The authoritative reference and input builder live on the scoring server;
editing this copy changes nothing except your own understanding.
"""

import jax, jax.numpy as jnp
import numpy as np

Nx = 2048
a = 2048.0
z = 1024.0
dt = 1.0
sigma = 0.5
dx = a / Nx
idx_z = int(round(z / dx))

def build_A(mu):
    m1 = mu * dt
    m2 = (mu * dt) ** 2 + sigma ** 2 * dt
    p1 = (m2 / dx ** 2 + m1 / dx) / 2.0
    p2 = (m2 / dx ** 2 - m1 / dx) / 2.0
    p0 = 1.0 - p1 - p2
    rows_b = jnp.array([0, Nx, Nx + 1])
    cols_b = jnp.array([Nx + 1, Nx + 1, Nx + 1])
    vals_b = jnp.ones(3, dtype=jnp.float32)
    i = jnp.arange(1, Nx)
    rows_i = jnp.repeat(i, 3)
    cols_i = jnp.stack([i - 1, i, i + 1], axis=1).reshape(-1)
    probs = jnp.concatenate([p2, p0, p1]).astype(jnp.float32)
    vals_i = jnp.tile(probs, Nx - 1)
    rows = jnp.concatenate([rows_b, rows_i])
    cols = jnp.concatenate([cols_b, cols_i])
    vals = jnp.concatenate([vals_b, vals_i])
    A = jnp.zeros((Nx + 2, Nx + 2), dtype=jnp.float32).at[rows, cols].set(vals)
    return A

def setup_inputs():
    mu = jnp.array([0.1], dtype=jnp.float32)
    init_dist = jnp.zeros((1, Nx + 2), dtype=jnp.float32).at[0, idx_z].set(1.0)
    return {"mu": mu, "init_dist": init_dist, "T": 256, "s": 1100}

def reference(mu, init_dist, T, s):
    A = build_A(mu)
    idx_T = jnp.round(T / dt).astype(jnp.int32)
    idx_s = jnp.round(s / dx).astype(jnp.int32)
    r = jnp.array(0.0, dtype=jnp.float32)
    scaled = jax.lax.dynamic_slice_in_dim(A, idx_s, 1, axis=1) / jnp.exp(r)

    def body(_, carry):
        r, scaled = carry
        Av = A @ scaled
        b = jnp.sum(Av)
        r = r + jnp.log(b)
        scaled = Av / b
        return (r, scaled)

    r, scaled = jax.lax.fori_loop(0, idx_T - 1, body, (r, scaled))
    return (init_dist @ scaled) * jnp.exp(r)

if __name__ == "__main__":
    import jax
    _d = setup_inputs()
    print(jax.jit(kernel)(*tuple(_d.values())))

</pallas_src>

<mosaic_0001>
#map = affine_map<(d0, d1) -> (0)>
module attributes {stable_mosaic.version = 14 : i64} {
  func.func @run(%arg0: i32, %arg1: i32, %arg2: memref<2048xf32, #tpu.memory_space<hbm>>, %arg3: memref<2048xf32, #tpu.memory_space<hbm>>, %arg4: memref<64xf32, #tpu.memory_space<hbm>>, %arg5: memref<16xi32, #tpu.memory_space<hbm>>, %arg6: memref<16xf32, #tpu.memory_space<hbm>>, %arg7: memref<2080xf32, #tpu.memory_space<vmem>>, %arg8: memref<2080xf32, #tpu.memory_space<vmem>>, %arg9: memref<2080xf32, #tpu.memory_space<vmem>>, %arg10: memref<2048xf32, #tpu.memory_space<vmem>>, %arg11: memref<64xf32, #tpu.memory_space<vmem>>, %arg12: memref<16xi32, #tpu.memory_space<vmem>>, %arg13: memref<48xf32, #tpu.memory_space<vmem>>, %arg14: memref<16xf32, #tpu.memory_space<vmem>>) attributes {dimension_semantics = [#tpu.dimension_semantics<core_parallel>, #tpu.dimension_semantics<subcore_parallel>], iteration_bounds = array<i64: 2, 16>, scalar_prefetch = 0 : i64, scratch_operands = 8 : i64, tpu.core_type = #tpu.core_type<sc_vector_subcore>, window_params = [{transform_indices = #map}, {transform_indices = #map}, {transform_indices = #map}, {transform_indices = #map}, {transform_indices = #map}]} {
    %eq3A = arith.constant 0 : i32
    %eq3A_0 = arith.cmpi eq, %arg0, %eq3A : i32
    %eq3A_1 = arith.constant 0 : i32
    %eq3A_2 = arith.cmpi eq, %arg1, %eq3A_1 : i32
    %and3A = arith.andi %eq3A_0, %eq3A_2 : i1
    %convert_element_type3A = arith.extui %and3A : i1 to i32
    %cond3A = arith.constant 0 : i32
    %cond3A_3 = arith.cmpi ne, %convert_element_type3A, %cond3A : i32
    scf.if %cond3A_3 {
      %broadcast_in_dim3A = arith.constant 0.000000e+00 : f32
      %broadcast_in_dim3A_4 = vector.broadcast %broadcast_in_dim3A : f32 to vector<16xf32>
      %scan3A = arith.constant 0 : i32
      %scan3A_5 = arith.constant 0 : i32
      %scan3A_6 = arith.constant 130 : i32
      %scan3A_7 = arith.addi %scan3A_5, %scan3A_6 : i32
      %scan3A_8 = arith.constant 1 : i32
      scf.for %scan3A_87 = %scan3A_5 to %scan3A_7 step %scan3A_8  : i32 {
        %mul3A = arith.constant 16 : i32
        %mul3A_88 = arith.muli %scan3A_87, %mul3A : i32
        %swap3A_89 = arith.index_cast %mul3A_88 : i32 to index
        %swap3A_90 = tpu.vector_load %arg7[%swap3A_89] {strides = array<i32>} : memref<2080xf32, #tpu.memory_space<vmem>>, vector<16xf32>,
        %swap3A_91 = vector.shape_cast %swap3A_90 : vector<16xf32> to vector<16xf32>
        %swap3A_92 = vector.shape_cast %broadcast_in_dim3A_4 : vector<16xf32> to vector<16xf32>
        tpu.vector_store %arg7[%swap3A_89], %swap3A_92 {strides = array<i32>} : memref<2080xf32, #tpu.memory_space<vmem>>, vector<16xf32>,
        %mul3A_93 = arith.constant 16 : i32
        %mul3A_94 = arith.muli %scan3A_87, %mul3A_93 : i32
        %swap3A_95 = arith.index_cast %mul3A_94 : i32 to index
        %swap3A_96 = tpu.vector_load %arg8[%swap3A_95] {strides = array<i32>} : memref<2080xf32, #tpu.memory_space<vmem>>, vector<16xf32>,
        %swap3A_97 = vector.shape_cast %swap3A_96 : vector<16xf32> to vector<16xf32>
        %swap3A_98 = vector.shape_cast %broadcast_in_dim3A_4 : vector<16xf32> to vector<16xf32>
        tpu.vector_store %arg8[%swap3A_95], %swap3A_98 {strides = array<i32>} : memref<2080xf32, #tpu.memory_space<vmem>>, vector<16xf32>,
        %mul3A_99 = arith.constant 16 : i32
        %mul3A_100 = arith.muli %scan3A_87, %mul3A_99 : i32
        %swap3A_101 = arith.index_cast %mul3A_100 : i32 to index
        %swap3A_102 = tpu.vector_load %arg9[%swap3A_101] {strides = array<i32>} : memref<2080xf32, #tpu.memory_space<vmem>>, vector<16xf32>,
        %swap3A_103 = vector.shape_cast %swap3A_102 : vector<16xf32> to vector<16xf32>
        %swap3A_104 = vector.shape_cast %broadcast_in_dim3A_4 : vector<16xf32> to vector<16xf32>
        tpu.vector_store %arg9[%swap3A_101], %swap3A_104 {strides = array<i32>} : memref<2080xf32, #tpu.memory_space<vmem>>, vector<16xf32>,
      }
      %scan3A_9 = arith.constant 130 : i32
      %swap3A = arith.constant 0 : index
      %swap3A_10 = tpu.vector_load %arg13[%swap3A] {strides = array<i32>} : memref<48xf32, #tpu.memory_space<vmem>>, vector<16xf32>,
      %swap3A_11 = vector.shape_cast %swap3A_10 : vector<16xf32> to vector<16xf32>
      %swap3A_12 = vector.shape_cast %broadcast_in_dim3A_4 : vector<16xf32> to vector<16xf32>
      tpu.vector_store %arg13[%swap3A], %swap3A_12 {strides = array<i32>} : memref<48xf32, #tpu.memory_space<vmem>>, vector<16xf32>,
      %swap3A_13 = arith.constant 16 : index
      %swap3A_14 = tpu.vector_load %arg13[%swap3A_13] {strides = array<i32>} : memref<48xf32, #tpu.memory_space<vmem>>, vector<16xf32>,
      %swap3A_15 = vector.shape_cast %swap3A_14 : vector<16xf32> to vector<16xf32>
      %swap3A_16 = vector.shape_cast %broadcast_in_dim3A_4 : vector<16xf32> to vector<16xf32>
      tpu.vector_store %arg13[%swap3A_13], %swap3A_16 {strides = array<i32>} : memref<48xf32, #tpu.memory_space<vmem>>, vector<16xf32>,
      %swap3A_17 = arith.constant 32 : index
      %swap3A_18 = tpu.vector_load %arg13[%swap3A_17] {strides = array<i32>} : memref<48xf32, #tpu.memory_space<vmem>>, vector<16xf32>,
      %swap3A_19 = vector.shape_cast %swap3A_18 : vector<16xf32> to vector<16xf32>
      %swap3A_20 = vector.shape_cast %broadcast_in_dim3A_4 : vector<16xf32> to vector<16xf32>
      tpu.vector_store %arg13[%swap3A_17], %swap3A_20 {strides = array<i32>} : memref<48xf32, #tpu.memory_space<vmem>>, vector<16xf32>,
      "tpu.region"() ({
        %run_scoped3A = tpu.sem_alloc : memref<!tpu.dma_semaphore, #tpu.memory_space<semaphore_mem>>
        tpu.enqueue_dma source(%arg4 : memref<64xf32, #tpu.memory_space<hbm>>) target(%arg11 : memref<64xf32, #tpu.memory_space<vmem>>) target_semaphore(%run_scoped3A : memref<!tpu.dma_semaphore, #tpu.memory_space<semaphore_mem>>)
        tpu.wait_dma2 semaphore(%run_scoped3A : memref<!tpu.dma_semaphore, #tpu.memory_space<semaphore_mem>>) src(%arg4 : memref<64xf32, #tpu.memory_space<hbm>>) dst(%arg11 : memref<64xf32, #tpu.memory_space<vmem>>)
        tpu.yield
      }) : () -> ()
      "tpu.region"() ({
        %run_scoped3A = tpu.sem_alloc : memref<!tpu.dma_semaphore, #tpu.memory_space<semaphore_mem>>
        tpu.enqueue_dma source(%arg5 : memref<16xi32, #tpu.memory_space<hbm>>) target(%arg12 : memref<16xi32, #tpu.memory_space<vmem>>) target_semaphore(%run_scoped3A : memref<!tpu.dma_semaphore, #tpu.memory_space<semaphore_mem>>)
        tpu.wait_dma2 semaphore(%run_scoped3A : memref<!tpu.dma_semaphore, #tpu.memory_space<semaphore_mem>>) src(%arg5 : memref<16xi32, #tpu.memory_space<hbm>>) dst(%arg12 : memref<16xi32, #tpu.memory_space<vmem>>)
        tpu.yield
      }) : () -> ()
      "tpu.region"() ({
        %run_scoped3A = tpu.sem_alloc : memref<!tpu.dma_semaphore, #tpu.memory_space<semaphore_mem>>
        tpu.enqueue_dma source(%arg3 : memref<2048xf32, #tpu.memory_space<hbm>>) target(%arg10 : memref<2048xf32, #tpu.memory_space<vmem>>) target_semaphore(%run_scoped3A : memref<!tpu.dma_semaphore, #tpu.memory_space<semaphore_mem>>)
        tpu.wait_dma2 semaphore(%run_scoped3A : memref<!tpu.dma_semaphore, #tpu.memory_space<semaphore_mem>>) src(%arg3 : memref<2048xf32, #tpu.memory_space<hbm>>) dst(%arg10 : memref<2048xf32, #tpu.memory_space<vmem>>)
        tpu.yield
      }) : () -> ()
      "tpu.region"() ({
        %run_scoped3A = tpu.sem_alloc : memref<!tpu.dma_semaphore, #tpu.memory_space<semaphore_mem>>
        %dma_start3A = arith.constant 16 : i32
        %dma_start3A_87 = tpu.memref_slice %arg7[%dma_start3A] : memref<2080xf32, #tpu.memory_space<vmem>> -> memref<2048xf32, #tpu.memory_space<vmem>>
        %dma_start3A_88 = arith.constant 16 : i32
        %dma_start3A_89 = tpu.memref_slice %arg7[%dma_start3A_88] : memref<2080xf32, #tpu.memory_space<vmem>> -> memref<2048xf32, #tpu.memory_space<vmem>>
        tpu.enqueue_dma source(%arg2 : memref<2048xf32, #tpu.memory_space<hbm>>) target(%dma_start3A_89 : memref<2048xf32, #tpu.memory_space<vmem>>) target_semaphore(%run_scoped3A : memref<!tpu.dma_semaphore, #tpu.memory_space<semaphore_mem>>)
        %dma_wait3A = arith.constant 16 : i32
        %dma_wait3A_90 = tpu.memref_slice %arg7[%dma_wait3A] : memref<2080xf32, #tpu.memory_space<vmem>> -> memref<2048xf32, #tpu.memory_space<vmem>>
        %dma_wait3A_91 = arith.constant 16 : i32
        %dma_wait3A_92 = tpu.memref_slice %arg7[%dma_wait3A_91] : memref<2080xf32, #tpu.memory_space<vmem>> -> memref<2048xf32, #tpu.memory_space<vmem>>
        tpu.wait_dma2 semaphore(%run_scoped3A : memref<!tpu.dma_semaphore, #tpu.memory_space<semaphore_mem>>) src(%arg2 : memref<2048xf32, #tpu.memory_space<hbm>>) dst(%dma_wait3A_92 : memref<2048xf32, #tpu.memory_space<vmem>>)
        tpu.yield
      }) : () -> ()
      %get3A = arith.constant 0 : index
      %get3A_21 = tpu.vector_load %arg11[%get3A] {strides = array<i32>} : memref<64xf32, #tpu.memory_space<vmem>>, vector<16xf32>,
      %get3A_22 = vector.shape_cast %get3A_21 : vector<16xf32> to vector<16xf32>
      %get3A_23 = arith.constant 16 : index
      %get3A_24 = tpu.vector_load %arg11[%get3A_23] {strides = array<i32>} : memref<64xf32, #tpu.memory_space<vmem>>, vector<16xf32>,
      %get3A_25 = vector.shape_cast %get3A_24 : vector<16xf32> to vector<16xf32>
      %get3A_26 = arith.constant 32 : index
      %get3A_27 = tpu.vector_load %arg11[%get3A_26] {strides = array<i32>} : memref<64xf32, #tpu.memory_space<vmem>>, vector<16xf32>,
      %get3A_28 = vector.shape_cast %get3A_27 : vector<16xf32> to vector<16xf32>
      %get3A_29 = arith.constant 48 : index
      %get3A_30 = tpu.vector_load %arg11[%get3A_29] {strides = array<i32>} : memref<64xf32, #tpu.memory_space<vmem>>, vector<16xf32>,
      %get3A_31 = vector.shape_cast %get3A_30 : vector<16xf32> to vector<16xf32>
      %get3A_32 = arith.constant 0 : index
      %get3A_33 = tpu.vector_load %arg12[%get3A_32] {strides = array<i32>} : memref<16xi32, #tpu.memory_space<vmem>>, vector<16xi32>,
      %get3A_34 = vector.shape_cast %get3A_33 : vector<16xi32> to vector<16xi32>
      %slice3A = vector.extract_strided_slice %get3A_34 {offsets = [0], sizes = [1], strides = [1]} : vector<16xi32> to vector<1xi32>
      %squeeze3A = vector.extract %slice3A[0] : i32 from vector<1xi32>
      %broadcast_in_dim3A_35 = arith.constant 1.000000e+00 : f32
      %broadcast_in_dim3A_36 = vector.broadcast %broadcast_in_dim3A_35 : f32 to vector<16xf32>
      %jit3A = arith.constant 2 : i32
      %div3A = arith.divsi %squeeze3A, %jit3A : i32
      %sign3A = arith.constant 0 : i32
      %sign3A_37 = arith.cmpi sgt, %squeeze3A, %sign3A : i32
      %sign3A_38 = arith.extui %sign3A_37 : i1 to i32
      %sign3A_39 = arith.constant 0 : i32
      %sign3A_40 = arith.cmpi slt, %squeeze3A, %sign3A_39 : i32
      %sign3A_41 = arith.extui %sign3A_40 : i1 to i32
      %sign3A_42 = arith.subi %sign3A_38, %sign3A_41 : i32
      %sign3A_43 = arith.constant 0 : i32
      %sign3A_44 = arith.cmpi sgt, %jit3A, %sign3A_43 : i32
      %sign3A_45 = arith.extui %sign3A_44 : i1 to i32
      %sign3A_46 = arith.constant 0 : i32
      %sign3A_47 = arith.cmpi slt, %jit3A, %sign3A_46 : i32
      %sign3A_48 = arith.extui %sign3A_47 : i1 to i32
      %sign3A_49 = arith.subi %sign3A_45, %sign3A_48 : i32
      %ne3A = arith.cmpi ne, %sign3A_42, %sign3A_49 : i32
      %rem3A = arith.remsi %squeeze3A, %jit3A : i32
      %ne3A_50 = arith.constant 0 : i32
      %ne3A_51 = arith.cmpi ne, %rem3A, %ne3A_50 : i32
      %and3A_52 = arith.andi %ne3A, %ne3A_51 : i1
      %sub3A = arith.constant 1 : i32
      %sub3A_53 = arith.subi %div3A, %sub3A : i32
      %select_n3A = arith.select %and3A_52, %sub3A_53, %div3A : i32
      %while3A = arith.constant 0 : i32
      %while3A_54 = arith.subi %select_n3A, %while3A : i32
      %while3A_55 = arith.addi %while3A, %while3A_54 : i32
      %while3A_56 = arith.constant 1 : i32
      %while3A_57 = arith.divsi %while3A_54, %while3A_56 : i32
      %while3A_58 = arith.muli %while3A_57, %while3A_56 : i32
      %while3A_59 = arith.addi %while3A, %while3A_58 : i32
      %while3A_60 = arith.constant 1 : i32
      %while3A_61:2 = scf.for %while3A_87 = %while3A to %while3A_59 step %while3A_60 iter_args(%while3A_88 = %broadcast_in_dim3A_36, %while3A_89 = %broadcast_in_dim3A_36) -> (vector<16xf32>, vector<16xf32>)  : i32 {
        %scan3A_90 = arith.constant 0 : i32
        %scan3A_91 = arith.constant 0 : i32
        %scan3A_92 = arith.constant 16 : i32
        %scan3A_93 = arith.addi %scan3A_91, %scan3A_92 : i32
        %scan3A_94 = arith.constant 1 : i32
        scf.for %scan3A_491 = %scan3A_91 to %scan3A_93 step %scan3A_94  : i32 {
          %mul3A_492 = arith.constant 128 : i32
          %mul3A_493 = arith.muli %scan3A_491, %mul3A_492 : i32
          %add3A_494 = arith.constant 16 : i32
          %add3A_495 = arith.addi %add3A_494, %mul3A_493 : i32
          %add3A_496 = arith.constant 0 : i32
          %add3A_497 = arith.addi %add3A_495, %add3A_496 : i32
          %get3A_498 = arith.index_cast %add3A_497 : i32 to index
          %get3A_499 = tpu.vector_load %arg7[%get3A_498] {strides = array<i32>} : memref<2080xf32, #tpu.memory_space<vmem>>, vector<16xf32>,
          %get3A_500 = vector.shape_cast %get3A_499 : vector<16xf32> to vector<16xf32>
          %div3A_501 = arith.divf %get3A_500, %while3A_88 : vector<16xf32>
          %mul3A_502 = arith.constant 6.553700e+04 : f32
          %mul3A_503 = vector.broadcast %mul3A_502 : f32 to vector<16xf32>
          %mul3A_504 = arith.mulf %div3A_501, %mul3A_503 : vector<16xf32>
          %sub3A_505 = arith.subf %mul3A_504, %div3A_501 : vector<16xf32>
          %sub3A_506 = arith.subf %mul3A_504, %sub3A_505 : vector<16xf32>
          %swap3A_507 = arith.index_cast %add3A_497 : i32 to index
          %swap3A_508 = tpu.vector_load %arg9[%swap3A_507] {strides = array<i32>} : memref<2080xf32, #tpu.memory_space<vmem>>, vector<16xf32>,
          %swap3A_509 = vector.shape_cast %swap3A_508 : vector<16xf32> to vector<16xf32>
          %swap3A_510 = vector.shape_cast %sub3A_506 : vector<16xf32> to vector<16xf32>
          tpu.vector_store %arg9[%swap3A_507], %swap3A_510 {strides = array<i32>} : memref<2080xf32, #tpu.memory_space<vmem>>, vector<16xf32>,
          %add3A_511 = arith.constant 16 : i32
          %add3A_512 = arith.addi %add3A_495, %add3A_511 : i32
          %get3A_513 = arith.index_cast %add3A_512 : i32 to index
          %get3A_514 = tpu.vector_load %arg7[%get3A_513] {strides = array<i32>} : memref<2080xf32, #tpu.memory_space<vmem>>, vector<16xf32>,
          %get3A_515 = vector.shape_cast %get3A_514 : vector<16xf32> to vector<16xf32>
          %div3A_516 = arith.divf %get3A_515, %while3A_88 : vector<16xf32>
          %mul3A_517 = arith.constant 6.553700e+04 : f32
          %mul3A_518 = vector.broadcast %mul3A_517 : f32 to vector<16xf32>
          %mul3A_519 = arith.mulf %div3A_516, %mul3A_518 : vector<16xf32>
          %sub3A_520 = arith.subf %mul3A_519, %div3A_516 : vector<16xf32>
          %sub3A_521 = arith.subf %mul3A_519, %sub3A_520 : vector<16xf32>
          %swap3A_522 = arith.index_cast %add3A_512 : i32 to index
          %swap3A_523 = tpu.vector_load %arg9[%swap3A_522] {strides = array<i32>} : memref<2080xf32, #tpu.memory_space<vmem>>, vector<16xf32>,
          %swap3A_524 = vector.shape_cast %swap3A_523 : vector<16xf32> to vector<16xf32>
          %swap3A_525 = vector.shape_cast %sub3A_521 : vector<16xf32> to vector<16xf32>
          tpu.vector_store %arg9[%swap3A_522], %swap3A_525 {strides = array<i32>} : memref<2080xf32, #tpu.memory_space<vmem>>, vector<16xf32>,
          %add3A_526 = arith.constant 32 : i32
          %add3A_527 = arith.addi %add3A_495, %add3A_526 : i32
          %get3A_528 = arith.index_cast %add3A_527 : i32 to index
          %get3A_529 = tpu.vector_load %arg7[%get3A_528] {strides = array<i32>} : memref<2080xf32, #tpu.memory_space<vmem>>, vector<16xf32>,
          %get3A_530 = vector.shape_cast %get3A_529 : vector<16xf32> to vector<16xf32>
          %div3A_531 = arith.divf %get3A_530, %while3A_88 : vector<16xf32>
          %mul3A_532 = arith.constant 6.553700e+04 : f32
          %mul3A_533 = vector.broadcast %mul3A_532 : f32 to vector<16xf32>
          %mul3A_534 = arith.mulf %div3A_531, %mul3A_533 : vector<16xf32>
          %sub3A_535 = arith.subf %mul3A_534, %div3A_531 : vector<16xf32>
          %sub3A_536 = arith.subf %mul3A_534, %sub3A_535 : vector<16xf32>
          %swap3A_537 = arith.index_cast %add3A_527 : i32 to index
          %swap3A_538 = tpu.vector_load %arg9[%swap3A_537] {strides = array<i32>} : memref<2080xf32, #tpu.memory_space<vmem>>, vector<16xf32>,
          %swap3A_539 = vector.shape_cast %swap3A_538 : vector<16xf32> to vector<16xf32>
          %swap3A_540 = vector.shape_cast %sub3A_536 : vector<16xf32> to vector<16xf32>
          tpu.vector_store %arg9[%swap3A_537], %swap3A_540 {strides = array<i32>} : memref<2080xf32, #tpu.memory_space<vmem>>, vector<16xf32>,
          %add3A_541 = arith.constant 48 : i32
          %add3A_542 = arith.addi %add3A_495, %add3A_541 : i32
          %get3A_543 = arith.index_cast %add3A_542 : i32 to index
          %get3A_544 = tpu.vector_load %arg7[%get3A_543] {strides = array<i32>} : memref<2080xf32, #tpu.memory_space<vmem>>, vector<16xf32>,
          %get3A_545 = vector.shape_cast %get3A_544 : vector<16xf32> to vector<16xf32>
          %div3A_546 = arith.divf %get3A_545, %while3A_88 : vector<16xf32>
          %mul3A_547 = arith.constant 6.553700e+04 : f32
          %mul3A_548 = vector.broadcast %mul3A_547 : f32 to vector<16xf32>
          %mul3A_549 = arith.mulf %div3A_546, %mul3A_548 : vector<16xf32>
          %sub3A_550 = arith.subf %mul3A_549, %div3A_546 : vector<16xf32>
          %sub3A_551 = arith.subf %mul3A_549, %sub3A_550 : vector<16xf32>
          %swap3A_552 = arith.index_cast %add3A_542 : i32 to index
          %swap3A_553 = tpu.vector_load %arg9[%swap3A_552] {strides = array<i32>} : memref<2080xf32, #tpu.memory_space<vmem>>, vector<16xf32>,
          %swap3A_554 = vector.shape_cast %swap3A_553 : vector<16xf32> to vector<16xf32>
          %swap3A_555 = vector.shape_cast %sub3A_551 : vector<16xf32> to vector<16xf32>
          tpu.vector_store %arg9[%swap3A_552], %swap3A_555 {strides = array<i32>} : memref<2080xf32, #tpu.memory_space<vmem>>, vector<16xf32>,
          %add3A_556 = arith.constant 64 : i32
          %add3A_557 = arith.addi %add3A_495, %add3A_556 : i32
          %get3A_558 = arith.index_cast %add3A_557 : i32 to index
          %get3A_559 = tpu.vector_load %arg7[%get3A_558] {strides = array<i32>} : memref<2080xf32, #tpu.memory_space<vmem>>, vector<16xf32>,
          %get3A_560 = vector.shape_cast %get3A_559 : vector<16xf32> to vector<16xf32>
          %div3A_561 = arith.divf %get3A_560, %while3A_88 : vector<16xf32>
          %mul3A_562 = arith.constant 6.553700e+04 : f32
          %mul3A_563 = vector.broadcast %mul3A_562 : f32 to vector<16xf32>
          %mul3A_564 = arith.mulf %div3A_561, %mul3A_563 : vector<16xf32>
          %sub3A_565 = arith.subf %mul3A_564, %div3A_561 : vector<16xf32>
          %sub3A_566 = arith.subf %mul3A_564, %sub3A_565 : vector<16xf32>
          %swap3A_567 = arith.index_cast %add3A_557 : i32 to index
          %swap3A_568 = tpu.vector_load %arg9[%swap3A_567] {strides = array<i32>} : memref<2080xf32, #tpu.memory_space<vmem>>, vector<16xf32>,
          %swap3A_569 = vector.shape_cast %swap3A_568 : vector<16xf32> to vector<16xf32>
          %swap3A_570 = vector.shape_cast %sub3A_566 : vector<16xf32> to vector<16xf32>
          tpu.vector_store %arg9[%swap3A_567], %swap3A_570 {strides = array<i32>} : memref<2080xf32, #tpu.memory_space<vmem>>, vector<16xf32>,
          %add3A_571 = arith.constant 80 : i32
          %add3A_572 = arith.addi %add3A_495, %add3A_571 : i32
          %get3A_573 = arith.index_cast %add3A_572 : i32 to index
          %get3A_574 = tpu.vector_load %arg7[%get3A_573] {strides = array<i32>} : memref<2080xf32, #tpu.memory_space<vmem>>, vector<16xf32>,
          %get3A_575 = vector.shape_cast %get3A_574 : vector<16xf32> to vector<16xf32>
          %div3A_576 = arith.divf %get3A_575, %while3A_88 : vector<16xf32>
          %mul3A_577 = arith.constant 6.553700e+04 : f32
          %mul3A_578 = vector.broadcast %mul3A_577 : f32 to vector<16xf32>
          %mul3A_579 = arith.mulf %div3A_576, %mul3A_578 : vector<16xf32>
          %sub3A_580 = arith.subf %mul3A_579, %div3A_576 : vector<16xf32>
          %sub3A_581 = arith.subf %mul3A_579, %sub3A_580 : vector<16xf32>
          %swap3A_582 = arith.index_cast %add3A_572 : i32 to index
          %swap3A_583 = tpu.vector_load %arg9[%swap3A_582] {strides = array<i32>} : memref<2080xf32, #tpu.memory_space<vmem>>, vector<16xf32>,
          %swap3A_584 = vector.shape_cast %swap3A_583 : vector<16xf32> to vector<16xf32>
          %swap3A_585 = vector.shape_cast %sub3A_581 : vector<16xf32> to vector<16xf32>
          tpu.vector_store %arg9[%swap3A_582], %swap3A_585 {strides = array<i32>} : memref<2080xf32, #tpu.memory_space<vmem>>, vector<16xf32>,
          %add3A_586 = arith.constant 96 : i32
          %add3A_587 = arith.addi %add3A_495, %add3A_586 : i32
          %get3A_588 = arith.index_cast %add3A_587 : i32 to index
          %get3A_589 = tpu.vector_load %arg7[%get3A_588] {strides = array<i32>} : memref<2080xf32, #tpu.memory_space<vmem>>, vector<16xf32>,
          %get3A_590 = vector.shape_cast %get3A_589 : vector<16xf32> to vector<16xf32>
          %div3A_591 = arith.divf %get3A_590, %while3A_88 : vector<16xf32>
          %mul3A_592 = arith.constant 6.553700e+04 : f32
          %mul3A_593 = vector.broadcast %mul3A_592 : f32 to vector<16xf32>
          %mul3A_594 = arith.mulf %div3A_591, %mul3A_593 : vector<16xf32>
          %sub3A_595 = arith.subf %mul3A_594, %div3A_591 : vector<16xf32>
          %sub3A_596 = arith.subf %mul3A_594, %sub3A_595 : vector<16xf32>
          %swap3A_597 = arith.index_cast %add3A_587 : i32 to index
          %swap3A_598 = tpu.vector_load %arg9[%swap3A_597] {strides = array<i32>} : memref<2080xf32, #tpu.memory_space<vmem>>, vector<16xf32>,
          %swap3A_599 = vector.shape_cast %swap3A_598 : vector<16xf32> to vector<16xf32>
          %swap3A_600 = vector.shape_cast %sub3A_596 : vector<16xf32> to vector<16xf32>
          tpu.vector_store %arg9[%swap3A_597], %swap3A_600 {strides = array<i32>} : memref<2080xf32, #tpu.memory_space<vmem>>, vector<16xf32>,
          %add3A_601 = arith.constant 112 : i32
          %add3A_602 = arith.addi %add3A_495, %add3A_601 : i32
          %get3A_603 = arith.index_cast %add3A_602 : i32 to index
          %get3A_604 = tpu.vector_load %arg7[%get3A_603] {strides = array<i32>} : memref<2080xf32, #tpu.memory_space<vmem>>, vector<16xf32>,
          %get3A_605 = vector.shape_cast %get3A_604 : vector<16xf32> to vector<16xf32>
          %div3A_606 = arith.divf %get3A_605, %while3A_88 : vector<16xf32>
          %mul3A_607 = arith.constant 6.553700e+04 : f32
          %mul3A_608 = vector.broadcast %mul3A_607 : f32 to vector<16xf32>
          %mul3A_609 = arith.mulf %div3A_606, %mul3A_608 : vector<16xf32>
          %sub3A_610 = arith.subf %mul3A_609, %div3A_606 : vector<16xf32>
          %sub3A_611 = arith.subf %mul3A_609, %sub3A_610 : vector<16xf32>
          %swap3A_612 = arith.index_cast %add3A_602 : i32 to index
          %swap3A_613 = tpu.vector_load %arg9[%swap3A_612] {strides = array<i32>} : memref<2080xf32, #tpu.memory_space<vmem>>, vector<16xf32>,
          %swap3A_614 = vector.shape_cast %swap3A_613 : vector<16xf32> to vector<16xf32>
          %swap3A_615 = vector.shape_cast %sub3A_611 : vector<16xf32> to vector<16xf32>
          tpu.vector_store %arg9[%swap3A_612], %swap3A_615 {strides = array<i32>} : memref<2080xf32, #tpu.memory_space<vmem>>, vector<16xf32>,
        }
        %scan3A_95 = arith.constant 16 : i32
        %scan3A_96 = arith.constant 0 : i32
        %scan3A_97 = arith.constant 15 : i32
        %scan3A_98 = arith.addi %scan3A_96, %scan3A_97 : i32
        %scan3A_99 = arith.constant 1 : i32
        %scan3A_100 = scf.for %scan3A_491 = %scan3A_96 to %scan3A_98 step %scan3A_99 iter_args(%scan3A_492 = %broadcast_in_dim3A_4) -> (vector<16xf32>)  : i32 {
          %mul3A_493 = arith.constant 128 : i32
          %mul3A_494 = arith.muli %scan3A_491, %mul3A_493 : i32
          %add3A_495 = arith.constant 16 : i32
          %add3A_496 = arith.addi %add3A_495, %mul3A_494 : i32
          %add3A_497 = arith.constant 0 : i32
          %add3A_498 = arith.addi %add3A_496, %add3A_497 : i32
          %sub3A_499 = arith.constant 1 : i32
          %sub3A_500 = arith.subi %add3A_498, %sub3A_499 : i32
          %get3A_501 = arith.index_cast %sub3A_500 : i32 to index
          %get3A_502 = tpu.vector_load %arg9[%get3A_501] {strides = array<i32>} : memref<2080xf32, #tpu.memory_space<vmem>>, vector<16xf32>,
          %get3A_503 = vector.shape_cast %get3A_502 : vector<16xf32> to vector<16xf32>
          %mul3A_504 = arith.mulf %get3A_503, %get3A_22 : vector<16xf32>
          %get3A_505 = arith.index_cast %add3A_498 : i32 to index
          %get3A_506 = tpu.vector_load %arg9[%get3A_505] {strides = array<i32>} : memref<2080xf32, #tpu.memory_space<vmem>>, vector<16xf32>,
          %get3A_507 = vector.shape_cast %get3A_506 : vector<16xf32> to vector<16xf32>
          %mul3A_508 = arith.mulf %get3A_507, %get3A_25 : vector<16xf32>
          %add3A_509 = arith.addf %mul3A_504, %mul3A_508 : vector<16xf32>
          %add3A_510 = arith.constant 1 : i32
          %add3A_511 = arith.addi %add3A_498, %add3A_510 : i32
          %get3A_512 = arith.index_cast %add3A_511 : i32 to index
          %get3A_513 = tpu.vector_load %arg9[%get3A_512] {strides = array<i32>} : memref<2080xf32, #tpu.memory_space<vmem>>, vector<16xf32>,
          %get3A_514 = vector.shape_cast %get3A_513 : vector<16xf32> to vector<16xf32>
          %mul3A_515 = arith.mulf %get3A_514, %get3A_28 : vector<16xf32>
          %add3A_516 = arith.addf %add3A_509, %mul3A_515 : vector<16xf32>
          %swap3A_517 = arith.index_cast %add3A_498 : i32 to index
          %swap3A_518 = tpu.vector_load %arg8[%swap3A_517] {strides = array<i32>} : memref<2080xf32, #tpu.memory_space<vmem>>, vector<16xf32>,
          %swap3A_519 = vector.shape_cast %swap3A_518 : vector<16xf32> to vector<16xf32>
          %swap3A_520 = vector.shape_cast %add3A_516 : vector<16xf32> to vector<16xf32>
          tpu.vector_store %arg8[%swap3A_517], %swap3A_520 {strides = array<i32>} : memref<2080xf32, #tpu.memory_space<vmem>>, vector<16xf32>,
          %add3A_521 = arith.addf %scan3A_492, %add3A_516 : vector<16xf32>
          %add3A_522 = arith.constant 16 : i32
          %add3A_523 = arith.addi %add3A_496, %add3A_522 : i32
          %sub3A_524 = arith.constant 1 : i32
          %sub3A_525 = arith.subi %add3A_523, %sub3A_524 : i32
          %get3A_526 = arith.index_cast %sub3A_525 : i32 to index
          %get3A_527 = tpu.vector_load %arg9[%get3A_526] {strides = array<i32>} : memref<2080xf32, #tpu.memory_space<vmem>>, vector<16xf32>,
          %get3A_528 = vector.shape_cast %get3A_527 : vector<16xf32> to vector<16xf32>
          %mul3A_529 = arith.mulf %get3A_528, %get3A_22 : vector<16xf32>
          %get3A_530 = arith.index_cast %add3A_523 : i32 to index
          %get3A_531 = tpu.vector_load %arg9[%get3A_530] {strides = array<i32>} : memref<2080xf32, #tpu.memory_space<vmem>>, vector<16xf32>,
          %get3A_532 = vector.shape_cast %get3A_531 : vector<16xf32> to vector<16xf32>
          %mul3A_533 = arith.mulf %get3A_532, %get3A_25 : vector<16xf32>
          %add3A_534 = arith.addf %mul3A_529, %mul3A_533 : vector<16xf32>
          %add3A_535 = arith.constant 1 : i32
          %add3A_536 = arith.addi %add3A_523, %add3A_535 : i32
          %get3A_537 = arith.index_cast %add3A_536 : i32 to index
          %get3A_538 = tpu.vector_load %arg9[%get3A_537] {strides = array<i32>} : memref<2080xf32, #tpu.memory_space<vmem>>, vector<16xf32>,
          %get3A_539 = vector.shape_cast %get3A_538 : vector<16xf32> to vector<16xf32>
          %mul3A_540 = arith.mulf %get3A_539, %get3A_28 : vector<16xf32>
          %add3A_541 = arith.addf %add3A_534, %mul3A_540 : vector<16xf32>
          %swap3A_542 = arith.index_cast %add3A_523 : i32 to index
          %swap3A_543 = tpu.vector_load %arg8[%swap3A_542] {strides = array<i32>} : memref<2080xf32, #tpu.memory_space<vmem>>, vector<16xf32>,
          %swap3A_544 = vector.shape_cast %swap3A_543 : vector<16xf32> to vector<16xf32>
          %swap3A_545 = vector.shape_cast %add3A_541 : vector<16xf32> to vector<16xf32>
          tpu.vector_store %arg8[%swap3A_542], %swap3A_545 {strides = array<i32>} : memref<2080xf32, #tpu.memory_space<vmem>>, vector<16xf32>,
          %add3A_546 = arith.addf %add3A_521, %add3A_541 : vector<16xf32>
          %add3A_547 = arith.constant 32 : i32
          %add3A_548 = arith.addi %add3A_496, %add3A_547 : i32
          %sub3A_549 = arith.constant 1 : i32
          %sub3A_550 = arith.subi %add3A_548, %sub3A_549 : i32
          %get3A_551 = arith.index_cast %sub3A_550 : i32 to index
          %get3A_552 = tpu.vector_load %arg9[%get3A_551] {strides = array<i32>} : memref<2080xf32, #tpu.memory_space<vmem>>, vector<16xf32>,
          %get3A_553 = vector.shape_cast %get3A_552 : vector<16xf32> to vector<16xf32>
          %mul3A_554 = arith.mulf %get3A_553, %get3A_22 : vector<16xf32>
          %get3A_555 = arith.index_cast %add3A_548 : i32 to index
          %get3A_556 = tpu.vector_load %arg9[%get3A_555] {strides = array<i32>} : memref<2080xf32, #tpu.memory_space<vmem>>, vector<16xf32>,
          %get3A_557 = vector.shape_cast %get3A_556 : vector<16xf32> to vector<16xf32>
          %mul3A_558 = arith.mulf %get3A_557, %get3A_25 : vector<16xf32>
          %add3A_559 = arith.addf %mul3A_554, %mul3A_558 : vector<16xf32>
          %add3A_560 = arith.constant 1 : i32
          %add3A_561 = arith.addi %add3A_548, %add3A_560 : i32
          %get3A_562 = arith.index_cast %add3A_561 : i32 to index
          %get3A_563 = tpu.vector_load %arg9[%get3A_562] {strides = array<i32>} : memref<2080xf32, #tpu.memory_space<vmem>>, vector<16xf32>,
          %get3A_564 = vector.shape_cast %get3A_563 : vector<16xf32> to vector<16xf32>
          %mul3A_565 = arith.mulf %get3A_564, %get3A_28 : vector<16xf32>
          %add3A_566 = arith.addf %add3A_559, %mul3A_565 : vector<16xf32>
          %swap3A_567 = arith.index_cast %add3A_548 : i32 to index
          %swap3A_568 = tpu.vector_load %arg8[%swap3A_567] {strides = array<i32>} : memref<2080xf32, #tpu.memory_space<vmem>>, vector<16xf32>,
          %swap3A_569 = vector.shape_cast %swap3A_568 : vector<16xf32> to vector<16xf32>
          %swap3A_570 = vector.shape_cast %add3A_566 : vector<16xf32> to vector<16xf32>
          tpu.vector_store %arg8[%swap3A_567], %swap3A_570 {strides = array<i32>} : memref<2080xf32, #tpu.memory_space<vmem>>, vector<16xf32>,
          %add3A_571 = arith.addf %add3A_546, %add3A_566 : vector<16xf32>
          %add3A_572 = arith.constant 48 : i32
          %add3A_573 = arith.addi %add3A_496, %add3A_572 : i32
          %sub3A_574 = arith.constant 1 : i32
          %sub3A_575 = arith.subi %add3A_573, %sub3A_574 : i32
          %get3A_576 = arith.index_cast %sub3A_575 : i32 to index
          %get3A_577 = tpu.vector_load %arg9[%get3A_576] {strides = array<i32>} : memref<2080xf32, #tpu.memory_space<vmem>>, vector<16xf32>,
          %get3A_578 = vector.shape_cast %get3A_577 : vector<16xf32> to vector<16xf32>
          %mul3A_579 = arith.mulf %get3A_578, %get3A_22 : vector<16xf32>
          %get3A_580 = arith.index_cast %add3A_573 : i32 to index
          %get3A_581 = tpu.vector_load %arg9[%get3A_580] {strides = array<i32>} : memref<2080xf32, #tpu.memory_space<vmem>>, vector<16xf32>,
          %get3A_582 = vector.shape_cast %get3A_581 : vector<16xf32> to vector<16xf32>
          %mul3A_583 = arith.mulf %get3A_582, %get3A_25 : vector<16xf32>
          %add3A_584 = arith.addf %mul3A_579, %mul3A_583 : vector<16xf32>
          %add3A_585 = arith.constant 1 : i32
          %add3A_586 = arith.addi %add3A_573, %add3A_585 : i32
          %get3A_587 = arith.index_cast %add3A_586 : i32 to index
          %get3A_588 = tpu.vector_load %arg9[%get3A_587] {strides = array<i32>} : memref<2080xf32, #tpu.memory_space<vmem>>, vector<16xf32>,
          %get3A_589 = vector.shape_cast %get3A_588 : vector<16xf32> to vector<16xf32>
          %mul3A_590 = arith.mulf %get3A_589, %get3A_28 : vector<16xf32>
          %add3A_591 = arith.addf %add3A_584, %mul3A_590 : vector<16xf32>
          %swap3A_592 = arith.index_cast %add3A_573 : i32 to index
          %swap3A_593 = tpu.vector_load %arg8[%swap3A_592] {strides = array<i32>} : memref<2080xf32, #tpu.memory_space<vmem>>, vector<16xf32>,
          %swap3A_594 = vector.shape_cast %swap3A_593 : vector<16xf32> to vector<16xf32>
          %swap3A_595 = vector.shape_cast %add3A_591 : vector<16xf32> to vector<16xf32>
          tpu.vector_store %arg8[%swap3A_592], %swap3A_595 {strides = array<i32>} : memref<2080xf32, #tpu.memory_space<vmem>>, vector<16xf32>,
          %add3A_596 = arith.addf %add3A_571, %add3A_591 : vector<16xf32>
          %add3A_597 = arith.constant 64 : i32
          %add3A_598 = arith.addi %add3A_496, %add3A_597 : i32
          %sub3A_599 = arith.constant 1 : i32
          %sub3A_600 = arith.subi %add3A_598, %sub3A_599 : i32
          %get3A_601 = arith.index_cast %sub3A_600 : i32 to index
          %get3A_602 = tpu.vector_load %arg9[%get3A_601] {strides = array<i32>} : memref<2080xf32, #tpu.memory_space<vmem>>, vector<16xf32>,
          %get3A_603 = vector.shape_cast %get3A_602 : vector<16xf32> to vector<16xf32>
          %mul3A_604 = arith.mulf %get3A_603, %get3A_22 : vector<16xf32>
          %get3A_605 = arith.index_cast %add3A_598 : i32 to index
          %get3A_606 = tpu.vector_load %arg9[%get3A_605] {strides = array<i32>} : memref<2080xf32, #tpu.memory_space<vmem>>, vector<16xf32>,
          %get3A_607 = vector.shape_cast %get3A_606 : vector<16xf32> to vector<16xf32>
          %mul3A_608 = arith.mulf %get3A_607, %get3A_25 : vector<16xf32>
          %add3A_609 = arith.addf %mul3A_604, %mul3A_608 : vector<16xf32>
          %add3A_610 = arith.constant 1 : i32
          %add3A_611 = arith.addi %add3A_598, %add3A_610 : i32
          %get3A_612 = arith.index_cast %add3A_611 : i32 to index
          %get3A_613 = tpu.vector_load %arg9[%get3A_612] {strides = array<i32>} : memref<2080xf32, #tpu.memory_space<vmem>>, vector<16xf32>,
          %get3A_614 = vector.shape_cast %get3A_613 : vector<16xf32> to vector<16xf32>
          %mul3A_615 = arith.mulf %get3A_614, %get3A_28 : vector<16xf32>
          %add3A_616 = arith.addf %add3A_609, %mul3A_615 : vector<16xf32>
          %swap3A_617 = arith.index_cast %add3A_598 : i32 to index
          %swap3A_618 = tpu.vector_load %arg8[%swap3A_617] {strides = array<i32>} : memref<2080xf32, #tpu.memory_space<vmem>>, vector<16xf32>,
          %swap3A_619 = vector.shape_cast %swap3A_618 : vector<16xf32> to vector<16xf32>
          %swap3A_620 = vector.shape_cast %add3A_616 : vector<16xf32> to vector<16xf32>
          tpu.vector_store %arg8[%swap3A_617], %swap3A_620 {strides = array<i32>} : memref<2080xf32, #tpu.memory_space<vmem>>, vector<16xf32>,
          %add3A_621 = arith.addf %add3A_596, %add3A_616 : vector<16xf32>
          %add3A_622 = arith.constant 80 : i32
          %add3A_623 = arith.addi %add3A_496, %add3A_622 : i32
          %sub3A_624 = arith.constant 1 : i32
          %sub3A_625 = arith.subi %add3A_623, %sub3A_624 : i32
          %get3A_626 = arith.index_cast %sub3A_625 : i32 to index
          %get3A_627 = tpu.vector_load %arg9[%get3A_626] {strides = array<i32>} : memref<2080xf32, #tpu.memory_space<vmem>>, vector<16xf32>,
          %get3A_628 = vector.shape_cast %get3A_627 : vector<16xf32> to vector<16xf32>
          %mul3A_629 = arith.mulf %get3A_628, %get3A_22 : vector<16xf32>
          %get3A_630 = arith.index_cast %add3A_623 : i32 to index
          %get3A_631 = tpu.vector_load %arg9[%get3A_630] {strides = array<i32>} : memref<2080xf32, #tpu.memory_space<vmem>>, vector<16xf32>,
          %get3A_632 = vector.shape_cast %get3A_631 : vector<16xf32> to vector<16xf32>
          %mul3A_633 = arith.mulf %get3A_632, %get3A_25 : vector<16xf32>
          %add3A_634 = arith.addf %mul3A_629, %mul3A_633 : vector<16xf32>
          %add3A_635 = arith.constant 1 : i32
          %add3A_636 = arith.addi %add3A_623, %add3A_635 : i32
          %get3A_637 = arith.index_cast %add3A_636 : i32 to index
          %get3A_638 = tpu.vector_load %arg9[%get3A_637] {strides = array<i32>} : memref<2080xf32, #tpu.memory_space<vmem>>, vector<16xf32>,
          %get3A_639 = vector.shape_cast %get3A_638 : vector<16xf32> to vector<16xf32>
          %mul3A_640 = arith.mulf %get3A_639, %get3A_28 : vector<16xf32>
          %add3A_641 = arith.addf %add3A_634, %mul3A_640 : vector<16xf32>
          %swap3A_642 = arith.index_cast %add3A_623 : i32 to index
          %swap3A_643 = tpu.vector_load %arg8[%swap3A_642] {strides = array<i32>} : memref<2080xf32, #tpu.memory_space<vmem>>, vector<16xf32>,
          %swap3A_644 = vector.shape_cast %swap3A_643 : vector<16xf32> to vector<16xf32>
          %swap3A_645 = vector.shape_cast %add3A_641 : vector<16xf32> to vector<16xf32>
          tpu.vector_store %arg8[%swap3A_642], %swap3A_645 {strides = array<i32>} : memref<2080xf32, #tpu.memory_space<vmem>>, vector<16xf32>,
          %add3A_646 = arith.addf %add3A_621, %add3A_641 : vector<16xf32>
          %add3A_647 = arith.constant 96 : i32
          %add3A_648 = arith.addi %add3A_496, %add3A_647 : i32
          %sub3A_649 = arith.constant 1 : i32
          %sub3A_650 = arith.subi %add3A_648, %sub3A_649 : i32
          %get3A_651 = arith.index_cast %sub3A_650 : i32 to index
          %get3A_652 = tpu.vector_load %arg9[%get3A_651] {strides = array<i32>} : memref<2080xf32, #tpu.memory_space<vmem>>, vector<16xf32>,
          %get3A_653 = vector.shape_cast %get3A_652 : vector<16xf32> to vector<16xf32>
          %mul3A_654 = arith.mulf %get3A_653, %get3A_22 : vector<16xf32>
          %get3A_655 = arith.index_cast %add3A_648 : i32 to index
          %get3A_656 = tpu.vector_load %arg9[%get3A_655] {strides = array<i32>} : memref<2080xf32, #tpu.memory_space<vmem>>, vector<16xf32>,
          %get3A_657 = vector.shape_cast %get3A_656 : vector<16xf32> to vector<16xf32>
          %mul3A_658 = arith.mulf %get3A_657, %get3A_25 : vector<16xf32>
          %add3A_659 = arith.addf %mul3A_654, %mul3A_658 : vector<16xf32>
          %add3A_660 = arith.constant 1 : i32
          %add3A_661 = arith.addi %add3A_648, %add3A_660 : i32
          %get3A_662 = arith.index_cast %add3A_661 : i32 to index
          %get3A_663 = tpu.vector_load %arg9[%get3A_662] {strides = array<i32>} : memref<2080xf32, #tpu.memory_space<vmem>>, vector<16xf32>,
          %get3A_664 = vector.shape_cast %get3A_663 : vector<16xf32> to vector<16xf32>
          %mul3A_665 = arith.mulf %get3A_664, %get3A_28 : vector<16xf32>
          %add3A_666 = arith.addf %add3A_659, %mul3A_665 : vector<16xf32>
          %swap3A_667 = arith.index_cast %add3A_648 : i32 to index
          %swap3A_668 = tpu.vector_load %arg8[%swap3A_667] {strides = array<i32>} : memref<2080xf32, #tpu.memory_space<vmem>>, vector<16xf32>,
          %swap3A_669 = vector.shape_cast %swap3A_668 : vector<16xf32> to vector<16xf32>
          %swap3A_670 = vector.shape_cast %add3A_666 : vector<16xf32> to vector<16xf32>
          tpu.vector_store %arg8[%swap3A_667], %swap3A_670 {strides = array<i32>} : memref<2080xf32, #tpu.memory_space<vmem>>, vector<16xf32>,
          %add3A_671 = arith.addf %add3A_646, %add3A_666 : vector<16xf32>
          %add3A_672 = arith.constant 112 : i32
          %add3A_673 = arith.addi %add3A_496, %add3A_672 : i32
          %sub3A_674 = arith.constant 1 : i32
          %sub3A_675 = arith.subi %add3A_673, %sub3A_674 : i32
          %get3A_676 = arith.index_cast %sub3A_675 : i32 to index
          %get3A_677 = tpu.vector_load %arg9[%get3A_676] {strides = array<i32>} : memref<2080xf32, #tpu.memory_space<vmem>>, vector<16xf32>,
          %get3A_678 = vector.shape_cast %get3A_677 : vector<16xf32> to vector<16xf32>
          %mul3A_679 = arith.mulf %get3A_678, %get3A_22 : vector<16xf32>
          %get3A_680 = arith.index_cast %add3A_673 : i32 to index
          %get3A_681 = tpu.vector_load %arg9[%get3A_680] {strides = array<i32>} : memref<2080xf32, #tpu.memory_space<vmem>>, vector<16xf32>,
          %get3A_682 = vector.shape_cast %get3A_681 : vector<16xf32> to vector<16xf32>
          %mul3A_683 = arith.mulf %get3A_682, %get3A_25 : vector<16xf32>
          %add3A_684 = arith.addf %mul3A_679, %mul3A_683 : vector<16xf32>
          %add3A_685 = arith.constant 1 : i32
          %add3A_686 = arith.addi %add3A_673, %add3A_685 : i32
          %get3A_687 = arith.index_cast %add3A_686 : i32 to index
          %get3A_688 = tpu.vector_load %arg9[%get3A_687] {strides = array<i32>} : memref<2080xf32, #tpu.memory_space<vmem>>, vector<16xf32>,
          %get3A_689 = vector.shape_cast %get3A_688 : vector<16xf32> to vector<16xf32>
          %mul3A_690 = arith.mulf %get3A_689, %get3A_28 : vector<16xf32>
          %add3A_691 = arith.addf %add3A_684, %mul3A_690 : vector<16xf32>
          %swap3A_692 = arith.index_cast %add3A_673 : i32 to index
          %swap3A_693 = tpu.vector_load %arg8[%swap3A_692] {strides = array<i32>} : memref<2080xf32, #tpu.memory_space<vmem>>, vector<16xf32>,
          %swap3A_694 = vector.shape_cast %swap3A_693 : vector<16xf32> to vector<16xf32>
          %swap3A_695 = vector.shape_cast %add3A_691 : vector<16xf32> to vector<16xf32>
          tpu.vector_store %arg8[%swap3A_692], %swap3A_695 {strides = array<i32>} : memref<2080xf32, #tpu.memory_space<vmem>>, vector<16xf32>,
          %add3A_696 = arith.addf %add3A_671, %add3A_691 : vector<16xf32>
          scf.yield %add3A_696 : vector<16xf32>
        }
        %scan3A_101 = arith.constant 15 : i32
        %get3A_102 = arith.constant 1935 : index
        %get3A_103 = tpu.vector_load %arg9[%get3A_102] {strides = array<i32>} : memref<2080xf32, #tpu.memory_space<vmem>>, vector<16xf32>,
        %get3A_104 = vector.shape_cast %get3A_103 : vector<16xf32> to vector<16xf32>
        %mul3A = arith.mulf %get3A_104, %get3A_22 : vector<16xf32>
        %get3A_105 = arith.constant 1936 : index
        %get3A_106 = tpu.vector_load %arg9[%get3A_105] {strides = array<i32>} : memref<2080xf32, #tpu.memory_space<vmem>>, vector<16xf32>,
        %get3A_107 = vector.shape_cast %get3A_106 : vector<16xf32> to vector<16xf32>
        %mul3A_108 = arith.mulf %get3A_107, %get3A_25 : vector<16xf32>
        %add3A_109 = arith.addf %mul3A, %mul3A_108 : vector<16xf32>
        %get3A_110 = arith.constant 1937 : index
        %get3A_111 = tpu.vector_load %arg9[%get3A_110] {strides = array<i32>} : memref<2080xf32, #tpu.memory_space<vmem>>, vector<16xf32>,
        %get3A_112 = vector.shape_cast %get3A_111 : vector<16xf32> to vector<16xf32>
        %mul3A_113 = arith.mulf %get3A_112, %get3A_28 : vector<16xf32>
        %add3A_114 = arith.addf %add3A_109, %mul3A_113 : vector<16xf32>
        %swap3A_115 = arith.constant 1936 : index
        %swap3A_116 = tpu.vector_load %arg8[%swap3A_115] {strides = array<i32>} : memref<2080xf32, #tpu.memory_space<vmem>>, vector<16xf32>,
        %swap3A_117 = vector.shape_cast %swap3A_116 : vector<16xf32> to vector<16xf32>
        %swap3A_118 = vector.shape_cast %add3A_114 : vector<16xf32> to vector<16xf32>
        tpu.vector_store %arg8[%swap3A_115], %swap3A_118 {strides = array<i32>} : memref<2080xf32, #tpu.memory_space<vmem>>, vector<16xf32>,
        %add3A_119 = arith.addf %scan3A_100, %add3A_114 : vector<16xf32>
        %get3A_120 = arith.constant 1951 : index
        %get3A_121 = tpu.vector_load %arg9[%get3A_120] {strides = array<i32>} : memref<2080xf32, #tpu.memory_space<vmem>>, vector<16xf32>,
        %get3A_122 = vector.shape_cast %get3A_121 : vector<16xf32> to vector<16xf32>
        %mul3A_123 = arith.mulf %get3A_122, %get3A_22 : vector<16xf32>
        %get3A_124 = arith.constant 1952 : index
        %get3A_125 = tpu.vector_load %arg9[%get3A_124] {strides = array<i32>} : memref<2080xf32, #tpu.memory_space<vmem>>, vector<16xf32>,
        %get3A_126 = vector.shape_cast %get3A_125 : vector<16xf32> to vector<16xf32>
        %mul3A_127 = arith.mulf %get3A_126, %get3A_25 : vector<16xf32>
        %add3A_128 = arith.addf %mul3A_123, %mul3A_127 : vector<16xf32>
        %get3A_129 = arith.constant 1953 : index
        %get3A_130 = tpu.vector_load %arg9[%get3A_129] {strides = array<i32>} : memref<2080xf32, #tpu.memory_space<vmem>>, vector<16xf32>,
        %get3A_131 = vector.shape_cast %get3A_130 : vector<16xf32> to vector<16xf32>
        %mul3A_132 = arith.mulf %get3A_131, %get3A_28 : vector<16xf32>
        %add3A_133 = arith.addf %add3A_128, %mul3A_132 : vector<16xf32>
        %swap3A_134 = arith.constant 1952 : index
        %swap3A_135 = tpu.vector_load %arg8[%swap3A_134] {strides = array<i32>} : memref<2080xf32, #tpu.memory_space<vmem>>, vector<16xf32>,
        %swap3A_136 = vector.shape_cast %swap3A_135 : vector<16xf32> to vector<16xf32>
        %swap3A_137 = vector.shape_cast %add3A_133 : vector<16xf32> to vector<16xf32>
        tpu.vector_store %arg8[%swap3A_134], %swap3A_137 {strides = array<i32>} : memref<2080xf32, #tpu.memory_space<vmem>>, vector<16xf32>,
        %add3A_138 = arith.addf %add3A_119, %add3A_133 : vector<16xf32>
        %get3A_139 = arith.constant 1967 : index
        %get3A_140 = tpu.vector_load %arg9[%get3A_139] {strides = array<i32>} : memref<2080xf32, #tpu.memory_space<vmem>>, vector<16xf32>,
        %get3A_141 = vector.shape_cast %get3A_140 : vector<16xf32> to vector<16xf32>
        %mul3A_142 = arith.mulf %get3A_141, %get3A_22 : vector<16xf32>
        %get3A_143 = arith.constant 1968 : index
        %get3A_144 = tpu.vector_load %arg9[%get3A_143] {strides = array<i32>} : memref<2080xf32, #tpu.memory_space<vmem>>, vector<16xf32>,
        %get3A_145 = vector.shape_cast %get3A_144 : vector<16xf32> to vector<16xf32>
        %mul3A_146 = arith.mulf %get3A_145, %get3A_25 : vector<16xf32>
        %add3A_147 = arith.addf %mul3A_142, %mul3A_146 : vector<16xf32>
        %get3A_148 = arith.constant 1969 : index
        %get3A_149 = tpu.vector_load %arg9[%get3A_148] {strides = array<i32>} : memref<2080xf32, #tpu.memory_space<vmem>>, vector<16xf32>,
        %get3A_150 = vector.shape_cast %get3A_149 : vector<16xf32> to vector<16xf32>
        %mul3A_151 = arith.mulf %get3A_150, %get3A_28 : vector<16xf32>
        %add3A_152 = arith.addf %add3A_147, %mul3A_151 : vector<16xf32>
        %swap3A_153 = arith.constant 1968 : index
        %swap3A_154 = tpu.vector_load %arg8[%swap3A_153] {strides = array<i32>} : memref<2080xf32, #tpu.memory_space<vmem>>, vector<16xf32>,
        %swap3A_155 = vector.shape_cast %swap3A_154 : vector<16xf32> to vector<16xf32>
        %swap3A_156 = vector.shape_cast %add3A_152 : vector<16xf32> to vector<16xf32>
        tpu.vector_store %arg8[%swap3A_153], %swap3A_156 {strides = array<i32>} : memref<2080xf32, #tpu.memory_space<vmem>>, vector<16xf32>,
        %add3A_157 = arith.addf %add3A_138, %add3A_152 : vector<16xf32>
        %get3A_158 = arith.constant 1983 : index
        %get3A_159 = tpu.vector_load %arg9[%get3A_158] {strides = array<i32>} : memref<2080xf32, #tpu.memory_space<vmem>>, vector<16xf32>,
        %get3A_160 = vector.shape_cast %get3A_159 : vector<16xf32> to vector<16xf32>
        %mul3A_161 = arith.mulf %get3A_160, %get3A_22 : vector<16xf32>
        %get3A_162 = arith.constant 1984 : index
        %get3A_163 = tpu.vector_load %arg9[%get3A_162] {strides = array<i32>} : memref<2080xf32, #tpu.memory_space<vmem>>, vector<16xf32>,
        %get3A_164 = vector.shape_cast %get3A_163 : vector<16xf32> to vector<16xf32>
        %mul3A_165 = arith.mulf %get3A_164, %get3A_25 : vector<16xf32>
        %add3A_166 = arith.addf %mul3A_161, %mul3A_165 : vector<16xf32>
        %get3A_167 = arith.constant 1985 : index
        %get3A_168 = tpu.vector_load %arg9[%get3A_167] {strides = array<i32>} : memref<2080xf32, #tpu.memory_space<vmem>>, vector<16xf32>,
        %get3A_169 = vector.shape_cast %get3A_168 : vector<16xf32> to vector<16xf32>
        %mul3A_170 = arith.mulf %get3A_169, %get3A_28 : vector<16xf32>
        %add3A_171 = arith.addf %add3A_166, %mul3A_170 : vector<16xf32>
        %swap3A_172 = arith.constant 1984 : index
        %swap3A_173 = tpu.vector_load %arg8[%swap3A_172] {strides = array<i32>} : memref<2080xf32, #tpu.memory_space<vmem>>, vector<16xf32>,
        %swap3A_174 = vector.shape_cast %swap3A_173 : vector<16xf32> to vector<16xf32>
        %swap3A_175 = vector.shape_cast %add3A_171 : vector<16xf32> to vector<16xf32>
        tpu.vector_store %arg8[%swap3A_172], %swap3A_175 {strides = array<i32>} : memref<2080xf32, #tpu.memory_space<vmem>>, vector<16xf32>,
        %add3A_176 = arith.addf %add3A_157, %add3A_171 : vector<16xf32>
        %get3A_177 = arith.constant 1999 : index
        %get3A_178 = tpu.vector_load %arg9[%get3A_177] {strides = array<i32>} : memref<2080xf32, #tpu.memory_space<vmem>>, vector<16xf32>,
        %get3A_179 = vector.shape_cast %get3A_178 : vector<16xf32> to vector<16xf32>
        %mul3A_180 = arith.mulf %get3A_179, %get3A_22 : vector<16xf32>
        %get3A_181 = arith.constant 2000 : index
        %get3A_182 = tpu.vector_load %arg9[%get3A_181] {strides = array<i32>} : memref<2080xf32, #tpu.memory_space<vmem>>, vector<16xf32>,
        %get3A_183 = vector.shape_cast %get3A_182 : vector<16xf32> to vector<16xf32>
        %mul3A_184 = arith.mulf %get3A_183, %get3A_25 : vector<16xf32>
        %add3A_185 = arith.addf %mul3A_180, %mul3A_184 : vector<16xf32>
        %get3A_186 = arith.constant 2001 : index
        %get3A_187 = tpu.vector_load %arg9[%get3A_186] {strides = array<i32>} : memref<2080xf32, #tpu.memory_space<vmem>>, vector<16xf32>,
        %get3A_188 = vector.shape_cast %get3A_187 : vector<16xf32> to vector<16xf32>
        %mul3A_189 = arith.mulf %get3A_188, %get3A_28 : vector<16xf32>
        %add3A_190 = arith.addf %add3A_185, %mul3A_189 : vector<16xf32>
        %swap3A_191 = arith.constant 2000 : index
        %swap3A_192 = tpu.vector_load %arg8[%swap3A_191] {strides = array<i32>} : memref<2080xf32, #tpu.memory_space<vmem>>, vector<16xf32>,
        %swap3A_193 = vector.shape_cast %swap3A_192 : vector<16xf32> to vector<16xf32>
        %swap3A_194 = vector.shape_cast %add3A_190 : vector<16xf32> to vector<16xf32>
        tpu.vector_store %arg8[%swap3A_191], %swap3A_194 {strides = array<i32>} : memref<2080xf32, #tpu.memory_space<vmem>>, vector<16xf32>,
        %add3A_195 = arith.addf %add3A_176, %add3A_190 : vector<16xf32>
        %get3A_196 = arith.constant 2015 : index
        %get3A_197 = tpu.vector_load %arg9[%get3A_196] {strides = array<i32>} : memref<2080xf32, #tpu.memory_space<vmem>>, vector<16xf32>,
        %get3A_198 = vector.shape_cast %get3A_197 : vector<16xf32> to vector<16xf32>
        %mul3A_199 = arith.mulf %get3A_198, %get3A_22 : vector<16xf32>
        %get3A_200 = arith.constant 2016 : index
        %get3A_201 = tpu.vector_load %arg9[%get3A_200] {strides = array<i32>} : memref<2080xf32, #tpu.memory_space<vmem>>, vector<16xf32>,
        %get3A_202 = vector.shape_cast %get3A_201 : vector<16xf32> to vector<16xf32>
        %mul3A_203 = arith.mulf %get3A_202, %get3A_25 : vector<16xf32>
        %add3A_204 = arith.addf %mul3A_199, %mul3A_203 : vector<16xf32>
        %get3A_205 = arith.constant 2017 : index
        %get3A_206 = tpu.vector_load %arg9[%get3A_205] {strides = array<i32>} : memref<2080xf32, #tpu.memory_space<vmem>>, vector<16xf32>,
        %get3A_207 = vector.shape_cast %get3A_206 : vector<16xf32> to vector<16xf32>
        %mul3A_208 = arith.mulf %get3A_207, %get3A_28 : vector<16xf32>
        %add3A_209 = arith.addf %add3A_204, %mul3A_208 : vector<16xf32>
        %swap3A_210 = arith.constant 2016 : index
        %swap3A_211 = tpu.vector_load %arg8[%swap3A_210] {strides = array<i32>} : memref<2080xf32, #tpu.memory_space<vmem>>, vector<16xf32>,
        %swap3A_212 = vector.shape_cast %swap3A_211 : vector<16xf32> to vector<16xf32>
        %swap3A_213 = vector.shape_cast %add3A_209 : vector<16xf32> to vector<16xf32>
        tpu.vector_store %arg8[%swap3A_210], %swap3A_213 {strides = array<i32>} : memref<2080xf32, #tpu.memory_space<vmem>>, vector<16xf32>,
        %add3A_214 = arith.addf %add3A_195, %add3A_209 : vector<16xf32>
        %get3A_215 = arith.constant 2031 : index
        %get3A_216 = tpu.vector_load %arg9[%get3A_215] {strides = array<i32>} : memref<2080xf32, #tpu.memory_space<vmem>>, vector<16xf32>,
        %get3A_217 = vector.shape_cast %get3A_216 : vector<16xf32> to vector<16xf32>
        %mul3A_218 = arith.mulf %get3A_217, %get3A_22 : vector<16xf32>
        %get3A_219 = arith.constant 2032 : index
        %get3A_220 = tpu.vector_load %arg9[%get3A_219] {strides = array<i32>} : memref<2080xf32, #tpu.memory_space<vmem>>, vector<16xf32>,
        %get3A_221 = vector.shape_cast %get3A_220 : vector<16xf32> to vector<16xf32>
        %mul3A_222 = arith.mulf %get3A_221, %get3A_25 : vector<16xf32>
        %add3A_223 = arith.addf %mul3A_218, %mul3A_222 : vector<16xf32>
        %get3A_224 = arith.constant 2033 : index
        %get3A_225 = tpu.vector_load %arg9[%get3A_224] {strides = array<i32>} : memref<2080xf32, #tpu.memory_space<vmem>>, vector<16xf32>,
        %get3A_226 = vector.shape_cast %get3A_225 : vector<16xf32> to vector<16xf32>
        %mul3A_227 = arith.mulf %get3A_226, %get3A_28 : vector<16xf32>
        %add3A_228 = arith.addf %add3A_223, %mul3A_227 : vector<16xf32>
        %swap3A_229 = arith.constant 2032 : index
        %swap3A_230 = tpu.vector_load %arg8[%swap3A_229] {strides = array<i32>} : memref<2080xf32, #tpu.memory_space<vmem>>, vector<16xf32>,
        %swap3A_231 = vector.shape_cast %swap3A_230 : vector<16xf32> to vector<16xf32>
        %swap3A_232 = vector.shape_cast %add3A_228 : vector<16xf32> to vector<16xf32>
        tpu.vector_store %arg8[%swap3A_229], %swap3A_232 {strides = array<i32>} : memref<2080xf32, #tpu.memory_space<vmem>>, vector<16xf32>,
        %add3A_233 = arith.addf %add3A_214, %add3A_228 : vector<16xf32>
        %get3A_234 = arith.constant 2047 : index
        %get3A_235 = tpu.vector_load %arg9[%get3A_234] {strides = array<i32>} : memref<2080xf32, #tpu.memory_space<vmem>>, vector<16xf32>,
        %get3A_236 = vector.shape_cast %get3A_235 : vector<16xf32> to vector<16xf32>
        %mul3A_237 = arith.mulf %get3A_236, %get3A_22 : vector<16xf32>
        %get3A_238 = arith.constant 2048 : index
        %get3A_239 = tpu.vector_load %arg9[%get3A_238] {strides = array<i32>} : memref<2080xf32, #tpu.memory_space<vmem>>, vector<16xf32>,
        %get3A_240 = vector.shape_cast %get3A_239 : vector<16xf32> to vector<16xf32>
        %mul3A_241 = arith.mulf %get3A_240, %get3A_25 : vector<16xf32>
        %add3A_242 = arith.addf %mul3A_237, %mul3A_241 : vector<16xf32>
        %get3A_243 = arith.constant 2049 : index
        %get3A_244 = tpu.vector_load %arg9[%get3A_243] {strides = array<i32>} : memref<2080xf32, #tpu.memory_space<vmem>>, vector<16xf32>,
        %get3A_245 = vector.shape_cast %get3A_244 : vector<16xf32> to vector<16xf32>
        %mul3A_246 = arith.mulf %get3A_245, %get3A_28 : vector<16xf32>
        %add3A_247 = arith.addf %add3A_242, %mul3A_246 : vector<16xf32>
        %mul3A_248 = arith.mulf %add3A_247, %get3A_31 : vector<16xf32>
        %swap3A_249 = arith.constant 2048 : index
        %swap3A_250 = tpu.vector_load %arg8[%swap3A_249] {strides = array<i32>} : memref<2080xf32, #tpu.memory_space<vmem>>, vector<16xf32>,
        %swap3A_251 = vector.shape_cast %swap3A_250 : vector<16xf32> to vector<16xf32>
        %swap3A_252 = vector.shape_cast %mul3A_248 : vector<16xf32> to vector<16xf32>
        tpu.vector_store %arg8[%swap3A_249], %swap3A_252 {strides = array<i32>} : memref<2080xf32, #tpu.memory_space<vmem>>, vector<16xf32>,
        %add3A_253 = arith.addf %add3A_233, %mul3A_248 : vector<16xf32>
        %swap3A_254 = arith.constant 16 : index
        %swap3A_255 = tpu.vector_load %arg13[%swap3A_254] {strides = array<i32>} : memref<48xf32, #tpu.memory_space<vmem>>, vector<16xf32>,
        %swap3A_256 = vector.shape_cast %swap3A_255 : vector<16xf32> to vector<16xf32>
        %swap3A_257 = vector.shape_cast %add3A_253 : vector<16xf32> to vector<16xf32>
        tpu.vector_store %arg13[%swap3A_254], %swap3A_257 {strides = array<i32>} : memref<48xf32, #tpu.memory_space<vmem>>, vector<16xf32>,
        %get3A_258 = arith.constant 24 : index
        %get3A_259 = tpu.vector_load %arg13[%get3A_258] {strides = array<i32>} : memref<48xf32, #tpu.memory_space<vmem>>, vector<16xf32>,
        %get3A_260 = vector.shape_cast %get3A_259 : vector<16xf32> to vector<16xf32>
        %add3A_261 = arith.addf %add3A_253, %get3A_260 : vector<16xf32>
        %swap3A_262 = arith.constant 16 : index
        %swap3A_263 = tpu.vector_load %arg13[%swap3A_262] {strides = array<i32>} : memref<48xf32, #tpu.memory_space<vmem>>, vector<16xf32>,
        %swap3A_264 = vector.shape_cast %swap3A_263 : vector<16xf32> to vector<16xf32>
        %swap3A_265 = vector.shape_cast %add3A_261 : vector<16xf32> to vector<16xf32>
        tpu.vector_store %arg13[%swap3A_262], %swap3A_265 {strides = array<i32>} : memref<48xf32, #tpu.memory_space<vmem>>, vector<16xf32>,
        %get3A_266 = arith.constant 20 : index
        %get3A_267 = tpu.vector_load %arg13[%get3A_266] {strides = array<i32>} : memref<48xf32, #tpu.memory_space<vmem>>, vector<16xf32>,
        %get3A_268 = vector.shape_cast %get3A_267 : vector<16xf32> to vector<16xf32>
        %add3A_269 = arith.addf %add3A_261, %get3A_268 : vector<16xf32>
        %swap3A_270 = arith.constant 16 : index
        %swap3A_271 = tpu.vector_load %arg13[%swap3A_270] {strides = array<i32>} : memref<48xf32, #tpu.memory_space<vmem>>, vector<16xf32>,
        %swap3A_272 = vector.shape_cast %swap3A_271 : vector<16xf32> to vector<16xf32>
        %swap3A_273 = vector.shape_cast %add3A_269 : vector<16xf32> to vector<16xf32>
        tpu.vector_store %arg13[%swap3A_270], %swap3A_273 {strides = array<i32>} : memref<48xf32, #tpu.memory_space<vmem>>, vector<16xf32>,
        %get3A_274 = arith.constant 18 : index
        %get3A_275 = tpu.vector_load %arg13[%get3A_274] {strides = array<i32>} : memref<48xf32, #tpu.memory_space<vmem>>, vector<16xf32>,
        %get3A_276 = vector.shape_cast %get3A_275 : vector<16xf32> to vector<16xf32>
        %add3A_277 = arith.addf %add3A_269, %get3A_276 : vector<16xf32>
        %swap3A_278 = arith.constant 16 : index
        %swap3A_279 = tpu.vector_load %arg13[%swap3A_278] {strides = array<i32>} : memref<48xf32, #tpu.memory_space<vmem>>, vector<16xf32>,
        %swap3A_280 = vector.shape_cast %swap3A_279 : vector<16xf32> to vector<16xf32>
        %swap3A_281 = vector.shape_cast %add3A_277 : vector<16xf32> to vector<16xf32>
        tpu.vector_store %arg13[%swap3A_278], %swap3A_281 {strides = array<i32>} : memref<48xf32, #tpu.memory_space<vmem>>, vector<16xf32>,
        %get3A_282 = arith.constant 17 : index
        %get3A_283 = tpu.vector_load %arg13[%get3A_282] {strides = array<i32>} : memref<48xf32, #tpu.memory_space<vmem>>, vector<16xf32>,
        %get3A_284 = vector.shape_cast %get3A_283 : vector<16xf32> to vector<16xf32>
        %add3A_285 = arith.addf %add3A_277, %get3A_284 : vector<16xf32>
        %slice3A_286 = vector.extract_strided_slice %add3A_285 {offsets = [0], sizes = [1], strides = [1]} : vector<16xf32> to vector<1xf32>
        %squeeze3A_287 = vector.extract %slice3A_286[0] : f32 from vector<1xf32>
        %broadcast_in_dim3A_288 = vector.broadcast %squeeze3A_287 : f32 to vector<16xf32>
        %mul3A_289 = arith.mulf %while3A_89, %broadcast_in_dim3A_288 : vector<16xf32>
        %scan3A_290 = arith.constant 0 : i32
        %scan3A_291 = arith.constant 0 : i32
        %scan3A_292 = arith.constant 16 : i32
        %scan3A_293 = arith.addi %scan3A_291, %scan3A_292 : i32
        %scan3A_294 = arith.constant 1 : i32
        scf.for %scan3A_491 = %scan3A_291 to %scan3A_293 step %scan3A_294  : i32 {
          %mul3A_492 = arith.constant 128 : i32
          %mul3A_493 = arith.muli %scan3A_491, %mul3A_492 : i32
          %add3A_494 = arith.constant 16 : i32
          %add3A_495 = arith.addi %add3A_494, %mul3A_493 : i32
          %add3A_496 = arith.constant 0 : i32
          %add3A_497 = arith.addi %add3A_495, %add3A_496 : i32
          %get3A_498 = arith.index_cast %add3A_497 : i32 to index
          %get3A_499 = tpu.vector_load %arg8[%get3A_498] {strides = array<i32>} : memref<2080xf32, #tpu.memory_space<vmem>>, vector<16xf32>,
          %get3A_500 = vector.shape_cast %get3A_499 : vector<16xf32> to vector<16xf32>
          %div3A_501 = arith.divf %get3A_500, %broadcast_in_dim3A_288 : vector<16xf32>
          %mul3A_502 = arith.constant 6.553700e+04 : f32
          %mul3A_503 = vector.broadcast %mul3A_502 : f32 to vector<16xf32>
          %mul3A_504 = arith.mulf %div3A_501, %mul3A_503 : vector<16xf32>
          %sub3A_505 = arith.subf %mul3A_504, %div3A_501 : vector<16xf32>
          %sub3A_506 = arith.subf %mul3A_504, %sub3A_505 : vector<16xf32>
          %swap3A_507 = arith.index_cast %add3A_497 : i32 to index
          %swap3A_508 = tpu.vector_load %arg9[%swap3A_507] {strides = array<i32>} : memref<2080xf32, #tpu.memory_space<vmem>>, vector<16xf32>,
          %swap3A_509 = vector.shape_cast %swap3A_508 : vector<16xf32> to vector<16xf32>
          %swap3A_510 = vector.shape_cast %sub3A_506 : vector<16xf32> to vector<16xf32>
          tpu.vector_store %arg9[%swap3A_507], %swap3A_510 {strides = array<i32>} : memref<2080xf32, #tpu.memory_space<vmem>>, vector<16xf32>,
          %add3A_511 = arith.constant 16 : i32
          %add3A_512 = arith.addi %add3A_495, %add3A_511 : i32
          %get3A_513 = arith.index_cast %add3A_512 : i32 to index
          %get3A_514 = tpu.vector_load %arg8[%get3A_513] {strides = array<i32>} : memref<2080xf32, #tpu.memory_space<vmem>>, vector<16xf32>,
          %get3A_515 = vector.shape_cast %get3A_514 : vector<16xf32> to vector<16xf32>
          %div3A_516 = arith.divf %get3A_515, %broadcast_in_dim3A_288 : vector<16xf32>
          %mul3A_517 = arith.constant 6.553700e+04 : f32
          %mul3A_518 = vector.broadcast %mul3A_517 : f32 to vector<16xf32>
          %mul3A_519 = arith.mulf %div3A_516, %mul3A_518 : vector<16xf32>
          %sub3A_520 = arith.subf %mul3A_519, %div3A_516 : vector<16xf32>
          %sub3A_521 = arith.subf %mul3A_519, %sub3A_520 : vector<16xf32>
          %swap3A_522 = arith.index_cast %add3A_512 : i32 to index
          %swap3A_523 = tpu.vector_load %arg9[%swap3A_522] {strides = array<i32>} : memref<2080xf32, #tpu.memory_space<vmem>>, vector<16xf32>,
          %swap3A_524 = vector.shape_cast %swap3A_523 : vector<16xf32> to vector<16xf32>
          %swap3A_525 = vector.shape_cast %sub3A_521 : vector<16xf32> to vector<16xf32>
          tpu.vector_store %arg9[%swap3A_522], %swap3A_525 {strides = array<i32>} : memref<2080xf32, #tpu.memory_space<vmem>>, vector<16xf32>,
          %add3A_526 = arith.constant 32 : i32
          %add3A_527 = arith.addi %add3A_495, %add3A_526 : i32
          %get3A_528 = arith.index_cast %add3A_527 : i32 to index
          %get3A_529 = tpu.vector_load %arg8[%get3A_528] {strides = array<i32>} : memref<2080xf32, #tpu.memory_space<vmem>>, vector<16xf32>,
          %get3A_530 = vector.shape_cast %get3A_529 : vector<16xf32> to vector<16xf32>
          %div3A_531 = arith.divf %get3A_530, %broadcast_in_dim3A_288 : vector<16xf32>
          %mul3A_532 = arith.constant 6.553700e+04 : f32
          %mul3A_533 = vector.broadcast %mul3A_532 : f32 to vector<16xf32>
          %mul3A_534 = arith.mulf %div3A_531, %mul3A_533 : vector<16xf32>
          %sub3A_535 = arith.subf %mul3A_534, %div3A_531 : vector<16xf32>
          %sub3A_536 = arith.subf %mul3A_534, %sub3A_535 : vector<16xf32>
          %swap3A_537 = arith.index_cast %add3A_527 : i32 to index
          %swap3A_538 = tpu.vector_load %arg9[%swap3A_537] {strides = array<i32>} : memref<2080xf32, #tpu.memory_space<vmem>>, vector<16xf32>,
          %swap3A_539 = vector.shape_cast %swap3A_538 : vector<16xf32> to vector<16xf32>
          %swap3A_540 = vector.shape_cast %sub3A_536 : vector<16xf32> to vector<16xf32>
          tpu.vector_store %arg9[%swap3A_537], %swap3A_540 {strides = array<i32>} : memref<2080xf32, #tpu.memory_space<vmem>>, vector<16xf32>,
          %add3A_541 = arith.constant 48 : i32
          %add3A_542 = arith.addi %add3A_495, %add3A_541 : i32
          %get3A_543 = arith.index_cast %add3A_542 : i32 to index
          %get3A_544 = tpu.vector_load %arg8[%get3A_543] {strides = array<i32>} : memref<2080xf32, #tpu.memory_space<vmem>>, vector<16xf32>,
          %get3A_545 = vector.shape_cast %get3A_544 : vector<16xf32> to vector<16xf32>
          %div3A_546 = arith.divf %get3A_545, %broadcast_in_dim3A_288 : vector<16xf32>
          %mul3A_547 = arith.constant 6.553700e+04 : f32
          %mul3A_548 = vector.broadcast %mul3A_547 : f32 to vector<16xf32>
          %mul3A_549 = arith.mulf %div3A_546, %mul3A_548 : vector<16xf32>
          %sub3A_550 = arith.subf %mul3A_549, %div3A_546 : vector<16xf32>
          %sub3A_551 = arith.subf %mul3A_549, %sub3A_550 : vector<16xf32>
          %swap3A_552 = arith.index_cast %add3A_542 : i32 to index
          %swap3A_553 = tpu.vector_load %arg9[%swap3A_552] {strides = array<i32>} : memref<2080xf32, #tpu.memory_space<vmem>>, vector<16xf32>,
          %swap3A_554 = vector.shape_cast %swap3A_553 : vector<16xf32> to vector<16xf32>
          %swap3A_555 = vector.shape_cast %sub3A_551 : vector<16xf32> to vector<16xf32>
          tpu.vector_store %arg9[%swap3A_552], %swap3A_555 {strides = array<i32>} : memref<2080xf32, #tpu.memory_space<vmem>>, vector<16xf32>,
          %add3A_556 = arith.constant 64 : i32
          %add3A_557 = arith.addi %add3A_495, %add3A_556 : i32
          %get3A_558 = arith.index_cast %add3A_557 : i32 to index
          %get3A_559 = tpu.vector_load %arg8[%get3A_558] {strides = array<i32>} : memref<2080xf32, #tpu.memory_space<vmem>>, vector<16xf32>,
          %get3A_560 = vector.shape_cast %get3A_559 : vector<16xf32> to vector<16xf32>
          %div3A_561 = arith.divf %get3A_560, %broadcast_in_dim3A_288 : vector<16xf32>
          %mul3A_562 = arith.constant 6.553700e+04 : f32
          %mul3A_563 = vector.broadcast %mul3A_562 : f32 to vector<16xf32>
          %mul3A_564 = arith.mulf %div3A_561, %mul3A_563 : vector<16xf32>
          %sub3A_565 = arith.subf %mul3A_564, %div3A_561 : vector<16xf32>
          %sub3A_566 = arith.subf %mul3A_564, %sub3A_565 : vector<16xf32>
          %swap3A_567 = arith.index_cast %add3A_557 : i32 to index
          %swap3A_568 = tpu.vector_load %arg9[%swap3A_567] {strides = array<i32>} : memref<2080xf32, #tpu.memory_space<vmem>>, vector<16xf32>,
          %swap3A_569 = vector.shape_cast %swap3A_568 : vector<16xf32> to vector<16xf32>
          %swap3A_570 = vector.shape_cast %sub3A_566 : vector<16xf32> to vector<16xf32>
          tpu.vector_store %arg9[%swap3A_567], %swap3A_570 {strides = array<i32>} : memref<2080xf32, #tpu.memory_space<vmem>>, vector<16xf32>,
          %add3A_571 = arith.constant 80 : i32
          %add3A_572 = arith.addi %add3A_495, %add3A_571 : i32
          %get3A_573 = arith.index_cast %add3A_572 : i32 to index
          %get3A_574 = tpu.vector_load %arg8[%get3A_573] {strides = array<i32>} : memref<2080xf32, #tpu.memory_space<vmem>>, vector<16xf32>,
          %get3A_575 = vector.shape_cast %get3A_574 : vector<16xf32> to vector<16xf32>
          %div3A_576 = arith.divf %get3A_575, %broadcast_in_dim3A_288 : vector<16xf32>
          %mul3A_577 = arith.constant 6.553700e+04 : f32
          %mul3A_578 = vector.broadcast %mul3A_577 : f32 to vector<16xf32>
          %mul3A_579 = arith.mulf %div3A_576, %mul3A_578 : vector<16xf32>
          %sub3A_580 = arith.subf %mul3A_579, %div3A_576 : vector<16xf32>
          %sub3A_581 = arith.subf %mul3A_579, %sub3A_580 : vector<16xf32>
          %swap3A_582 = arith.index_cast %add3A_572 : i32 to index
          %swap3A_583 = tpu.vector_load %arg9[%swap3A_582] {strides = array<i32>} : memref<2080xf32, #tpu.memory_space<vmem>>, vector<16xf32>,
          %swap3A_584 = vector.shape_cast %swap3A_583 : vector<16xf32> to vector<16xf32>
          %swap3A_585 = vector.shape_cast %sub3A_581 : vector<16xf32> to vector<16xf32>
          tpu.vector_store %arg9[%swap3A_582], %swap3A_585 {strides = array<i32>} : memref<2080xf32, #tpu.memory_space<vmem>>, vector<16xf32>,
          %add3A_586 = arith.constant 96 : i32
          %add3A_587 = arith.addi %add3A_495, %add3A_586 : i32
          %get3A_588 = arith.index_cast %add3A_587 : i32 to index
          %get3A_589 = tpu.vector_load %arg8[%get3A_588] {strides = array<i32>} : memref<2080xf32, #tpu.memory_space<vmem>>, vector<16xf32>,
          %get3A_590 = vector.shape_cast %get3A_589 : vector<16xf32> to vector<16xf32>
          %div3A_591 = arith.divf %get3A_590, %broadcast_in_dim3A_288 : vector<16xf32>
          %mul3A_592 = arith.constant 6.553700e+04 : f32
          %mul3A_593 = vector.broadcast %mul3A_592 : f32 to vector<16xf32>
          %mul3A_594 = arith.mulf %div3A_591, %mul3A_593 : vector<16xf32>
          %sub3A_595 = arith.subf %mul3A_594, %div3A_591 : vector<16xf32>
          %sub3A_596 = arith.subf %mul3A_594, %sub3A_595 : vector<16xf32>
          %swap3A_597 = arith.index_cast %add3A_587 : i32 to index
          %swap3A_598 = tpu.vector_load %arg9[%swap3A_597] {strides = array<i32>} : memref<2080xf32, #tpu.memory_space<vmem>>, vector<16xf32>,
          %swap3A_599 = vector.shape_cast %swap3A_598 : vector<16xf32> to vector<16xf32>
          %swap3A_600 = vector.shape_cast %sub3A_596 : vector<16xf32> to vector<16xf32>
          tpu.vector_store %arg9[%swap3A_597], %swap3A_600 {strides = array<i32>} : memref<2080xf32, #tpu.memory_space<vmem>>, vector<16xf32>,
          %add3A_601 = arith.constant 112 : i32
          %add3A_602 = arith.addi %add3A_495, %add3A_601 : i32
          %get3A_603 = arith.index_cast %add3A_602 : i32 to index
          %get3A_604 = tpu.vector_load %arg8[%get3A_603] {strides = array<i32>} : memref<2080xf32, #tpu.memory_space<vmem>>, vector<16xf32>,
          %get3A_605 = vector.shape_cast %get3A_604 : vector<16xf32> to vector<16xf32>
          %div3A_606 = arith.divf %get3A_605, %broadcast_in_dim3A_288 : vector<16xf32>
          %mul3A_607 = arith.constant 6.553700e+04 : f32
          %mul3A_608 = vector.broadcast %mul3A_607 : f32 to vector<16xf32>
          %mul3A_609 = arith.mulf %div3A_606, %mul3A_608 : vector<16xf32>
          %sub3A_610 = arith.subf %mul3A_609, %div3A_606 : vector<16xf32>
          %sub3A_611 = arith.subf %mul3A_609, %sub3A_610 : vector<16xf32>
          %swap3A_612 = arith.index_cast %add3A_602 : i32 to index
          %swap3A_613 = tpu.vector_load %arg9[%swap3A_612] {strides = array<i32>} : memref<2080xf32, #tpu.memory_space<vmem>>, vector<16xf32>,
          %swap3A_614 = vector.shape_cast %swap3A_613 : vector<16xf32> to vector<16xf32>
          %swap3A_615 = vector.shape_cast %sub3A_611 : vector<16xf32> to vector<16xf32>
          tpu.vector_store %arg9[%swap3A_612], %swap3A_615 {strides = array<i32>} : memref<2080xf32, #tpu.memory_space<vmem>>, vector<16xf32>,
        }
        %scan3A_295 = arith.constant 16 : i32
        %scan3A_296 = arith.constant 0 : i32
        %scan3A_297 = arith.constant 15 : i32
        %scan3A_298 = arith.addi %scan3A_296, %scan3A_297 : i32
        %scan3A_299 = arith.constant 1 : i32
        %scan3A_300 = scf.for %scan3A_491 = %scan3A_296 to %scan3A_298 step %scan3A_299 iter_args(%scan3A_492 = %broadcast_in_dim3A_4) -> (vector<16xf32>)  : i32 {
          %mul3A_493 = arith.constant 128 : i32
          %mul3A_494 = arith.muli %scan3A_491, %mul3A_493 : i32
          %add3A_495 = arith.constant 16 : i32
          %add3A_496 = arith.addi %add3A_495, %mul3A_494 : i32
          %add3A_497 = arith.constant 0 : i32
          %add3A_498 = arith.addi %add3A_496, %add3A_497 : i32
          %sub3A_499 = arith.constant 1 : i32
          %sub3A_500 = arith.subi %add3A_498, %sub3A_499 : i32
          %get3A_501 = arith.index_cast %sub3A_500 : i32 to index
          %get3A_502 = tpu.vector_load %arg9[%get3A_501] {strides = array<i32>} : memref<2080xf32, #tpu.memory_space<vmem>>, vector<16xf32>,
          %get3A_503 = vector.shape_cast %get3A_502 : vector<16xf32> to vector<16xf32>
          %mul3A_504 = arith.mulf %get3A_503, %get3A_22 : vector<16xf32>
          %get3A_505 = arith.index_cast %add3A_498 : i32 to index
          %get3A_506 = tpu.vector_load %arg9[%get3A_505] {strides = array<i32>} : memref<2080xf32, #tpu.memory_space<vmem>>, vector<16xf32>,
          %get3A_507 = vector.shape_cast %get3A_506 : vector<16xf32> to vector<16xf32>
          %mul3A_508 = arith.mulf %get3A_507, %get3A_25 : vector<16xf32>
          %add3A_509 = arith.addf %mul3A_504, %mul3A_508 : vector<16xf32>
          %add3A_510 = arith.constant 1 : i32
          %add3A_511 = arith.addi %add3A_498, %add3A_510 : i32
          %get3A_512 = arith.index_cast %add3A_511 : i32 to index
          %get3A_513 = tpu.vector_load %arg9[%get3A_512] {strides = array<i32>} : memref<2080xf32, #tpu.memory_space<vmem>>, vector<16xf32>,
          %get3A_514 = vector.shape_cast %get3A_513 : vector<16xf32> to vector<16xf32>
          %mul3A_515 = arith.mulf %get3A_514, %get3A_28 : vector<16xf32>
          %add3A_516 = arith.addf %add3A_509, %mul3A_515 : vector<16xf32>
          %swap3A_517 = arith.index_cast %add3A_498 : i32 to index
          %swap3A_518 = tpu.vector_load %arg7[%swap3A_517] {strides = array<i32>} : memref<2080xf32, #tpu.memory_space<vmem>>, vector<16xf32>,
          %swap3A_519 = vector.shape_cast %swap3A_518 : vector<16xf32> to vector<16xf32>
          %swap3A_520 = vector.shape_cast %add3A_516 : vector<16xf32> to vector<16xf32>
          tpu.vector_store %arg7[%swap3A_517], %swap3A_520 {strides = array<i32>} : memref<2080xf32, #tpu.memory_space<vmem>>, vector<16xf32>,
          %add3A_521 = arith.addf %scan3A_492, %add3A_516 : vector<16xf32>
          %add3A_522 = arith.constant 16 : i32
          %add3A_523 = arith.addi %add3A_496, %add3A_522 : i32
          %sub3A_524 = arith.constant 1 : i32
          %sub3A_525 = arith.subi %add3A_523, %sub3A_524 : i32
          %get3A_526 = arith.index_cast %sub3A_525 : i32 to index
          %get3A_527 = tpu.vector_load %arg9[%get3A_526] {strides = array<i32>} : memref<2080xf32, #tpu.memory_space<vmem>>, vector<16xf32>,
          %get3A_528 = vector.shape_cast %get3A_527 : vector<16xf32> to vector<16xf32>
          %mul3A_529 = arith.mulf %get3A_528, %get3A_22 : vector<16xf32>
          %get3A_530 = arith.index_cast %add3A_523 : i32 to index
          %get3A_531 = tpu.vector_load %arg9[%get3A_530] {strides = array<i32>} : memref<2080xf32, #tpu.memory_space<vmem>>, vector<16xf32>,
          %get3A_532 = vector.shape_cast %get3A_531 : vector<16xf32> to vector<16xf32>
          %mul3A_533 = arith.mulf %get3A_532, %get3A_25 : vector<16xf32>
          %add3A_534 = arith.addf %mul3A_529, %mul3A_533 : vector<16xf32>
          %add3A_535 = arith.constant 1 : i32
          %add3A_536 = arith.addi %add3A_523, %add3A_535 : i32
          %get3A_537 = arith.index_cast %add3A_536 : i32 to index
          %get3A_538 = tpu.vector_load %arg9[%get3A_537] {strides = array<i32>} : memref<2080xf32, #tpu.memory_space<vmem>>, vector<16xf32>,
          %get3A_539 = vector.shape_cast %get3A_538 : vector<16xf32> to vector<16xf32>
          %mul3A_540 = arith.mulf %get3A_539, %get3A_28 : vector<16xf32>
          %add3A_541 = arith.addf %add3A_534, %mul3A_540 : vector<16xf32>
          %swap3A_542 = arith.index_cast %add3A_523 : i32 to index
          %swap3A_543 = tpu.vector_load %arg7[%swap3A_542] {strides = array<i32>} : memref<2080xf32, #tpu.memory_space<vmem>>, vector<16xf32>,
          %swap3A_544 = vector.shape_cast %swap3A_543 : vector<16xf32> to vector<16xf32>
          %swap3A_545 = vector.shape_cast %add3A_541 : vector<16xf32> to vector<16xf32>
          tpu.vector_store %arg7[%swap3A_542], %swap3A_545 {strides = array<i32>} : memref<2080xf32, #tpu.memory_space<vmem>>, vector<16xf32>,
          %add3A_546 = arith.addf %add3A_521, %add3A_541 : vector<16xf32>
          %add3A_547 = arith.constant 32 : i32
          %add3A_548 = arith.addi %add3A_496, %add3A_547 : i32
          %sub3A_549 = arith.constant 1 : i32
          %sub3A_550 = arith.subi %add3A_548, %sub3A_549 : i32
          %get3A_551 = arith.index_cast %sub3A_550 : i32 to index
          %get3A_552 = tpu.vector_load %arg9[%get3A_551] {strides = array<i32>} : memref<2080xf32, #tpu.memory_space<vmem>>, vector<16xf32>,
          %get3A_553 = vector.shape_cast %get3A_552 : vector<16xf32> to vector<16xf32>
          %mul3A_554 = arith.mulf %get3A_553, %get3A_22 : vector<16xf32>
          %get3A_555 = arith.index_cast %add3A_548 : i32 to index
          %get3A_556 = tpu.vector_load %arg9[%get3A_555] {strides = array<i32>} : memref<2080xf32, #tpu.memory_space<vmem>>, vector<16xf32>,
          %get3A_557 = vector.shape_cast %get3A_556 : vector<16xf32> to vector<16xf32>
          %mul3A_558 = arith.mulf %get3A_557, %get3A_25 : vector<16xf32>
          %add3A_559 = arith.addf %mul3A_554, %mul3A_558 : vector<16xf32>
          %add3A_560 = arith.constant 1 : i32
          %add3A_561 = arith.addi %add3A_548, %add3A_560 : i32
          %get3A_562 = arith.index_cast %add3A_561 : i32 to index
          %get3A_563 = tpu.vector_load %arg9[%get3A_562] {strides = array<i32>} : memref<2080xf32, #tpu.memory_space<vmem>>, vector<16xf32>,
          %get3A_564 = vector.shape_cast %get3A_563 : vector<16xf32> to vector<16xf32>
          %mul3A_565 = arith.mulf %get3A_564, %get3A_28 : vector<16xf32>
          %add3A_566 = arith.addf %add3A_559, %mul3A_565 : vector<16xf32>
          %swap3A_567 = arith.index_cast %add3A_548 : i32 to index
          %swap3A_568 = tpu.vector_load %arg7[%swap3A_567] {strides = array<i32>} : memref<2080xf32, #tpu.memory_space<vmem>>, vector<16xf32>,
          %swap3A_569 = vector.shape_cast %swap3A_568 : vector<16xf32> to vector<16xf32>
          %swap3A_570 = vector.shape_cast %add3A_566 : vector<16xf32> to vector<16xf32>
          tpu.vector_store %arg7[%swap3A_567], %swap3A_570 {strides = array<i32>} : memref<2080xf32, #tpu.memory_space<vmem>>, vector<16xf32>,
          %add3A_571 = arith.addf %add3A_546, %add3A_566 : vector<16xf32>
          %add3A_572 = arith.constant 48 : i32
          %add3A_573 = arith.addi %add3A_496, %add3A_572 : i32
          %sub3A_574 = arith.constant 1 : i32
          %sub3A_575 = arith.subi %add3A_573, %sub3A_574 : i32
          %get3A_576 = arith.index_cast %sub3A_575 : i32 to index
          %get3A_577 = tpu.vector_load %arg9[%get3A_576] {strides = array<i32>} : memref<2080xf32, #tpu.memory_space<vmem>>, vector<16xf32>,
          %get3A_578 = vector.shape_cast %get3A_577 : vector<16xf32> to vector<16xf32>
          %mul3A_579 = arith.mulf %get3A_578, %get3A_22 : vector<16xf32>
          %get3A_580 = arith.index_cast %add3A_573 : i32 to index
          %get3A_581 = tpu.vector_load %arg9[%get3A_580] {strides = array<i32>} : memref<2080xf32, #tpu.memory_space<vmem>>, vector<16xf32>,
          %get3A_582 = vector.shape_cast %get3A_581 : vector<16xf32> to vector<16xf32>
          %mul3A_583 = arith.mulf %get3A_582, %get3A_25 : vector<16xf32>
          %add3A_584 = arith.addf %mul3A_579, %mul3A_583 : vector<16xf32>
          %add3A_585 = arith.constant 1 : i32
          %add3A_586 = arith.addi %add3A_573, %add3A_585 : i32
          %get3A_587 = arith.index_cast %add3A_586 : i32 to index
          %get3A_588 = tpu.vector_load %arg9[%get3A_587] {strides = array<i32>} : memref<2080xf32, #tpu.memory_space<vmem>>, vector<16xf32>,
          %get3A_589 = vector.shape_cast %get3A_588 : vector<16xf32> to vector<16xf32>
          %mul3A_590 = arith.mulf %get3A_589, %get3A_28 : vector<16xf32>
          %add3A_591 = arith.addf %add3A_584, %mul3A_590 : vector<16xf32>
          %swap3A_592 = arith.index_cast %add3A_573 : i32 to index
          %swap3A_593 = tpu.vector_load %arg7[%swap3A_592] {strides = array<i32>} : memref<2080xf32, #tpu.memory_space<vmem>>, vector<16xf32>,
          %swap3A_594 = vector.shape_cast %swap3A_593 : vector<16xf32> to vector<16xf32>
          %swap3A_595 = vector.shape_cast %add3A_591 : vector<16xf32> to vector<16xf32>
          tpu.vector_store %arg7[%swap3A_592], %swap3A_595 {strides = array<i32>} : memref<2080xf32, #tpu.memory_space<vmem>>, vector<16xf32>,
          %add3A_596 = arith.addf %add3A_571, %add3A_591 : vector<16xf32>
          %add3A_597 = arith.constant 64 : i32
          %add3A_598 = arith.addi %add3A_496, %add3A_597 : i32
          %sub3A_599 = arith.constant 1 : i32
          %sub3A_600 = arith.subi %add3A_598, %sub3A_599 : i32
          %get3A_601 = arith.index_cast %sub3A_600 : i32 to index
          %get3A_602 = tpu.vector_load %arg9[%get3A_601] {strides = array<i32>} : memref<2080xf32, #tpu.memory_space<vmem>>, vector<16xf32>,
          %get3A_603 = vector.shape_cast %get3A_602 : vector<16xf32> to vector<16xf32>
          %mul3A_604 = arith.mulf %get3A_603, %get3A_22 : vector<16xf32>
          %get3A_605 = arith.index_cast %add3A_598 : i32 to index
          %get3A_606 = tpu.vector_load %arg9[%get3A_605] {strides = array<i32>} : memref<2080xf32, #tpu.memory_space<vmem>>, vector<16xf32>,
          %get3A_607 = vector.shape_cast %get3A_606 : vector<16xf32> to vector<16xf32>
          %mul3A_608 = arith.mulf %get3A_607, %get3A_25 : vector<16xf32>
          %add3A_609 = arith.addf %mul3A_604, %mul3A_608 : vector<16xf32>
          %add3A_610 = arith.constant 1 : i32
          %add3A_611 = arith.addi %add3A_598, %add3A_610 : i32
          %get3A_612 = arith.index_cast %add3A_611 : i32 to index
          %get3A_613 = tpu.vector_load %arg9[%get3A_612] {strides = array<i32>} : memref<2080xf32, #tpu.memory_space<vmem>>, vector<16xf32>,
          %get3A_614 = vector.shape_cast %get3A_613 : vector<16xf32> to vector<16xf32>
          %mul3A_615 = arith.mulf %get3A_614, %get3A_28 : vector<16xf32>
          %add3A_616 = arith.addf %add3A_609, %mul3A_615 : vector<16xf32>
          %swap3A_617 = arith.index_cast %add3A_598 : i32 to index
          %swap3A_618 = tpu.vector_load %arg7[%swap3A_617] {strides = array<i32>} : memref<2080xf32, #tpu.memory_space<vmem>>, vector<16xf32>,
          %swap3A_619 = vector.shape_cast %swap3A_618 : vector<16xf32> to vector<16xf32>
          %swap3A_620 = vector.shape_cast %add3A_616 : vector<16xf32> to vector<16xf32>
          tpu.vector_store %arg7[%swap3A_617], %swap3A_620 {strides = array<i32>} : memref<2080xf32, #tpu.memory_space<vmem>>, vector<16xf32>,
          %add3A_621 = arith.addf %add3A_596, %add3A_616 : vector<16xf32>
          %add3A_622 = arith.constant 80 : i32
          %add3A_623 = arith.addi %add3A_496, %add3A_622 : i32
          %sub3A_624 = arith.constant 1 : i32
          %sub3A_625 = arith.subi %add3A_623, %sub3A_624 : i32
          %get3A_626 = arith.index_cast %sub3A_625 : i32 to index
          %get3A_627 = tpu.vector_load %arg9[%get3A_626] {strides = array<i32>} : memref<2080xf32, #tpu.memory_space<vmem>>, vector<16xf32>,
          %get3A_628 = vector.shape_cast %get3A_627 : vector<16xf32> to vector<16xf32>
          %mul3A_629 = arith.mulf %get3A_628, %get3A_22 : vector<16xf32>
          %get3A_630 = arith.index_cast %add3A_623 : i32 to index
          %get3A_631 = tpu.vector_load %arg9[%get3A_630] {strides = array<i32>} : memref<2080xf32, #tpu.memory_space<vmem>>, vector<16xf32>,
          %get3A_632 = vector.shape_cast %get3A_631 : vector<16xf32> to vector<16xf32>
          %mul3A_633 = arith.mulf %get3A_632, %get3A_25 : vector<16xf32>
          %add3A_634 = arith.addf %mul3A_629, %mul3A_633 : vector<16xf32>
          %add3A_635 = arith.constant 1 : i32
          %add3A_636 = arith.addi %add3A_623, %add3A_635 : i32
          %get3A_637 = arith.index_cast %add3A_636 : i32 to index
          %get3A_638 = tpu.vector_load %arg9[%get3A_637] {strides = array<i32>} : memref<2080xf32, #tpu.memory_space<vmem>>, vector<16xf32>,
          %get3A_639 = vector.shape_cast %get3A_638 : vector<16xf32> to vector<16xf32>
          %mul3A_640 = arith.mulf %get3A_639, %get3A_28 : vector<16xf32>
          %add3A_641 = arith.addf %add3A_634, %mul3A_640 : vector<16xf32>
          %swap3A_642 = arith.index_cast %add3A_623 : i32 to index
          %swap3A_643 = tpu.vector_load %arg7[%swap3A_642] {strides = array<i32>} : memref<2080xf32, #tpu.memory_space<vmem>>, vector<16xf32>,
          %swap3A_644 = vector.shape_cast %swap3A_643 : vector<16xf32> to vector<16xf32>
          %swap3A_645 = vector.shape_cast %add3A_641 : vector<16xf32> to vector<16xf32>
          tpu.vector_store %arg7[%swap3A_642], %swap3A_645 {strides = array<i32>} : memref<2080xf32, #tpu.memory_space<vmem>>, vector<16xf32>,
          %add3A_646 = arith.addf %add3A_621, %add3A_641 : vector<16xf32>
          %add3A_647 = arith.constant 96 : i32
          %add3A_648 = arith.addi %add3A_496, %add3A_647 : i32
          %sub3A_649 = arith.constant 1 : i32
          %sub3A_650 = arith.subi %add3A_648, %sub3A_649 : i32
          %get3A_651 = arith.index_cast %sub3A_650 : i32 to index
          %get3A_652 = tpu.vector_load %arg9[%get3A_651] {strides = array<i32>} : memref<2080xf32, #tpu.memory_space<vmem>>, vector<16xf32>,
          %get3A_653 = vector.shape_cast %get3A_652 : vector<16xf32> to vector<16xf32>
          %mul3A_654 = arith.mulf %get3A_653, %get3A_22 : vector<16xf32>
          %get3A_655 = arith.index_cast %add3A_648 : i32 to index
          %get3A_656 = tpu.vector_load %arg9[%get3A_655] {strides = array<i32>} : memref<2080xf32, #tpu.memory_space<vmem>>, vector<16xf32>,
          %get3A_657 = vector.shape_cast %get3A_656 : vector<16xf32> to vector<16xf32>
          %mul3A_658 = arith.mulf %get3A_657, %get3A_25 : vector<16xf32>
          %add3A_659 = arith.addf %mul3A_654, %mul3A_658 : vector<16xf32>
          %add3A_660 = arith.constant 1 : i32
          %add3A_661 = arith.addi %add3A_648, %add3A_660 : i32
          %get3A_662 = arith.index_cast %add3A_661 : i32 to index
          %get3A_663 = tpu.vector_load %arg9[%get3A_662] {strides = array<i32>} : memref<2080xf32, #tpu.memory_space<vmem>>, vector<16xf32>,
          %get3A_664 = vector.shape_cast %get3A_663 : vector<16xf32> to vector<16xf32>
          %mul3A_665 = arith.mulf %get3A_664, %get3A_28 : vector<16xf32>
          %add3A_666 = arith.addf %add3A_659, %mul3A_665 : vector<16xf32>
          %swap3A_667 = arith.index_cast %add3A_648 : i32 to index
          %swap3A_668 = tpu.vector_load %arg7[%swap3A_667] {strides = array<i32>} : memref<2080xf32, #tpu.memory_space<vmem>>, vector<16xf32>,
          %swap3A_669 = vector.shape_cast %swap3A_668 : vector<16xf32> to vector<16xf32>
          %swap3A_670 = vector.shape_cast %add3A_666 : vector<16xf32> to vector<16xf32>
          tpu.vector_store %arg7[%swap3A_667], %swap3A_670 {strides = array<i32>} : memref<2080xf32, #tpu.memory_space<vmem>>, vector<16xf32>,
          %add3A_671 = arith.addf %add3A_646, %add3A_666 : vector<16xf32>
          %add3A_672 = arith.constant 112 : i32
          %add3A_673 = arith.addi %add3A_496, %add3A_672 : i32
          %sub3A_674 = arith.constant 1 : i32
          %sub3A_675 = arith.subi %add3A_673, %sub3A_674 : i32
          %get3A_676 = arith.index_cast %sub3A_675 : i32 to index
          %get3A_677 = tpu.vector_load %arg9[%get3A_676] {strides = array<i32>} : memref<2080xf32, #tpu.memory_space<vmem>>, vector<16xf32>,
          %get3A_678 = vector.shape_cast %get3A_677 : vector<16xf32> to vector<16xf32>
          %mul3A_679 = arith.mulf %get3A_678, %get3A_22 : vector<16xf32>
          %get3A_680 = arith.index_cast %add3A_673 : i32 to index
          %get3A_681 = tpu.vector_load %arg9[%get3A_680] {strides = array<i32>} : memref<2080xf32, #tpu.memory_space<vmem>>, vector<16xf32>,
          %get3A_682 = vector.shape_cast %get3A_681 : vector<16xf32> to vector<16xf32>
          %mul3A_683 = arith.mulf %get3A_682, %get3A_25 : vector<16xf32>
          %add3A_684 = arith.addf %mul3A_679, %mul3A_683 : vector<16xf32>
          %add3A_685 = arith.constant 1 : i32
          %add3A_686 = arith.addi %add3A_673, %add3A_685 : i32
          %get3A_687 = arith.index_cast %add3A_686 : i32 to index
          %get3A_688 = tpu.vector_load %arg9[%get3A_687] {strides = array<i32>} : memref<2080xf32, #tpu.memory_space<vmem>>, vector<16xf32>,
          %get3A_689 = vector.shape_cast %get3A_688 : vector<16xf32> to vector<16xf32>
          %mul3A_690 = arith.mulf %get3A_689, %get3A_28 : vector<16xf32>
          %add3A_691 = arith.addf %add3A_684, %mul3A_690 : vector<16xf32>
          %swap3A_692 = arith.index_cast %add3A_673 : i32 to index
          %swap3A_693 = tpu.vector_load %arg7[%swap3A_692] {strides = array<i32>} : memref<2080xf32, #tpu.memory_space<vmem>>, vector<16xf32>,
          %swap3A_694 = vector.shape_cast %swap3A_693 : vector<16xf32> to vector<16xf32>
          %swap3A_695 = vector.shape_cast %add3A_691 : vector<16xf32> to vector<16xf32>
          tpu.vector_store %arg7[%swap3A_692], %swap3A_695 {strides = array<i32>} : memref<2080xf32, #tpu.memory_space<vmem>>, vector<16xf32>,
          %add3A_696 = arith.addf %add3A_671, %add3A_691 : vector<16xf32>
          scf.yield %add3A_696 : vector<16xf32>
        }
        %scan3A_301 = arith.constant 15 : i32
        %get3A_302 = arith.constant 1935 : index
        %get3A_303 = tpu.vector_load %arg9[%get3A_302] {strides = array<i32>} : memref<2080xf32, #tpu.memory_space<vmem>>, vector<16xf32>,
        %get3A_304 = vector.shape_cast %get3A_303 : vector<16xf32> to vector<16xf32>
        %mul3A_305 = arith.mulf %get3A_304, %get3A_22 : vector<16xf32>
        %get3A_306 = arith.constant 1936 : index
        %get3A_307 = tpu.vector_load %arg9[%get3A_306] {strides = array<i32>} : memref<2080xf32, #tpu.memory_space<vmem>>, vector<16xf32>,
        %get3A_308 = vector.shape_cast %get3A_307 : vector<16xf32> to vector<16xf32>
        %mul3A_309 = arith.mulf %get3A_308, %get3A_25 : vector<16xf32>
        %add3A_310 = arith.addf %mul3A_305, %mul3A_309 : vector<16xf32>
        %get3A_311 = arith.constant 1937 : index
        %get3A_312 = tpu.vector_load %arg9[%get3A_311] {strides = array<i32>} : memref<2080xf32, #tpu.memory_space<vmem>>, vector<16xf32>,
        %get3A_313 = vector.shape_cast %get3A_312 : vector<16xf32> to vector<16xf32>
        %mul3A_314 = arith.mulf %get3A_313, %get3A_28 : vector<16xf32>
        %add3A_315 = arith.addf %add3A_310, %mul3A_314 : vector<16xf32>
        %swap3A_316 = arith.constant 1936 : index
        %swap3A_317 = tpu.vector_load %arg7[%swap3A_316] {strides = array<i32>} : memref<2080xf32, #tpu.memory_space<vmem>>, vector<16xf32>,
        %swap3A_318 = vector.shape_cast %swap3A_317 : vector<16xf32> to vector<16xf32>
        %swap3A_319 = vector.shape_cast %add3A_315 : vector<16xf32> to vector<16xf32>
        tpu.vector_store %arg7[%swap3A_316], %swap3A_319 {strides = array<i32>} : memref<2080xf32, #tpu.memory_space<vmem>>, vector<16xf32>,
        %add3A_320 = arith.addf %scan3A_300, %add3A_315 : vector<16xf32>
        %get3A_321 = arith.constant 1951 : index
        %get3A_322 = tpu.vector_load %arg9[%get3A_321] {strides = array<i32>} : memref<2080xf32, #tpu.memory_space<vmem>>, vector<16xf32>,
        %get3A_323 = vector.shape_cast %get3A_322 : vector<16xf32> to vector<16xf32>
        %mul3A_324 = arith.mulf %get3A_323, %get3A_22 : vector<16xf32>
        %get3A_325 = arith.constant 1952 : index
        %get3A_326 = tpu.vector_load %arg9[%get3A_325] {strides = array<i32>} : memref<2080xf32, #tpu.memory_space<vmem>>, vector<16xf32>,
        %get3A_327 = vector.shape_cast %get3A_326 : vector<16xf32> to vector<16xf32>
        %mul3A_328 = arith.mulf %get3A_327, %get3A_25 : vector<16xf32>
        %add3A_329 = arith.addf %mul3A_324, %mul3A_328 : vector<16xf32>
        %get3A_330 = arith.constant 1953 : index
        %get3A_331 = tpu.vector_load %arg9[%get3A_330] {strides = array<i32>} : memref<2080xf32, #tpu.memory_space<vmem>>, vector<16xf32>,
        %get3A_332 = vector.shape_cast %get3A_331 : vector<16xf32> to vector<16xf32>
        %mul3A_333 = arith.mulf %get3A_332, %get3A_28 : vector<16xf32>
        %add3A_334 = arith.addf %add3A_329, %mul3A_333 : vector<16xf32>
        %swap3A_335 = arith.constant 1952 : index
        %swap3A_336 = tpu.vector_load %arg7[%swap3A_335] {strides = array<i32>} : memref<2080xf32, #tpu.memory_space<vmem>>, vector<16xf32>,
        %swap3A_337 = vector.shape_cast %swap3A_336 : vector<16xf32> to vector<16xf32>
        %swap3A_338 = vector.shape_cast %add3A_334 : vector<16xf32> to vector<16xf32>
        tpu.vector_store %arg7[%swap3A_335], %swap3A_338 {strides = array<i32>} : memref<2080xf32, #tpu.memory_space<vmem>>, vector<16xf32>,
        %add3A_339 = arith.addf %add3A_320, %add3A_334 : vector<16xf32>
        %get3A_340 = arith.constant 1967 : index
        %get3A_341 = tpu.vector_load %arg9[%get3A_340] {strides = array<i32>} : memref<2080xf32, #tpu.memory_space<vmem>>, vector<16xf32>,
        %get3A_342 = vector.shape_cast %get3A_341 : vector<16xf32> to vector<16xf32>
        %mul3A_343 = arith.mulf %get3A_342, %get3A_22 : vector<16xf32>
        %get3A_344 = arith.constant 1968 : index
        %get3A_345 = tpu.vector_load %arg9[%get3A_344] {strides = array<i32>} : memref<2080xf32, #tpu.memory_space<vmem>>, vector<16xf32>,
        %get3A_346 = vector.shape_cast %get3A_345 : vector<16xf32> to vector<16xf32>
        %mul3A_347 = arith.mulf %get3A_346, %get3A_25 : vector<16xf32>
        %add3A_348 = arith.addf %mul3A_343, %mul3A_347 : vector<16xf32>
        %get3A_349 = arith.constant 1969 : index
        %get3A_350 = tpu.vector_load %arg9[%get3A_349] {strides = array<i32>} : memref<2080xf32, #tpu.memory_space<vmem>>, vector<16xf32>,
        %get3A_351 = vector.shape_cast %get3A_350 : vector<16xf32> to vector<16xf32>
        %mul3A_352 = arith.mulf %get3A_351, %get3A_28 : vector<16xf32>
        %add3A_353 = arith.addf %add3A_348, %mul3A_352 : vector<16xf32>
        %swap3A_354 = arith.constant 1968 : index
        %swap3A_355 = tpu.vector_load %arg7[%swap3A_354] {strides = array<i32>} : memref<2080xf32, #tpu.memory_space<vmem>>, vector<16xf32>,
        %swap3A_356 = vector.shape_cast %swap3A_355 : vector<16xf32> to vector<16xf32>
        %swap3A_357 = vector.shape_cast %add3A_353 : vector<16xf32> to vector<16xf32>
        tpu.vector_store %arg7[%swap3A_354], %swap3A_357 {strides = array<i32>} : memref<2080xf32, #tpu.memory_space<vmem>>, vector<16xf32>,
        %add3A_358 = arith.addf %add3A_339, %add3A_353 : vector<16xf32>
        %get3A_359 = arith.constant 1983 : index
        %get3A_360 = tpu.vector_load %arg9[%get3A_359] {strides = array<i32>} : memref<2080xf32, #tpu.memory_space<vmem>>, vector<16xf32>,
        %get3A_361 = vector.shape_cast %get3A_360 : vector<16xf32> to vector<16xf32>
        %mul3A_362 = arith.mulf %get3A_361, %get3A_22 : vector<16xf32>
        %get3A_363 = arith.constant 1984 : index
        %get3A_364 = tpu.vector_load %arg9[%get3A_363] {strides = array<i32>} : memref<2080xf32, #tpu.memory_space<vmem>>, vector<16xf32>,
        %get3A_365 = vector.shape_cast %get3A_364 : vector<16xf32> to vector<16xf32>
        %mul3A_366 = arith.mulf %get3A_365, %get3A_25 : vector<16xf32>
        %add3A_367 = arith.addf %mul3A_362, %mul3A_366 : vector<16xf32>
        %get3A_368 = arith.constant 1985 : index
        %get3A_369 = tpu.vector_load %arg9[%get3A_368] {strides = array<i32>} : memref<2080xf32, #tpu.memory_space<vmem>>, vector<16xf32>,
        %get3A_370 = vector.shape_cast %get3A_369 : vector<16xf32> to vector<16xf32>
        %mul3A_371 = arith.mulf %get3A_370, %get3A_28 : vector<16xf32>
        %add3A_372 = arith.addf %add3A_367, %mul3A_371 : vector<16xf32>
        %swap3A_373 = arith.constant 1984 : index
        %swap3A_374 = tpu.vector_load %arg7[%swap3A_373] {strides = array<i32>} : memref<2080xf32, #tpu.memory_space<vmem>>, vector<16xf32>,
        %swap3A_375 = vector.shape_cast %swap3A_374 : vector<16xf32> to vector<16xf32>
        %swap3A_376 = vector.shape_cast %add3A_372 : vector<16xf32> to vector<16xf32>
        tpu.vector_store %arg7[%swap3A_373], %swap3A_376 {strides = array<i32>} : memref<2080xf32, #tpu.memory_space<vmem>>, vector<16xf32>,
        %add3A_377 = arith.addf %add3A_358, %add3A_372 : vector<16xf32>
        %get3A_378 = arith.constant 1999 : index
        %get3A_379 = tpu.vector_load %arg9[%get3A_378] {strides = array<i32>} : memref<2080xf32, #tpu.memory_space<vmem>>, vector<16xf32>,
        %get3A_380 = vector.shape_cast %get3A_379 : vector<16xf32> to vector<16xf32>
        %mul3A_381 = arith.mulf %get3A_380, %get3A_22 : vector<16xf32>
        %get3A_382 = arith.constant 2000 : index
        %get3A_383 = tpu.vector_load %arg9[%get3A_382] {strides = array<i32>} : memref<2080xf32, #tpu.memory_space<vmem>>, vector<16xf32>,
        %get3A_384 = vector.shape_cast %get3A_383 : vector<16xf32> to vector<16xf32>
        %mul3A_385 = arith.mulf %get3A_384, %get3A_25 : vector<16xf32>
        %add3A_386 = arith.addf %mul3A_381, %mul3A_385 : vector<16xf32>
        %get3A_387 = arith.constant 2001 : index
        %get3A_388 = tpu.vector_load %arg9[%get3A_387] {strides = array<i32>} : memref<2080xf32, #tpu.memory_space<vmem>>, vector<16xf32>,
        %get3A_389 = vector.shape_cast %get3A_388 : vector<16xf32> to vector<16xf32>
        %mul3A_390 = arith.mulf %get3A_389, %get3A_28 : vector<16xf32>
        %add3A_391 = arith.addf %add3A_386, %mul3A_390 : vector<16xf32>
        %swap3A_392 = arith.constant 2000 : index
        %swap3A_393 = tpu.vector_load %arg7[%swap3A_392] {strides = array<i32>} : memref<2080xf32, #tpu.memory_space<vmem>>, vector<16xf32>,
        %swap3A_394 = vector.shape_cast %swap3A_393 : vector<16xf32> to vector<16xf32>
        %swap3A_395 = vector.shape_cast %add3A_391 : vector<16xf32> to vector<16xf32>
        tpu.vector_store %arg7[%swap3A_392], %swap3A_395 {strides = array<i32>} : memref<2080xf32, #tpu.memory_space<vmem>>, vector<16xf32>,
        %add3A_396 = arith.addf %add3A_377, %add3A_391 : vector<16xf32>
        %get3A_397 = arith.constant 2015 : index
        %get3A_398 = tpu.vector_load %arg9[%get3A_397] {strides = array<i32>} : memref<2080xf32, #tpu.memory_space<vmem>>, vector<16xf32>,
        %get3A_399 = vector.shape_cast %get3A_398 : vector<16xf32> to vector<16xf32>
        %mul3A_400 = arith.mulf %get3A_399, %get3A_22 : vector<16xf32>
        %get3A_401 = arith.constant 2016 : index
        %get3A_402 = tpu.vector_load %arg9[%get3A_401] {strides = array<i32>} : memref<2080xf32, #tpu.memory_space<vmem>>, vector<16xf32>,
        %get3A_403 = vector.shape_cast %get3A_402 : vector<16xf32> to vector<16xf32>
        %mul3A_404 = arith.mulf %get3A_403, %get3A_25 : vector<16xf32>
        %add3A_405 = arith.addf %mul3A_400, %mul3A_404 : vector<16xf32>
        %get3A_406 = arith.constant 2017 : index
        %get3A_407 = tpu.vector_load %arg9[%get3A_406] {strides = array<i32>} : memref<2080xf32, #tpu.memory_space<vmem>>, vector<16xf32>,
        %get3A_408 = vector.shape_cast %get3A_407 : vector<16xf32> to vector<16xf32>
        %mul3A_409 = arith.mulf %get3A_408, %get3A_28 : vector<16xf32>
        %add3A_410 = arith.addf %add3A_405, %mul3A_409 : vector<16xf32>
        %swap3A_411 = arith.constant 2016 : index
        %swap3A_412 = tpu.vector_load %arg7[%swap3A_411] {strides = array<i32>} : memref<2080xf32, #tpu.memory_space<vmem>>, vector<16xf32>,
        %swap3A_413 = vector.shape_cast %swap3A_412 : vector<16xf32> to vector<16xf32>
        %swap3A_414 = vector.shape_cast %add3A_410 : vector<16xf32> to vector<16xf32>
        tpu.vector_store %arg7[%swap3A_411], %swap3A_414 {strides = array<i32>} : memref<2080xf32, #tpu.memory_space<vmem>>, vector<16xf32>,
        %add3A_415 = arith.addf %add3A_396, %add3A_410 : vector<16xf32>
        %get3A_416 = arith.constant 2031 : index
        %get3A_417 = tpu.vector_load %arg9[%get3A_416] {strides = array<i32>} : memref<2080xf32, #tpu.memory_space<vmem>>, vector<16xf32>,
        %get3A_418 = vector.shape_cast %get3A_417 : vector<16xf32> to vector<16xf32>
        %mul3A_419 = arith.mulf %get3A_418, %get3A_22 : vector<16xf32>
        %get3A_420 = arith.constant 2032 : index
        %get3A_421 = tpu.vector_load %arg9[%get3A_420] {strides = array<i32>} : memref<2080xf32, #tpu.memory_space<vmem>>, vector<16xf32>,
        %get3A_422 = vector.shape_cast %get3A_421 : vector<16xf32> to vector<16xf32>
        %mul3A_423 = arith.mulf %get3A_422, %get3A_25 : vector<16xf32>
        %add3A_424 = arith.addf %mul3A_419, %mul3A_423 : vector<16xf32>
        %get3A_425 = arith.constant 2033 : index
        %get3A_426 = tpu.vector_load %arg9[%get3A_425] {strides = array<i32>} : memref<2080xf32, #tpu.memory_space<vmem>>, vector<16xf32>,
        %get3A_427 = vector.shape_cast %get3A_426 : vector<16xf32> to vector<16xf32>
        %mul3A_428 = arith.mulf %get3A_427, %get3A_28 : vector<16xf32>
        %add3A_429 = arith.addf %add3A_424, %mul3A_428 : vector<16xf32>
        %swap3A_430 = arith.constant 2032 : index
        %swap3A_431 = tpu.vector_load %arg7[%swap3A_430] {strides = array<i32>} : memref<2080xf32, #tpu.memory_space<vmem>>, vector<16xf32>,
        %swap3A_432 = vector.shape_cast %swap3A_431 : vector<16xf32> to vector<16xf32>
        %swap3A_433 = vector.shape_cast %add3A_429 : vector<16xf32> to vector<16xf32>
        tpu.vector_store %arg7[%swap3A_430], %swap3A_433 {strides = array<i32>} : memref<2080xf32, #tpu.memory_space<vmem>>, vector<16xf32>,
        %add3A_434 = arith.addf %add3A_415, %add3A_429 : vector<16xf32>
        %get3A_435 = arith.constant 2047 : index
        %get3A_436 = tpu.vector_load %arg9[%get3A_435] {strides = array<i32>} : memref<2080xf32, #tpu.memory_space<vmem>>, vector<16xf32>,
        %get3A_437 = vector.shape_cast %get3A_436 : vector<16xf32> to vector<16xf32>
        %mul3A_438 = arith.mulf %get3A_437, %get3A_22 : vector<16xf32>
        %get3A_439 = arith.constant 2048 : index
        %get3A_440 = tpu.vector_load %arg9[%get3A_439] {strides = array<i32>} : memref<2080xf32, #tpu.memory_space<vmem>>, vector<16xf32>,
        %get3A_441 = vector.shape_cast %get3A_440 : vector<16xf32> to vector<16xf32>
        %mul3A_442 = arith.mulf %get3A_441, %get3A_25 : vector<16xf32>
        %add3A_443 = arith.addf %mul3A_438, %mul3A_442 : vector<16xf32>
        %get3A_444 = arith.constant 2049 : index
        %get3A_445 = tpu.vector_load %arg9[%get3A_444] {strides = array<i32>} : memref<2080xf32, #tpu.memory_space<vmem>>, vector<16xf32>,
        %get3A_446 = vector.shape_cast %get3A_445 : vector<16xf32> to vector<16xf32>
        %mul3A_447 = arith.mulf %get3A_446, %get3A_28 : vector<16xf32>
        %add3A_448 = arith.addf %add3A_443, %mul3A_447 : vector<16xf32>
        %mul3A_449 = arith.mulf %add3A_448, %get3A_31 : vector<16xf32>
        %swap3A_450 = arith.constant 2048 : index
        %swap3A_451 = tpu.vector_load %arg7[%swap3A_450] {strides = array<i32>} : memref<2080xf32, #tpu.memory_space<vmem>>, vector<16xf32>,
        %swap3A_452 = vector.shape_cast %swap3A_451 : vector<16xf32> to vector<16xf32>
        %swap3A_453 = vector.shape_cast %mul3A_449 : vector<16xf32> to vector<16xf32>
        tpu.vector_store %arg7[%swap3A_450], %swap3A_453 {strides = array<i32>} : memref<2080xf32, #tpu.memory_space<vmem>>, vector<16xf32>,
        %add3A_454 = arith.addf %add3A_434, %mul3A_449 : vector<16xf32>
        %swap3A_455 = arith.constant 16 : index
        %swap3A_456 = tpu.vector_load %arg13[%swap3A_455] {strides = array<i32>} : memref<48xf32, #tpu.memory_space<vmem>>, vector<16xf32>,
        %swap3A_457 = vector.shape_cast %swap3A_456 : vector<16xf32> to vector<16xf32>
        %swap3A_458 = vector.shape_cast %add3A_454 : vector<16xf32> to vector<16xf32>
        tpu.vector_store %arg13[%swap3A_455], %swap3A_458 {strides = array<i32>} : memref<48xf32, #tpu.memory_space<vmem>>, vector<16xf32>,
        %get3A_459 = arith.constant 24 : index
        %get3A_460 = tpu.vector_load %arg13[%get3A_459] {strides = array<i32>} : memref<48xf32, #tpu.memory_space<vmem>>, vector<16xf32>,
        %get3A_461 = vector.shape_cast %get3A_460 : vector<16xf32> to vector<16xf32>
        %add3A_462 = arith.addf %add3A_454, %get3A_461 : vector<16xf32>
        %swap3A_463 = arith.constant 16 : index
        %swap3A_464 = tpu.vector_load %arg13[%swap3A_463] {strides = array<i32>} : memref<48xf32, #tpu.memory_space<vmem>>, vector<16xf32>,
        %swap3A_465 = vector.shape_cast %swap3A_464 : vector<16xf32> to vector<16xf32>
        %swap3A_466 = vector.shape_cast %add3A_462 : vector<16xf32> to vector<16xf32>
        tpu.vector_store %arg13[%swap3A_463], %swap3A_466 {strides = array<i32>} : memref<48xf32, #tpu.memory_space<vmem>>, vector<16xf32>,
        %get3A_467 = arith.constant 20 : index
        %get3A_468 = tpu.vector_load %arg13[%get3A_467] {strides = array<i32>} : memref<48xf32, #tpu.memory_space<vmem>>, vector<16xf32>,
        %get3A_469 = vector.shape_cast %get3A_468 : vector<16xf32> to vector<16xf32>
        %add3A_470 = arith.addf %add3A_462, %get3A_469 : vector<16xf32>
        %swap3A_471 = arith.constant 16 : index
        %swap3A_472 = tpu.vector_load %arg13[%swap3A_471] {strides = array<i32>} : memref<48xf32, #tpu.memory_space<vmem>>, vector<16xf32>,
        %swap3A_473 = vector.shape_cast %swap3A_472 : vector<16xf32> to vector<16xf32>
        %swap3A_474 = vector.shape_cast %add3A_470 : vector<16xf32> to vector<16xf32>
        tpu.vector_store %arg13[%swap3A_471], %swap3A_474 {strides = array<i32>} : memref<48xf32, #tpu.memory_space<vmem>>, vector<16xf32>,
        %get3A_475 = arith.constant 18 : index
        %get3A_476 = tpu.vector_load %arg13[%get3A_475] {strides = array<i32>} : memref<48xf32, #tpu.memory_space<vmem>>, vector<16xf32>,
        %get3A_477 = vector.shape_cast %get3A_476 : vector<16xf32> to vector<16xf32>
        %add3A_478 = arith.addf %add3A_470, %get3A_477 : vector<16xf32>
        %swap3A_479 = arith.constant 16 : index
        %swap3A_480 = tpu.vector_load %arg13[%swap3A_479] {strides = array<i32>} : memref<48xf32, #tpu.memory_space<vmem>>, vector<16xf32>,
        %swap3A_481 = vector.shape_cast %swap3A_480 : vector<16xf32> to vector<16xf32>
        %swap3A_482 = vector.shape_cast %add3A_478 : vector<16xf32> to vector<16xf32>
        tpu.vector_store %arg13[%swap3A_479], %swap3A_482 {strides = array<i32>} : memref<48xf32, #tpu.memory_space<vmem>>, vector<16xf32>,
        %get3A_483 = arith.constant 17 : index
        %get3A_484 = tpu.vector_load %arg13[%get3A_483] {strides = array<i32>} : memref<48xf32, #tpu.memory_space<vmem>>, vector<16xf32>,
        %get3A_485 = vector.shape_cast %get3A_484 : vector<16xf32> to vector<16xf32>
        %add3A_486 = arith.addf %add3A_478, %get3A_485 : vector<16xf32>
        %slice3A_487 = vector.extract_strided_slice %add3A_486 {offsets = [0], sizes = [1], strides = [1]} : vector<16xf32> to vector<1xf32>
        %squeeze3A_488 = vector.extract %slice3A_487[0] : f32 from vector<1xf32>
        %broadcast_in_dim3A_489 = vector.broadcast %squeeze3A_488 : f32 to vector<16xf32>
        %mul3A_490 = arith.mulf %mul3A_289, %broadcast_in_dim3A_489 : vector<16xf32>
        scf.yield %broadcast_in_dim3A_489, %mul3A_490 : vector<16xf32>, vector<16xf32>
      }
      %while3A_62 = arith.constant 1 : i32
      %while3A_63:2 = scf.for %while3A_87 = %while3A_59 to %while3A_55 step %while3A_62 iter_args(%while3A_88 = %while3A_61#0, %while3A_89 = %while3A_61#1) -> (vector<16xf32>, vector<16xf32>)  : i32 {
        %scan3A_90 = arith.constant 0 : i32
        %scan3A_91 = arith.constant 0 : i32
        %scan3A_92 = arith.constant 16 : i32
        %scan3A_93 = arith.addi %scan3A_91, %scan3A_92 : i32
        %scan3A_94 = arith.constant 1 : i32
        scf.for %scan3A_491 = %scan3A_91 to %scan3A_93 step %scan3A_94  : i32 {
          %mul3A_492 = arith.constant 128 : i32
          %mul3A_493 = arith.muli %scan3A_491, %mul3A_492 : i32
          %add3A_494 = arith.constant 16 : i32
          %add3A_495 = arith.addi %add3A_494, %mul3A_493 : i32
          %add3A_496 = arith.constant 0 : i32
          %add3A_497 = arith.addi %add3A_495, %add3A_496 : i32
          %get3A_498 = arith.index_cast %add3A_497 : i32 to index
          %get3A_499 = tpu.vector_load %arg7[%get3A_498] {strides = array<i32>} : memref<2080xf32, #tpu.memory_space<vmem>>, vector<16xf32>,
          %get3A_500 = vector.shape_cast %get3A_499 : vector<16xf32> to vector<16xf32>
          %div3A_501 = arith.divf %get3A_500, %while3A_88 : vector<16xf32>
          %mul3A_502 = arith.constant 6.553700e+04 : f32
          %mul3A_503 = vector.broadcast %mul3A_502 : f32 to vector<16xf32>
          %mul3A_504 = arith.mulf %div3A_501, %mul3A_503 : vector<16xf32>
          %sub3A_505 = arith.subf %mul3A_504, %div3A_501 : vector<16xf32>
          %sub3A_506 = arith.subf %mul3A_504, %sub3A_505 : vector<16xf32>
          %swap3A_507 = arith.index_cast %add3A_497 : i32 to index
          %swap3A_508 = tpu.vector_load %arg9[%swap3A_507] {strides = array<i32>} : memref<2080xf32, #tpu.memory_space<vmem>>, vector<16xf32>,
          %swap3A_509 = vector.shape_cast %swap3A_508 : vector<16xf32> to vector<16xf32>
          %swap3A_510 = vector.shape_cast %sub3A_506 : vector<16xf32> to vector<16xf32>
          tpu.vector_store %arg9[%swap3A_507], %swap3A_510 {strides = array<i32>} : memref<2080xf32, #tpu.memory_space<vmem>>, vector<16xf32>,
          %add3A_511 = arith.constant 16 : i32
          %add3A_512 = arith.addi %add3A_495, %add3A_511 : i32
          %get3A_513 = arith.index_cast %add3A_512 : i32 to index
          %get3A_514 = tpu.vector_load %arg7[%get3A_513] {strides = array<i32>} : memref<2080xf32, #tpu.memory_space<vmem>>, vector<16xf32>,
          %get3A_515 = vector.shape_cast %get3A_514 : vector<16xf32> to vector<16xf32>
          %div3A_516 = arith.divf %get3A_515, %while3A_88 : vector<16xf32>
          %mul3A_517 = arith.constant 6.553700e+04 : f32
          %mul3A_518 = vector.broadcast %mul3A_517 : f32 to vector<16xf32>
          %mul3A_519 = arith.mulf %div3A_516, %mul3A_518 : vector<16xf32>
          %sub3A_520 = arith.subf %mul3A_519, %div3A_516 : vector<16xf32>
          %sub3A_521 = arith.subf %mul3A_519, %sub3A_520 : vector<16xf32>
          %swap3A_522 = arith.index_cast %add3A_512 : i32 to index
          %swap3A_523 = tpu.vector_load %arg9[%swap3A_522] {strides = array<i32>} : memref<2080xf32, #tpu.memory_space<vmem>>, vector<16xf32>,
          %swap3A_524 = vector.shape_cast %swap3A_523 : vector<16xf32> to vector<16xf32>
          %swap3A_525 = vector.shape_cast %sub3A_521 : vector<16xf32> to vector<16xf32>
          tpu.vector_store %arg9[%swap3A_522], %swap3A_525 {strides = array<i32>} : memref<2080xf32, #tpu.memory_space<vmem>>, vector<16xf32>,
          %add3A_526 = arith.constant 32 : i32
          %add3A_527 = arith.addi %add3A_495, %add3A_526 : i32
          %get3A_528 = arith.index_cast %add3A_527 : i32 to index
          %get3A_529 = tpu.vector_load %arg7[%get3A_528] {strides = array<i32>} : memref<2080xf32, #tpu.memory_space<vmem>>, vector<16xf32>,
          %get3A_530 = vector.shape_cast %get3A_529 : vector<16xf32> to vector<16xf32>
          %div3A_531 = arith.divf %get3A_530, %while3A_88 : vector<16xf32>
          %mul3A_532 = arith.constant 6.553700e+04 : f32
          %mul3A_533 = vector.broadcast %mul3A_532 : f32 to vector<16xf32>
          %mul3A_534 = arith.mulf %div3A_531, %mul3A_533 : vector<16xf32>
          %sub3A_535 = arith.subf %mul3A_534, %div3A_531 : vector<16xf32>
          %sub3A_536 = arith.subf %mul3A_534, %sub3A_535 : vector<16xf32>
          %swap3A_537 = arith.index_cast %add3A_527 : i32 to index
          %swap3A_538 = tpu.vector_load %arg9[%swap3A_537] {strides = array<i32>} : memref<2080xf32, #tpu.memory_space<vmem>>, vector<16xf32>,
          %swap3A_539 = vector.shape_cast %swap3A_538 : vector<16xf32> to vector<16xf32>
          %swap3A_540 = vector.shape_cast %sub3A_536 : vector<16xf32> to vector<16xf32>
          tpu.vector_store %arg9[%swap3A_537], %swap3A_540 {strides = array<i32>} : memref<2080xf32, #tpu.memory_space<vmem>>, vector<16xf32>,
          %add3A_541 = arith.constant 48 : i32
          %add3A_542 = arith.addi %add3A_495, %add3A_541 : i32
          %get3A_543 = arith.index_cast %add3A_542 : i32 to index
          %get3A_544 = tpu.vector_load %arg7[%get3A_543] {strides = array<i32>} : memref<2080xf32, #tpu.memory_space<vmem>>, vector<16xf32>,
          %get3A_545 = vector.shape_cast %get3A_544 : vector<16xf32> to vector<16xf32>
          %div3A_546 = arith.divf %get3A_545, %while3A_88 : vector<16xf32>
          %mul3A_547 = arith.constant 6.553700e+04 : f32
          %mul3A_548 = vector.broadcast %mul3A_547 : f32 to vector<16xf32>
          %mul3A_549 = arith.mulf %div3A_546, %mul3A_548 : vector<16xf32>
          %sub3A_550 = arith.subf %mul3A_549, %div3A_546 : vector<16xf32>
          %sub3A_551 = arith.subf %mul3A_549, %sub3A_550 : vector<16xf32>
          %swap3A_552 = arith.index_cast %add3A_542 : i32 to index
          %swap3A_553 = tpu.vector_load %arg9[%swap3A_552] {strides = array<i32>} : memref<2080xf32, #tpu.memory_space<vmem>>, vector<16xf32>,
          %swap3A_554 = vector.shape_cast %swap3A_553 : vector<16xf32> to vector<16xf32>
          %swap3A_555 = vector.shape_cast %sub3A_551 : vector<16xf32> to vector<16xf32>
          tpu.vector_store %arg9[%swap3A_552], %swap3A_555 {strides = array<i32>} : memref<2080xf32, #tpu.memory_space<vmem>>, vector<16xf32>,
          %add3A_556 = arith.constant 64 : i32
          %add3A_557 = arith.addi %add3A_495, %add3A_556 : i32
          %get3A_558 = arith.index_cast %add3A_557 : i32 to index
          %get3A_559 = tpu.vector_load %arg7[%get3A_558] {strides = array<i32>} : memref<2080xf32, #tpu.memory_space<vmem>>, vector<16xf32>,
          %get3A_560 = vector.shape_cast %get3A_559 : vector<16xf32> to vector<16xf32>
          %div3A_561 = arith.divf %get3A_560, %while3A_88 : vector<16xf32>
          %mul3A_562 = arith.constant 6.553700e+04 : f32
          %mul3A_563 = vector.broadcast %mul3A_562 : f32 to vector<16xf32>
          %mul3A_564 = arith.mulf %div3A_561, %mul3A_563 : vector<16xf32>
          %sub3A_565 = arith.subf %mul3A_564, %div3A_561 : vector<16xf32>
          %sub3A_566 = arith.subf %mul3A_564, %sub3A_565 : vector<16xf32>
          %swap3A_567 = arith.index_cast %add3A_557 : i32 to index
          %swap3A_568 = tpu.vector_load %arg9[%swap3A_567] {strides = array<i32>} : memref<2080xf32, #tpu.memory_space<vmem>>, vector<16xf32>,
          %swap3A_569 = vector.shape_cast %swap3A_568 : vector<16xf32> to vector<16xf32>
          %swap3A_570 = vector.shape_cast %sub3A_566 : vector<16xf32> to vector<16xf32>
          tpu.vector_store %arg9[%swap3A_567], %swap3A_570 {strides = array<i32>} : memref<2080xf32, #tpu.memory_space<vmem>>, vector<16xf32>,
          %add3A_571 = arith.constant 80 : i32
          %add3A_572 = arith.addi %add3A_495, %add3A_571 : i32
          %get3A_573 = arith.index_cast %add3A_572 : i32 to index
          %get3A_574 = tpu.vector_load %arg7[%get3A_573] {strides = array<i32>} : memref<2080xf32, #tpu.memory_space<vmem>>, vector<16xf32>,
          %get3A_575 = vector.shape_cast %get3A_574 : vector<16xf32> to vector<16xf32>
          %div3A_576 = arith.divf %get3A_575, %while3A_88 : vector<16xf32>
          %mul3A_577 = arith.constant 6.553700e+04 : f32
          %mul3A_578 = vector.broadcast %mul3A_577 : f32 to vector<16xf32>
          %mul3A_579 = arith.mulf %div3A_576, %mul3A_578 : vector<16xf32>
          %sub3A_580 = arith.subf %mul3A_579, %div3A_576 : vector<16xf32>
          %sub3A_581 = arith.subf %mul3A_579, %sub3A_580 : vector<16xf32>
          %swap3A_582 = arith.index_cast %add3A_572 : i32 to index
          %swap3A_583 = tpu.vector_load %arg9[%swap3A_582] {strides = array<i32>} : memref<2080xf32, #tpu.memory_space<vmem>>, vector<16xf32>,
          %swap3A_584 = vector.shape_cast %swap3A_583 : vector<16xf32> to vector<16xf32>
          %swap3A_585 = vector.shape_cast %sub3A_581 : vector<16xf32> to vector<16xf32>
          tpu.vector_store %arg9[%swap3A_582], %swap3A_585 {strides = array<i32>} : memref<2080xf32, #tpu.memory_space<vmem>>, vector<16xf32>,
          %add3A_586 = arith.constant 96 : i32
          %add3A_587 = arith.addi %add3A_495, %add3A_586 : i32
          %get3A_588 = arith.index_cast %add3A_587 : i32 to index
          %get3A_589 = tpu.vector_load %arg7[%get3A_588] {strides = array<i32>} : memref<2080xf32, #tpu.memory_space<vmem>>, vector<16xf32>,
          %get3A_590 = vector.shape_cast %get3A_589 : vector<16xf32> to vector<16xf32>
          %div3A_591 = arith.divf %get3A_590, %while3A_88 : vector<16xf32>
          %mul3A_592 = arith.constant 6.553700e+04 : f32
          %mul3A_593 = vector.broadcast %mul3A_592 : f32 to vector<16xf32>
          %mul3A_594 = arith.mulf %div3A_591, %mul3A_593 : vector<16xf32>
          %sub3A_595 = arith.subf %mul3A_594, %div3A_591 : vector<16xf32>
          %sub3A_596 = arith.subf %mul3A_594, %sub3A_595 : vector<16xf32>
          %swap3A_597 = arith.index_cast %add3A_587 : i32 to index
          %swap3A_598 = tpu.vector_load %arg9[%swap3A_597] {strides = array<i32>} : memref<2080xf32, #tpu.memory_space<vmem>>, vector<16xf32>,
          %swap3A_599 = vector.shape_cast %swap3A_598 : vector<16xf32> to vector<16xf32>
          %swap3A_600 = vector.shape_cast %sub3A_596 : vector<16xf32> to vector<16xf32>
          tpu.vector_store %arg9[%swap3A_597], %swap3A_600 {strides = array<i32>} : memref<2080xf32, #tpu.memory_space<vmem>>, vector<16xf32>,
          %add3A_601 = arith.constant 112 : i32
          %add3A_602 = arith.addi %add3A_495, %add3A_601 : i32
          %get3A_603 = arith.index_cast %add3A_602 : i32 to index
          %get3A_604 = tpu.vector_load %arg7[%get3A_603] {strides = array<i32>} : memref<2080xf32, #tpu.memory_space<vmem>>, vector<16xf32>,
          %get3A_605 = vector.shape_cast %get3A_604 : vector<16xf32> to vector<16xf32>
          %div3A_606 = arith.divf %get3A_605, %while3A_88 : vector<16xf32>
          %mul3A_607 = arith.constant 6.553700e+04 : f32
          %mul3A_608 = vector.broadcast %mul3A_607 : f32 to vector<16xf32>
          %mul3A_609 = arith.mulf %div3A_606, %mul3A_608 : vector<16xf32>
          %sub3A_610 = arith.subf %mul3A_609, %div3A_606 : vector<16xf32>
          %sub3A_611 = arith.subf %mul3A_609, %sub3A_610 : vector<16xf32>
          %swap3A_612 = arith.index_cast %add3A_602 : i32 to index
          %swap3A_613 = tpu.vector_load %arg9[%swap3A_612] {strides = array<i32>} : memref<2080xf32, #tpu.memory_space<vmem>>, vector<16xf32>,
          %swap3A_614 = vector.shape_cast %swap3A_613 : vector<16xf32> to vector<16xf32>
          %swap3A_615 = vector.shape_cast %sub3A_611 : vector<16xf32> to vector<16xf32>
          tpu.vector_store %arg9[%swap3A_612], %swap3A_615 {strides = array<i32>} : memref<2080xf32, #tpu.memory_space<vmem>>, vector<16xf32>,
        }
        %scan3A_95 = arith.constant 16 : i32
        %scan3A_96 = arith.constant 0 : i32
        %scan3A_97 = arith.constant 15 : i32
        %scan3A_98 = arith.addi %scan3A_96, %scan3A_97 : i32
        %scan3A_99 = arith.constant 1 : i32
        %scan3A_100 = scf.for %scan3A_491 = %scan3A_96 to %scan3A_98 step %scan3A_99 iter_args(%scan3A_492 = %broadcast_in_dim3A_4) -> (vector<16xf32>)  : i32 {
          %mul3A_493 = arith.constant 128 : i32
          %mul3A_494 = arith.muli %scan3A_491, %mul3A_493 : i32
          %add3A_495 = arith.constant 16 : i32
          %add3A_496 = arith.addi %add3A_495, %mul3A_494 : i32
          %add3A_497 = arith.constant 0 : i32
          %add3A_498 = arith.addi %add3A_496, %add3A_497 : i32
          %sub3A_499 = arith.constant 1 : i32
          %sub3A_500 = arith.subi %add3A_498, %sub3A_499 : i32
          %get3A_501 = arith.index_cast %sub3A_500 : i32 to index
          %get3A_502 = tpu.vector_load %arg9[%get3A_501] {strides = array<i32>} : memref<2080xf32, #tpu.memory_space<vmem>>, vector<16xf32>,
          %get3A_503 = vector.shape_cast %get3A_502 : vector<16xf32> to vector<16xf32>
          %mul3A_504 = arith.mulf %get3A_503, %get3A_22 : vector<16xf32>
          %get3A_505 = arith.index_cast %add3A_498 : i32 to index
          %get3A_506 = tpu.vector_load %arg9[%get3A_505] {strides = array<i32>} : memref<2080xf32, #tpu.memory_space<vmem>>, vector<16xf32>,
          %get3A_507 = vector.shape_cast %get3A_506 : vector<16xf32> to vector<16xf32>
          %mul3A_508 = arith.mulf %get3A_507, %get3A_25 : vector<16xf32>
          %add3A_509 = arith.addf %mul3A_504, %mul3A_508 : vector<16xf32>
          %add3A_510 = arith.constant 1 : i32
          %add3A_511 = arith.addi %add3A_498, %add3A_510 : i32
          %get3A_512 = arith.index_cast %add3A_511 : i32 to index
          %get3A_513 = tpu.vector_load %arg9[%get3A_512] {strides = array<i32>} : memref<2080xf32, #tpu.memory_space<vmem>>, vector<16xf32>,
          %get3A_514 = vector.shape_cast %get3A_513 : vector<16xf32> to vector<16xf32>
          %mul3A_515 = arith.mulf %get3A_514, %get3A_28 : vector<16xf32>
          %add3A_516 = arith.addf %add3A_509, %mul3A_515 : vector<16xf32>
          %swap3A_517 = arith.index_cast %add3A_498 : i32 to index
          %swap3A_518 = tpu.vector_load %arg8[%swap3A_517] {strides = array<i32>} : memref<2080xf32, #tpu.memory_space<vmem>>, vector<16xf32>,
          %swap3A_519 = vector.shape_cast %swap3A_518 : vector<16xf32> to vector<16xf32>
          %swap3A_520 = vector.shape_cast %add3A_516 : vector<16xf32> to vector<16xf32>
          tpu.vector_store %arg8[%swap3A_517], %swap3A_520 {strides = array<i32>} : memref<2080xf32, #tpu.memory_space<vmem>>, vector<16xf32>,
          %add3A_521 = arith.addf %scan3A_492, %add3A_516 : vector<16xf32>
          %add3A_522 = arith.constant 16 : i32
          %add3A_523 = arith.addi %add3A_496, %add3A_522 : i32
          %sub3A_524 = arith.constant 1 : i32
          %sub3A_525 = arith.subi %add3A_523, %sub3A_524 : i32
          %get3A_526 = arith.index_cast %sub3A_525 : i32 to index
          %get3A_527 = tpu.vector_load %arg9[%get3A_526] {strides = array<i32>} : memref<2080xf32, #tpu.memory_space<vmem>>, vector<16xf32>,
          %get3A_528 = vector.shape_cast %get3A_527 : vector<16xf32> to vector<16xf32>
          %mul3A_529 = arith.mulf %get3A_528, %get3A_22 : vector<16xf32>
          %get3A_530 = arith.index_cast %add3A_523 : i32 to index
          %get3A_531 = tpu.vector_load %arg9[%get3A_530] {strides = array<i32>} : memref<2080xf32, #tpu.memory_space<vmem>>, vector<16xf32>,
          %get3A_532 = vector.shape_cast %get3A_531 : vector<16xf32> to vector<16xf32>
          %mul3A_533 = arith.mulf %get3A_532, %get3A_25 : vector<16xf32>
          %add3A_534 = arith.addf %mul3A_529, %mul3A_533 : vector<16xf32>
          %add3A_535 = arith.constant 1 : i32
          %add3A_536 = arith.addi %add3A_523, %add3A_535 : i32
          %get3A_537 = arith.index_cast %add3A_536 : i32 to index
          %get3A_538 = tpu.vector_load %arg9[%get3A_537] {strides = array<i32>} : memref<2080xf32, #tpu.memory_space<vmem>>, vector<16xf32>,
          %get3A_539 = vector.shape_cast %get3A_538 : vector<16xf32> to vector<16xf32>
          %mul3A_540 = arith.mulf %get3A_539, %get3A_28 : vector<16xf32>
          %add3A_541 = arith.addf %add3A_534, %mul3A_540 : vector<16xf32>
          %swap3A_542 = arith.index_cast %add3A_523 : i32 to index
          %swap3A_543 = tpu.vector_load %arg8[%swap3A_542] {strides = array<i32>} : memref<2080xf32, #tpu.memory_space<vmem>>, vector<16xf32>,
          %swap3A_544 = vector.shape_cast %swap3A_543 : vector<16xf32> to vector<16xf32>
          %swap3A_545 = vector.shape_cast %add3A_541 : vector<16xf32> to vector<16xf32>
          tpu.vector_store %arg8[%swap3A_542], %swap3A_545 {strides = array<i32>} : memref<2080xf32, #tpu.memory_space<vmem>>, vector<16xf32>,
          %add3A_546 = arith.addf %add3A_521, %add3A_541 : vector<16xf32>
          %add3A_547 = arith.constant 32 : i32
          %add3A_548 = arith.addi %add3A_496, %add3A_547 : i32
          %sub3A_549 = arith.constant 1 : i32
          %sub3A_550 = arith.subi %add3A_548, %sub3A_549 : i32
          %get3A_551 = arith.index_cast %sub3A_550 : i32 to index
          %get3A_552 = tpu.vector_load %arg9[%get3A_551] {strides = array<i32>} : memref<2080xf32, #tpu.memory_space<vmem>>, vector<16xf32>,
          %get3A_553 = vector.shape_cast %get3A_552 : vector<16xf32> to vector<16xf32>
          %mul3A_554 = arith.mulf %get3A_553, %get3A_22 : vector<16xf32>
          %get3A_555 = arith.index_cast %add3A_548 : i32 to index
          %get3A_556 = tpu.vector_load %arg9[%get3A_555] {strides = array<i32>} : memref<2080xf32, #tpu.memory_space<vmem>>, vector<16xf32>,
          %get3A_557 = vector.shape_cast %get3A_556 : vector<16xf32> to vector<16xf32>
          %mul3A_558 = arith.mulf %get3A_557, %get3A_25 : vector<16xf32>
          %add3A_559 = arith.addf %mul3A_554, %mul3A_558 : vector<16xf32>
          %add3A_560 = arith.constant 1 : i32
          %add3A_561 = arith.addi %add3A_548, %add3A_560 : i32
          %get3A_562 = arith.index_cast %add3A_561 : i32 to index
          %get3A_563 = tpu.vector_load %arg9[%get3A_562] {strides = array<i32>} : memref<2080xf32, #tpu.memory_space<vmem>>, vector<16xf32>,
          %get3A_564 = vector.shape_cast %get3A_563 : vector<16xf32> to vector<16xf32>
          %mul3A_565 = arith.mulf %get3A_564, %get3A_28 : vector<16xf32>
          %add3A_566 = arith.addf %add3A_559, %mul3A_565 : vector<16xf32>
          %swap3A_567 = arith.index_cast %add3A_548 : i32 to index
          %swap3A_568 = tpu.vector_load %arg8[%swap3A_567] {strides = array<i32>} : memref<2080xf32, #tpu.memory_space<vmem>>, vector<16xf32>,
          %swap3A_569 = vector.shape_cast %swap3A_568 : vector<16xf32> to vector<16xf32>
          %swap3A_570 = vector.shape_cast %add3A_566 : vector<16xf32> to vector<16xf32>
          tpu.vector_store %arg8[%swap3A_567], %swap3A_570 {strides = array<i32>} : memref<2080xf32, #tpu.memory_space<vmem>>, vector<16xf32>,
          %add3A_571 = arith.addf %add3A_546, %add3A_566 : vector<16xf32>
          %add3A_572 = arith.constant 48 : i32
          %add3A_573 = arith.addi %add3A_496, %add3A_572 : i32
          %sub3A_574 = arith.constant 1 : i32
          %sub3A_575 = arith.subi %add3A_573, %sub3A_574 : i32
          %get3A_576 = arith.index_cast %sub3A_575 : i32 to index
          %get3A_577 = tpu.vector_load %arg9[%get3A_576] {strides = array<i32>} : memref<2080xf32, #tpu.memory_space<vmem>>, vector<16xf32>,
          %get3A_578 = vector.shape_cast %get3A_577 : vector<16xf32> to vector<16xf32>
          %mul3A_579 = arith.mulf %get3A_578, %get3A_22 : vector<16xf32>
          %get3A_580 = arith.index_cast %add3A_573 : i32 to index
          %get3A_581 = tpu.vector_load %arg9[%get3A_580] {strides = array<i32>} : memref<2080xf32, #tpu.memory_space<vmem>>, vector<16xf32>,
          %get3A_582 = vector.shape_cast %get3A_581 : vector<16xf32> to vector<16xf32>
          %mul3A_583 = arith.mulf %get3A_582, %get3A_25 : vector<16xf32>
          %add3A_584 = arith.addf %mul3A_579, %mul3A_583 : vector<16xf32>
          %add3A_585 = arith.constant 1 : i32
          %add3A_586 = arith.addi %add3A_573, %add3A_585 : i32
          %get3A_587 = arith.index_cast %add3A_586 : i32 to index
          %get3A_588 = tpu.vector_load %arg9[%get3A_587] {strides = array<i32>} : memref<2080xf32, #tpu.memory_space<vmem>>, vector<16xf32>,
          %get3A_589 = vector.shape_cast %get3A_588 : vector<16xf32> to vector<16xf32>
          %mul3A_590 = arith.mulf %get3A_589, %get3A_28 : vector<16xf32>
          %add3A_591 = arith.addf %add3A_584, %mul3A_590 : vector<16xf32>
          %swap3A_592 = arith.index_cast %add3A_573 : i32 to index
          %swap3A_593 = tpu.vector_load %arg8[%swap3A_592] {strides = array<i32>} : memref<2080xf32, #tpu.memory_space<vmem>>, vector<16xf32>,
          %swap3A_594 = vector.shape_cast %swap3A_593 : vector<16xf32> to vector<16xf32>
          %swap3A_595 = vector.shape_cast %add3A_591 : vector<16xf32> to vector<16xf32>
          tpu.vector_store %arg8[%swap3A_592], %swap3A_595 {strides = array<i32>} : memref<2080xf32, #tpu.memory_space<vmem>>, vector<16xf32>,
          %add3A_596 = arith.addf %add3A_571, %add3A_591 : vector<16xf32>
          %add3A_597 = arith.constant 64 : i32
          %add3A_598 = arith.addi %add3A_496, %add3A_597 : i32
          %sub3A_599 = arith.constant 1 : i32
          %sub3A_600 = arith.subi %add3A_598, %sub3A_599 : i32
          %get3A_601 = arith.index_cast %sub3A_600 : i32 to index
          %get3A_602 = tpu.vector_load %arg9[%get3A_601] {strides = array<i32>} : memref<2080xf32, #tpu.memory_space<vmem>>, vector<16xf32>,
          %get3A_603 = vector.shape_cast %get3A_602 : vector<16xf32> to vector<16xf32>
          %mul3A_604 = arith.mulf %get3A_603, %get3A_22 : vector<16xf32>
          %get3A_605 = arith.index_cast %add3A_598 : i32 to index
          %get3A_606 = tpu.vector_load %arg9[%get3A_605] {strides = array<i32>} : memref<2080xf32, #tpu.memory_space<vmem>>, vector<16xf32>,
          %get3A_607 = vector.shape_cast %get3A_606 : vector<16xf32> to vector<16xf32>
          %mul3A_608 = arith.mulf %get3A_607, %get3A_25 : vector<16xf32>
          %add3A_609 = arith.addf %mul3A_604, %mul3A_608 : vector<16xf32>
          %add3A_610 = arith.constant 1 : i32
          %add3A_611 = arith.addi %add3A_598, %add3A_610 : i32
          %get3A_612 = arith.index_cast %add3A_611 : i32 to index
          %get3A_613 = tpu.vector_load %arg9[%get3A_612] {strides = array<i32>} : memref<2080xf32, #tpu.memory_space<vmem>>, vector<16xf32>,
          %get3A_614 = vector.shape_cast %get3A_613 : vector<16xf32> to vector<16xf32>
          %mul3A_615 = arith.mulf %get3A_614, %get3A_28 : vector<16xf32>
          %add3A_616 = arith.addf %add3A_609, %mul3A_615 : vector<16xf32>
          %swap3A_617 = arith.index_cast %add3A_598 : i32 to index
          %swap3A_618 = tpu.vector_load %arg8[%swap3A_617] {strides = array<i32>} : memref<2080xf32, #tpu.memory_space<vmem>>, vector<16xf32>,
          %swap3A_619 = vector.shape_cast %swap3A_618 : vector<16xf32> to vector<16xf32>
          %swap3A_620 = vector.shape_cast %add3A_616 : vector<16xf32> to vector<16xf32>
          tpu.vector_store %arg8[%swap3A_617], %swap3A_620 {strides = array<i32>} : memref<2080xf32, #tpu.memory_space<vmem>>, vector<16xf32>,
          %add3A_621 = arith.addf %add3A_596, %add3A_616 : vector<16xf32>
          %add3A_622 = arith.constant 80 : i32
          %add3A_623 = arith.addi %add3A_496, %add3A_622 : i32
          %sub3A_624 = arith.constant 1 : i32
          %sub3A_625 = arith.subi %add3A_623, %sub3A_624 : i32
          %get3A_626 = arith.index_cast %sub3A_625 : i32 to index
          %get3A_627 = tpu.vector_load %arg9[%get3A_626] {strides = array<i32>} : memref<2080xf32, #tpu.memory_space<vmem>>, vector<16xf32>,
          %get3A_628 = vector.shape_cast %get3A_627 : vector<16xf32> to vector<16xf32>
          %mul3A_629 = arith.mulf %get3A_628, %get3A_22 : vector<16xf32>
          %get3A_630 = arith.index_cast %add3A_623 : i32 to index
          %get3A_631 = tpu.vector_load %arg9[%get3A_630] {strides = array<i32>} : memref<2080xf32, #tpu.memory_space<vmem>>, vector<16xf32>,
          %get3A_632 = vector.shape_cast %get3A_631 : vector<16xf32> to vector<16xf32>
          %mul3A_633 = arith.mulf %get3A_632, %get3A_25 : vector<16xf32>
          %add3A_634 = arith.addf %mul3A_629, %mul3A_633 : vector<16xf32>
          %add3A_635 = arith.constant 1 : i32
          %add3A_636 = arith.addi %add3A_623, %add3A_635 : i32
          %get3A_637 = arith.index_cast %add3A_636 : i32 to index
          %get3A_638 = tpu.vector_load %arg9[%get3A_637] {strides = array<i32>} : memref<2080xf32, #tpu.memory_space<vmem>>, vector<16xf32>,
          %get3A_639 = vector.shape_cast %get3A_638 : vector<16xf32> to vector<16xf32>
          %mul3A_640 = arith.mulf %get3A_639, %get3A_28 : vector<16xf32>
          %add3A_641 = arith.addf %add3A_634, %mul3A_640 : vector<16xf32>
          %swap3A_642 = arith.index_cast %add3A_623 : i32 to index
          %swap3A_643 = tpu.vector_load %arg8[%swap3A_642] {strides = array<i32>} : memref<2080xf32, #tpu.memory_space<vmem>>, vector<16xf32>,
          %swap3A_644 = vector.shape_cast %swap3A_643 : vector<16xf32> to vector<16xf32>
          %swap3A_645 = vector.shape_cast %add3A_641 : vector<16xf32> to vector<16xf32>
          tpu.vector_store %arg8[%swap3A_642], %swap3A_645 {strides = array<i32>} : memref<2080xf32, #tpu.memory_space<vmem>>, vector<16xf32>,
          %add3A_646 = arith.addf %add3A_621, %add3A_641 : vector<16xf32>
          %add3A_647 = arith.constant 96 : i32
          %add3A_648 = arith.addi %add3A_496, %add3A_647 : i32
          %sub3A_649 = arith.constant 1 : i32
          %sub3A_650 = arith.subi %add3A_648, %sub3A_649 : i32
          %get3A_651 = arith.index_cast %sub3A_650 : i32 to index
          %get3A_652 = tpu.vector_load %arg9[%get3A_651] {strides = array<i32>} : memref<2080xf32, #tpu.memory_space<vmem>>, vector<16xf32>,
          %get3A_653 = vector.shape_cast %get3A_652 : vector<16xf32> to vector<16xf32>
          %mul3A_654 = arith.mulf %get3A_653, %get3A_22 : vector<16xf32>
          %get3A_655 = arith.index_cast %add3A_648 : i32 to index
          %get3A_656 = tpu.vector_load %arg9[%get3A_655] {strides = array<i32>} : memref<2080xf32, #tpu.memory_space<vmem>>, vector<16xf32>,
          %get3A_657 = vector.shape_cast %get3A_656 : vector<16xf32> to vector<16xf32>
          %mul3A_658 = arith.mulf %get3A_657, %get3A_25 : vector<16xf32>
          %add3A_659 = arith.addf %mul3A_654, %mul3A_658 : vector<16xf32>
          %add3A_660 = arith.constant 1 : i32
          %add3A_661 = arith.addi %add3A_648, %add3A_660 : i32
          %get3A_662 = arith.index_cast %add3A_661 : i32 to index
          %get3A_663 = tpu.vector_load %arg9[%get3A_662] {strides = array<i32>} : memref<2080xf32, #tpu.memory_space<vmem>>, vector<16xf32>,
          %get3A_664 = vector.shape_cast %get3A_663 : vector<16xf32> to vector<16xf32>
          %mul3A_665 = arith.mulf %get3A_664, %get3A_28 : vector<16xf32>
          %add3A_666 = arith.addf %add3A_659, %mul3A_665 : vector<16xf32>
          %swap3A_667 = arith.index_cast %add3A_648 : i32 to index
          %swap3A_668 = tpu.vector_load %arg8[%swap3A_667] {strides = array<i32>} : memref<2080xf32, #tpu.memory_space<vmem>>, vector<16xf32>,
          %swap3A_669 = vector.shape_cast %swap3A_668 : vector<16xf32> to vector<16xf32>
          %swap3A_670 = vector.shape_cast %add3A_666 : vector<16xf32> to vector<16xf32>
          tpu.vector_store %arg8[%swap3A_667], %swap3A_670 {strides = array<i32>} : memref<2080xf32, #tpu.memory_space<vmem>>, vector<16xf32>,
          %add3A_671 = arith.addf %add3A_646, %add3A_666 : vector<16xf32>
          %add3A_672 = arith.constant 112 : i32
          %add3A_673 = arith.addi %add3A_496, %add3A_672 : i32
          %sub3A_674 = arith.constant 1 : i32
          %sub3A_675 = arith.subi %add3A_673, %sub3A_674 : i32
          %get3A_676 = arith.index_cast %sub3A_675 : i32 to index
          %get3A_677 = tpu.vector_load %arg9[%get3A_676] {strides = array<i32>} : memref<2080xf32, #tpu.memory_space<vmem>>, vector<16xf32>,
          %get3A_678 = vector.shape_cast %get3A_677 : vector<16xf32> to vector<16xf32>
          %mul3A_679 = arith.mulf %get3A_678, %get3A_22 : vector<16xf32>
          %get3A_680 = arith.index_cast %add3A_673 : i32 to index
          %get3A_681 = tpu.vector_load %arg9[%get3A_680] {strides = array<i32>} : memref<2080xf32, #tpu.memory_space<vmem>>, vector<16xf32>,
          %get3A_682 = vector.shape_cast %get3A_681 : vector<16xf32> to vector<16xf32>
          %mul3A_683 = arith.mulf %get3A_682, %get3A_25 : vector<16xf32>
          %add3A_684 = arith.addf %mul3A_679, %mul3A_683 : vector<16xf32>
          %add3A_685 = arith.constant 1 : i32
          %add3A_686 = arith.addi %add3A_673, %add3A_685 : i32
          %get3A_687 = arith.index_cast %add3A_686 : i32 to index
          %get3A_688 = tpu.vector_load %arg9[%get3A_687] {strides = array<i32>} : memref<2080xf32, #tpu.memory_space<vmem>>, vector<16xf32>,
          %get3A_689 = vector.shape_cast %get3A_688 : vector<16xf32> to vector<16xf32>
          %mul3A_690 = arith.mulf %get3A_689, %get3A_28 : vector<16xf32>
          %add3A_691 = arith.addf %add3A_684, %mul3A_690 : vector<16xf32>
          %swap3A_692 = arith.index_cast %add3A_673 : i32 to index
          %swap3A_693 = tpu.vector_load %arg8[%swap3A_692] {strides = array<i32>} : memref<2080xf32, #tpu.memory_space<vmem>>, vector<16xf32>,
          %swap3A_694 = vector.shape_cast %swap3A_693 : vector<16xf32> to vector<16xf32>
          %swap3A_695 = vector.shape_cast %add3A_691 : vector<16xf32> to vector<16xf32>
          tpu.vector_store %arg8[%swap3A_692], %swap3A_695 {strides = array<i32>} : memref<2080xf32, #tpu.memory_space<vmem>>, vector<16xf32>,
          %add3A_696 = arith.addf %add3A_671, %add3A_691 : vector<16xf32>
          scf.yield %add3A_696 : vector<16xf32>
        }
        %scan3A_101 = arith.constant 15 : i32
        %get3A_102 = arith.constant 1935 : index
        %get3A_103 = tpu.vector_load %arg9[%get3A_102] {strides = array<i32>} : memref<2080xf32, #tpu.memory_space<vmem>>, vector<16xf32>,
        %get3A_104 = vector.shape_cast %get3A_103 : vector<16xf32> to vector<16xf32>
        %mul3A = arith.mulf %get3A_104, %get3A_22 : vector<16xf32>
        %get3A_105 = arith.constant 1936 : index
        %get3A_106 = tpu.vector_load %arg9[%get3A_105] {strides = array<i32>} : memref<2080xf32, #tpu.memory_space<vmem>>, vector<16xf32>,
        %get3A_107 = vector.shape_cast %get3A_106 : vector<16xf32> to vector<16xf32>
        %mul3A_108 = arith.mulf %get3A_107, %get3A_25 : vector<16xf32>
        %add3A_109 = arith.addf %mul3A, %mul3A_108 : vector<16xf32>
        %get3A_110 = arith.constant 1937 : index
        %get3A_111 = tpu.vector_load %arg9[%get3A_110] {strides = array<i32>} : memref<2080xf32, #tpu.memory_space<vmem>>, vector<16xf32>,
        %get3A_112 = vector.shape_cast %get3A_111 : vector<16xf32> to vector<16xf32>
        %mul3A_113 = arith.mulf %get3A_112, %get3A_28 : vector<16xf32>
        %add3A_114 = arith.addf %add3A_109, %mul3A_113 : vector<16xf32>
        %swap3A_115 = arith.constant 1936 : index
        %swap3A_116 = tpu.vector_load %arg8[%swap3A_115] {strides = array<i32>} : memref<2080xf32, #tpu.memory_space<vmem>>, vector<16xf32>,
        %swap3A_117 = vector.shape_cast %swap3A_116 : vector<16xf32> to vector<16xf32>
        %swap3A_118 = vector.shape_cast %add3A_114 : vector<16xf32> to vector<16xf32>
        tpu.vector_store %arg8[%swap3A_115], %swap3A_118 {strides = array<i32>} : memref<2080xf32, #tpu.memory_space<vmem>>, vector<16xf32>,
        %add3A_119 = arith.addf %scan3A_100, %add3A_114 : vector<16xf32>
        %get3A_120 = arith.constant 1951 : index
        %get3A_121 = tpu.vector_load %arg9[%get3A_120] {strides = array<i32>} : memref<2080xf32, #tpu.memory_space<vmem>>, vector<16xf32>,
        %get3A_122 = vector.shape_cast %get3A_121 : vector<16xf32> to vector<16xf32>
        %mul3A_123 = arith.mulf %get3A_122, %get3A_22 : vector<16xf32>
        %get3A_124 = arith.constant 1952 : index
        %get3A_125 = tpu.vector_load %arg9[%get3A_124] {strides = array<i32>} : memref<2080xf32, #tpu.memory_space<vmem>>, vector<16xf32>,
        %get3A_126 = vector.shape_cast %get3A_125 : vector<16xf32> to vector<16xf32>
        %mul3A_127 = arith.mulf %get3A_126, %get3A_25 : vector<16xf32>
        %add3A_128 = arith.addf %mul3A_123, %mul3A_127 : vector<16xf32>
        %get3A_129 = arith.constant 1953 : index
        %get3A_130 = tpu.vector_load %arg9[%get3A_129] {strides = array<i32>} : memref<2080xf32, #tpu.memory_space<vmem>>, vector<16xf32>,
        %get3A_131 = vector.shape_cast %get3A_130 : vector<16xf32> to vector<16xf32>
        %mul3A_132 = arith.mulf %get3A_131, %get3A_28 : vector<16xf32>
        %add3A_133 = arith.addf %add3A_128, %mul3A_132 : vector<16xf32>
        %swap3A_134 = arith.constant 1952 : index
        %swap3A_135 = tpu.vector_load %arg8[%swap3A_134] {strides = array<i32>} : memref<2080xf32, #tpu.memory_space<vmem>>, vector<16xf32>,
        %swap3A_136 = vector.shape_cast %swap3A_135 : vector<16xf32> to vector<16xf32>
        %swap3A_137 = vector.shape_cast %add3A_133 : vector<16xf32> to vector<16xf32>
        tpu.vector_store %arg8[%swap3A_134], %swap3A_137 {strides = array<i32>} : memref<2080xf32, #tpu.memory_space<vmem>>, vector<16xf32>,
        %add3A_138 = arith.addf %add3A_119, %add3A_133 : vector<16xf32>
        %get3A_139 = arith.constant 1967 : index
        %get3A_140 = tpu.vector_load %arg9[%get3A_139] {strides = array<i32>} : memref<2080xf32, #tpu.memory_space<vmem>>, vector<16xf32>,
        %get3A_141 = vector.shape_cast %get3A_140 : vector<16xf32> to vector<16xf32>
        %mul3A_142 = arith.mulf %get3A_141, %get3A_22 : vector<16xf32>
        %get3A_143 = arith.constant 1968 : index
        %get3A_144 = tpu.vector_load %arg9[%get3A_143] {strides = array<i32>} : memref<2080xf32, #tpu.memory_space<vmem>>, vector<16xf32>,
        %get3A_145 = vector.shape_cast %get3A_144 : vector<16xf32> to vector<16xf32>
        %mul3A_146 = arith.mulf %get3A_145, %get3A_25 : vector<16xf32>
        %add3A_147 = arith.addf %mul3A_142, %mul3A_146 : vector<16xf32>
        %get3A_148 = arith.constant 1969 : index
        %get3A_149 = tpu.vector_load %arg9[%get3A_148] {strides = array<i32>} : memref<2080xf32, #tpu.memory_space<vmem>>, vector<16xf32>,
        %get3A_150 = vector.shape_cast %get3A_149 : vector<16xf32> to vector<16xf32>
        %mul3A_151 = arith.mulf %get3A_150, %get3A_28 : vector<16xf32>
        %add3A_152 = arith.addf %add3A_147, %mul3A_151 : vector<16xf32>
        %swap3A_153 = arith.constant 1968 : index
        %swap3A_154 = tpu.vector_load %arg8[%swap3A_153] {strides = array<i32>} : memref<2080xf32, #tpu.memory_space<vmem>>, vector<16xf32>,
        %swap3A_155 = vector.shape_cast %swap3A_154 : vector<16xf32> to vector<16xf32>
        %swap3A_156 = vector.shape_cast %add3A_152 : vector<16xf32> to vector<16xf32>
        tpu.vector_store %arg8[%swap3A_153], %swap3A_156 {strides = array<i32>} : memref<2080xf32, #tpu.memory_space<vmem>>, vector<16xf32>,
        %add3A_157 = arith.addf %add3A_138, %add3A_152 : vector<16xf32>
        %get3A_158 = arith.constant 1983 : index
        %get3A_159 = tpu.vector_load %arg9[%get3A_158] {strides = array<i32>} : memref<2080xf32, #tpu.memory_space<vmem>>, vector<16xf32>,
        %get3A_160 = vector.shape_cast %get3A_159 : vector<16xf32> to vector<16xf32>
        %mul3A_161 = arith.mulf %get3A_160, %get3A_22 : vector<16xf32>
        %get3A_162 = arith.constant 1984 : index
        %get3A_163 = tpu.vector_load %arg9[%get3A_162] {strides = array<i32>} : memref<2080xf32, #tpu.memory_space<vmem>>, vector<16xf32>,
        %get3A_164 = vector.shape_cast %get3A_163 : vector<16xf32> to vector<16xf32>
        %mul3A_165 = arith.mulf %get3A_164, %get3A_25 : vector<16xf32>
        %add3A_166 = arith.addf %mul3A_161, %mul3A_165 : vector<16xf32>
        %get3A_167 = arith.constant 1985 : index
        %get3A_168 = tpu.vector_load %arg9[%get3A_167] {strides = array<i32>} : memref<2080xf32, #tpu.memory_space<vmem>>, vector<16xf32>,
        %get3A_169 = vector.shape_cast %get3A_168 : vector<16xf32> to vector<16xf32>
        %mul3A_170 = arith.mulf %get3A_169, %get3A_28 : vector<16xf32>
        %add3A_171 = arith.addf %add3A_166, %mul3A_170 : vector<16xf32>
        %swap3A_172 = arith.constant 1984 : index
        %swap3A_173 = tpu.vector_load %arg8[%swap3A_172] {strides = array<i32>} : memref<2080xf32, #tpu.memory_space<vmem>>, vector<16xf32>,
        %swap3A_174 = vector.shape_cast %swap3A_173 : vector<16xf32> to vector<16xf32>
        %swap3A_175 = vector.shape_cast %add3A_171 : vector<16xf32> to vector<16xf32>
        tpu.vector_store %arg8[%swap3A_172], %swap3A_175 {strides = array<i32>} : memref<2080xf32, #tpu.memory_space<vmem>>, vector<16xf32>,
        %add3A_176 = arith.addf %add3A_157, %add3A_171 : vector<16xf32>
        %get3A_177 = arith.constant 1999 : index
        %get3A_178 = tpu.vector_load %arg9[%get3A_177] {strides = array<i32>} : memref<2080xf32, #tpu.memory_space<vmem>>, vector<16xf32>,
        %get3A_179 = vector.shape_cast %get3A_178 : vector<16xf32> to vector<16xf32>
        %mul3A_180 = arith.mulf %get3A_179, %get3A_22 : vector<16xf32>
        %get3A_181 = arith.constant 2000 : index
        %get3A_182 = tpu.vector_load %arg9[%get3A_181] {strides = array<i32>} : memref<2080xf32, #tpu.memory_space<vmem>>, vector<16xf32>,
        %get3A_183 = vector.shape_cast %get3A_182 : vector<16xf32> to vector<16xf32>
        %mul3A_184 = arith.mulf %get3A_183, %get3A_25 : vector<16xf32>
        %add3A_185 = arith.addf %mul3A_180, %mul3A_184 : vector<16xf32>
        %get3A_186 = arith.constant 2001 : index
        %get3A_187 = tpu.vector_load %arg9[%get3A_186] {strides = array<i32>} : memref<2080xf32, #tpu.memory_space<vmem>>, vector<16xf32>,
        %get3A_188 = vector.shape_cast %get3A_187 : vector<16xf32> to vector<16xf32>
        %mul3A_189 = arith.mulf %get3A_188, %get3A_28 : vector<16xf32>
        %add3A_190 = arith.addf %add3A_185, %mul3A_189 : vector<16xf32>
        %swap3A_191 = arith.constant 2000 : index
        %swap3A_192 = tpu.vector_load %arg8[%swap3A_191] {strides = array<i32>} : memref<2080xf32, #tpu.memory_space<vmem>>, vector<16xf32>,
        %swap3A_193 = vector.shape_cast %swap3A_192 : vector<16xf32> to vector<16xf32>
        %swap3A_194 = vector.shape_cast %add3A_190 : vector<16xf32> to vector<16xf32>
        tpu.vector_store %arg8[%swap3A_191], %swap3A_194 {strides = array<i32>} : memref<2080xf32, #tpu.memory_space<vmem>>, vector<16xf32>,
        %add3A_195 = arith.addf %add3A_176, %add3A_190 : vector<16xf32>
        %get3A_196 = arith.constant 2015 : index
        %get3A_197 = tpu.vector_load %arg9[%get3A_196] {strides = array<i32>} : memref<2080xf32, #tpu.memory_space<vmem>>, vector<16xf32>,
        %get3A_198 = vector.shape_cast %get3A_197 : vector<16xf32> to vector<16xf32>
        %mul3A_199 = arith.mulf %get3A_198, %get3A_22 : vector<16xf32>
        %get3A_200 = arith.constant 2016 : index
        %get3A_201 = tpu.vector_load %arg9[%get3A_200] {strides = array<i32>} : memref<2080xf32, #tpu.memory_space<vmem>>, vector<16xf32>,
        %get3A_202 = vector.shape_cast %get3A_201 : vector<16xf32> to vector<16xf32>
        %mul3A_203 = arith.mulf %get3A_202, %get3A_25 : vector<16xf32>
        %add3A_204 = arith.addf %mul3A_199, %mul3A_203 : vector<16xf32>
        %get3A_205 = arith.constant 2017 : index
        %get3A_206 = tpu.vector_load %arg9[%get3A_205] {strides = array<i32>} : memref<2080xf32, #tpu.memory_space<vmem>>, vector<16xf32>,
        %get3A_207 = vector.shape_cast %get3A_206 : vector<16xf32> to vector<16xf32>
        %mul3A_208 = arith.mulf %get3A_207, %get3A_28 : vector<16xf32>
        %add3A_209 = arith.addf %add3A_204, %mul3A_208 : vector<16xf32>
        %swap3A_210 = arith.constant 2016 : index
        %swap3A_211 = tpu.vector_load %arg8[%swap3A_210] {strides = array<i32>} : memref<2080xf32, #tpu.memory_space<vmem>>, vector<16xf32>,
        %swap3A_212 = vector.shape_cast %swap3A_211 : vector<16xf32> to vector<16xf32>
        %swap3A_213 = vector.shape_cast %add3A_209 : vector<16xf32> to vector<16xf32>
        tpu.vector_store %arg8[%swap3A_210], %swap3A_213 {strides = array<i32>} : memref<2080xf32, #tpu.memory_space<vmem>>, vector<16xf32>,
        %add3A_214 = arith.addf %add3A_195, %add3A_209 : vector<16xf32>
        %get3A_215 = arith.constant 2031 : index
        %get3A_216 = tpu.vector_load %arg9[%get3A_215] {strides = array<i32>} : memref<2080xf32, #tpu.memory_space<vmem>>, vector<16xf32>,
        %get3A_217 = vector.shape_cast %get3A_216 : vector<16xf32> to vector<16xf32>
        %mul3A_218 = arith.mulf %get3A_217, %get3A_22 : vector<16xf32>
        %get3A_219 = arith.constant 2032 : index
        %get3A_220 = tpu.vector_load %arg9[%get3A_219] {strides = array<i32>} : memref<2080xf32, #tpu.memory_space<vmem>>, vector<16xf32>,
        %get3A_221 = vector.shape_cast %get3A_220 : vector<16xf32> to vector<16xf32>
        %mul3A_222 = arith.mulf %get3A_221, %get3A_25 : vector<16xf32>
        %add3A_223 = arith.addf %mul3A_218, %mul3A_222 : vector<16xf32>
        %get3A_224 = arith.constant 2033 : index
        %get3A_225 = tpu.vector_load %arg9[%get3A_224] {strides = array<i32>} : memref<2080xf32, #tpu.memory_space<vmem>>, vector<16xf32>,
        %get3A_226 = vector.shape_cast %get3A_225 : vector<16xf32> to vector<16xf32>
        %mul3A_227 = arith.mulf %get3A_226, %get3A_28 : vector<16xf32>
        %add3A_228 = arith.addf %add3A_223, %mul3A_227 : vector<16xf32>
        %swap3A_229 = arith.constant 2032 : index
        %swap3A_230 = tpu.vector_load %arg8[%swap3A_229] {strides = array<i32>} : memref<2080xf32, #tpu.memory_space<vmem>>, vector<16xf32>,
        %swap3A_231 = vector.shape_cast %swap3A_230 : vector<16xf32> to vector<16xf32>
        %swap3A_232 = vector.shape_cast %add3A_228 : vector<16xf32> to vector<16xf32>
        tpu.vector_store %arg8[%swap3A_229], %swap3A_232 {strides = array<i32>} : memref<2080xf32, #tpu.memory_space<vmem>>, vector<16xf32>,
        %add3A_233 = arith.addf %add3A_214, %add3A_228 : vector<16xf32>
        %get3A_234 = arith.constant 2047 : index
        %get3A_235 = tpu.vector_load %arg9[%get3A_234] {strides = array<i32>} : memref<2080xf32, #tpu.memory_space<vmem>>, vector<16xf32>,
        %get3A_236 = vector.shape_cast %get3A_235 : vector<16xf32> to vector<16xf32>
        %mul3A_237 = arith.mulf %get3A_236, %get3A_22 : vector<16xf32>
        %get3A_238 = arith.constant 2048 : index
        %get3A_239 = tpu.vector_load %arg9[%get3A_238] {strides = array<i32>} : memref<2080xf32, #tpu.memory_space<vmem>>, vector<16xf32>,
        %get3A_240 = vector.shape_cast %get3A_239 : vector<16xf32> to vector<16xf32>
        %mul3A_241 = arith.mulf %get3A_240, %get3A_25 : vector<16xf32>
        %add3A_242 = arith.addf %mul3A_237, %mul3A_241 : vector<16xf32>
        %get3A_243 = arith.constant 2049 : index
        %get3A_244 = tpu.vector_load %arg9[%get3A_243] {strides = array<i32>} : memref<2080xf32, #tpu.memory_space<vmem>>, vector<16xf32>,
        %get3A_245 = vector.shape_cast %get3A_244 : vector<16xf32> to vector<16xf32>
        %mul3A_246 = arith.mulf %get3A_245, %get3A_28 : vector<16xf32>
        %add3A_247 = arith.addf %add3A_242, %mul3A_246 : vector<16xf32>
        %mul3A_248 = arith.mulf %add3A_247, %get3A_31 : vector<16xf32>
        %swap3A_249 = arith.constant 2048 : index
        %swap3A_250 = tpu.vector_load %arg8[%swap3A_249] {strides = array<i32>} : memref<2080xf32, #tpu.memory_space<vmem>>, vector<16xf32>,
        %swap3A_251 = vector.shape_cast %swap3A_250 : vector<16xf32> to vector<16xf32>
        %swap3A_252 = vector.shape_cast %mul3A_248 : vector<16xf32> to vector<16xf32>
        tpu.vector_store %arg8[%swap3A_249], %swap3A_252 {strides = array<i32>} : memref<2080xf32, #tpu.memory_space<vmem>>, vector<16xf32>,
        %add3A_253 = arith.addf %add3A_233, %mul3A_248 : vector<16xf32>
        %swap3A_254 = arith.constant 16 : index
        %swap3A_255 = tpu.vector_load %arg13[%swap3A_254] {strides = array<i32>} : memref<48xf32, #tpu.memory_space<vmem>>, vector<16xf32>,
        %swap3A_256 = vector.shape_cast %swap3A_255 : vector<16xf32> to vector<16xf32>
        %swap3A_257 = vector.shape_cast %add3A_253 : vector<16xf32> to vector<16xf32>
        tpu.vector_store %arg13[%swap3A_254], %swap3A_257 {strides = array<i32>} : memref<48xf32, #tpu.memory_space<vmem>>, vector<16xf32>,
        %get3A_258 = arith.constant 24 : index
        %get3A_259 = tpu.vector_load %arg13[%get3A_258] {strides = array<i32>} : memref<48xf32, #tpu.memory_space<vmem>>, vector<16xf32>,
        %get3A_260 = vector.shape_cast %get3A_259 : vector<16xf32> to vector<16xf32>
        %add3A_261 = arith.addf %add3A_253, %get3A_260 : vector<16xf32>
        %swap3A_262 = arith.constant 16 : index
        %swap3A_263 = tpu.vector_load %arg13[%swap3A_262] {strides = array<i32>} : memref<48xf32, #tpu.memory_space<vmem>>, vector<16xf32>,
        %swap3A_264 = vector.shape_cast %swap3A_263 : vector<16xf32> to vector<16xf32>
        %swap3A_265 = vector.shape_cast %add3A_261 : vector<16xf32> to vector<16xf32>
        tpu.vector_store %arg13[%swap3A_262], %swap3A_265 {strides = array<i32>} : memref<48xf32, #tpu.memory_space<vmem>>, vector<16xf32>,
        %get3A_266 = arith.constant 20 : index
        %get3A_267 = tpu.vector_load %arg13[%get3A_266] {strides = array<i32>} : memref<48xf32, #tpu.memory_space<vmem>>, vector<16xf32>,
        %get3A_268 = vector.shape_cast %get3A_267 : vector<16xf32> to vector<16xf32>
        %add3A_269 = arith.addf %add3A_261, %get3A_268 : vector<16xf32>
        %swap3A_270 = arith.constant 16 : index
        %swap3A_271 = tpu.vector_load %arg13[%swap3A_270] {strides = array<i32>} : memref<48xf32, #tpu.memory_space<vmem>>, vector<16xf32>,
        %swap3A_272 = vector.shape_cast %swap3A_271 : vector<16xf32> to vector<16xf32>
        %swap3A_273 = vector.shape_cast %add3A_269 : vector<16xf32> to vector<16xf32>
        tpu.vector_store %arg13[%swap3A_270], %swap3A_273 {strides = array<i32>} : memref<48xf32, #tpu.memory_space<vmem>>, vector<16xf32>,
        %get3A_274 = arith.constant 18 : index
        %get3A_275 = tpu.vector_load %arg13[%get3A_274] {strides = array<i32>} : memref<48xf32, #tpu.memory_space<vmem>>, vector<16xf32>,
        %get3A_276 = vector.shape_cast %get3A_275 : vector<16xf32> to vector<16xf32>
        %add3A_277 = arith.addf %add3A_269, %get3A_276 : vector<16xf32>
        %swap3A_278 = arith.constant 16 : index
        %swap3A_279 = tpu.vector_load %arg13[%swap3A_278] {strides = array<i32>} : memref<48xf32, #tpu.memory_space<vmem>>, vector<16xf32>,
        %swap3A_280 = vector.shape_cast %swap3A_279 : vector<16xf32> to vector<16xf32>
        %swap3A_281 = vector.shape_cast %add3A_277 : vector<16xf32> to vector<16xf32>
        tpu.vector_store %arg13[%swap3A_278], %swap3A_281 {strides = array<i32>} : memref<48xf32, #tpu.memory_space<vmem>>, vector<16xf32>,
        %get3A_282 = arith.constant 17 : index
        %get3A_283 = tpu.vector_load %arg13[%get3A_282] {strides = array<i32>} : memref<48xf32, #tpu.memory_space<vmem>>, vector<16xf32>,
        %get3A_284 = vector.shape_cast %get3A_283 : vector<16xf32> to vector<16xf32>
        %add3A_285 = arith.addf %add3A_277, %get3A_284 : vector<16xf32>
        %slice3A_286 = vector.extract_strided_slice %add3A_285 {offsets = [0], sizes = [1], strides = [1]} : vector<16xf32> to vector<1xf32>
        %squeeze3A_287 = vector.extract %slice3A_286[0] : f32 from vector<1xf32>
        %broadcast_in_dim3A_288 = vector.broadcast %squeeze3A_287 : f32 to vector<16xf32>
        %mul3A_289 = arith.mulf %while3A_89, %broadcast_in_dim3A_288 : vector<16xf32>
        %scan3A_290 = arith.constant 0 : i32
        %scan3A_291 = arith.constant 0 : i32
        %scan3A_292 = arith.constant 16 : i32
        %scan3A_293 = arith.addi %scan3A_291, %scan3A_292 : i32
        %scan3A_294 = arith.constant 1 : i32
        scf.for %scan3A_491 = %scan3A_291 to %scan3A_293 step %scan3A_294  : i32 {
          %mul3A_492 = arith.constant 128 : i32
          %mul3A_493 = arith.muli %scan3A_491, %mul3A_492 : i32
          %add3A_494 = arith.constant 16 : i32
          %add3A_495 = arith.addi %add3A_494, %mul3A_493 : i32
          %add3A_496 = arith.constant 0 : i32
          %add3A_497 = arith.addi %add3A_495, %add3A_496 : i32
          %get3A_498 = arith.index_cast %add3A_497 : i32 to index
          %get3A_499 = tpu.vector_load %arg8[%get3A_498] {strides = array<i32>} : memref<2080xf32, #tpu.memory_space<vmem>>, vector<16xf32>,
          %get3A_500 = vector.shape_cast %get3A_499 : vector<16xf32> to vector<16xf32>
          %div3A_501 = arith.divf %get3A_500, %broadcast_in_dim3A_288 : vector<16xf32>
          %mul3A_502 = arith.constant 6.553700e+04 : f32
          %mul3A_503 = vector.broadcast %mul3A_502 : f32 to vector<16xf32>
          %mul3A_504 = arith.mulf %div3A_501, %mul3A_503 : vector<16xf32>
          %sub3A_505 = arith.subf %mul3A_504, %div3A_501 : vector<16xf32>
          %sub3A_506 = arith.subf %mul3A_504, %sub3A_505 : vector<16xf32>
          %swap3A_507 = arith.index_cast %add3A_497 : i32 to index
          %swap3A_508 = tpu.vector_load %arg9[%swap3A_507] {strides = array<i32>} : memref<2080xf32, #tpu.memory_space<vmem>>, vector<16xf32>,
          %swap3A_509 = vector.shape_cast %swap3A_508 : vector<16xf32> to vector<16xf32>
          %swap3A_510 = vector.shape_cast %sub3A_506 : vector<16xf32> to vector<16xf32>
          tpu.vector_store %arg9[%swap3A_507], %swap3A_510 {strides = array<i32>} : memref<2080xf32, #tpu.memory_space<vmem>>, vector<16xf32>,
          %add3A_511 = arith.constant 16 : i32
          %add3A_512 = arith.addi %add3A_495, %add3A_511 : i32
          %get3A_513 = arith.index_cast %add3A_512 : i32 to index
          %get3A_514 = tpu.vector_load %arg8[%get3A_513] {strides = array<i32>} : memref<2080xf32, #tpu.memory_space<vmem>>, vector<16xf32>,
          %get3A_515 = vector.shape_cast %get3A_514 : vector<16xf32> to vector<16xf32>
          %div3A_516 = arith.divf %get3A_515, %broadcast_in_dim3A_288 : vector<16xf32>
          %mul3A_517 = arith.constant 6.553700e+04 : f32
          %mul3A_518 = vector.broadcast %mul3A_517 : f32 to vector<16xf32>
          %mul3A_519 = arith.mulf %div3A_516, %mul3A_518 : vector<16xf32>
          %sub3A_520 = arith.subf %mul3A_519, %div3A_516 : vector<16xf32>
          %sub3A_521 = arith.subf %mul3A_519, %sub3A_520 : vector<16xf32>
          %swap3A_522 = arith.index_cast %add3A_512 : i32 to index
          %swap3A_523 = tpu.vector_load %arg9[%swap3A_522] {strides = array<i32>} : memref<2080xf32, #tpu.memory_space<vmem>>, vector<16xf32>,
          %swap3A_524 = vector.shape_cast %swap3A_523 : vector<16xf32> to vector<16xf32>
          %swap3A_525 = vector.shape_cast %sub3A_521 : vector<16xf32> to vector<16xf32>
          tpu.vector_store %arg9[%swap3A_522], %swap3A_525 {strides = array<i32>} : memref<2080xf32, #tpu.memory_space<vmem>>, vector<16xf32>,
          %add3A_526 = arith.constant 32 : i32
          %add3A_527 = arith.addi %add3A_495, %add3A_526 : i32
          %get3A_528 = arith.index_cast %add3A_527 : i32 to index
          %get3A_529 = tpu.vector_load %arg8[%get3A_528] {strides = array<i32>} : memref<2080xf32, #tpu.memory_space<vmem>>, vector<16xf32>,
          %get3A_530 = vector.shape_cast %get3A_529 : vector<16xf32> to vector<16xf32>
          %div3A_531 = arith.divf %get3A_530, %broadcast_in_dim3A_288 : vector<16xf32>
          %mul3A_532 = arith.constant 6.553700e+04 : f32
          %mul3A_533 = vector.broadcast %mul3A_532 : f32 to vector<16xf32>
          %mul3A_534 = arith.mulf %div3A_531, %mul3A_533 : vector<16xf32>
          %sub3A_535 = arith.subf %mul3A_534, %div3A_531 : vector<16xf32>
          %sub3A_536 = arith.subf %mul3A_534, %sub3A_535 : vector<16xf32>
          %swap3A_537 = arith.index_cast %add3A_527 : i32 to index
          %swap3A_538 = tpu.vector_load %arg9[%swap3A_537] {strides = array<i32>} : memref<2080xf32, #tpu.memory_space<vmem>>, vector<16xf32>,
          %swap3A_539 = vector.shape_cast %swap3A_538 : vector<16xf32> to vector<16xf32>
          %swap3A_540 = vector.shape_cast %sub3A_536 : vector<16xf32> to vector<16xf32>
          tpu.vector_store %arg9[%swap3A_537], %swap3A_540 {strides = array<i32>} : memref<2080xf32, #tpu.memory_space<vmem>>, vector<16xf32>,
          %add3A_541 = arith.constant 48 : i32
          %add3A_542 = arith.addi %add3A_495, %add3A_541 : i32
          %get3A_543 = arith.index_cast %add3A_542 : i32 to index
          %get3A_544 = tpu.vector_load %arg8[%get3A_543] {strides = array<i32>} : memref<2080xf32, #tpu.memory_space<vmem>>, vector<16xf32>,
          %get3A_545 = vector.shape_cast %get3A_544 : vector<16xf32> to vector<16xf32>
          %div3A_546 = arith.divf %get3A_545, %broadcast_in_dim3A_288 : vector<16xf32>
          %mul3A_547 = arith.constant 6.553700e+04 : f32
          %mul3A_548 = vector.broadcast %mul3A_547 : f32 to vector<16xf32>
          %mul3A_549 = arith.mulf %div3A_546, %mul3A_548 : vector<16xf32>
          %sub3A_550 = arith.subf %mul3A_549, %div3A_546 : vector<16xf32>
          %sub3A_551 = arith.subf %mul3A_549, %sub3A_550 : vector<16xf32>
          %swap3A_552 = arith.index_cast %add3A_542 : i32 to index
          %swap3A_553 = tpu.vector_load %arg9[%swap3A_552] {strides = array<i32>} : memref<2080xf32, #tpu.memory_space<vmem>>, vector<16xf32>,
          %swap3A_554 = vector.shape_cast %swap3A_553 : vector<16xf32> to vector<16xf32>
          %swap3A_555 = vector.shape_cast %sub3A_551 : vector<16xf32> to vector<16xf32>
          tpu.vector_store %arg9[%swap3A_552], %swap3A_555 {strides = array<i32>} : memref<2080xf32, #tpu.memory_space<vmem>>, vector<16xf32>,
          %add3A_556 = arith.constant 64 : i32
          %add3A_557 = arith.addi %add3A_495, %add3A_556 : i32
          %get3A_558 = arith.index_cast %add3A_557 : i32 to index
          %get3A_559 = tpu.vector_load %arg8[%get3A_558] {strides = array<i32>} : memref<2080xf32, #tpu.memory_space<vmem>>, vector<16xf32>,
          %get3A_560 = vector.shape_cast %get3A_559 : vector<16xf32> to vector<16xf32>
          %div3A_561 = arith.divf %get3A_560, %broadcast_in_dim3A_288 : vector<16xf32>
          %mul3A_562 = arith.constant 6.553700e+04 : f32
          %mul3A_563 = vector.broadcast %mul3A_562 : f32 to vector<16xf32>
          %mul3A_564 = arith.mulf %div3A_561, %mul3A_563 : vector<16xf32>
          %sub3A_565 = arith.subf %mul3A_564, %div3A_561 : vector<16xf32>
          %sub3A_566 = arith.subf %mul3A_564, %sub3A_565 : vector<16xf32>
          %swap3A_567 = arith.index_cast %add3A_557 : i32 to index
          %swap3A_568 = tpu.vector_load %arg9[%swap3A_567] {strides = array<i32>} : memref<2080xf32, #tpu.memory_space<vmem>>, vector<16xf32>,
          %swap3A_569 = vector.shape_cast %swap3A_568 : vector<16xf32> to vector<16xf32>
          %swap3A_570 = vector.shape_cast %sub3A_566 : vector<16xf32> to vector<16xf32>
          tpu.vector_store %arg9[%swap3A_567], %swap3A_570 {strides = array<i32>} : memref<2080xf32, #tpu.memory_space<vmem>>, vector<16xf32>,
          %add3A_571 = arith.constant 80 : i32
          %add3A_572 = arith.addi %add3A_495, %add3A_571 : i32
          %get3A_573 = arith.index_cast %add3A_572 : i32 to index
          %get3A_574 = tpu.vector_load %arg8[%get3A_573] {strides = array<i32>} : memref<2080xf32, #tpu.memory_space<vmem>>, vector<16xf32>,
          %get3A_575 = vector.shape_cast %get3A_574 : vector<16xf32> to vector<16xf32>
          %div3A_576 = arith.divf %get3A_575, %broadcast_in_dim3A_288 : vector<16xf32>
          %mul3A_577 = arith.constant 6.553700e+04 : f32
          %mul3A_578 = vector.broadcast %mul3A_577 : f32 to vector<16xf32>
          %mul3A_579 = arith.mulf %div3A_576, %mul3A_578 : vector<16xf32>
          %sub3A_580 = arith.subf %mul3A_579, %div3A_576 : vector<16xf32>
          %sub3A_581 = arith.subf %mul3A_579, %sub3A_580 : vector<16xf32>
          %swap3A_582 = arith.index_cast %add3A_572 : i32 to index
          %swap3A_583 = tpu.vector_load %arg9[%swap3A_582] {strides = array<i32>} : memref<2080xf32, #tpu.memory_space<vmem>>, vector<16xf32>,
          %swap3A_584 = vector.shape_cast %swap3A_583 : vector<16xf32> to vector<16xf32>
          %swap3A_585 = vector.shape_cast %sub3A_581 : vector<16xf32> to vector<16xf32>
          tpu.vector_store %arg9[%swap3A_582], %swap3A_585 {strides = array<i32>} : memref<2080xf32, #tpu.memory_space<vmem>>, vector<16xf32>,
          %add3A_586 = arith.constant 96 : i32
          %add3A_587 = arith.addi %add3A_495, %add3A_586 : i32
          %get3A_588 = arith.index_cast %add3A_587 : i32 to index
          %get3A_589 = tpu.vector_load %arg8[%get3A_588] {strides = array<i32>} : memref<2080xf32, #tpu.memory_space<vmem>>, vector<16xf32>,
          %get3A_590 = vector.shape_cast %get3A_589 : vector<16xf32> to vector<16xf32>
          %div3A_591 = arith.divf %get3A_590, %broadcast_in_dim3A_288 : vector<16xf32>
          %mul3A_592 = arith.constant 6.553700e+04 : f32
          %mul3A_593 = vector.broadcast %mul3A_592 : f32 to vector<16xf32>
          %mul3A_594 = arith.mulf %div3A_591, %mul3A_593 : vector<16xf32>
          %sub3A_595 = arith.subf %mul3A_594, %div3A_591 : vector<16xf32>
          %sub3A_596 = arith.subf %mul3A_594, %sub3A_595 : vector<16xf32>
          %swap3A_597 = arith.index_cast %add3A_587 : i32 to index
          %swap3A_598 = tpu.vector_load %arg9[%swap3A_597] {strides = array<i32>} : memref<2080xf32, #tpu.memory_space<vmem>>, vector<16xf32>,
          %swap3A_599 = vector.shape_cast %swap3A_598 : vector<16xf32> to vector<16xf32>
          %swap3A_600 = vector.shape_cast %sub3A_596 : vector<16xf32> to vector<16xf32>
          tpu.vector_store %arg9[%swap3A_597], %swap3A_600 {strides = array<i32>} : memref<2080xf32, #tpu.memory_space<vmem>>, vector<16xf32>,
          %add3A_601 = arith.constant 112 : i32
          %add3A_602 = arith.addi %add3A_495, %add3A_601 : i32
          %get3A_603 = arith.index_cast %add3A_602 : i32 to index
          %get3A_604 = tpu.vector_load %arg8[%get3A_603] {strides = array<i32>} : memref<2080xf32, #tpu.memory_space<vmem>>, vector<16xf32>,
          %get3A_605 = vector.shape_cast %get3A_604 : vector<16xf32> to vector<16xf32>
          %div3A_606 = arith.divf %get3A_605, %broadcast_in_dim3A_288 : vector<16xf32>
          %mul3A_607 = arith.constant 6.553700e+04 : f32
          %mul3A_608 = vector.broadcast %mul3A_607 : f32 to vector<16xf32>
          %mul3A_609 = arith.mulf %div3A_606, %mul3A_608 : vector<16xf32>
          %sub3A_610 = arith.subf %mul3A_609, %div3A_606 : vector<16xf32>
          %sub3A_611 = arith.subf %mul3A_609, %sub3A_610 : vector<16xf32>
          %swap3A_612 = arith.index_cast %add3A_602 : i32 to index
          %swap3A_613 = tpu.vector_load %arg9[%swap3A_612] {strides = array<i32>} : memref<2080xf32, #tpu.memory_space<vmem>>, vector<16xf32>,
          %swap3A_614 = vector.shape_cast %swap3A_613 : vector<16xf32> to vector<16xf32>
          %swap3A_615 = vector.shape_cast %sub3A_611 : vector<16xf32> to vector<16xf32>
          tpu.vector_store %arg9[%swap3A_612], %swap3A_615 {strides = array<i32>} : memref<2080xf32, #tpu.memory_space<vmem>>, vector<16xf32>,
        }
        %scan3A_295 = arith.constant 16 : i32
        %scan3A_296 = arith.constant 0 : i32
        %scan3A_297 = arith.constant 15 : i32
        %scan3A_298 = arith.addi %scan3A_296, %scan3A_297 : i32
        %scan3A_299 = arith.constant 1 : i32
        %scan3A_300 = scf.for %scan3A_491 = %scan3A_296 to %scan3A_298 step %scan3A_299 iter_args(%scan3A_492 = %broadcast_in_dim3A_4) -> (vector<16xf32>)  : i32 {
          %mul3A_493 = arith.constant 128 : i32
          %mul3A_494 = arith.muli %scan3A_491, %mul3A_493 : i32
          %add3A_495 = arith.constant 16 : i32
          %add3A_496 = arith.addi %add3A_495, %mul3A_494 : i32
          %add3A_497 = arith.constant 0 : i32
          %add3A_498 = arith.addi %add3A_496, %add3A_497 : i32
          %sub3A_499 = arith.constant 1 : i32
          %sub3A_500 = arith.subi %add3A_498, %sub3A_499 : i32
          %get3A_501 = arith.index_cast %sub3A_500 : i32 to index
          %get3A_502 = tpu.vector_load %arg9[%get3A_501] {strides = array<i32>} : memref<2080xf32, #tpu.memory_space<vmem>>, vector<16xf32>,
          %get3A_503 = vector.shape_cast %get3A_502 : vector<16xf32> to vector<16xf32>
          %mul3A_504 = arith.mulf %get3A_503, %get3A_22 : vector<16xf32>
          %get3A_505 = arith.index_cast %add3A_498 : i32 to index
          %get3A_506 = tpu.vector_load %arg9[%get3A_505] {strides = array<i32>} : memref<2080xf32, #tpu.memory_space<vmem>>, vector<16xf32>,
          %get3A_507 = vector.shape_cast %get3A_506 : vector<16xf32> to vector<16xf32>
          %mul3A_508 = arith.mulf %get3A_507, %get3A_25 : vector<16xf32>
          %add3A_509 = arith.addf %mul3A_504, %mul3A_508 : vector<16xf32>
          %add3A_510 = arith.constant 1 : i32
          %add3A_511 = arith.addi %add3A_498, %add3A_510 : i32
          %get3A_512 = arith.index_cast %add3A_511 : i32 to index
          %get3A_513 = tpu.vector_load %arg9[%get3A_512] {strides = array<i32>} : memref<2080xf32, #tpu.memory_space<vmem>>, vector<16xf32>,
          %get3A_514 = vector.shape_cast %get3A_513 : vector<16xf32> to vector<16xf32>
          %mul3A_515 = arith.mulf %get3A_514, %get3A_28 : vector<16xf32>
          %add3A_516 = arith.addf %add3A_509, %mul3A_515 : vector<16xf32>
          %swap3A_517 = arith.index_cast %add3A_498 : i32 to index
          %swap3A_518 = tpu.vector_load %arg7[%swap3A_517] {strides = array<i32>} : memref<2080xf32, #tpu.memory_space<vmem>>, vector<16xf32>,
          %swap3A_519 = vector.shape_cast %swap3A_518 : vector<16xf32> to vector<16xf32>
          %swap3A_520 = vector.shape_cast %add3A_516 : vector<16xf32> to vector<16xf32>
          tpu.vector_store %arg7[%swap3A_517], %swap3A_520 {strides = array<i32>} : memref<2080xf32, #tpu.memory_space<vmem>>, vector<16xf32>,
          %add3A_521 = arith.addf %scan3A_492, %add3A_516 : vector<16xf32>
          %add3A_522 = arith.constant 16 : i32
          %add3A_523 = arith.addi %add3A_496, %add3A_522 : i32
          %sub3A_524 = arith.constant 1 : i32
          %sub3A_525 = arith.subi %add3A_523, %sub3A_524 : i32
          %get3A_526 = arith.index_cast %sub3A_525 : i32 to index
          %get3A_527 = tpu.vector_load %arg9[%get3A_526] {strides = array<i32>} : memref<2080xf32, #tpu.memory_space<vmem>>, vector<16xf32>,
          %get3A_528 = vector.shape_cast %get3A_527 : vector<16xf32> to vector<16xf32>
          %mul3A_529 = arith.mulf %get3A_528, %get3A_22 : vector<16xf32>
          %get3A_530 = arith.index_cast %add3A_523 : i32 to index
          %get3A_531 = tpu.vector_load %arg9[%get3A_530] {strides = array<i32>} : memref<2080xf32, #tpu.memory_space<vmem>>, vector<16xf32>,
          %get3A_532 = vector.shape_cast %get3A_531 : vector<16xf32> to vector<16xf32>
          %mul3A_533 = arith.mulf %get3A_532, %get3A_25 : vector<16xf32>
          %add3A_534 = arith.addf %mul3A_529, %mul3A_533 : vector<16xf32>
          %add3A_535 = arith.constant 1 : i32
          %add3A_536 = arith.addi %add3A_523, %add3A_535 : i32
          %get3A_537 = arith.index_cast %add3A_536 : i32 to index
          %get3A_538 = tpu.vector_load %arg9[%get3A_537] {strides = array<i32>} : memref<2080xf32, #tpu.memory_space<vmem>>, vector<16xf32>,
          %get3A_539 = vector.shape_cast %get3A_538 : vector<16xf32> to vector<16xf32>
          %mul3A_540 = arith.mulf %get3A_539, %get3A_28 : vector<16xf32>
          %add3A_541 = arith.addf %add3A_534, %mul3A_540 : vector<16xf32>
          %swap3A_542 = arith.index_cast %add3A_523 : i32 to index
          %swap3A_543 = tpu.vector_load %arg7[%swap3A_542] {strides = array<i32>} : memref<2080xf32, #tpu.memory_space<vmem>>, vector<16xf32>,
          %swap3A_544 = vector.shape_cast %swap3A_543 : vector<16xf32> to vector<16xf32>
          %swap3A_545 = vector.shape_cast %add3A_541 : vector<16xf32> to vector<16xf32>
          tpu.vector_store %arg7[%swap3A_542], %swap3A_545 {strides = array<i32>} : memref<2080xf32, #tpu.memory_space<vmem>>, vector<16xf32>,
          %add3A_546 = arith.addf %add3A_521, %add3A_541 : vector<16xf32>
          %add3A_547 = arith.constant 32 : i32
          %add3A_548 = arith.addi %add3A_496, %add3A_547 : i32
          %sub3A_549 = arith.constant 1 : i32
          %sub3A_550 = arith.subi %add3A_548, %sub3A_549 : i32
          %get3A_551 = arith.index_cast %sub3A_550 : i32 to index
          %get3A_552 = tpu.vector_load %arg9[%get3A_551] {strides = array<i32>} : memref<2080xf32, #tpu.memory_space<vmem>>, vector<16xf32>,
          %get3A_553 = vector.shape_cast %get3A_552 : vector<16xf32> to vector<16xf32>
          %mul3A_554 = arith.mulf %get3A_553, %get3A_22 : vector<16xf32>
          %get3A_555 = arith.index_cast %add3A_548 : i32 to index
          %get3A_556 = tpu.vector_load %arg9[%get3A_555] {strides = array<i32>} : memref<2080xf32, #tpu.memory_space<vmem>>, vector<16xf32>,
          %get3A_557 = vector.shape_cast %get3A_556 : vector<16xf32> to vector<16xf32>
          %mul3A_558 = arith.mulf %get3A_557, %get3A_25 : vector<16xf32>
          %add3A_559 = arith.addf %mul3A_554, %mul3A_558 : vector<16xf32>
          %add3A_560 = arith.constant 1 : i32
          %add3A_561 = arith.addi %add3A_548, %add3A_560 : i32
          %get3A_562 = arith.index_cast %add3A_561 : i32 to index
          %get3A_563 = tpu.vector_load %arg9[%get3A_562] {strides = array<i32>} : memref<2080xf32, #tpu.memory_space<vmem>>, vector<16xf32>,
          %get3A_564 = vector.shape_cast %get3A_563 : vector<16xf32> to vector<16xf32>
          %mul3A_565 = arith.mulf %get3A_564, %get3A_28 : vector<16xf32>
          %add3A_566 = arith.addf %add3A_559, %mul3A_565 : vector<16xf32>
          %swap3A_567 = arith.index_cast %add3A_548 : i32 to index
          %swap3A_568 = tpu.vector_load %arg7[%swap3A_567] {strides = array<i32>} : memref<2080xf32, #tpu.memory_space<vmem>>, vector<16xf32>,
          %swap3A_569 = vector.shape_cast %swap3A_568 : vector<16xf32> to vector<16xf32>
          %swap3A_570 = vector.shape_cast %add3A_566 : vector<16xf32> to vector<16xf32>
          tpu.vector_store %arg7[%swap3A_567], %swap3A_570 {strides = array<i32>} : memref<2080xf32, #tpu.memory_space<vmem>>, vector<16xf32>,
          %add3A_571 = arith.addf %add3A_546, %add3A_566 : vector<16xf32>
          %add3A_572 = arith.constant 48 : i32
          %add3A_573 = arith.addi %add3A_496, %add3A_572 : i32
          %sub3A_574 = arith.constant 1 : i32
          %sub3A_575 = arith.subi %add3A_573, %sub3A_574 : i32
          %get3A_576 = arith.index_cast %sub3A_575 : i32 to index
          %get3A_577 = tpu.vector_load %arg9[%get3A_576] {strides = array<i32>} : memref<2080xf32, #tpu.memory_space<vmem>>, vector<16xf32>,
          %get3A_578 = vector.shape_cast %get3A_577 : vector<16xf32> to vector<16xf32>
          %mul3A_579 = arith.mulf %get3A_578, %get3A_22 : vector<16xf32>
          %get3A_580 = arith.index_cast %add3A_573 : i32 to index
          %get3A_581 = tpu.vector_load %arg9[%get3A_580] {strides = array<i32>} : memref<2080xf32, #tpu.memory_space<vmem>>, vector<16xf32>,
          %get3A_582 = vector.shape_cast %get3A_581 : vector<16xf32> to vector<16xf32>
          %mul3A_583 = arith.mulf %get3A_582, %get3A_25 : vector<16xf32>
          %add3A_584 = arith.addf %mul3A_579, %mul3A_583 : vector<16xf32>
          %add3A_585 = arith.constant 1 : i32
          %add3A_586 = arith.addi %add3A_573, %add3A_585 : i32
          %get3A_587 = arith.index_cast %add3A_586 : i32 to index
          %get3A_588 = tpu.vector_load %arg9[%get3A_587] {strides = array<i32>} : memref<2080xf32, #tpu.memory_space<vmem>>, vector<16xf32>,
          %get3A_589 = vector.shape_cast %get3A_588 : vector<16xf32> to vector<16xf32>
          %mul3A_590 = arith.mulf %get3A_589, %get3A_28 : vector<16xf32>
          %add3A_591 = arith.addf %add3A_584, %mul3A_590 : vector<16xf32>
          %swap3A_592 = arith.index_cast %add3A_573 : i32 to index
          %swap3A_593 = tpu.vector_load %arg7[%swap3A_592] {strides = array<i32>} : memref<2080xf32, #tpu.memory_space<vmem>>, vector<16xf32>,
          %swap3A_594 = vector.shape_cast %swap3A_593 : vector<16xf32> to vector<16xf32>
          %swap3A_595 = vector.shape_cast %add3A_591 : vector<16xf32> to vector<16xf32>
          tpu.vector_store %arg7[%swap3A_592], %swap3A_595 {strides = array<i32>} : memref<2080xf32, #tpu.memory_space<vmem>>, vector<16xf32>,
          %add3A_596 = arith.addf %add3A_571, %add3A_591 : vector<16xf32>
          %add3A_597 = arith.constant 64 : i32
          %add3A_598 = arith.addi %add3A_496, %add3A_597 : i32
          %sub3A_599 = arith.constant 1 : i32
          %sub3A_600 = arith.subi %add3A_598, %sub3A_599 : i32
          %get3A_601 = arith.index_cast %sub3A_600 : i32 to index
          %get3A_602 = tpu.vector_load %arg9[%get3A_601] {strides = array<i32>} : memref<2080xf32, #tpu.memory_space<vmem>>, vector<16xf32>,
          %get3A_603 = vector.shape_cast %get3A_602 : vector<16xf32> to vector<16xf32>
          %mul3A_604 = arith.mulf %get3A_603, %get3A_22 : vector<16xf32>
          %get3A_605 = arith.index_cast %add3A_598 : i32 to index
          %get3A_606 = tpu.vector_load %arg9[%get3A_605] {strides = array<i32>} : memref<2080xf32, #tpu.memory_space<vmem>>, vector<16xf32>,
          %get3A_607 = vector.shape_cast %get3A_606 : vector<16xf32> to vector<16xf32>
          %mul3A_608 = arith.mulf %get3A_607, %get3A_25 : vector<16xf32>
          %add3A_609 = arith.addf %mul3A_604, %mul3A_608 : vector<16xf32>
          %add3A_610 = arith.constant 1 : i32
          %add3A_611 = arith.addi %add3A_598, %add3A_610 : i32
          %get3A_612 = arith.index_cast %add3A_611 : i32 to index
          %get3A_613 = tpu.vector_load %arg9[%get3A_612] {strides = array<i32>} : memref<2080xf32, #tpu.memory_space<vmem>>, vector<16xf32>,
          %get3A_614 = vector.shape_cast %get3A_613 : vector<16xf32> to vector<16xf32>
          %mul3A_615 = arith.mulf %get3A_614, %get3A_28 : vector<16xf32>
          %add3A_616 = arith.addf %add3A_609, %mul3A_615 : vector<16xf32>
          %swap3A_617 = arith.index_cast %add3A_598 : i32 to index
          %swap3A_618 = tpu.vector_load %arg7[%swap3A_617] {strides = array<i32>} : memref<2080xf32, #tpu.memory_space<vmem>>, vector<16xf32>,
          %swap3A_619 = vector.shape_cast %swap3A_618 : vector<16xf32> to vector<16xf32>
          %swap3A_620 = vector.shape_cast %add3A_616 : vector<16xf32> to vector<16xf32>
          tpu.vector_store %arg7[%swap3A_617], %swap3A_620 {strides = array<i32>} : memref<2080xf32, #tpu.memory_space<vmem>>, vector<16xf32>,
          %add3A_621 = arith.addf %add3A_596, %add3A_616 : vector<16xf32>
          %add3A_622 = arith.constant 80 : i32
          %add3A_623 = arith.addi %add3A_496, %add3A_622 : i32
          %sub3A_624 = arith.constant 1 : i32
          %sub3A_625 = arith.subi %add3A_623, %sub3A_624 : i32
          %get3A_626 = arith.index_cast %sub3A_625 : i32 to index
          %get3A_627 = tpu.vector_load %arg9[%get3A_626] {strides = array<i32>} : memref<2080xf32, #tpu.memory_space<vmem>>, vector<16xf32>,
          %get3A_628 = vector.shape_cast %get3A_627 : vector<16xf32> to vector<16xf32>
          %mul3A_629 = arith.mulf %get3A_628, %get3A_22 : vector<16xf32>
          %get3A_630 = arith.index_cast %add3A_623 : i32 to index
          %get3A_631 = tpu.vector_load %arg9[%get3A_630] {strides = array<i32>} : memref<2080xf32, #tpu.memory_space<vmem>>, vector<16xf32>,
          %get3A_632 = vector.shape_cast %get3A_631 : vector<16xf32> to vector<16xf32>
          %mul3A_633 = arith.mulf %get3A_632, %get3A_25 : vector<16xf32>
          %add3A_634 = arith.addf %mul3A_629, %mul3A_633 : vector<16xf32>
          %add3A_635 = arith.constant 1 : i32
          %add3A_636 = arith.addi %add3A_623, %add3A_635 : i32
          %get3A_637 = arith.index_cast %add3A_636 : i32 to index
          %get3A_638 = tpu.vector_load %arg9[%get3A_637] {strides = array<i32>} : memref<2080xf32, #tpu.memory_space<vmem>>, vector<16xf32>,
          %get3A_639 = vector.shape_cast %get3A_638 : vector<16xf32> to vector<16xf32>
          %mul3A_640 = arith.mulf %get3A_639, %get3A_28 : vector<16xf32>
          %add3A_641 = arith.addf %add3A_634, %mul3A_640 : vector<16xf32>
          %swap3A_642 = arith.index_cast %add3A_623 : i32 to index
          %swap3A_643 = tpu.vector_load %arg7[%swap3A_642] {strides = array<i32>} : memref<2080xf32, #tpu.memory_space<vmem>>, vector<16xf32>,
          %swap3A_644 = vector.shape_cast %swap3A_643 : vector<16xf32> to vector<16xf32>
          %swap3A_645 = vector.shape_cast %add3A_641 : vector<16xf32> to vector<16xf32>
          tpu.vector_store %arg7[%swap3A_642], %swap3A_645 {strides = array<i32>} : memref<2080xf32, #tpu.memory_space<vmem>>, vector<16xf32>,
          %add3A_646 = arith.addf %add3A_621, %add3A_641 : vector<16xf32>
          %add3A_647 = arith.constant 96 : i32
          %add3A_648 = arith.addi %add3A_496, %add3A_647 : i32
          %sub3A_649 = arith.constant 1 : i32
          %sub3A_650 = arith.subi %add3A_648, %sub3A_649 : i32
          %get3A_651 = arith.index_cast %sub3A_650 : i32 to index
          %get3A_652 = tpu.vector_load %arg9[%get3A_651] {strides = array<i32>} : memref<2080xf32, #tpu.memory_space<vmem>>, vector<16xf32>,
          %get3A_653 = vector.shape_cast %get3A_652 : vector<16xf32> to vector<16xf32>
          %mul3A_654 = arith.mulf %get3A_653, %get3A_22 : vector<16xf32>
          %get3A_655 = arith.index_cast %add3A_648 : i32 to index
          %get3A_656 = tpu.vector_load %arg9[%get3A_655] {strides = array<i32>} : memref<2080xf32, #tpu.memory_space<vmem>>, vector<16xf32>,
          %get3A_657 = vector.shape_cast %get3A_656 : vector<16xf32> to vector<16xf32>
          %mul3A_658 = arith.mulf %get3A_657, %get3A_25 : vector<16xf32>
          %add3A_659 = arith.addf %mul3A_654, %mul3A_658 : vector<16xf32>
          %add3A_660 = arith.constant 1 : i32
          %add3A_661 = arith.addi %add3A_648, %add3A_660 : i32
          %get3A_662 = arith.index_cast %add3A_661 : i32 to index
          %get3A_663 = tpu.vector_load %arg9[%get3A_662] {strides = array<i32>} : memref<2080xf32, #tpu.memory_space<vmem>>, vector<16xf32>,
          %get3A_664 = vector.shape_cast %get3A_663 : vector<16xf32> to vector<16xf32>
          %mul3A_665 = arith.mulf %get3A_664, %get3A_28 : vector<16xf32>
          %add3A_666 = arith.addf %add3A_659, %mul3A_665 : vector<16xf32>
          %swap3A_667 = arith.index_cast %add3A_648 : i32 to index
          %swap3A_668 = tpu.vector_load %arg7[%swap3A_667] {strides = array<i32>} : memref<2080xf32, #tpu.memory_space<vmem>>, vector<16xf32>,
          %swap3A_669 = vector.shape_cast %swap3A_668 : vector<16xf32> to vector<16xf32>
          %swap3A_670 = vector.shape_cast %add3A_666 : vector<16xf32> to vector<16xf32>
          tpu.vector_store %arg7[%swap3A_667], %swap3A_670 {strides = array<i32>} : memref<2080xf32, #tpu.memory_space<vmem>>, vector<16xf32>,
          %add3A_671 = arith.addf %add3A_646, %add3A_666 : vector<16xf32>
          %add3A_672 = arith.constant 112 : i32
          %add3A_673 = arith.addi %add3A_496, %add3A_672 : i32
          %sub3A_674 = arith.constant 1 : i32
          %sub3A_675 = arith.subi %add3A_673, %sub3A_674 : i32
          %get3A_676 = arith.index_cast %sub3A_675 : i32 to index
          %get3A_677 = tpu.vector_load %arg9[%get3A_676] {strides = array<i32>} : memref<2080xf32, #tpu.memory_space<vmem>>, vector<16xf32>,
          %get3A_678 = vector.shape_cast %get3A_677 : vector<16xf32> to vector<16xf32>
          %mul3A_679 = arith.mulf %get3A_678, %get3A_22 : vector<16xf32>
          %get3A_680 = arith.index_cast %add3A_673 : i32 to index
          %get3A_681 = tpu.vector_load %arg9[%get3A_680] {strides = array<i32>} : memref<2080xf32, #tpu.memory_space<vmem>>, vector<16xf32>,
          %get3A_682 = vector.shape_cast %get3A_681 : vector<16xf32> to vector<16xf32>
          %mul3A_683 = arith.mulf %get3A_682, %get3A_25 : vector<16xf32>
          %add3A_684 = arith.addf %mul3A_679, %mul3A_683 : vector<16xf32>
          %add3A_685 = arith.constant 1 : i32
          %add3A_686 = arith.addi %add3A_673, %add3A_685 : i32
          %get3A_687 = arith.index_cast %add3A_686 : i32 to index
          %get3A_688 = tpu.vector_load %arg9[%get3A_687] {strides = array<i32>} : memref<2080xf32, #tpu.memory_space<vmem>>, vector<16xf32>,
          %get3A_689 = vector.shape_cast %get3A_688 : vector<16xf32> to vector<16xf32>
          %mul3A_690 = arith.mulf %get3A_689, %get3A_28 : vector<16xf32>
          %add3A_691 = arith.addf %add3A_684, %mul3A_690 : vector<16xf32>
          %swap3A_692 = arith.index_cast %add3A_673 : i32 to index
          %swap3A_693 = tpu.vector_load %arg7[%swap3A_692] {strides = array<i32>} : memref<2080xf32, #tpu.memory_space<vmem>>, vector<16xf32>,
          %swap3A_694 = vector.shape_cast %swap3A_693 : vector<16xf32> to vector<16xf32>
          %swap3A_695 = vector.shape_cast %add3A_691 : vector<16xf32> to vector<16xf32>
          tpu.vector_store %arg7[%swap3A_692], %swap3A_695 {strides = array<i32>} : memref<2080xf32, #tpu.memory_space<vmem>>, vector<16xf32>,
          %add3A_696 = arith.addf %add3A_671, %add3A_691 : vector<16xf32>
          scf.yield %add3A_696 : vector<16xf32>
        }
        %scan3A_301 = arith.constant 15 : i32
        %get3A_302 = arith.constant 1935 : index
        %get3A_303 = tpu.vector_load %arg9[%get3A_302] {strides = array<i32>} : memref<2080xf32, #tpu.memory_space<vmem>>, vector<16xf32>,
        %get3A_304 = vector.shape_cast %get3A_303 : vector<16xf32> to vector<16xf32>
        %mul3A_305 = arith.mulf %get3A_304, %get3A_22 : vector<16xf32>
        %get3A_306 = arith.constant 1936 : index
        %get3A_307 = tpu.vector_load %arg9[%get3A_306] {strides = array<i32>} : memref<2080xf32, #tpu.memory_space<vmem>>, vector<16xf32>,
        %get3A_308 = vector.shape_cast %get3A_307 : vector<16xf32> to vector<16xf32>
        %mul3A_309 = arith.mulf %get3A_308, %get3A_25 : vector<16xf32>
        %add3A_310 = arith.addf %mul3A_305, %mul3A_309 : vector<16xf32>
        %get3A_311 = arith.constant 1937 : index
        %get3A_312 = tpu.vector_load %arg9[%get3A_311] {strides = array<i32>} : memref<2080xf32, #tpu.memory_space<vmem>>, vector<16xf32>,
        %get3A_313 = vector.shape_cast %get3A_312 : vector<16xf32> to vector<16xf32>
        %mul3A_314 = arith.mulf %get3A_313, %get3A_28 : vector<16xf32>
        %add3A_315 = arith.addf %add3A_310, %mul3A_314 : vector<16xf32>
        %swap3A_316 = arith.constant 1936 : index
        %swap3A_317 = tpu.vector_load %arg7[%swap3A_316] {strides = array<i32>} : memref<2080xf32, #tpu.memory_space<vmem>>, vector<16xf32>,
        %swap3A_318 = vector.shape_cast %swap3A_317 : vector<16xf32> to vector<16xf32>
        %swap3A_319 = vector.shape_cast %add3A_315 : vector<16xf32> to vector<16xf32>
        tpu.vector_store %arg7[%swap3A_316], %swap3A_319 {strides = array<i32>} : memref<2080xf32, #tpu.memory_space<vmem>>, vector<16xf32>,
        %add3A_320 = arith.addf %scan3A_300, %add3A_315 : vector<16xf32>
        %get3A_321 = arith.constant 1951 : index
        %get3A_322 = tpu.vector_load %arg9[%get3A_321] {strides = array<i32>} : memref<2080xf32, #tpu.memory_space<vmem>>, vector<16xf32>,
        %get3A_323 = vector.shape_cast %get3A_322 : vector<16xf32> to vector<16xf32>
        %mul3A_324 = arith.mulf %get3A_323, %get3A_22 : vector<16xf32>
        %get3A_325 = arith.constant 1952 : index
        %get3A_326 = tpu.vector_load %arg9[%get3A_325] {strides = array<i32>} : memref<2080xf32, #tpu.memory_space<vmem>>, vector<16xf32>,
        %get3A_327 = vector.shape_cast %get3A_326 : vector<16xf32> to vector<16xf32>
        %mul3A_328 = arith.mulf %get3A_327, %get3A_25 : vector<16xf32>
        %add3A_329 = arith.addf %mul3A_324, %mul3A_328 : vector<16xf32>
        %get3A_330 = arith.constant 1953 : index
        %get3A_331 = tpu.vector_load %arg9[%get3A_330] {strides = array<i32>} : memref<2080xf32, #tpu.memory_space<vmem>>, vector<16xf32>,
        %get3A_332 = vector.shape_cast %get3A_331 : vector<16xf32> to vector<16xf32>
        %mul3A_333 = arith.mulf %get3A_332, %get3A_28 : vector<16xf32>
        %add3A_334 = arith.addf %add3A_329, %mul3A_333 : vector<16xf32>
        %swap3A_335 = arith.constant 1952 : index
        %swap3A_336 = tpu.vector_load %arg7[%swap3A_335] {strides = array<i32>} : memref<2080xf32, #tpu.memory_space<vmem>>, vector<16xf32>,
        %swap3A_337 = vector.shape_cast %swap3A_336 : vector<16xf32> to vector<16xf32>
        %swap3A_338 = vector.shape_cast %add3A_334 : vector<16xf32> to vector<16xf32>
        tpu.vector_store %arg7[%swap3A_335], %swap3A_338 {strides = array<i32>} : memref<2080xf32, #tpu.memory_space<vmem>>, vector<16xf32>,
        %add3A_339 = arith.addf %add3A_320, %add3A_334 : vector<16xf32>
        %get3A_340 = arith.constant 1967 : index
        %get3A_341 = tpu.vector_load %arg9[%get3A_340] {strides = array<i32>} : memref<2080xf32, #tpu.memory_space<vmem>>, vector<16xf32>,
        %get3A_342 = vector.shape_cast %get3A_341 : vector<16xf32> to vector<16xf32>
        %mul3A_343 = arith.mulf %get3A_342, %get3A_22 : vector<16xf32>
        %get3A_344 = arith.constant 1968 : index
        %get3A_345 = tpu.vector_load %arg9[%get3A_344] {strides = array<i32>} : memref<2080xf32, #tpu.memory_space<vmem>>, vector<16xf32>,
        %get3A_346 = vector.shape_cast %get3A_345 : vector<16xf32> to vector<16xf32>
        %mul3A_347 = arith.mulf %get3A_346, %get3A_25 : vector<16xf32>
        %add3A_348 = arith.addf %mul3A_343, %mul3A_347 : vector<16xf32>
        %get3A_349 = arith.constant 1969 : index
        %get3A_350 = tpu.vector_load %arg9[%get3A_349] {strides = array<i32>} : memref<2080xf32, #tpu.memory_space<vmem>>, vector<16xf32>,
        %get3A_351 = vector.shape_cast %get3A_350 : vector<16xf32> to vector<16xf32>
        %mul3A_352 = arith.mulf %get3A_351, %get3A_28 : vector<16xf32>
        %add3A_353 = arith.addf %add3A_348, %mul3A_352 : vector<16xf32>
        %swap3A_354 = arith.constant 1968 : index
        %swap3A_355 = tpu.vector_load %arg7[%swap3A_354] {strides = array<i32>} : memref<2080xf32, #tpu.memory_space<vmem>>, vector<16xf32>,
        %swap3A_356 = vector.shape_cast %swap3A_355 : vector<16xf32> to vector<16xf32>
        %swap3A_357 = vector.shape_cast %add3A_353 : vector<16xf32> to vector<16xf32>
        tpu.vector_store %arg7[%swap3A_354], %swap3A_357 {strides = array<i32>} : memref<2080xf32, #tpu.memory_space<vmem>>, vector<16xf32>,
        %add3A_358 = arith.addf %add3A_339, %add3A_353 : vector<16xf32>
        %get3A_359 = arith.constant 1983 : index
        %get3A_360 = tpu.vector_load %arg9[%get3A_359] {strides = array<i32>} : memref<2080xf32, #tpu.memory_space<vmem>>, vector<16xf32>,
        %get3A_361 = vector.shape_cast %get3A_360 : vector<16xf32> to vector<16xf32>
        %mul3A_362 = arith.mulf %get3A_361, %get3A_22 : vector<16xf32>
        %get3A_363 = arith.constant 1984 : index
        %get3A_364 = tpu.vector_load %arg9[%get3A_363] {strides = array<i32>} : memref<2080xf32, #tpu.memory_space<vmem>>, vector<16xf32>,
        %get3A_365 = vector.shape_cast %get3A_364 : vector<16xf32> to vector<16xf32>
        %mul3A_366 = arith.mulf %get3A_365, %get3A_25 : vector<16xf32>
        %add3A_367 = arith.addf %mul3A_362, %mul3A_366 : vector<16xf32>
        %get3A_368 = arith.constant 1985 : index
        %get3A_369 = tpu.vector_load %arg9[%get3A_368] {strides = array<i32>} : memref<2080xf32, #tpu.memory_space<vmem>>, vector<16xf32>,
        %get3A_370 = vector.shape_cast %get3A_369 : vector<16xf32> to vector<16xf32>
        %mul3A_371 = arith.mulf %get3A_370, %get3A_28 : vector<16xf32>
        %add3A_372 = arith.addf %add3A_367, %mul3A_371 : vector<16xf32>
        %swap3A_373 = arith.constant 1984 : index
        %swap3A_374 = tpu.vector_load %arg7[%swap3A_373] {strides = array<i32>} : memref<2080xf32, #tpu.memory_space<vmem>>, vector<16xf32>,
        %swap3A_375 = vector.shape_cast %swap3A_374 : vector<16xf32> to vector<16xf32>
        %swap3A_376 = vector.shape_cast %add3A_372 : vector<16xf32> to vector<16xf32>
        tpu.vector_store %arg7[%swap3A_373], %swap3A_376 {strides = array<i32>} : memref<2080xf32, #tpu.memory_space<vmem>>, vector<16xf32>,
        %add3A_377 = arith.addf %add3A_358, %add3A_372 : vector<16xf32>
        %get3A_378 = arith.constant 1999 : index
        %get3A_379 = tpu.vector_load %arg9[%get3A_378] {strides = array<i32>} : memref<2080xf32, #tpu.memory_space<vmem>>, vector<16xf32>,
        %get3A_380 = vector.shape_cast %get3A_379 : vector<16xf32> to vector<16xf32>
        %mul3A_381 = arith.mulf %get3A_380, %get3A_22 : vector<16xf32>
        %get3A_382 = arith.constant 2000 : index
        %get3A_383 = tpu.vector_load %arg9[%get3A_382] {strides = array<i32>} : memref<2080xf32, #tpu.memory_space<vmem>>, vector<16xf32>,
        %get3A_384 = vector.shape_cast %get3A_383 : vector<16xf32> to vector<16xf32>
        %mul3A_385 = arith.mulf %get3A_384, %get3A_25 : vector<16xf32>
        %add3A_386 = arith.addf %mul3A_381, %mul3A_385 : vector<16xf32>
        %get3A_387 = arith.constant 2001 : index
        %get3A_388 = tpu.vector_load %arg9[%get3A_387] {strides = array<i32>} : memref<2080xf32, #tpu.memory_space<vmem>>, vector<16xf32>,
        %get3A_389 = vector.shape_cast %get3A_388 : vector<16xf32> to vector<16xf32>
        %mul3A_390 = arith.mulf %get3A_389, %get3A_28 : vector<16xf32>
        %add3A_391 = arith.addf %add3A_386, %mul3A_390 : vector<16xf32>
        %swap3A_392 = arith.constant 2000 : index
        %swap3A_393 = tpu.vector_load %arg7[%swap3A_392] {strides = array<i32>} : memref<2080xf32, #tpu.memory_space<vmem>>, vector<16xf32>,
        %swap3A_394 = vector.shape_cast %swap3A_393 : vector<16xf32> to vector<16xf32>
        %swap3A_395 = vector.shape_cast %add3A_391 : vector<16xf32> to vector<16xf32>
        tpu.vector_store %arg7[%swap3A_392], %swap3A_395 {strides = array<i32>} : memref<2080xf32, #tpu.memory_space<vmem>>, vector<16xf32>,
        %add3A_396 = arith.addf %add3A_377, %add3A_391 : vector<16xf32>
        %get3A_397 = arith.constant 2015 : index
        %get3A_398 = tpu.vector_load %arg9[%get3A_397] {strides = array<i32>} : memref<2080xf32, #tpu.memory_space<vmem>>, vector<16xf32>,
        %get3A_399 = vector.shape_cast %get3A_398 : vector<16xf32> to vector<16xf32>
        %mul3A_400 = arith.mulf %get3A_399, %get3A_22 : vector<16xf32>
        %get3A_401 = arith.constant 2016 : index
        %get3A_402 = tpu.vector_load %arg9[%get3A_401] {strides = array<i32>} : memref<2080xf32, #tpu.memory_space<vmem>>, vector<16xf32>,
        %get3A_403 = vector.shape_cast %get3A_402 : vector<16xf32> to vector<16xf32>
        %mul3A_404 = arith.mulf %get3A_403, %get3A_25 : vector<16xf32>
        %add3A_405 = arith.addf %mul3A_400, %mul3A_404 : vector<16xf32>
        %get3A_406 = arith.constant 2017 : index
        %get3A_407 = tpu.vector_load %arg9[%get3A_406] {strides = array<i32>} : memref<2080xf32, #tpu.memory_space<vmem>>, vector<16xf32>,
        %get3A_408 = vector.shape_cast %get3A_407 : vector<16xf32> to vector<16xf32>
        %mul3A_409 = arith.mulf %get3A_408, %get3A_28 : vector<16xf32>
        %add3A_410 = arith.addf %add3A_405, %mul3A_409 : vector<16xf32>
        %swap3A_411 = arith.constant 2016 : index
        %swap3A_412 = tpu.vector_load %arg7[%swap3A_411] {strides = array<i32>} : memref<2080xf32, #tpu.memory_space<vmem>>, vector<16xf32>,
        %swap3A_413 = vector.shape_cast %swap3A_412 : vector<16xf32> to vector<16xf32>
        %swap3A_414 = vector.shape_cast %add3A_410 : vector<16xf32> to vector<16xf32>
        tpu.vector_store %arg7[%swap3A_411], %swap3A_414 {strides = array<i32>} : memref<2080xf32, #tpu.memory_space<vmem>>, vector<16xf32>,
        %add3A_415 = arith.addf %add3A_396, %add3A_410 : vector<16xf32>
        %get3A_416 = arith.constant 2031 : index
        %get3A_417 = tpu.vector_load %arg9[%get3A_416] {strides = array<i32>} : memref<2080xf32, #tpu.memory_space<vmem>>, vector<16xf32>,
        %get3A_418 = vector.shape_cast %get3A_417 : vector<16xf32> to vector<16xf32>
        %mul3A_419 = arith.mulf %get3A_418, %get3A_22 : vector<16xf32>
        %get3A_420 = arith.constant 2032 : index
        %get3A_421 = tpu.vector_load %arg9[%get3A_420] {strides = array<i32>} : memref<2080xf32, #tpu.memory_space<vmem>>, vector<16xf32>,
        %get3A_422 = vector.shape_cast %get3A_421 : vector<16xf32> to vector<16xf32>
        %mul3A_423 = arith.mulf %get3A_422, %get3A_25 : vector<16xf32>
        %add3A_424 = arith.addf %mul3A_419, %mul3A_423 : vector<16xf32>
        %get3A_425 = arith.constant 2033 : index
        %get3A_426 = tpu.vector_load %arg9[%get3A_425] {strides = array<i32>} : memref<2080xf32, #tpu.memory_space<vmem>>, vector<16xf32>,
        %get3A_427 = vector.shape_cast %get3A_426 : vector<16xf32> to vector<16xf32>
        %mul3A_428 = arith.mulf %get3A_427, %get3A_28 : vector<16xf32>
        %add3A_429 = arith.addf %add3A_424, %mul3A_428 : vector<16xf32>
        %swap3A_430 = arith.constant 2032 : index
        %swap3A_431 = tpu.vector_load %arg7[%swap3A_430] {strides = array<i32>} : memref<2080xf32, #tpu.memory_space<vmem>>, vector<16xf32>,
        %swap3A_432 = vector.shape_cast %swap3A_431 : vector<16xf32> to vector<16xf32>
        %swap3A_433 = vector.shape_cast %add3A_429 : vector<16xf32> to vector<16xf32>
        tpu.vector_store %arg7[%swap3A_430], %swap3A_433 {strides = array<i32>} : memref<2080xf32, #tpu.memory_space<vmem>>, vector<16xf32>,
        %add3A_434 = arith.addf %add3A_415, %add3A_429 : vector<16xf32>
        %get3A_435 = arith.constant 2047 : index
        %get3A_436 = tpu.vector_load %arg9[%get3A_435] {strides = array<i32>} : memref<2080xf32, #tpu.memory_space<vmem>>, vector<16xf32>,
        %get3A_437 = vector.shape_cast %get3A_436 : vector<16xf32> to vector<16xf32>
        %mul3A_438 = arith.mulf %get3A_437, %get3A_22 : vector<16xf32>
        %get3A_439 = arith.constant 2048 : index
        %get3A_440 = tpu.vector_load %arg9[%get3A_439] {strides = array<i32>} : memref<2080xf32, #tpu.memory_space<vmem>>, vector<16xf32>,
        %get3A_441 = vector.shape_cast %get3A_440 : vector<16xf32> to vector<16xf32>
        %mul3A_442 = arith.mulf %get3A_441, %get3A_25 : vector<16xf32>
        %add3A_443 = arith.addf %mul3A_438, %mul3A_442 : vector<16xf32>
        %get3A_444 = arith.constant 2049 : index
        %get3A_445 = tpu.vector_load %arg9[%get3A_444] {strides = array<i32>} : memref<2080xf32, #tpu.memory_space<vmem>>, vector<16xf32>,
        %get3A_446 = vector.shape_cast %get3A_445 : vector<16xf32> to vector<16xf32>
        %mul3A_447 = arith.mulf %get3A_446, %get3A_28 : vector<16xf32>
        %add3A_448 = arith.addf %add3A_443, %mul3A_447 : vector<16xf32>
        %mul3A_449 = arith.mulf %add3A_448, %get3A_31 : vector<16xf32>
        %swap3A_450 = arith.constant 2048 : index
        %swap3A_451 = tpu.vector_load %arg7[%swap3A_450] {strides = array<i32>} : memref<2080xf32, #tpu.memory_space<vmem>>, vector<16xf32>,
        %swap3A_452 = vector.shape_cast %swap3A_451 : vector<16xf32> to vector<16xf32>
        %swap3A_453 = vector.shape_cast %mul3A_449 : vector<16xf32> to vector<16xf32>
        tpu.vector_store %arg7[%swap3A_450], %swap3A_453 {strides = array<i32>} : memref<2080xf32, #tpu.memory_space<vmem>>, vector<16xf32>,
        %add3A_454 = arith.addf %add3A_434, %mul3A_449 : vector<16xf32>
        %swap3A_455 = arith.constant 16 : index
        %swap3A_456 = tpu.vector_load %arg13[%swap3A_455] {strides = array<i32>} : memref<48xf32, #tpu.memory_space<vmem>>, vector<16xf32>,
        %swap3A_457 = vector.shape_cast %swap3A_456 : vector<16xf32> to vector<16xf32>
        %swap3A_458 = vector.shape_cast %add3A_454 : vector<16xf32> to vector<16xf32>
        tpu.vector_store %arg13[%swap3A_455], %swap3A_458 {strides = array<i32>} : memref<48xf32, #tpu.memory_space<vmem>>, vector<16xf32>,
        %get3A_459 = arith.constant 24 : index
        %get3A_460 = tpu.vector_load %arg13[%get3A_459] {strides = array<i32>} : memref<48xf32, #tpu.memory_space<vmem>>, vector<16xf32>,
        %get3A_461 = vector.shape_cast %get3A_460 : vector<16xf32> to vector<16xf32>
        %add3A_462 = arith.addf %add3A_454, %get3A_461 : vector<16xf32>
        %swap3A_463 = arith.constant 16 : index
        %swap3A_464 = tpu.vector_load %arg13[%swap3A_463] {strides = array<i32>} : memref<48xf32, #tpu.memory_space<vmem>>, vector<16xf32>,
        %swap3A_465 = vector.shape_cast %swap3A_464 : vector<16xf32> to vector<16xf32>
        %swap3A_466 = vector.shape_cast %add3A_462 : vector<16xf32> to vector<16xf32>
        tpu.vector_store %arg13[%swap3A_463], %swap3A_466 {strides = array<i32>} : memref<48xf32, #tpu.memory_space<vmem>>, vector<16xf32>,
        %get3A_467 = arith.constant 20 : index
        %get3A_468 = tpu.vector_load %arg13[%get3A_467] {strides = array<i32>} : memref<48xf32, #tpu.memory_space<vmem>>, vector<16xf32>,
        %get3A_469 = vector.shape_cast %get3A_468 : vector<16xf32> to vector<16xf32>
        %add3A_470 = arith.addf %add3A_462, %get3A_469 : vector<16xf32>
        %swap3A_471 = arith.constant 16 : index
        %swap3A_472 = tpu.vector_load %arg13[%swap3A_471] {strides = array<i32>} : memref<48xf32, #tpu.memory_space<vmem>>, vector<16xf32>,
        %swap3A_473 = vector.shape_cast %swap3A_472 : vector<16xf32> to vector<16xf32>
        %swap3A_474 = vector.shape_cast %add3A_470 : vector<16xf32> to vector<16xf32>
        tpu.vector_store %arg13[%swap3A_471], %swap3A_474 {strides = array<i32>} : memref<48xf32, #tpu.memory_space<vmem>>, vector<16xf32>,
        %get3A_475 = arith.constant 18 : index
        %get3A_476 = tpu.vector_load %arg13[%get3A_475] {strides = array<i32>} : memref<48xf32, #tpu.memory_space<vmem>>, vector<16xf32>,
        %get3A_477 = vector.shape_cast %get3A_476 : vector<16xf32> to vector<16xf32>
        %add3A_478 = arith.addf %add3A_470, %get3A_477 : vector<16xf32>
        %swap3A_479 = arith.constant 16 : index
        %swap3A_480 = tpu.vector_load %arg13[%swap3A_479] {strides = array<i32>} : memref<48xf32, #tpu.memory_space<vmem>>, vector<16xf32>,
        %swap3A_481 = vector.shape_cast %swap3A_480 : vector<16xf32> to vector<16xf32>
        %swap3A_482 = vector.shape_cast %add3A_478 : vector<16xf32> to vector<16xf32>
        tpu.vector_store %arg13[%swap3A_479], %swap3A_482 {strides = array<i32>} : memref<48xf32, #tpu.memory_space<vmem>>, vector<16xf32>,
        %get3A_483 = arith.constant 17 : index
        %get3A_484 = tpu.vector_load %arg13[%get3A_483] {strides = array<i32>} : memref<48xf32, #tpu.memory_space<vmem>>, vector<16xf32>,
        %get3A_485 = vector.shape_cast %get3A_484 : vector<16xf32> to vector<16xf32>
        %add3A_486 = arith.addf %add3A_478, %get3A_485 : vector<16xf32>
        %slice3A_487 = vector.extract_strided_slice %add3A_486 {offsets = [0], sizes = [1], strides = [1]} : vector<16xf32> to vector<1xf32>
        %squeeze3A_488 = vector.extract %slice3A_487[0] : f32 from vector<1xf32>
        %broadcast_in_dim3A_489 = vector.broadcast %squeeze3A_488 : f32 to vector<16xf32>
        %mul3A_490 = arith.mulf %mul3A_289, %broadcast_in_dim3A_489 : vector<16xf32>
        scf.yield %broadcast_in_dim3A_489, %mul3A_490 : vector<16xf32>, vector<16xf32>
      }
      %jit3A_64 = arith.constant 2 : i32
      %eq3A_65 = arith.constant 0 : i32
      %eq3A_66 = arith.cmpi eq, %jit3A_64, %eq3A_65 : i32
      %jit3A_67 = arith.constant 1 : i32
      %select_n3A_68 = arith.select %eq3A_66, %jit3A_67, %jit3A_64 : i32
      %rem3A_69 = arith.remsi %squeeze3A, %select_n3A_68 : i32
      %ne3A_70 = arith.constant 0 : i32
      %ne3A_71 = arith.cmpi ne, %rem3A_69, %ne3A_70 : i32
      %lt3A = arith.constant 0 : i32
      %lt3A_72 = arith.cmpi slt, %rem3A_69, %lt3A : i32
      %lt3A_73 = arith.constant 0 : i32
      %lt3A_74 = arith.cmpi slt, %select_n3A_68, %lt3A_73 : i32
      %ne3A_75 = arith.xori %lt3A_72, %lt3A_74 : i1
      %and3A_76 = arith.andi %ne3A_75, %ne3A_71 : i1
      %add3A = arith.addi %rem3A_69, %select_n3A_68 : i32
      %select_n3A_77 = arith.select %and3A_76, %add3A, %rem3A_69 : i32
      %eq3A_78 = arith.constant 1 : i32
      %eq3A_79 = arith.cmpi eq, %select_n3A_77, %eq3A_78 : i32
      %convert_element_type3A_80 = arith.extui %eq3A_79 : i1 to i32
      %cond3A_81 = arith.constant 0 : i32
      %cond3A_82 = arith.cmpi ne, %convert_element_type3A_80, %cond3A_81 : i32
      scf.if %cond3A_82 {
        %scan3A_87 = arith.constant 0 : i32
        %scan3A_88 = arith.constant 0 : i32
        %scan3A_89 = arith.constant 16 : i32
        %scan3A_90 = arith.addi %scan3A_88, %scan3A_89 : i32
        %scan3A_91 = arith.constant 1 : i32
        scf.for %scan3A_298 = %scan3A_88 to %scan3A_90 step %scan3A_91  : i32 {
          %mul3A_299 = arith.constant 128 : i32
          %mul3A_300 = arith.muli %scan3A_298, %mul3A_299 : i32
          %add3A_301 = arith.constant 16 : i32
          %add3A_302 = arith.addi %add3A_301, %mul3A_300 : i32
          %add3A_303 = arith.constant 0 : i32
          %add3A_304 = arith.addi %add3A_302, %add3A_303 : i32
          %get3A_305 = arith.index_cast %add3A_304 : i32 to index
          %get3A_306 = tpu.vector_load %arg7[%get3A_305] {strides = array<i32>} : memref<2080xf32, #tpu.memory_space<vmem>>, vector<16xf32>,
          %get3A_307 = vector.shape_cast %get3A_306 : vector<16xf32> to vector<16xf32>
          %div3A_308 = arith.divf %get3A_307, %while3A_63#0 : vector<16xf32>
          %mul3A_309 = arith.constant 6.553700e+04 : f32
          %mul3A_310 = vector.broadcast %mul3A_309 : f32 to vector<16xf32>
          %mul3A_311 = arith.mulf %div3A_308, %mul3A_310 : vector<16xf32>
          %sub3A_312 = arith.subf %mul3A_311, %div3A_308 : vector<16xf32>
          %sub3A_313 = arith.subf %mul3A_311, %sub3A_312 : vector<16xf32>
          %swap3A_314 = arith.index_cast %add3A_304 : i32 to index
          %swap3A_315 = tpu.vector_load %arg9[%swap3A_314] {strides = array<i32>} : memref<2080xf32, #tpu.memory_space<vmem>>, vector<16xf32>,
          %swap3A_316 = vector.shape_cast %swap3A_315 : vector<16xf32> to vector<16xf32>
          %swap3A_317 = vector.shape_cast %sub3A_313 : vector<16xf32> to vector<16xf32>
          tpu.vector_store %arg9[%swap3A_314], %swap3A_317 {strides = array<i32>} : memref<2080xf32, #tpu.memory_space<vmem>>, vector<16xf32>,
          %add3A_318 = arith.constant 16 : i32
          %add3A_319 = arith.addi %add3A_302, %add3A_318 : i32
          %get3A_320 = arith.index_cast %add3A_319 : i32 to index
          %get3A_321 = tpu.vector_load %arg7[%get3A_320] {strides = array<i32>} : memref<2080xf32, #tpu.memory_space<vmem>>, vector<16xf32>,
          %get3A_322 = vector.shape_cast %get3A_321 : vector<16xf32> to vector<16xf32>
          %div3A_323 = arith.divf %get3A_322, %while3A_63#0 : vector<16xf32>
          %mul3A_324 = arith.constant 6.553700e+04 : f32
          %mul3A_325 = vector.broadcast %mul3A_324 : f32 to vector<16xf32>
          %mul3A_326 = arith.mulf %div3A_323, %mul3A_325 : vector<16xf32>
          %sub3A_327 = arith.subf %mul3A_326, %div3A_323 : vector<16xf32>
          %sub3A_328 = arith.subf %mul3A_326, %sub3A_327 : vector<16xf32>
          %swap3A_329 = arith.index_cast %add3A_319 : i32 to index
          %swap3A_330 = tpu.vector_load %arg9[%swap3A_329] {strides = array<i32>} : memref<2080xf32, #tpu.memory_space<vmem>>, vector<16xf32>,
          %swap3A_331 = vector.shape_cast %swap3A_330 : vector<16xf32> to vector<16xf32>
          %swap3A_332 = vector.shape_cast %sub3A_328 : vector<16xf32> to vector<16xf32>
          tpu.vector_store %arg9[%swap3A_329], %swap3A_332 {strides = array<i32>} : memref<2080xf32, #tpu.memory_space<vmem>>, vector<16xf32>,
          %add3A_333 = arith.constant 32 : i32
          %add3A_334 = arith.addi %add3A_302, %add3A_333 : i32
          %get3A_335 = arith.index_cast %add3A_334 : i32 to index
          %get3A_336 = tpu.vector_load %arg7[%get3A_335] {strides = array<i32>} : memref<2080xf32, #tpu.memory_space<vmem>>, vector<16xf32>,
          %get3A_337 = vector.shape_cast %get3A_336 : vector<16xf32> to vector<16xf32>
          %div3A_338 = arith.divf %get3A_337, %while3A_63#0 : vector<16xf32>
          %mul3A_339 = arith.constant 6.553700e+04 : f32
          %mul3A_340 = vector.broadcast %mul3A_339 : f32 to vector<16xf32>
          %mul3A_341 = arith.mulf %div3A_338, %mul3A_340 : vector<16xf32>
          %sub3A_342 = arith.subf %mul3A_341, %div3A_338 : vector<16xf32>
          %sub3A_343 = arith.subf %mul3A_341, %sub3A_342 : vector<16xf32>
          %swap3A_344 = arith.index_cast %add3A_334 : i32 to index
          %swap3A_345 = tpu.vector_load %arg9[%swap3A_344] {strides = array<i32>} : memref<2080xf32, #tpu.memory_space<vmem>>, vector<16xf32>,
          %swap3A_346 = vector.shape_cast %swap3A_345 : vector<16xf32> to vector<16xf32>
          %swap3A_347 = vector.shape_cast %sub3A_343 : vector<16xf32> to vector<16xf32>
          tpu.vector_store %arg9[%swap3A_344], %swap3A_347 {strides = array<i32>} : memref<2080xf32, #tpu.memory_space<vmem>>, vector<16xf32>,
          %add3A_348 = arith.constant 48 : i32
          %add3A_349 = arith.addi %add3A_302, %add3A_348 : i32
          %get3A_350 = arith.index_cast %add3A_349 : i32 to index
          %get3A_351 = tpu.vector_load %arg7[%get3A_350] {strides = array<i32>} : memref<2080xf32, #tpu.memory_space<vmem>>, vector<16xf32>,
          %get3A_352 = vector.shape_cast %get3A_351 : vector<16xf32> to vector<16xf32>
          %div3A_353 = arith.divf %get3A_352, %while3A_63#0 : vector<16xf32>
          %mul3A_354 = arith.constant 6.553700e+04 : f32
          %mul3A_355 = vector.broadcast %mul3A_354 : f32 to vector<16xf32>
          %mul3A_356 = arith.mulf %div3A_353, %mul3A_355 : vector<16xf32>
          %sub3A_357 = arith.subf %mul3A_356, %div3A_353 : vector<16xf32>
          %sub3A_358 = arith.subf %mul3A_356, %sub3A_357 : vector<16xf32>
          %swap3A_359 = arith.index_cast %add3A_349 : i32 to index
          %swap3A_360 = tpu.vector_load %arg9[%swap3A_359] {strides = array<i32>} : memref<2080xf32, #tpu.memory_space<vmem>>, vector<16xf32>,
          %swap3A_361 = vector.shape_cast %swap3A_360 : vector<16xf32> to vector<16xf32>
          %swap3A_362 = vector.shape_cast %sub3A_358 : vector<16xf32> to vector<16xf32>
          tpu.vector_store %arg9[%swap3A_359], %swap3A_362 {strides = array<i32>} : memref<2080xf32, #tpu.memory_space<vmem>>, vector<16xf32>,
          %add3A_363 = arith.constant 64 : i32
          %add3A_364 = arith.addi %add3A_302, %add3A_363 : i32
          %get3A_365 = arith.index_cast %add3A_364 : i32 to index
          %get3A_366 = tpu.vector_load %arg7[%get3A_365] {strides = array<i32>} : memref<2080xf32, #tpu.memory_space<vmem>>, vector<16xf32>,
          %get3A_367 = vector.shape_cast %get3A_366 : vector<16xf32> to vector<16xf32>
          %div3A_368 = arith.divf %get3A_367, %while3A_63#0 : vector<16xf32>
          %mul3A_369 = arith.constant 6.553700e+04 : f32
          %mul3A_370 = vector.broadcast %mul3A_369 : f32 to vector<16xf32>
          %mul3A_371 = arith.mulf %div3A_368, %mul3A_370 : vector<16xf32>
          %sub3A_372 = arith.subf %mul3A_371, %div3A_368 : vector<16xf32>
          %sub3A_373 = arith.subf %mul3A_371, %sub3A_372 : vector<16xf32>
          %swap3A_374 = arith.index_cast %add3A_364 : i32 to index
          %swap3A_375 = tpu.vector_load %arg9[%swap3A_374] {strides = array<i32>} : memref<2080xf32, #tpu.memory_space<vmem>>, vector<16xf32>,
          %swap3A_376 = vector.shape_cast %swap3A_375 : vector<16xf32> to vector<16xf32>
          %swap3A_377 = vector.shape_cast %sub3A_373 : vector<16xf32> to vector<16xf32>
          tpu.vector_store %arg9[%swap3A_374], %swap3A_377 {strides = array<i32>} : memref<2080xf32, #tpu.memory_space<vmem>>, vector<16xf32>,
          %add3A_378 = arith.constant 80 : i32
          %add3A_379 = arith.addi %add3A_302, %add3A_378 : i32
          %get3A_380 = arith.index_cast %add3A_379 : i32 to index
          %get3A_381 = tpu.vector_load %arg7[%get3A_380] {strides = array<i32>} : memref<2080xf32, #tpu.memory_space<vmem>>, vector<16xf32>,
          %get3A_382 = vector.shape_cast %get3A_381 : vector<16xf32> to vector<16xf32>
          %div3A_383 = arith.divf %get3A_382, %while3A_63#0 : vector<16xf32>
          %mul3A_384 = arith.constant 6.553700e+04 : f32
          %mul3A_385 = vector.broadcast %mul3A_384 : f32 to vector<16xf32>
          %mul3A_386 = arith.mulf %div3A_383, %mul3A_385 : vector<16xf32>
          %sub3A_387 = arith.subf %mul3A_386, %div3A_383 : vector<16xf32>
          %sub3A_388 = arith.subf %mul3A_386, %sub3A_387 : vector<16xf32>
          %swap3A_389 = arith.index_cast %add3A_379 : i32 to index
          %swap3A_390 = tpu.vector_load %arg9[%swap3A_389] {strides = array<i32>} : memref<2080xf32, #tpu.memory_space<vmem>>, vector<16xf32>,
          %swap3A_391 = vector.shape_cast %swap3A_390 : vector<16xf32> to vector<16xf32>
          %swap3A_392 = vector.shape_cast %sub3A_388 : vector<16xf32> to vector<16xf32>
          tpu.vector_store %arg9[%swap3A_389], %swap3A_392 {strides = array<i32>} : memref<2080xf32, #tpu.memory_space<vmem>>, vector<16xf32>,
          %add3A_393 = arith.constant 96 : i32
          %add3A_394 = arith.addi %add3A_302, %add3A_393 : i32
          %get3A_395 = arith.index_cast %add3A_394 : i32 to index
          %get3A_396 = tpu.vector_load %arg7[%get3A_395] {strides = array<i32>} : memref<2080xf32, #tpu.memory_space<vmem>>, vector<16xf32>,
          %get3A_397 = vector.shape_cast %get3A_396 : vector<16xf32> to vector<16xf32>
          %div3A_398 = arith.divf %get3A_397, %while3A_63#0 : vector<16xf32>
          %mul3A_399 = arith.constant 6.553700e+04 : f32
          %mul3A_400 = vector.broadcast %mul3A_399 : f32 to vector<16xf32>
          %mul3A_401 = arith.mulf %div3A_398, %mul3A_400 : vector<16xf32>
          %sub3A_402 = arith.subf %mul3A_401, %div3A_398 : vector<16xf32>
          %sub3A_403 = arith.subf %mul3A_401, %sub3A_402 : vector<16xf32>
          %swap3A_404 = arith.index_cast %add3A_394 : i32 to index
          %swap3A_405 = tpu.vector_load %arg9[%swap3A_404] {strides = array<i32>} : memref<2080xf32, #tpu.memory_space<vmem>>, vector<16xf32>,
          %swap3A_406 = vector.shape_cast %swap3A_405 : vector<16xf32> to vector<16xf32>
          %swap3A_407 = vector.shape_cast %sub3A_403 : vector<16xf32> to vector<16xf32>
          tpu.vector_store %arg9[%swap3A_404], %swap3A_407 {strides = array<i32>} : memref<2080xf32, #tpu.memory_space<vmem>>, vector<16xf32>,
          %add3A_408 = arith.constant 112 : i32
          %add3A_409 = arith.addi %add3A_302, %add3A_408 : i32
          %get3A_410 = arith.index_cast %add3A_409 : i32 to index
          %get3A_411 = tpu.vector_load %arg7[%get3A_410] {strides = array<i32>} : memref<2080xf32, #tpu.memory_space<vmem>>, vector<16xf32>,
          %get3A_412 = vector.shape_cast %get3A_411 : vector<16xf32> to vector<16xf32>
          %div3A_413 = arith.divf %get3A_412, %while3A_63#0 : vector<16xf32>
          %mul3A_414 = arith.constant 6.553700e+04 : f32
          %mul3A_415 = vector.broadcast %mul3A_414 : f32 to vector<16xf32>
          %mul3A_416 = arith.mulf %div3A_413, %mul3A_415 : vector<16xf32>
          %sub3A_417 = arith.subf %mul3A_416, %div3A_413 : vector<16xf32>
          %sub3A_418 = arith.subf %mul3A_416, %sub3A_417 : vector<16xf32>
          %swap3A_419 = arith.index_cast %add3A_409 : i32 to index
          %swap3A_420 = tpu.vector_load %arg9[%swap3A_419] {strides = array<i32>} : memref<2080xf32, #tpu.memory_space<vmem>>, vector<16xf32>,
          %swap3A_421 = vector.shape_cast %swap3A_420 : vector<16xf32> to vector<16xf32>
          %swap3A_422 = vector.shape_cast %sub3A_418 : vector<16xf32> to vector<16xf32>
          tpu.vector_store %arg9[%swap3A_419], %swap3A_422 {strides = array<i32>} : memref<2080xf32, #tpu.memory_space<vmem>>, vector<16xf32>,
        }
        %scan3A_92 = arith.constant 16 : i32
        %scan3A_93 = arith.constant 0 : i32
        %scan3A_94 = arith.constant 15 : i32
        %scan3A_95 = arith.addi %scan3A_93, %scan3A_94 : i32
        %scan3A_96 = arith.constant 1 : i32
        %scan3A_97 = scf.for %scan3A_298 = %scan3A_93 to %scan3A_95 step %scan3A_96 iter_args(%scan3A_299 = %broadcast_in_dim3A_4) -> (vector<16xf32>)  : i32 {
          %mul3A_300 = arith.constant 128 : i32
          %mul3A_301 = arith.muli %scan3A_298, %mul3A_300 : i32
          %add3A_302 = arith.constant 16 : i32
          %add3A_303 = arith.addi %add3A_302, %mul3A_301 : i32
          %add3A_304 = arith.constant 0 : i32
          %add3A_305 = arith.addi %add3A_303, %add3A_304 : i32
          %sub3A_306 = arith.constant 1 : i32
          %sub3A_307 = arith.subi %add3A_305, %sub3A_306 : i32
          %get3A_308 = arith.index_cast %sub3A_307 : i32 to index
          %get3A_309 = tpu.vector_load %arg9[%get3A_308] {strides = array<i32>} : memref<2080xf32, #tpu.memory_space<vmem>>, vector<16xf32>,
          %get3A_310 = vector.shape_cast %get3A_309 : vector<16xf32> to vector<16xf32>
          %mul3A_311 = arith.mulf %get3A_310, %get3A_22 : vector<16xf32>
          %get3A_312 = arith.index_cast %add3A_305 : i32 to index
          %get3A_313 = tpu.vector_load %arg9[%get3A_312] {strides = array<i32>} : memref<2080xf32, #tpu.memory_space<vmem>>, vector<16xf32>,
          %get3A_314 = vector.shape_cast %get3A_313 : vector<16xf32> to vector<16xf32>
          %mul3A_315 = arith.mulf %get3A_314, %get3A_25 : vector<16xf32>
          %add3A_316 = arith.addf %mul3A_311, %mul3A_315 : vector<16xf32>
          %add3A_317 = arith.constant 1 : i32
          %add3A_318 = arith.addi %add3A_305, %add3A_317 : i32
          %get3A_319 = arith.index_cast %add3A_318 : i32 to index
          %get3A_320 = tpu.vector_load %arg9[%get3A_319] {strides = array<i32>} : memref<2080xf32, #tpu.memory_space<vmem>>, vector<16xf32>,
          %get3A_321 = vector.shape_cast %get3A_320 : vector<16xf32> to vector<16xf32>
          %mul3A_322 = arith.mulf %get3A_321, %get3A_28 : vector<16xf32>
          %add3A_323 = arith.addf %add3A_316, %mul3A_322 : vector<16xf32>
          %swap3A_324 = arith.index_cast %add3A_305 : i32 to index
          %swap3A_325 = tpu.vector_load %arg8[%swap3A_324] {strides = array<i32>} : memref<2080xf32, #tpu.memory_space<vmem>>, vector<16xf32>,
          %swap3A_326 = vector.shape_cast %swap3A_325 : vector<16xf32> to vector<16xf32>
          %swap3A_327 = vector.shape_cast %add3A_323 : vector<16xf32> to vector<16xf32>
          tpu.vector_store %arg8[%swap3A_324], %swap3A_327 {strides = array<i32>} : memref<2080xf32, #tpu.memory_space<vmem>>, vector<16xf32>,
          %add3A_328 = arith.addf %scan3A_299, %add3A_323 : vector<16xf32>
          %add3A_329 = arith.constant 16 : i32
          %add3A_330 = arith.addi %add3A_303, %add3A_329 : i32
          %sub3A_331 = arith.constant 1 : i32
          %sub3A_332 = arith.subi %add3A_330, %sub3A_331 : i32
          %get3A_333 = arith.index_cast %sub3A_332 : i32 to index
          %get3A_334 = tpu.vector_load %arg9[%get3A_333] {strides = array<i32>} : memref<2080xf32, #tpu.memory_space<vmem>>, vector<16xf32>,
          %get3A_335 = vector.shape_cast %get3A_334 : vector<16xf32> to vector<16xf32>
          %mul3A_336 = arith.mulf %get3A_335, %get3A_22 : vector<16xf32>
          %get3A_337 = arith.index_cast %add3A_330 : i32 to index
          %get3A_338 = tpu.vector_load %arg9[%get3A_337] {strides = array<i32>} : memref<2080xf32, #tpu.memory_space<vmem>>, vector<16xf32>,
          %get3A_339 = vector.shape_cast %get3A_338 : vector<16xf32> to vector<16xf32>
          %mul3A_340 = arith.mulf %get3A_339, %get3A_25 : vector<16xf32>
          %add3A_341 = arith.addf %mul3A_336, %mul3A_340 : vector<16xf32>
          %add3A_342 = arith.constant 1 : i32
          %add3A_343 = arith.addi %add3A_330, %add3A_342 : i32
          %get3A_344 = arith.index_cast %add3A_343 : i32 to index
          %get3A_345 = tpu.vector_load %arg9[%get3A_344] {strides = array<i32>} : memref<2080xf32, #tpu.memory_space<vmem>>, vector<16xf32>,
          %get3A_346 = vector.shape_cast %get3A_345 : vector<16xf32> to vector<16xf32>
          %mul3A_347 = arith.mulf %get3A_346, %get3A_28 : vector<16xf32>
          %add3A_348 = arith.addf %add3A_341, %mul3A_347 : vector<16xf32>
          %swap3A_349 = arith.index_cast %add3A_330 : i32 to index
          %swap3A_350 = tpu.vector_load %arg8[%swap3A_349] {strides = array<i32>} : memref<2080xf32, #tpu.memory_space<vmem>>, vector<16xf32>,
          %swap3A_351 = vector.shape_cast %swap3A_350 : vector<16xf32> to vector<16xf32>
          %swap3A_352 = vector.shape_cast %add3A_348 : vector<16xf32> to vector<16xf32>
          tpu.vector_store %arg8[%swap3A_349], %swap3A_352 {strides = array<i32>} : memref<2080xf32, #tpu.memory_space<vmem>>, vector<16xf32>,
          %add3A_353 = arith.addf %add3A_328, %add3A_348 : vector<16xf32>
          %add3A_354 = arith.constant 32 : i32
          %add3A_355 = arith.addi %add3A_303, %add3A_354 : i32
          %sub3A_356 = arith.constant 1 : i32
          %sub3A_357 = arith.subi %add3A_355, %sub3A_356 : i32
          %get3A_358 = arith.index_cast %sub3A_357 : i32 to index
          %get3A_359 = tpu.vector_load %arg9[%get3A_358] {strides = array<i32>} : memref<2080xf32, #tpu.memory_space<vmem>>, vector<16xf32>,
          %get3A_360 = vector.shape_cast %get3A_359 : vector<16xf32> to vector<16xf32>
          %mul3A_361 = arith.mulf %get3A_360, %get3A_22 : vector<16xf32>
          %get3A_362 = arith.index_cast %add3A_355 : i32 to index
          %get3A_363 = tpu.vector_load %arg9[%get3A_362] {strides = array<i32>} : memref<2080xf32, #tpu.memory_space<vmem>>, vector<16xf32>,
          %get3A_364 = vector.shape_cast %get3A_363 : vector<16xf32> to vector<16xf32>
          %mul3A_365 = arith.mulf %get3A_364, %get3A_25 : vector<16xf32>
          %add3A_366 = arith.addf %mul3A_361, %mul3A_365 : vector<16xf32>
          %add3A_367 = arith.constant 1 : i32
          %add3A_368 = arith.addi %add3A_355, %add3A_367 : i32
          %get3A_369 = arith.index_cast %add3A_368 : i32 to index
          %get3A_370 = tpu.vector_load %arg9[%get3A_369] {strides = array<i32>} : memref<2080xf32, #tpu.memory_space<vmem>>, vector<16xf32>,
          %get3A_371 = vector.shape_cast %get3A_370 : vector<16xf32> to vector<16xf32>
          %mul3A_372 = arith.mulf %get3A_371, %get3A_28 : vector<16xf32>
          %add3A_373 = arith.addf %add3A_366, %mul3A_372 : vector<16xf32>
          %swap3A_374 = arith.index_cast %add3A_355 : i32 to index
          %swap3A_375 = tpu.vector_load %arg8[%swap3A_374] {strides = array<i32>} : memref<2080xf32, #tpu.memory_space<vmem>>, vector<16xf32>,
          %swap3A_376 = vector.shape_cast %swap3A_375 : vector<16xf32> to vector<16xf32>
          %swap3A_377 = vector.shape_cast %add3A_373 : vector<16xf32> to vector<16xf32>
          tpu.vector_store %arg8[%swap3A_374], %swap3A_377 {strides = array<i32>} : memref<2080xf32, #tpu.memory_space<vmem>>, vector<16xf32>,
          %add3A_378 = arith.addf %add3A_353, %add3A_373 : vector<16xf32>
          %add3A_379 = arith.constant 48 : i32
          %add3A_380 = arith.addi %add3A_303, %add3A_379 : i32
          %sub3A_381 = arith.constant 1 : i32
          %sub3A_382 = arith.subi %add3A_380, %sub3A_381 : i32
          %get3A_383 = arith.index_cast %sub3A_382 : i32 to index
          %get3A_384 = tpu.vector_load %arg9[%get3A_383] {strides = array<i32>} : memref<2080xf32, #tpu.memory_space<vmem>>, vector<16xf32>,
          %get3A_385 = vector.shape_cast %get3A_384 : vector<16xf32> to vector<16xf32>
          %mul3A_386 = arith.mulf %get3A_385, %get3A_22 : vector<16xf32>
          %get3A_387 = arith.index_cast %add3A_380 : i32 to index
          %get3A_388 = tpu.vector_load %arg9[%get3A_387] {strides = array<i32>} : memref<2080xf32, #tpu.memory_space<vmem>>, vector<16xf32>,
          %get3A_389 = vector.shape_cast %get3A_388 : vector<16xf32> to vector<16xf32>
          %mul3A_390 = arith.mulf %get3A_389, %get3A_25 : vector<16xf32>
          %add3A_391 = arith.addf %mul3A_386, %mul3A_390 : vector<16xf32>
          %add3A_392 = arith.constant 1 : i32
          %add3A_393 = arith.addi %add3A_380, %add3A_392 : i32
          %get3A_394 = arith.index_cast %add3A_393 : i32 to index
          %get3A_395 = tpu.vector_load %arg9[%get3A_394] {strides = array<i32>} : memref<2080xf32, #tpu.memory_space<vmem>>, vector<16xf32>,
          %get3A_396 = vector.shape_cast %get3A_395 : vector<16xf32> to vector<16xf32>
          %mul3A_397 = arith.mulf %get3A_396, %get3A_28 : vector<16xf32>
          %add3A_398 = arith.addf %add3A_391, %mul3A_397 : vector<16xf32>
          %swap3A_399 = arith.index_cast %add3A_380 : i32 to index
          %swap3A_400 = tpu.vector_load %arg8[%swap3A_399] {strides = array<i32>} : memref<2080xf32, #tpu.memory_space<vmem>>, vector<16xf32>,
          %swap3A_401 = vector.shape_cast %swap3A_400 : vector<16xf32> to vector<16xf32>
          %swap3A_402 = vector.shape_cast %add3A_398 : vector<16xf32> to vector<16xf32>
          tpu.vector_store %arg8[%swap3A_399], %swap3A_402 {strides = array<i32>} : memref<2080xf32, #tpu.memory_space<vmem>>, vector<16xf32>,
          %add3A_403 = arith.addf %add3A_378, %add3A_398 : vector<16xf32>
          %add3A_404 = arith.constant 64 : i32
          %add3A_405 = arith.addi %add3A_303, %add3A_404 : i32
          %sub3A_406 = arith.constant 1 : i32
          %sub3A_407 = arith.subi %add3A_405, %sub3A_406 : i32
          %get3A_408 = arith.index_cast %sub3A_407 : i32 to index
          %get3A_409 = tpu.vector_load %arg9[%get3A_408] {strides = array<i32>} : memref<2080xf32, #tpu.memory_space<vmem>>, vector<16xf32>,
          %get3A_410 = vector.shape_cast %get3A_409 : vector<16xf32> to vector<16xf32>
          %mul3A_411 = arith.mulf %get3A_410, %get3A_22 : vector<16xf32>
          %get3A_412 = arith.index_cast %add3A_405 : i32 to index
          %get3A_413 = tpu.vector_load %arg9[%get3A_412] {strides = array<i32>} : memref<2080xf32, #tpu.memory_space<vmem>>, vector<16xf32>,
          %get3A_414 = vector.shape_cast %get3A_413 : vector<16xf32> to vector<16xf32>
          %mul3A_415 = arith.mulf %get3A_414, %get3A_25 : vector<16xf32>
          %add3A_416 = arith.addf %mul3A_411, %mul3A_415 : vector<16xf32>
          %add3A_417 = arith.constant 1 : i32
          %add3A_418 = arith.addi %add3A_405, %add3A_417 : i32
          %get3A_419 = arith.index_cast %add3A_418 : i32 to index
          %get3A_420 = tpu.vector_load %arg9[%get3A_419] {strides = array<i32>} : memref<2080xf32, #tpu.memory_space<vmem>>, vector<16xf32>,
          %get3A_421 = vector.shape_cast %get3A_420 : vector<16xf32> to vector<16xf32>
          %mul3A_422 = arith.mulf %get3A_421, %get3A_28 : vector<16xf32>
          %add3A_423 = arith.addf %add3A_416, %mul3A_422 : vector<16xf32>
          %swap3A_424 = arith.index_cast %add3A_405 : i32 to index
          %swap3A_425 = tpu.vector_load %arg8[%swap3A_424] {strides = array<i32>} : memref<2080xf32, #tpu.memory_space<vmem>>, vector<16xf32>,
          %swap3A_426 = vector.shape_cast %swap3A_425 : vector<16xf32> to vector<16xf32>
          %swap3A_427 = vector.shape_cast %add3A_423 : vector<16xf32> to vector<16xf32>
          tpu.vector_store %arg8[%swap3A_424], %swap3A_427 {strides = array<i32>} : memref<2080xf32, #tpu.memory_space<vmem>>, vector<16xf32>,
          %add3A_428 = arith.addf %add3A_403, %add3A_423 : vector<16xf32>
          %add3A_429 = arith.constant 80 : i32
          %add3A_430 = arith.addi %add3A_303, %add3A_429 : i32
          %sub3A_431 = arith.constant 1 : i32
          %sub3A_432 = arith.subi %add3A_430, %sub3A_431 : i32
          %get3A_433 = arith.index_cast %sub3A_432 : i32 to index
          %get3A_434 = tpu.vector_load %arg9[%get3A_433] {strides = array<i32>} : memref<2080xf32, #tpu.memory_space<vmem>>, vector<16xf32>,
          %get3A_435 = vector.shape_cast %get3A_434 : vector<16xf32> to vector<16xf32>
          %mul3A_436 = arith.mulf %get3A_435, %get3A_22 : vector<16xf32>
          %get3A_437 = arith.index_cast %add3A_430 : i32 to index
          %get3A_438 = tpu.vector_load %arg9[%get3A_437] {strides = array<i32>} : memref<2080xf32, #tpu.memory_space<vmem>>, vector<16xf32>,
          %get3A_439 = vector.shape_cast %get3A_438 : vector<16xf32> to vector<16xf32>
          %mul3A_440 = arith.mulf %get3A_439, %get3A_25 : vector<16xf32>
          %add3A_441 = arith.addf %mul3A_436, %mul3A_440 : vector<16xf32>
          %add3A_442 = arith.constant 1 : i32
          %add3A_443 = arith.addi %add3A_430, %add3A_442 : i32
          %get3A_444 = arith.index_cast %add3A_443 : i32 to index
          %get3A_445 = tpu.vector_load %arg9[%get3A_444] {strides = array<i32>} : memref<2080xf32, #tpu.memory_space<vmem>>, vector<16xf32>,
          %get3A_446 = vector.shape_cast %get3A_445 : vector<16xf32> to vector<16xf32>
          %mul3A_447 = arith.mulf %get3A_446, %get3A_28 : vector<16xf32>
          %add3A_448 = arith.addf %add3A_441, %mul3A_447 : vector<16xf32>
          %swap3A_449 = arith.index_cast %add3A_430 : i32 to index
          %swap3A_450 = tpu.vector_load %arg8[%swap3A_449] {strides = array<i32>} : memref<2080xf32, #tpu.memory_space<vmem>>, vector<16xf32>,
          %swap3A_451 = vector.shape_cast %swap3A_450 : vector<16xf32> to vector<16xf32>
          %swap3A_452 = vector.shape_cast %add3A_448 : vector<16xf32> to vector<16xf32>
          tpu.vector_store %arg8[%swap3A_449], %swap3A_452 {strides = array<i32>} : memref<2080xf32, #tpu.memory_space<vmem>>, vector<16xf32>,
          %add3A_453 = arith.addf %add3A_428, %add3A_448 : vector<16xf32>
          %add3A_454 = arith.constant 96 : i32
          %add3A_455 = arith.addi %add3A_303, %add3A_454 : i32
          %sub3A_456 = arith.constant 1 : i32
          %sub3A_457 = arith.subi %add3A_455, %sub3A_456 : i32
          %get3A_458 = arith.index_cast %sub3A_457 : i32 to index
          %get3A_459 = tpu.vector_load %arg9[%get3A_458] {strides = array<i32>} : memref<2080xf32, #tpu.memory_space<vmem>>, vector<16xf32>,
          %get3A_460 = vector.shape_cast %get3A_459 : vector<16xf32> to vector<16xf32>
          %mul3A_461 = arith.mulf %get3A_460, %get3A_22 : vector<16xf32>
          %get3A_462 = arith.index_cast %add3A_455 : i32 to index
          %get3A_463 = tpu.vector_load %arg9[%get3A_462] {strides = array<i32>} : memref<2080xf32, #tpu.memory_space<vmem>>, vector<16xf32>,
          %get3A_464 = vector.shape_cast %get3A_463 : vector<16xf32> to vector<16xf32>
          %mul3A_465 = arith.mulf %get3A_464, %get3A_25 : vector<16xf32>
          %add3A_466 = arith.addf %mul3A_461, %mul3A_465 : vector<16xf32>
          %add3A_467 = arith.constant 1 : i32
          %add3A_468 = arith.addi %add3A_455, %add3A_467 : i32
          %get3A_469 = arith.index_cast %add3A_468 : i32 to index
          %get3A_470 = tpu.vector_load %arg9[%get3A_469] {strides = array<i32>} : memref<2080xf32, #tpu.memory_space<vmem>>, vector<16xf32>,
          %get3A_471 = vector.shape_cast %get3A_470 : vector<16xf32> to vector<16xf32>
          %mul3A_472 = arith.mulf %get3A_471, %get3A_28 : vector<16xf32>
          %add3A_473 = arith.addf %add3A_466, %mul3A_472 : vector<16xf32>
          %swap3A_474 = arith.index_cast %add3A_455 : i32 to index
          %swap3A_475 = tpu.vector_load %arg8[%swap3A_474] {strides = array<i32>} : memref<2080xf32, #tpu.memory_space<vmem>>, vector<16xf32>,
          %swap3A_476 = vector.shape_cast %swap3A_475 : vector<16xf32> to vector<16xf32>
          %swap3A_477 = vector.shape_cast %add3A_473 : vector<16xf32> to vector<16xf32>
          tpu.vector_store %arg8[%swap3A_474], %swap3A_477 {strides = array<i32>} : memref<2080xf32, #tpu.memory_space<vmem>>, vector<16xf32>,
          %add3A_478 = arith.addf %add3A_453, %add3A_473 : vector<16xf32>
          %add3A_479 = arith.constant 112 : i32
          %add3A_480 = arith.addi %add3A_303, %add3A_479 : i32
          %sub3A_481 = arith.constant 1 : i32
          %sub3A_482 = arith.subi %add3A_480, %sub3A_481 : i32
          %get3A_483 = arith.index_cast %sub3A_482 : i32 to index
          %get3A_484 = tpu.vector_load %arg9[%get3A_483] {strides = array<i32>} : memref<2080xf32, #tpu.memory_space<vmem>>, vector<16xf32>,
          %get3A_485 = vector.shape_cast %get3A_484 : vector<16xf32> to vector<16xf32>
          %mul3A_486 = arith.mulf %get3A_485, %get3A_22 : vector<16xf32>
          %get3A_487 = arith.index_cast %add3A_480 : i32 to index
          %get3A_488 = tpu.vector_load %arg9[%get3A_487] {strides = array<i32>} : memref<2080xf32, #tpu.memory_space<vmem>>, vector<16xf32>,
          %get3A_489 = vector.shape_cast %get3A_488 : vector<16xf32> to vector<16xf32>
          %mul3A_490 = arith.mulf %get3A_489, %get3A_25 : vector<16xf32>
          %add3A_491 = arith.addf %mul3A_486, %mul3A_490 : vector<16xf32>
          %add3A_492 = arith.constant 1 : i32
          %add3A_493 = arith.addi %add3A_480, %add3A_492 : i32
          %get3A_494 = arith.index_cast %add3A_493 : i32 to index
          %get3A_495 = tpu.vector_load %arg9[%get3A_494] {strides = array<i32>} : memref<2080xf32, #tpu.memory_space<vmem>>, vector<16xf32>,
          %get3A_496 = vector.shape_cast %get3A_495 : vector<16xf32> to vector<16xf32>
          %mul3A_497 = arith.mulf %get3A_496, %get3A_28 : vector<16xf32>
          %add3A_498 = arith.addf %add3A_491, %mul3A_497 : vector<16xf32>
          %swap3A_499 = arith.index_cast %add3A_480 : i32 to index
          %swap3A_500 = tpu.vector_load %arg8[%swap3A_499] {strides = array<i32>} : memref<2080xf32, #tpu.memory_space<vmem>>, vector<16xf32>,
          %swap3A_501 = vector.shape_cast %swap3A_500 : vector<16xf32> to vector<16xf32>
          %swap3A_502 = vector.shape_cast %add3A_498 : vector<16xf32> to vector<16xf32>
          tpu.vector_store %arg8[%swap3A_499], %swap3A_502 {strides = array<i32>} : memref<2080xf32, #tpu.memory_space<vmem>>, vector<16xf32>,
          %add3A_503 = arith.addf %add3A_478, %add3A_498 : vector<16xf32>
          scf.yield %add3A_503 : vector<16xf32>
        }
        %scan3A_98 = arith.constant 15 : i32
        %get3A_99 = arith.constant 1935 : index
        %get3A_100 = tpu.vector_load %arg9[%get3A_99] {strides = array<i32>} : memref<2080xf32, #tpu.memory_space<vmem>>, vector<16xf32>,
        %get3A_101 = vector.shape_cast %get3A_100 : vector<16xf32> to vector<16xf32>
        %mul3A = arith.mulf %get3A_101, %get3A_22 : vector<16xf32>
        %get3A_102 = arith.constant 1936 : index
        %get3A_103 = tpu.vector_load %arg9[%get3A_102] {strides = array<i32>} : memref<2080xf32, #tpu.memory_space<vmem>>, vector<16xf32>,
        %get3A_104 = vector.shape_cast %get3A_103 : vector<16xf32> to vector<16xf32>
        %mul3A_105 = arith.mulf %get3A_104, %get3A_25 : vector<16xf32>
        %add3A_106 = arith.addf %mul3A, %mul3A_105 : vector<16xf32>
        %get3A_107 = arith.constant 1937 : index
        %get3A_108 = tpu.vector_load %arg9[%get3A_107] {strides = array<i32>} : memref<2080xf32, #tpu.memory_space<vmem>>, vector<16xf32>,
        %get3A_109 = vector.shape_cast %get3A_108 : vector<16xf32> to vector<16xf32>
        %mul3A_110 = arith.mulf %get3A_109, %get3A_28 : vector<16xf32>
        %add3A_111 = arith.addf %add3A_106, %mul3A_110 : vector<16xf32>
        %swap3A_112 = arith.constant 1936 : index
        %swap3A_113 = tpu.vector_load %arg8[%swap3A_112] {strides = array<i32>} : memref<2080xf32, #tpu.memory_space<vmem>>, vector<16xf32>,
        %swap3A_114 = vector.shape_cast %swap3A_113 : vector<16xf32> to vector<16xf32>
        %swap3A_115 = vector.shape_cast %add3A_111 : vector<16xf32> to vector<16xf32>
        tpu.vector_store %arg8[%swap3A_112], %swap3A_115 {strides = array<i32>} : memref<2080xf32, #tpu.memory_space<vmem>>, vector<16xf32>,
        %add3A_116 = arith.addf %scan3A_97, %add3A_111 : vector<16xf32>
        %get3A_117 = arith.constant 1951 : index
        %get3A_118 = tpu.vector_load %arg9[%get3A_117] {strides = array<i32>} : memref<2080xf32, #tpu.memory_space<vmem>>, vector<16xf32>,
        %get3A_119 = vector.shape_cast %get3A_118 : vector<16xf32> to vector<16xf32>
        %mul3A_120 = arith.mulf %get3A_119, %get3A_22 : vector<16xf32>
        %get3A_121 = arith.constant 1952 : index
        %get3A_122 = tpu.vector_load %arg9[%get3A_121] {strides = array<i32>} : memref<2080xf32, #tpu.memory_space<vmem>>, vector<16xf32>,
        %get3A_123 = vector.shape_cast %get3A_122 : vector<16xf32> to vector<16xf32>
        %mul3A_124 = arith.mulf %get3A_123, %get3A_25 : vector<16xf32>
        %add3A_125 = arith.addf %mul3A_120, %mul3A_124 : vector<16xf32>
        %get3A_126 = arith.constant 1953 : index
        %get3A_127 = tpu.vector_load %arg9[%get3A_126] {strides = array<i32>} : memref<2080xf32, #tpu.memory_space<vmem>>, vector<16xf32>,
        %get3A_128 = vector.shape_cast %get3A_127 : vector<16xf32> to vector<16xf32>
        %mul3A_129 = arith.mulf %get3A_128, %get3A_28 : vector<16xf32>
        %add3A_130 = arith.addf %add3A_125, %mul3A_129 : vector<16xf32>
        %swap3A_131 = arith.constant 1952 : index
        %swap3A_132 = tpu.vector_load %arg8[%swap3A_131] {strides = array<i32>} : memref<2080xf32, #tpu.memory_space<vmem>>, vector<16xf32>,
        %swap3A_133 = vector.shape_cast %swap3A_132 : vector<16xf32> to vector<16xf32>
        %swap3A_134 = vector.shape_cast %add3A_130 : vector<16xf32> to vector<16xf32>
        tpu.vector_store %arg8[%swap3A_131], %swap3A_134 {strides = array<i32>} : memref<2080xf32, #tpu.memory_space<vmem>>, vector<16xf32>,
        %add3A_135 = arith.addf %add3A_116, %add3A_130 : vector<16xf32>
        %get3A_136 = arith.constant 1967 : index
        %get3A_137 = tpu.vector_load %arg9[%get3A_136] {strides = array<i32>} : memref<2080xf32, #tpu.memory_space<vmem>>, vector<16xf32>,
        %get3A_138 = vector.shape_cast %get3A_137 : vector<16xf32> to vector<16xf32>
        %mul3A_139 = arith.mulf %get3A_138, %get3A_22 : vector<16xf32>
        %get3A_140 = arith.constant 1968 : index
        %get3A_141 = tpu.vector_load %arg9[%get3A_140] {strides = array<i32>} : memref<2080xf32, #tpu.memory_space<vmem>>, vector<16xf32>,
        %get3A_142 = vector.shape_cast %get3A_141 : vector<16xf32> to vector<16xf32>
        %mul3A_143 = arith.mulf %get3A_142, %get3A_25 : vector<16xf32>
        %add3A_144 = arith.addf %mul3A_139, %mul3A_143 : vector<16xf32>
        %get3A_145 = arith.constant 1969 : index
        %get3A_146 = tpu.vector_load %arg9[%get3A_145] {strides = array<i32>} : memref<2080xf32, #tpu.memory_space<vmem>>, vector<16xf32>,
        %get3A_147 = vector.shape_cast %get3A_146 : vector<16xf32> to vector<16xf32>
        %mul3A_148 = arith.mulf %get3A_147, %get3A_28 : vector<16xf32>
        %add3A_149 = arith.addf %add3A_144, %mul3A_148 : vector<16xf32>
        %swap3A_150 = arith.constant 1968 : index
        %swap3A_151 = tpu.vector_load %arg8[%swap3A_150] {strides = array<i32>} : memref<2080xf32, #tpu.memory_space<vmem>>, vector<16xf32>,
        %swap3A_152 = vector.shape_cast %swap3A_151 : vector<16xf32> to vector<16xf32>
        %swap3A_153 = vector.shape_cast %add3A_149 : vector<16xf32> to vector<16xf32>
        tpu.vector_store %arg8[%swap3A_150], %swap3A_153 {strides = array<i32>} : memref<2080xf32, #tpu.memory_space<vmem>>, vector<16xf32>,
        %add3A_154 = arith.addf %add3A_135, %add3A_149 : vector<16xf32>
        %get3A_155 = arith.constant 1983 : index
        %get3A_156 = tpu.vector_load %arg9[%get3A_155] {strides = array<i32>} : memref<2080xf32, #tpu.memory_space<vmem>>, vector<16xf32>,
        %get3A_157 = vector.shape_cast %get3A_156 : vector<16xf32> to vector<16xf32>
        %mul3A_158 = arith.mulf %get3A_157, %get3A_22 : vector<16xf32>
        %get3A_159 = arith.constant 1984 : index
        %get3A_160 = tpu.vector_load %arg9[%get3A_159] {strides = array<i32>} : memref<2080xf32, #tpu.memory_space<vmem>>, vector<16xf32>,
        %get3A_161 = vector.shape_cast %get3A_160 : vector<16xf32> to vector<16xf32>
        %mul3A_162 = arith.mulf %get3A_161, %get3A_25 : vector<16xf32>
        %add3A_163 = arith.addf %mul3A_158, %mul3A_162 : vector<16xf32>
        %get3A_164 = arith.constant 1985 : index
        %get3A_165 = tpu.vector_load %arg9[%get3A_164] {strides = array<i32>} : memref<2080xf32, #tpu.memory_space<vmem>>, vector<16xf32>,
        %get3A_166 = vector.shape_cast %get3A_165 : vector<16xf32> to vector<16xf32>
        %mul3A_167 = arith.mulf %get3A_166, %get3A_28 : vector<16xf32>
        %add3A_168 = arith.addf %add3A_163, %mul3A_167 : vector<16xf32>
        %swap3A_169 = arith.constant 1984 : index
        %swap3A_170 = tpu.vector_load %arg8[%swap3A_169] {strides = array<i32>} : memref<2080xf32, #tpu.memory_space<vmem>>, vector<16xf32>,
        %swap3A_171 = vector.shape_cast %swap3A_170 : vector<16xf32> to vector<16xf32>
        %swap3A_172 = vector.shape_cast %add3A_168 : vector<16xf32> to vector<16xf32>
        tpu.vector_store %arg8[%swap3A_169], %swap3A_172 {strides = array<i32>} : memref<2080xf32, #tpu.memory_space<vmem>>, vector<16xf32>,
        %add3A_173 = arith.addf %add3A_154, %add3A_168 : vector<16xf32>
        %get3A_174 = arith.constant 1999 : index
        %get3A_175 = tpu.vector_load %arg9[%get3A_174] {strides = array<i32>} : memref<2080xf32, #tpu.memory_space<vmem>>, vector<16xf32>,
        %get3A_176 = vector.shape_cast %get3A_175 : vector<16xf32> to vector<16xf32>
        %mul3A_177 = arith.mulf %get3A_176, %get3A_22 : vector<16xf32>
        %get3A_178 = arith.constant 2000 : index
        %get3A_179 = tpu.vector_load %arg9[%get3A_178] {strides = array<i32>} : memref<2080xf32, #tpu.memory_space<vmem>>, vector<16xf32>,
        %get3A_180 = vector.shape_cast %get3A_179 : vector<16xf32> to vector<16xf32>
        %mul3A_181 = arith.mulf %get3A_180, %get3A_25 : vector<16xf32>
        %add3A_182 = arith.addf %mul3A_177, %mul3A_181 : vector<16xf32>
        %get3A_183 = arith.constant 2001 : index
        %get3A_184 = tpu.vector_load %arg9[%get3A_183] {strides = array<i32>} : memref<2080xf32, #tpu.memory_space<vmem>>, vector<16xf32>,
        %get3A_185 = vector.shape_cast %get3A_184 : vector<16xf32> to vector<16xf32>
        %mul3A_186 = arith.mulf %get3A_185, %get3A_28 : vector<16xf32>
        %add3A_187 = arith.addf %add3A_182, %mul3A_186 : vector<16xf32>
        %swap3A_188 = arith.constant 2000 : index
        %swap3A_189 = tpu.vector_load %arg8[%swap3A_188] {strides = array<i32>} : memref<2080xf32, #tpu.memory_space<vmem>>, vector<16xf32>,
        %swap3A_190 = vector.shape_cast %swap3A_189 : vector<16xf32> to vector<16xf32>
        %swap3A_191 = vector.shape_cast %add3A_187 : vector<16xf32> to vector<16xf32>
        tpu.vector_store %arg8[%swap3A_188], %swap3A_191 {strides = array<i32>} : memref<2080xf32, #tpu.memory_space<vmem>>, vector<16xf32>,
        %add3A_192 = arith.addf %add3A_173, %add3A_187 : vector<16xf32>
        %get3A_193 = arith.constant 2015 : index
        %get3A_194 = tpu.vector_load %arg9[%get3A_193] {strides = array<i32>} : memref<2080xf32, #tpu.memory_space<vmem>>, vector<16xf32>,
        %get3A_195 = vector.shape_cast %get3A_194 : vector<16xf32> to vector<16xf32>
        %mul3A_196 = arith.mulf %get3A_195, %get3A_22 : vector<16xf32>
        %get3A_197 = arith.constant 2016 : index
        %get3A_198 = tpu.vector_load %arg9[%get3A_197] {strides = array<i32>} : memref<2080xf32, #tpu.memory_space<vmem>>, vector<16xf32>,
        %get3A_199 = vector.shape_cast %get3A_198 : vector<16xf32> to vector<16xf32>
        %mul3A_200 = arith.mulf %get3A_199, %get3A_25 : vector<16xf32>
        %add3A_201 = arith.addf %mul3A_196, %mul3A_200 : vector<16xf32>
        %get3A_202 = arith.constant 2017 : index
        %get3A_203 = tpu.vector_load %arg9[%get3A_202] {strides = array<i32>} : memref<2080xf32, #tpu.memory_space<vmem>>, vector<16xf32>,
        %get3A_204 = vector.shape_cast %get3A_203 : vector<16xf32> to vector<16xf32>
        %mul3A_205 = arith.mulf %get3A_204, %get3A_28 : vector<16xf32>
        %add3A_206 = arith.addf %add3A_201, %mul3A_205 : vector<16xf32>
        %swap3A_207 = arith.constant 2016 : index
        %swap3A_208 = tpu.vector_load %arg8[%swap3A_207] {strides = array<i32>} : memref<2080xf32, #tpu.memory_space<vmem>>, vector<16xf32>,
        %swap3A_209 = vector.shape_cast %swap3A_208 : vector<16xf32> to vector<16xf32>
        %swap3A_210 = vector.shape_cast %add3A_206 : vector<16xf32> to vector<16xf32>
        tpu.vector_store %arg8[%swap3A_207], %swap3A_210 {strides = array<i32>} : memref<2080xf32, #tpu.memory_space<vmem>>, vector<16xf32>,
        %add3A_211 = arith.addf %add3A_192, %add3A_206 : vector<16xf32>
        %get3A_212 = arith.constant 2031 : index
        %get3A_213 = tpu.vector_load %arg9[%get3A_212] {strides = array<i32>} : memref<2080xf32, #tpu.memory_space<vmem>>, vector<16xf32>,
        %get3A_214 = vector.shape_cast %get3A_213 : vector<16xf32> to vector<16xf32>
        %mul3A_215 = arith.mulf %get3A_214, %get3A_22 : vector<16xf32>
        %get3A_216 = arith.constant 2032 : index
        %get3A_217 = tpu.vector_load %arg9[%get3A_216] {strides = array<i32>} : memref<2080xf32, #tpu.memory_space<vmem>>, vector<16xf32>,
        %get3A_218 = vector.shape_cast %get3A_217 : vector<16xf32> to vector<16xf32>
        %mul3A_219 = arith.mulf %get3A_218, %get3A_25 : vector<16xf32>
        %add3A_220 = arith.addf %mul3A_215, %mul3A_219 : vector<16xf32>
        %get3A_221 = arith.constant 2033 : index
        %get3A_222 = tpu.vector_load %arg9[%get3A_221] {strides = array<i32>} : memref<2080xf32, #tpu.memory_space<vmem>>, vector<16xf32>,
        %get3A_223 = vector.shape_cast %get3A_222 : vector<16xf32> to vector<16xf32>
        %mul3A_224 = arith.mulf %get3A_223, %get3A_28 : vector<16xf32>
        %add3A_225 = arith.addf %add3A_220, %mul3A_224 : vector<16xf32>
        %swap3A_226 = arith.constant 2032 : index
        %swap3A_227 = tpu.vector_load %arg8[%swap3A_226] {strides = array<i32>} : memref<2080xf32, #tpu.memory_space<vmem>>, vector<16xf32>,
        %swap3A_228 = vector.shape_cast %swap3A_227 : vector<16xf32> to vector<16xf32>
        %swap3A_229 = vector.shape_cast %add3A_225 : vector<16xf32> to vector<16xf32>
        tpu.vector_store %arg8[%swap3A_226], %swap3A_229 {strides = array<i32>} : memref<2080xf32, #tpu.memory_space<vmem>>, vector<16xf32>,
        %add3A_230 = arith.addf %add3A_211, %add3A_225 : vector<16xf32>
        %get3A_231 = arith.constant 2047 : index
        %get3A_232 = tpu.vector_load %arg9[%get3A_231] {strides = array<i32>} : memref<2080xf32, #tpu.memory_space<vmem>>, vector<16xf32>,
        %get3A_233 = vector.shape_cast %get3A_232 : vector<16xf32> to vector<16xf32>
        %mul3A_234 = arith.mulf %get3A_233, %get3A_22 : vector<16xf32>
        %get3A_235 = arith.constant 2048 : index
        %get3A_236 = tpu.vector_load %arg9[%get3A_235] {strides = array<i32>} : memref<2080xf32, #tpu.memory_space<vmem>>, vector<16xf32>,
        %get3A_237 = vector.shape_cast %get3A_236 : vector<16xf32> to vector<16xf32>
        %mul3A_238 = arith.mulf %get3A_237, %get3A_25 : vector<16xf32>
        %add3A_239 = arith.addf %mul3A_234, %mul3A_238 : vector<16xf32>
        %get3A_240 = arith.constant 2049 : index
        %get3A_241 = tpu.vector_load %arg9[%get3A_240] {strides = array<i32>} : memref<2080xf32, #tpu.memory_space<vmem>>, vector<16xf32>,
        %get3A_242 = vector.shape_cast %get3A_241 : vector<16xf32> to vector<16xf32>
        %mul3A_243 = arith.mulf %get3A_242, %get3A_28 : vector<16xf32>
        %add3A_244 = arith.addf %add3A_239, %mul3A_243 : vector<16xf32>
        %mul3A_245 = arith.mulf %add3A_244, %get3A_31 : vector<16xf32>
        %swap3A_246 = arith.constant 2048 : index
        %swap3A_247 = tpu.vector_load %arg8[%swap3A_246] {strides = array<i32>} : memref<2080xf32, #tpu.memory_space<vmem>>, vector<16xf32>,
        %swap3A_248 = vector.shape_cast %swap3A_247 : vector<16xf32> to vector<16xf32>
        %swap3A_249 = vector.shape_cast %mul3A_245 : vector<16xf32> to vector<16xf32>
        tpu.vector_store %arg8[%swap3A_246], %swap3A_249 {strides = array<i32>} : memref<2080xf32, #tpu.memory_space<vmem>>, vector<16xf32>,
        %add3A_250 = arith.addf %add3A_230, %mul3A_245 : vector<16xf32>
        %swap3A_251 = arith.constant 16 : index
        %swap3A_252 = tpu.vector_load %arg13[%swap3A_251] {strides = array<i32>} : memref<48xf32, #tpu.memory_space<vmem>>, vector<16xf32>,
        %swap3A_253 = vector.shape_cast %swap3A_252 : vector<16xf32> to vector<16xf32>
        %swap3A_254 = vector.shape_cast %add3A_250 : vector<16xf32> to vector<16xf32>
        tpu.vector_store %arg13[%swap3A_251], %swap3A_254 {strides = array<i32>} : memref<48xf32, #tpu.memory_space<vmem>>, vector<16xf32>,
        %get3A_255 = arith.constant 24 : index
        %get3A_256 = tpu.vector_load %arg13[%get3A_255] {strides = array<i32>} : memref<48xf32, #tpu.memory_space<vmem>>, vector<16xf32>,
        %get3A_257 = vector.shape_cast %get3A_256 : vector<16xf32> to vector<16xf32>
        %add3A_258 = arith.addf %add3A_250, %get3A_257 : vector<16xf32>
        %swap3A_259 = arith.constant 16 : index
        %swap3A_260 = tpu.vector_load %arg13[%swap3A_259] {strides = array<i32>} : memref<48xf32, #tpu.memory_space<vmem>>, vector<16xf32>,
        %swap3A_261 = vector.shape_cast %swap3A_260 : vector<16xf32> to vector<16xf32>
        %swap3A_262 = vector.shape_cast %add3A_258 : vector<16xf32> to vector<16xf32>
        tpu.vector_store %arg13[%swap3A_259], %swap3A_262 {strides = array<i32>} : memref<48xf32, #tpu.memory_space<vmem>>, vector<16xf32>,
        %get3A_263 = arith.constant 20 : index
        %get3A_264 = tpu.vector_load %arg13[%get3A_263] {strides = array<i32>} : memref<48xf32, #tpu.memory_space<vmem>>, vector<16xf32>,
        %get3A_265 = vector.shape_cast %get3A_264 : vector<16xf32> to vector<16xf32>
        %add3A_266 = arith.addf %add3A_258, %get3A_265 : vector<16xf32>
        %swap3A_267 = arith.constant 16 : index
        %swap3A_268 = tpu.vector_load %arg13[%swap3A_267] {strides = array<i32>} : memref<48xf32, #tpu.memory_space<vmem>>, vector<16xf32>,
        %swap3A_269 = vector.shape_cast %swap3A_268 : vector<16xf32> to vector<16xf32>
        %swap3A_270 = vector.shape_cast %add3A_266 : vector<16xf32> to vector<16xf32>
        tpu.vector_store %arg13[%swap3A_267], %swap3A_270 {strides = array<i32>} : memref<48xf32, #tpu.memory_space<vmem>>, vector<16xf32>,
        %get3A_271 = arith.constant 18 : index
        %get3A_272 = tpu.vector_load %arg13[%get3A_271] {strides = array<i32>} : memref<48xf32, #tpu.memory_space<vmem>>, vector<16xf32>,
        %get3A_273 = vector.shape_cast %get3A_272 : vector<16xf32> to vector<16xf32>
        %add3A_274 = arith.addf %add3A_266, %get3A_273 : vector<16xf32>
        %swap3A_275 = arith.constant 16 : index
        %swap3A_276 = tpu.vector_load %arg13[%swap3A_275] {strides = array<i32>} : memref<48xf32, #tpu.memory_space<vmem>>, vector<16xf32>,
        %swap3A_277 = vector.shape_cast %swap3A_276 : vector<16xf32> to vector<16xf32>
        %swap3A_278 = vector.shape_cast %add3A_274 : vector<16xf32> to vector<16xf32>
        tpu.vector_store %arg13[%swap3A_275], %swap3A_278 {strides = array<i32>} : memref<48xf32, #tpu.memory_space<vmem>>, vector<16xf32>,
        %get3A_279 = arith.constant 17 : index
        %get3A_280 = tpu.vector_load %arg13[%get3A_279] {strides = array<i32>} : memref<48xf32, #tpu.memory_space<vmem>>, vector<16xf32>,
        %get3A_281 = vector.shape_cast %get3A_280 : vector<16xf32> to vector<16xf32>
        %add3A_282 = arith.addf %add3A_274, %get3A_281 : vector<16xf32>
        %slice3A_283 = vector.extract_strided_slice %add3A_282 {offsets = [0], sizes = [1], strides = [1]} : vector<16xf32> to vector<1xf32>
        %squeeze3A_284 = vector.extract %slice3A_283[0] : f32 from vector<1xf32>
        %broadcast_in_dim3A_285 = vector.broadcast %squeeze3A_284 : f32 to vector<16xf32>
        %mul3A_286 = arith.mulf %while3A_63#1, %broadcast_in_dim3A_285 : vector<16xf32>
        %scan3A_287 = arith.constant 0 : i32
        %scan3A_288 = arith.constant 128 : i32
        %scan3A_289 = arith.addi %scan3A_287, %scan3A_288 : i32
        %scan3A_290 = arith.constant 1 : i32
        %scan3A_291 = scf.for %scan3A_298 = %scan3A_287 to %scan3A_289 step %scan3A_290 iter_args(%scan3A_299 = %broadcast_in_dim3A_4) -> (vector<16xf32>)  : i32 {
          %mul3A_300 = arith.constant 16 : i32
          %mul3A_301 = arith.muli %scan3A_298, %mul3A_300 : i32
          %add3A_302 = arith.constant 16 : i32
          %add3A_303 = arith.addi %add3A_302, %mul3A_301 : i32
          %get3A_304 = arith.index_cast %add3A_303 : i32 to index
          %get3A_305 = tpu.vector_load %arg8[%get3A_304] {strides = array<i32>} : memref<2080xf32, #tpu.memory_space<vmem>>, vector<16xf32>,
          %get3A_306 = vector.shape_cast %get3A_305 : vector<16xf32> to vector<16xf32>
          %div3A_307 = arith.divf %get3A_306, %broadcast_in_dim3A_285 : vector<16xf32>
          %mul3A_308 = arith.constant 6.553700e+04 : f32
          %mul3A_309 = vector.broadcast %mul3A_308 : f32 to vector<16xf32>
          %mul3A_310 = arith.mulf %div3A_307, %mul3A_309 : vector<16xf32>
          %sub3A_311 = arith.subf %mul3A_310, %div3A_307 : vector<16xf32>
          %sub3A_312 = arith.subf %mul3A_310, %sub3A_311 : vector<16xf32>
          %mul3A_313 = arith.constant 16 : i32
          %mul3A_314 = arith.muli %scan3A_298, %mul3A_313 : i32
          %get3A_315 = arith.index_cast %mul3A_314 : i32 to index
          %get3A_316 = tpu.vector_load %arg10[%get3A_315] {strides = array<i32>} : memref<2048xf32, #tpu.memory_space<vmem>>, vector<16xf32>,
          %get3A_317 = vector.shape_cast %get3A_316 : vector<16xf32> to vector<16xf32>
          %mul3A_318 = arith.mulf %sub3A_312, %get3A_317 : vector<16xf32>
          %add3A_319 = arith.addf %scan3A_299, %mul3A_318 : vector<16xf32>
          scf.yield %add3A_319 : vector<16xf32>
        }
        %scan3A_292 = arith.constant 128 : i32
        %mul3A_293 = arith.mulf %scan3A_291, %mul3A_286 : vector<16xf32>
        %swap3A_294 = arith.constant 0 : index
        %swap3A_295 = tpu.vector_load %arg14[%swap3A_294] {strides = array<i32>} : memref<16xf32, #tpu.memory_space<vmem>>, vector<16xf32>,
        %swap3A_296 = vector.shape_cast %swap3A_295 : vector<16xf32> to vector<16xf32>
        %swap3A_297 = vector.shape_cast %mul3A_293 : vector<16xf32> to vector<16xf32>
        tpu.vector_store %arg14[%swap3A_294], %swap3A_297 {strides = array<i32>} : memref<16xf32, #tpu.memory_space<vmem>>, vector<16xf32>,
      } else {
      }
      %not3A = arith.constant true
      %not3A_83 = arith.xori %eq3A_79, %not3A : i1
      %convert_element_type3A_84 = arith.extui %not3A_83 : i1 to i32
      %cond3A_85 = arith.constant 0 : i32
      %cond3A_86 = arith.cmpi ne, %convert_element_type3A_84, %cond3A_85 : i32
      scf.if %cond3A_86 {
        %scan3A_87 = arith.constant 0 : i32
        %scan3A_88 = arith.constant 128 : i32
        %scan3A_89 = arith.addi %scan3A_87, %scan3A_88 : i32
        %scan3A_90 = arith.constant 1 : i32
        %scan3A_91 = scf.for %scan3A_97 = %scan3A_87 to %scan3A_89 step %scan3A_90 iter_args(%scan3A_98 = %broadcast_in_dim3A_4) -> (vector<16xf32>)  : i32 {
          %mul3A_99 = arith.constant 16 : i32
          %mul3A_100 = arith.muli %scan3A_97, %mul3A_99 : i32
          %add3A_101 = arith.constant 16 : i32
          %add3A_102 = arith.addi %add3A_101, %mul3A_100 : i32
          %get3A_103 = arith.index_cast %add3A_102 : i32 to index
          %get3A_104 = tpu.vector_load %arg7[%get3A_103] {strides = array<i32>} : memref<2080xf32, #tpu.memory_space<vmem>>, vector<16xf32>,
          %get3A_105 = vector.shape_cast %get3A_104 : vector<16xf32> to vector<16xf32>
          %div3A_106 = arith.divf %get3A_105, %while3A_63#0 : vector<16xf32>
          %mul3A_107 = arith.constant 6.553700e+04 : f32
          %mul3A_108 = vector.broadcast %mul3A_107 : f32 to vector<16xf32>
          %mul3A_109 = arith.mulf %div3A_106, %mul3A_108 : vector<16xf32>
          %sub3A_110 = arith.subf %mul3A_109, %div3A_106 : vector<16xf32>
          %sub3A_111 = arith.subf %mul3A_109, %sub3A_110 : vector<16xf32>
          %mul3A_112 = arith.constant 16 : i32
          %mul3A_113 = arith.muli %scan3A_97, %mul3A_112 : i32
          %get3A_114 = arith.index_cast %mul3A_113 : i32 to index
          %get3A_115 = tpu.vector_load %arg10[%get3A_114] {strides = array<i32>} : memref<2048xf32, #tpu.memory_space<vmem>>, vector<16xf32>,
          %get3A_116 = vector.shape_cast %get3A_115 : vector<16xf32> to vector<16xf32>
          %mul3A_117 = arith.mulf %sub3A_111, %get3A_116 : vector<16xf32>
          %add3A_118 = arith.addf %scan3A_98, %mul3A_117 : vector<16xf32>
          scf.yield %add3A_118 : vector<16xf32>
        }
        %scan3A_92 = arith.constant 128 : i32
        %mul3A = arith.mulf %scan3A_91, %while3A_63#1 : vector<16xf32>
        %swap3A_93 = arith.constant 0 : index
        %swap3A_94 = tpu.vector_load %arg14[%swap3A_93] {strides = array<i32>} : memref<16xf32, #tpu.memory_space<vmem>>, vector<16xf32>,
        %swap3A_95 = vector.shape_cast %swap3A_94 : vector<16xf32> to vector<16xf32>
        %swap3A_96 = vector.shape_cast %mul3A : vector<16xf32> to vector<16xf32>
        tpu.vector_store %arg14[%swap3A_93], %swap3A_96 {strides = array<i32>} : memref<16xf32, #tpu.memory_space<vmem>>, vector<16xf32>,
      } else {
      }
      "tpu.region"() ({
        %run_scoped3A = tpu.sem_alloc : memref<!tpu.dma_semaphore, #tpu.memory_space<semaphore_mem>>
        tpu.enqueue_dma source(%arg14 : memref<16xf32, #tpu.memory_space<vmem>>) target(%arg6 : memref<16xf32, #tpu.memory_space<hbm>>) target_semaphore(%run_scoped3A : memref<!tpu.dma_semaphore, #tpu.memory_space<semaphore_mem>>)
        tpu.wait_dma2 semaphore(%run_scoped3A : memref<!tpu.dma_semaphore, #tpu.memory_space<semaphore_mem>>) src(%arg14 : memref<16xf32, #tpu.memory_space<vmem>>) dst(%arg6 : memref<16xf32, #tpu.memory_space<hbm>>)
        tpu.yield
      }) : () -> ()
    } else {
    }
    return
  }
}

</mosaic_0001>

<sc_bundles>
// kernel: kernel.3.cloned.1.call-start
scs
__scs_entry_jumppad:
0x0: {  	(pc) =	sbr.rel $0x88, $3  }
0x1: {  	(tag) =	ssettag $0x0;
	lr =	simm.s32 $0x1  }
0x2: {  	[smem:$0x3F9D] =	sst lr;
	_ =	strace $0xD0000000  }
0x3: {  	_ = 	snop  }
0x4: {  	_ = 	snop  }
0x5: {  	_ = 	snop  }
0x6: {  	_ = 	snop  }
0x7: {  	_ = 	snop  }
__scs_overlays_trampoline_lowered:
0x8: {  	[smem:$0x3FAC] =	sst s0  }
0x9: {  	[smem:$0x3FAD] =	sst s1  }
0xa: {  	[smem:$0x3FAE] =	sst s2  }
0xb: {  	[smem:$0x3FAF] =	sst s3  }
0xc: {  	[smem:$0x3FB0] =	sst s4  }
0xd: {  	[smem:$0x3FB1] =	sst s5  }
0xe: {  	[smem:$0x3FB2] =	sst s6  }
0xf: {  	[smem:$0x3FB3] =	sst s7  }
0x10: {  	[smem:$0x3FB4] =	sst s8  }
0x11: {  	[smem:$0x3FB5] =	sst s9;
	s0 =	simm.s32 @!p0 $0x0  }
0x12: {  	s1 =	sld [smem:$0x3F9B];
	s0 =	simm.s32 @p0 $0x1  }
0x13: {  	[smem:$0x3FB6] =	sst s0;
	s0 =	simm.s32 @!p1 $0x0  }
0x14: {  	s2 =	sld [smem:$0x3F9A];
	s0 =	simm.s32 @p1 $0x1  }
0x15: {  	[smem:$0x3FB7] =	sst s0;
	s0 =	simm.s32 @!p2 $0x0  }
0x16: {  	s3 =	sld [smem:$0x3FDB];
	s0 =	simm.s32 @p2 $0x1  }
0x17: {  	s4 =	simm.s32 $0x1BF5;
	[smem:$0x3FB9] =	sst s0  }
0x18: {  	s0 =	sld [smem:$0x3F9C];
	_ =	swait.ge [sflag:s4], $0x0  }
0x19: {  	s7 =	sld [smem:$0x3F9D]  }
0x1a: {  	s8 =	sadd.s32 $0xFFFFE003, lr  }
0x1b: {  	s9 =	sadd.s32 $0xFFFFFEF7, lr;
	s5 =	simm.s32 $0xFFFFFFFF;
	p2 =	slt.u32 s8, $0xFFFFF086  }
0x1c: {  	p1 =	slt.u32 s9, $0xF7A;
	s5 =	simm.s32 @!p2 $0x0  }
0x1d: {  	s5 =	simm.s32 @p1 $0x1;
	p0 =	seq.s32 s7, s2  }
0x1e: {  	s7 =	smul.u32 @!p0 $0xF7A, s2;
	p2 =	seq.s32 @!p0 s5, $0x0  }
0x1f: {  	s9 =	smul.u32 $0xF7A, s1;
	s8 =	simm.s32 @!p0 $0x1BF5;
	p2 =	por !p2, p0  }
0x20: {  	[sflag:s8] =	ssyncset.s32 @!p0 $0xFFFFF086;
	s6 =	sadd.s32 @!p0 s3, s7;
	s7 =	simm.s32 @!p0 $0x108  }
0x21: {  	s3 =	sadd.s32 s3, s9;
	s6 =	sadd.s32 @!p0 $0x88, s6;
	s7 =	simm.s32 @p2 $0x1082  }
0x22: {  	[simem:s7], [sflag:s8] =	dma.local @!p0 [hbm:s6], $0xF7A  }
0x23: {  	s9 =	sor.u32 $0xD0000000, s2;
	s6 =	simm.s32 $0x108;
	_ =	swait.ge @!p0 [sflag:s8], $0x0  }
0x24: {  	s3 =	sadd.s32 $0x88, s3;
	s6 =	simm.s32 @!p1 $0x1082;
	[sflag:s4] =	ssyncset.s32 $0xFFFFF086  }
0x25: {  	[simem:s6], [sflag:s4] =	dma.local [hbm:s3], $0xF7A  }
0x26: {  	[smem:$0x3F9D] =	sst s1;
	(tag) =	ssettag s2;
	_ =	strace s9  }
0x27: {  	s1 =	sld [smem:$0x3FAD]  }
0x28: {  	s2 =	sld [smem:$0x3FAE]  }
0x29: {  	s4 =	sld [smem:$0x3FB0]  }
0x2a: {  	p0 =	seq.s32 s5, $0x0;
	s5 =	sld [smem:$0x3FB1]  }
0x2b: {  	s6 =	sld [smem:$0x3FB2]  }
0x2c: {  	s7 =	sld [smem:$0x3FB3]  }
0x2d: {  	s3 =	simm.s32 $0x108;
	s8 =	sld [smem:$0x3FB4]  }
0x2e: {  	s3 =	simm.s32 @!p0 $0x1082;
	s9 =	sld [smem:$0x3FB5]  }
0x2f: {  	lr =	sadd.s32 s0, s3;
	s0 =	sld [smem:$0x3FAC]  }
0x30: {  	s3 =	sld [smem:$0x3FAF]  }
0x31: {  	[smem:$0x3FB8] =	sst s10  }
0x32: {  	s10 =	sld [smem:$0x3FB6];
	_ =	sdelay $0x3  }
0x33: {  	p0 =	seq.s32 s10, $0x1;
	s10 =	sld [smem:$0x3FB8];
	_ =	sdelay $0x3  }
0x34: {  	[smem:$0x3FB8] =	sst s10  }
0x35: {  	s10 =	sld [smem:$0x3FB7];
	_ =	sdelay $0x3  }
0x36: {  	p1 =	seq.s32 s10, $0x1;
	s10 =	sld [smem:$0x3FB8];
	_ =	sdelay $0x3  }
0x37: {  	[smem:$0x3FB8] =	sst s10  }
0x38: {  	s10 =	sld [smem:$0x3FB9]  }
0x39: {  	_ = 	snop;
	(pc) =	sbr.ind lr, $3  }
0x3a: {  	_ = 	snop  }
0x3b: {  	_ = 	snop  }
0x3c: {  	p2 =	seq.s32 s10, $0x1;
	s10 =	sld [smem:$0x3FB8]  }
0x3d: {  	_ =	shalt  }
0x3e: {  	_ =	shalt  }
0x3f: {  	_ =	shalt  }
0x40: {  	_ =	shalt  }
0x41: {  	_ =	shalt  }
0x42: {  	_ =	shalt  }
0x43: {  	_ =	shalt  }
0x44: {  	_ =	shalt  }
0x45: {  	_ =	shalt  }
0x46: {  	_ =	shalt  }
0x47: {  	_ =	shalt  }
0x48: {  	_ =	shalt  }
0x49: {  	_ =	shalt  }
0x4a: {  	_ =	shalt  }
0x4b: {  	_ =	shalt  }
0x4c: {  	_ =	shalt  }
0x4d: {  	_ =	shalt  }
0x4e: {  	_ =	shalt  }
0x4f: {  	_ =	shalt  }
0x50: {  	_ =	shalt  }
0x51: {  	_ =	shalt  }
0x52: {  	_ =	shalt  }
0x53: {  	_ =	shalt  }
0x54: {  	_ =	shalt  }
0x55: {  	_ =	shalt  }
0x56: {  	_ =	shalt  }
0x57: {  	_ =	shalt  }
0x58: {  	_ =	shalt  }
0x59: {  	_ =	shalt  }
0x5a: {  	_ =	shalt  }
0x5b: {  	_ =	shalt  }
0x5c: {  	_ =	shalt  }
0x5d: {  	_ =	shalt  }
0x5e: {  	_ =	shalt  }
0x5f: {  	_ =	shalt  }
0x60: {  	_ =	shalt  }
0x61: {  	_ =	shalt  }
0x62: {  	_ =	shalt  }
0x63: {  	_ =	shalt  }
0x64: {  	_ =	shalt  }
0x65: {  	_ =	shalt  }
0x66: {  	_ =	shalt  }
0x67: {  	_ =	shalt  }
0x68: {  	_ =	shalt  }
0x69: {  	_ =	shalt  }
0x6a: {  	_ =	shalt  }
0x6b: {  	_ =	shalt  }
0x6c: {  	_ =	shalt  }
0x6d: {  	_ =	shalt  }
0x6e: {  	_ =	shalt  }
0x6f: {  	_ =	shalt  }
0x70: {  	_ =	shalt  }
0x71: {  	_ =	shalt  }
0x72: {  	_ =	shalt  }
0x73: {  	_ =	shalt  }
0x74: {  	_ =	shalt  }
0x75: {  	_ =	shalt  }
0x76: {  	_ =	shalt  }
0x77: {  	_ =	shalt  }
0x78: {  	_ =	shalt  }
0x79: {  	_ =	shalt  }
0x7a: {  	_ =	shalt  }
0x7b: {  	_ =	shalt  }
0x7c: {  	_ =	shalt  }
0x7d: {  	_ =	shalt  }
0x7e: {  	_ =	shalt  }
0x7f: {  	_ =	shalt  }
0x80: {  	_ =	shalt  }
0x81: {  	_ =	shalt  }
0x82: {  	_ =	shalt  }
0x83: {  	_ =	shalt  }
0x84: {  	_ =	shalt  }
0x85: {  	_ =	shalt  }
0x86: {  	_ =	shalt  }
0x87: {  	_ =	shalt  }
.Lfunc_end0:
.L_simem_size_0:
called_computation_lowered:
.L_overlay_start_0:
0x88: {  	s2 =	sld [smem:$0x3FD9]  }
0x89: {  	s3 =	sld [smem:$0x3FFE];
	_ =	sdelay $0x1  }
0x8a: {  	s1 =	srdreg.scid  }
0x8b: {  	s0 =	sand.u32 $0x1, s1  }
0x8c: {  	s17 =	sshll.u32 s0, $0xA;
	s2 =	sadd.s32 s3, s2  }
0x8d: {  	s2 =	sadd.s32 s2, s17  }
0x8e: {  	[smem:$0x3FC4] =	sst s2  }
0x8f: {  	_ = 	snop  }
0x90: {  	s2 =	sld [smem:$0x3FD0];
	(tm) =	ssettm $0x1  }
0x91: {  	s18 =	sld [smem:$0x3FFB];
	_ =	sdelay $0x3  }
0x92: {  	_ =	strace s18  }
0x93: {  	s3 =	sld [smem:$0x3FFC];
	_ =	sdelay $0x3  }
0x94: {  	_ =	strace s3  }
0x95: {  	s3 =	sld [smem:$0x3FFD];
	_ =	sdelay $0x3  }
0x96: {  	_ =	strace s3  }
0x97: {  	_ =	strace $0x8FFFFFFF  }
0x98: {  	s19 =	sld [smem:$0x3FDB];
	_ =	sdelay $0x1  }
0x99: {  	s4 =	simm.s32 $_scs_section_size  }
0x9a: {  	s5 =	simm.s32 $_size__tile_overlayer_lowered;
	s6 =	simm.s32 $_tile_overlayer_lowered  }
0x9b: {  	s22 =	simm.s32 $0x1BFF;
	s21 =	sshll.u32 s6, $0x1;
	s3 =	sadd.s32 s4, s19  }
0x9c: {  	s7 =	simm.s32 $0x0;
	s20 =	sshll.u32 s5, $0x1;
	s5 =	sadd.s32 s21, s3  }
0x9d: {  	[timem:s7], [sflag:s22] =	dma.local [hbm:s5], s20  }
0x9e: {  	_ =	swait.ge [sflag:s22], s20  }
0x9f: {  	s4 =	ssub.s32 $0x0, s20;
	[sflag:s22] =	ssyncset.done $0x0  }
0xa0: {  	[sflag:s22] =	ssyncadd.s32 s4;
	_ =	sdelay $0x1  }
0xa1: {  	s23 =	simm.s32 $0x1B8B  }
0xa2: {  	_ =	swait.ge [sflag:s23], $0x1  }
0xa3: {  	[sflag:s23] =	ssyncset.done $0x0  }
0xa4: {  	s25 =	simm.s32 $0x1B8E;
	s24 =	sld [smem:$0x3FFE];
	[sflag:s23] =	ssyncadd.s32 $0xFFFFFFFF  }
0xa5: {  	s26 =	simm.s32 $execute0_lowered;
	[smem:$0x3FD2] =	sst s25  }
0xa6: {  	s5 =	sshll.u32 s26, $0x1;
	_ =	strace $0x80000046;
	[dreg:$0x1] =	wrdreg $0xFFFFFFFF  }
0xa7: {  	s28 =	simm.s32 $_size_execute0_lowered;
	s3 =	sadd.s32 s3, s5;
	[dreg:$0x0] =	wrdreg $0x0  }
0xa8: {  	s5 =	sshll.u32 s28, $0x1;
	[dreg:$0x2] =	wrdreg s3  }
0xa9: {  	[dreg:$0x3] =	wrdreg s5  }
0xaa: {  	[dreg:$0x4] =	wrdreg $0xC0  }
0xab: {  	_ =	task [dreg:s7], $0x5FFFF  }
0xac: {  	[dreg:$0x1] =	wrdreg $0xFFFFFFFF  }
0xad: {  	[dreg:$0x0] =	wrdreg $0x60  }
0xae: {  	[dreg:$0x2] =	wrdreg s24  }
0xaf: {  	[dreg:$0x3] =	wrdreg s2  }
0xb0: {  	[dreg:$0x4] =	wrdreg $0x9  }
0xb1: {  	_ =	task.clear_ibuf [dreg:s7], $0x5FFFF;
	_ =	strace $0x90000046  }
0xb2: {  	s29 =	simm.s32 $0x9;
	_ =	strace $0x80000048  }
0xb3: {  	_ =	swait.ge [sflag:s29], $0x1  }
0xb4: {  	[sflag:s29] =	ssyncadd.s32 $0xFFFFFFFF  }
0xb5: {  	_ =	strace $0x90000048  }
0xb6: {  	_ =	sfence  }
0xb7: {  	s30 =	sld [smem:$0x0];
	_ =	sdelay $0x2  }
0xb8: {  	s31 =	sshll.u32 s1, $0xD;
	s1 =	sshrl.u32 s1, $0x2  }
0xb9: {  	s3 =	sand.u32 $0x4000, s31;
	s1 =	sadd.s32 s1, s30  }
0xba: {  	s0 =	sor.u32 s3, s0;
	s1 =	sshll.u32 s1, $0x11  }
0xbb: {  	s0 =	sor.u32 s1, s0  }
0xbc: {  	s0 =	sadd.s32 $0x8F2B, s0  }
0xbd: {  	[sflag:s0] =	ssyncadd.remote.s32 $0x1  }
0xbe: {  	_ =	sfence.sel $0xFFFF  }
0xbf: {  	[dreg:$0x0] =	wrdreg $0xFFFFFFFF;
	(pc) =	sbr.abs _section_cstart, $3  }
0xc0: {  	[dreg:$0x1] =	wrdreg $0xFFFFFFFF  }
0xc1: {  	_ =	task.clear_ibuf [dreg:s7], $0x2FFFF;
	_ =	strace $0x9FFFFFFF  }
0xc2: {  	(tm) =	ssettm $0x7FFFFFFF  }
0xc3: {  	_ =	shalt  }
tec
execute0_lowered:
.L_overlay_start_1:
0x0: {  	(tag) =	ssettag $0x1  }
0x1: {  	s0 =	srdreg.scid  }
0x2: {  	s5 =	sand.u32 $0x1, s0;
	s0 =	stileid.u32  }
0x3: {  	s3 =	sor.u32 s0, s5  }
0x4: {  	p0 =	sne.s32 s3, $0x0  }
.Ltmp0:
0x5: {  	_ = 	snop;
	(pc) =	sbr.rel @!p0 .LBB2_1-.Ltmp0, $4  }
0x6: {  	_ = 	snop  }
0x7: {  	s6 =	rddreg [dreg:$0x0]  }
0x8: {  	s2 =	rddreg [dreg:$0x1]  }
0x9: {  	s1 =	rddreg [dreg:$0x2];
	_ =	strace $0x80000047  }
.LBB2_26:
0xa: {  	_ =	sfence.sel $0x180000  }
0xb: {  	[bflag:$0x0] =	sbarrier.arrive $0xFFFF  }
0xc: {  	p0 =	sne.s32 s0, $0x0;
	_ =	strace $0x90000047  }
0xd: {  	s0 =	sadd.s32 @!p0 $0x100000, s1;
	[bflag:$0x2] =	sbarrier.arrive $0xFFFF  }
0xe: {  	[sflag:s0] =	ssyncadd.tile.s32 @!p0 $0x1;
	_ =	shalt  }
.LBB2_1:
0xf: {  	s3 =	sadd.s32 $0x600, s6  }
.Ltmp1:
0x10: {  	s4 =	sadd.s32 $0xA00, s6;
	s7 =	ssub.s32 $0x2, s5;
	(pc) =	sbr.rel .LBB2_2-.Ltmp1, $4  }
0x11: {  	s5 =	sadd.s32 $0x800, s6;
	s6 =	sadd.s32 $0xC00, s6;
	s9 =	simm.s32 $0x2180  }
0x12: {  	s10 =	simm.s32 $0x1;
	s11 =	simm.s32 $0x2200;
	s12 =	simm.s32 $0x1980  }
0x13: {  	s13 =	simm.s32 $0x10;
	s14 =	simm.s32 $0x2300;
	s8 =	sshrl.u32 s7, $0x1  }
0x14: {  	v0 =	vimm.f32 $0.0e+00;
	s15 =	simm.s32 $0x0;
	s7 =	ssub.s32 s7, s8;
	s8 =	simm.s32 $0x0  }
.LBB2_25:
0x15: {  	s15 =	sadd.s32 $0x1, s15  }
0x16: {  	p0 =	sne.s32 s15, s7  }
.Ltmp2:
0x17: {  	[tilespmem:$0x2300] =	vst v1;
	(pc) =	sbr.rel @!p0 .LBB2_26-.Ltmp2, $4  }
0x18: {  	[hbm4b:s6+s8] =	stream.linear.scatter [tilespmem:s14], [sflag:$0x1], $0x80, $0x38;
	[tilespmem:$0x2380] =	vst v63  }
0x19: {  	_ =	swait.ge [sflag:s10], $0x80  }
0x1a: {  	[sflag:s10] =	ssyncset.done $0x0  }
0x1b: {  	[sflag:s10] =	ssyncadd.s32 $0xFFFFFF80  }
.LBB2_2:
0x1c: {  	s16 =	simm.s32 $0x40;
	s17 =	simm.s32 $0x0  }
.LBB2_3:
0x1d: {  	p0 =	sne.s32 s16, $0x2040;
	[tilespmem:s17+$0x1100] =	vst v0;
	s18 =	smov.u32 s16;
	s16 =	sadd.s32 $0x40, s16  }
.Ltmp3:
0x1e: {  	[tilespmem:s17+$0x0] =	vst v0;
	(pc) =	sbr.rel @p0 .LBB2_3-.Ltmp3, $2  }
0x1f: {  	[tilespmem:s17+$0x880] =	vst v0;
	_ =	sdelay $0x2  }
0x20: {  	s17 =	sshra.s32 s18, $0x2  }
0x21: {  	[tilespmem:s17+$0x1100] =	vst v0  }
0x22: {  	[tilespmem:s17+$0x0] =	vst v0  }
0x23: {  	[tilespmem:s17+$0x880] =	vst v0  }
0x24: {  	[tilespmem:$0x2280] =	vst v0  }
0x25: {  	[tilespmem:$0x2290] =	vst v0  }
0x26: {  	s16 =	simm.s32 $0x0;
	[tilespmem:$0x22A0] =	vst v0  }
0x27: {  	[tilespmem:s9], [sflag:$0x1] =	stream.linear.gather [hbm4b:s2+s16], $0x80, $0x38;
	[tilespmem:$0x2380] =	vst v63  }
0x28: {  	_ =	swait.ge [sflag:s10], $0x80  }
0x29: {  	[sflag:s10] =	ssyncset.done $0x0  }
0x2a: {  	[sflag:s10] =	ssyncadd.s32 $0xFFFFFF80  }
0x2b: {  	[tilespmem:s11], [sflag:$0x1] =	stream.linear.gather [hbm4b:s5+s16], $0x80, $0x38;
	[tilespmem:$0x2380] =	vst v63  }
0x2c: {  	_ =	swait.ge [sflag:s10], $0x80  }
0x2d: {  	[sflag:s10] =	ssyncset.done $0x0  }
0x2e: {  	[sflag:s10] =	ssyncadd.s32 $0xFFFFFF80  }
0x2f: {  	[tilespmem:s12], [sflag:$0x1] =	stream.linear.gather [hbm4b:s4+s16], $0x800, $0x38;
	[tilespmem:$0x2380] =	vst v63  }
0x30: {  	_ =	swait.ge [sflag:s10], $0x800  }
0x31: {  	[sflag:s10] =	ssyncset.done $0x0  }
0x32: {  	[sflag:s10] =	ssyncadd.s32 $0xFFFFF800  }
0x33: {  	[tilespmem:s13], [sflag:$0x1] =	stream.linear.gather [hbm4b:s3+s16], $0x800, $0x38;
	[tilespmem:$0x2380] =	vst v63  }
0x34: {  	_ =	swait.ge [sflag:s10], $0x800  }
0x35: {  	[sflag:s10] =	ssyncset.done $0x0  }
0x36: {  	[sflag:s10] =	ssyncadd.s32 $0xFFFFF800  }
0x37: {  	v1 =	vld [tilespmem:$0x2200];
	_ =	sdelay $0x4  }
0x38: {  	(v2sf) =	vpush v1, $0x0;
	_ =	sdelay $0xe  }
0x39: {  	s17 =	spop (v2sf)  }
0x3a: {  	s18 =	sshrl.u32 s17, $0x1F  }
0x3b: {  	s18 =	sadd.s32 s18, s17  }
0x3c: {  	s19 =	sand.u32 $0xFFFFFFFE, s18  }
0x3d: {  	p0 =	slt.s32 s17, $0x1;
	p1 =	sne.s32 s17, s19  }
0x3e: {  	p0 =	por !p0, !p1  }
0x3f: {  	s19 =	simm.s32 $0x1;
	p0 =	por !p0, !p0  }
0x40: {  	s18 =	sshra.s32 s18, $0x1;
	s19 =	simm.s32 @!p0 $0x0  }
0x41: {  	s18 =	ssub.s32 s18, s19  }
0x42: {  	p0 =	slt.s32 s18, $0x1  }
.Ltmp4:
0x43: {  	_ = 	snop;
	(pc) =	sbr.rel @p0 .LBB2_14-.Ltmp4, $4  }
0x44: {  	v4 =	vld [tilespmem:$0x2180]  }
0x45: {  	v5 =	vld [tilespmem:$0x2190]  }
0x46: {  	v3 =	vld [tilespmem:$0x21A0]  }
0x47: {  	v6 =	vimm.f32 $1.000000000e+00;
	v2 =	vld [tilespmem:$0x21B0];
	v1 =	vimm.f32 $1.000000000e+00  }
.LBB2_5:
0x48: {  	(erf) = vrcp.f32 v6;
	_ =	sdelay $0x3  }
0x49: {  	s20 =	simm.s32 $0x0  }
0x4a: {  	v7 =	vld [tilespmem:s20+$0x80]  }
0x4b: {  	v8 =	vld [tilespmem:s20+$0x10]  }
0x4c: {  	v9 =	vld [tilespmem:s20+$0x20]  }
0x4d: {  	v10 =	vld [tilespmem:s20+$0x30]  }
0x4e: {  	v11 =	vld [tilespmem:s20+$0x40];
	v6 =	vpop (erf)  }
0x4f: {  	v12 =	vld [tilespmem:s20+$0x50];
	v7 =	vmul.f32 v7, v6  }
0x50: {  	v14 =	vld [tilespmem:s20+$0x60]  }
0x51: {  	s19 =	simm.s32 $0x80;
	v15 =	vld [tilespmem:s20+$0x70];
	v13 =	vmul.f32 $6.553700000e+04, v7  }
0x52: {  	v16 =	vld [tilespmem:s19+$0x80];
	v8 =	vmul.f32 v8, v6  }
0x53: {  	v9 =	vmul.f32 v9, v6;
	v10 =	vmul.f32 v10, v6;
	v7 =	vsub.f32 v13, v7  }
0x54: {  	v11 =	vmul.f32 v11, v6;
	v17 =	vmul.f32 $6.553700000e+04, v8  }
0x55: {  	v12 =	vmul.f32 v12, v6;
	v18 =	vmul.f32 $6.553700000e+04, v9;
	v7 =	vsub.f32 v13, v7  }
0x56: {  	v19 =	vld [tilespmem:s19+$0x20];
	v14 =	vmul.f32 v14, v6;
	v20 =	vmul.f32 $6.553700000e+04, v10;
	v8 =	vsub.f32 v17, v8  }
0x57: {  	v15 =	vmul.f32 v15, v6;
	v26 =	vmul.f32 v16, v6;
	v9 =	vsub.f32 v18, v9;
	v13 =	vld [tilespmem:s19+$0x10];
	[tilespmem:s20+$0x1180] =	vst v7  }
0x58: {  	v23 =	vmul.f32 $6.553700000e+04, v14;
	v10 =	vsub.f32 v20, v10;
	v8 =	vsub.f32 v17, v8;
	v21 =	vld [tilespmem:s19+$0x30]  }
0x59: {  	v25 =	vmul.f32 $6.553700000e+04, v15;
	v18 =	vsub.f32 v18, v9;
	v7 =	vmul.f32 $6.553700000e+04, v11;
	v17 =	vld [tilespmem:s19+$0x40]  }
0x5a: {  	v22 =	vmul.f32 $6.553700000e+04, v12;
	v14 =	vsub.f32 v23, v14;
	v20 =	vsub.f32 v20, v10;
	v24 =	vld [tilespmem:s19+$0x50];
	[tilespmem:s20+$0x1110] =	vst v8  }
0x5b: {  	v16 =	vmul.f32 $6.553700000e+04, v26;
	v15 =	vsub.f32 v25, v15;
	v11 =	vsub.f32 v7, v11;
	v9 =	vld [tilespmem:s19+$0x60];
	[tilespmem:s20+$0x1120] =	vst v18  }
0x5c: {  	v8 =	vsub.f32 v22, v12;
	v27 =	vmul.f32 v13, v6;
	v10 =	vld [tilespmem:s19+$0x70];
	[tilespmem:s20+$0x1130] =	vst v20;
	v20 =	vsub.f32 v23, v14  }
0x5d: {  	v12 =	vmul.f32 v19, v6;
	v19 =	vsub.f32 v16, v26;
	v7 =	vsub.f32 v7, v11  }
0x5e: {  	v11 =	vsub.f32 v22, v8;
	v8 =	vmul.f32 $6.553700000e+04, v27;
	[tilespmem:s20+$0x1160] =	vst v20;
	v13 =	vmul.f32 v21, v6  }
0x5f: {  	v18 =	vsub.f32 v25, v15;
	[tilespmem:s20+$0x1140] =	vst v7;
	v7 =	vmul.f32 $6.553700000e+04, v12;
	v14 =	vmul.f32 v17, v6  }
0x60: {  	s21 =	simm.s32 $0x100;
	s22 =	simm.s32 $0x600;
	[tilespmem:s20+$0x1150] =	vst v11;
	v17 =	vmul.f32 v24, v6;
	v15 =	vsub.f32 v8, v27;
	v11 =	vmul.f32 $6.553700000e+04, v13  }
.LBB2_6:
0x61: {  	p0 =	sne.s32 s22, $0x1E00;
	v20 =	vld [tilespmem:s21+$0x80];
	v21 =	vmul.f32 $6.553700000e+04, v14;
	v9 =	vmul.f32 v9, v6;
	v16 =	vsub.f32 v16, v19;
	[tilespmem:s20+$0x1170] =	vst v18;
	s20 =	smov.u32 s19;
	s19 =	smov.u32 s21  }
0x62: {  	v12 =	vsub.f32 v7, v12;
	v18 =	vld [tilespmem:s19+$0x10];
	v19 =	vmul.f32 $6.553700000e+04, v17;
	v10 =	vmul.f32 v10, v6  }
0x63: {  	v13 =	vsub.f32 v11, v13;
	v22 =	vld [tilespmem:s19+$0x20];
	v14 =	vsub.f32 v21, v14;
	v23 =	vmul.f32 $6.553700000e+04, v9;
	[tilespmem:s20+$0x1180] =	vst v16  }
0x64: {  	v8 =	vsub.f32 v8, v15;
	v24 =	vld [tilespmem:s19+$0x30];
	v15 =	vsub.f32 v19, v17;
	v17 =	vmul.f32 $6.553700000e+04, v10  }
0x65: {  	v7 =	vsub.f32 v7, v12;
	v25 =	vld [tilespmem:s19+$0x40];
	v26 =	vsub.f32 v23, v9  }
0x66: {  	v27 =	vld [tilespmem:s19+$0x50];
	v20 =	vmul.f32 v20, v6;
	[tilespmem:s20+$0x1110] =	vst v8;
	v8 =	vsub.f32 v11, v13;
	v11 =	vsub.f32 v17, v10  }
.Ltmp5:
0x67: {  	v15 =	vsub.f32 v19, v15;
	v28 =	vmul.f32 v18, v6;
	v9 =	vld [tilespmem:s19+$0x60];
	[tilespmem:s20+$0x1120] =	vst v7;
	v7 =	vsub.f32 v21, v14;
	(pc) =	sbr.rel @p0 .LBB2_6-.Ltmp5, $4  }
0x68: {  	v21 =	vsub.f32 v23, v26;
	v12 =	vmul.f32 v22, v6;
	v10 =	vld [tilespmem:s19+$0x70];
	v16 =	vmul.f32 $6.553700000e+04, v20;
	[tilespmem:s20+$0x1130] =	vst v8  }
0x69: {  	v18 =	vsub.f32 v17, v11;
	v8 =	vmul.f32 $6.553700000e+04, v28;
	v13 =	vmul.f32 v24, v6;
	[tilespmem:s20+$0x1140] =	vst v7  }
0x6a: {  	v7 =	vmul.f32 $6.553700000e+04, v12;
	v14 =	vmul.f32 v25, v6;
	v19 =	vsub.f32 v16, v20;
	[tilespmem:s20+$0x1150] =	vst v15  }
0x6b: {  	s21 =	sshra.s32 s22, $0x2;
	s22 =	sadd.s32 $0x200, s22;
	v15 =	vsub.f32 v8, v28;
	v11 =	vmul.f32 $6.553700000e+04, v13;
	v17 =	vmul.f32 v27, v6;
	[tilespmem:s20+$0x1160] =	vst v21  }
0x6c: {  	v20 =	vld [tilespmem:s21+$0x80];
	[tilespmem:s20+$0x1170] =	vst v18;
	v16 =	vsub.f32 v16, v19  }
0x6d: {  	v18 =	vld [tilespmem:s21+$0x10]  }
0x6e: {  	v21 =	vmul.f32 $6.553700000e+04, v14;
	v9 =	vmul.f32 v9, v6;
	v12 =	vsub.f32 v7, v12;
	v47 =	vld [tilespmem:s21+$0x20];
	[tilespmem:s19+$0x1180] =	vst v16  }
0x6f: {  	v10 =	vmul.f32 v10, v6;
	v13 =	vsub.f32 v11, v13;
	v8 =	vsub.f32 v8, v15;
	v22 =	vld [tilespmem:s21+$0x30]  }
0x70: {  	v16 =	vmul.f32 $6.553700000e+04, v17;
	v14 =	vsub.f32 v21, v14;
	v23 =	vmul.f32 $6.553700000e+04, v9;
	v15 =	vld [tilespmem:s21+$0x40]  }
0x71: {  	v7 =	vsub.f32 v7, v12;
	v24 =	vmul.f32 $6.553700000e+04, v10;
	v12 =	vld [tilespmem:s21+$0x50];
	[tilespmem:s19+$0x1110] =	vst v8;
	v8 =	vsub.f32 v11, v13  }
0x72: {  	v17 =	vsub.f32 v16, v17;
	v9 =	vsub.f32 v23, v9;
	v13 =	vld [tilespmem:s21+$0x60];
	v20 =	vmul.f32 v20, v6  }
0x73: {  	v14 =	vsub.f32 v21, v14;
	[tilespmem:s19+$0x1120] =	vst v7;
	v10 =	vsub.f32 v24, v10;
	v11 =	vmul.f32 v18, v6  }
0x74: {  	v48 =	vld [tilespmem:s21+$0x70];
	v7 =	vsub.f32 v16, v17;
	v16 =	vmul.f32 v47, v6;
	v17 =	vmul.f32 $6.553700000e+04, v20  }
0x75: {  	v9 =	vsub.f32 v23, v9;
	v49 =	vmul.f32 $6.553700000e+04, v11;
	v50 =	vmul.f32 v22, v6  }
0x76: {  	[tilespmem:s19+$0x1130] =	vst v8;
	v8 =	vsub.f32 v24, v10;
	v10 =	vmul.f32 $6.553700000e+04, v16;
	v15 =	vmul.f32 v15, v6  }
0x77: {  	[tilespmem:s19+$0x1140] =	vst v14;
	v12 =	vmul.f32 v12, v6;
	v14 =	vsub.f32 v17, v20;
	v13 =	vmul.f32 v13, v6  }
0x78: {  	[tilespmem:s19+$0x1150] =	vst v7;
	v51 =	vmul.f32 $6.553700000e+04, v50;
	v7 =	vsub.f32 v49, v11;
	v11 =	vmul.f32 $6.553700000e+04, v15  }
0x79: {  	[tilespmem:s19+$0x1160] =	vst v9;
	v6 =	vmul.f32 v48, v6;
	v9 =	vsub.f32 v17, v14;
	v14 =	vsub.f32 v10, v16  }
0x7a: {  	[tilespmem:s19+$0x1170] =	vst v8;
	v16 =	vmul.f32 $6.553700000e+04, v12;
	v8 =	vsub.f32 v51, v50;
	v7 =	vsub.f32 v49, v7  }
0x7b: {  	v17 =	vmul.f32 $6.553700000e+04, v13;
	v15 =	vsub.f32 v11, v15;
	[tilespmem:s21+$0x1180] =	vst v9;
	v9 =	vsub.f32 v10, v14  }
0x7c: {  	v10 =	vsub.f32 v16, v12;
	v12 =	vmul.f32 $6.553700000e+04, v6;
	[tilespmem:s21+$0x1110] =	vst v7;
	v7 =	vsub.f32 v51, v8  }
0x7d: {  	v8 =	vsub.f32 v17, v13;
	[tilespmem:s21+$0x1120] =	vst v9;
	v9 =	vsub.f32 v11, v15  }
0x7e: {  	v6 =	vsub.f32 v12, v6;
	v10 =	vsub.f32 v16, v10;
	[tilespmem:s21+$0x1130] =	vst v7  }
0x7f: {  	v7 =	vsub.f32 v17, v8;
	[tilespmem:s21+$0x1140] =	vst v9  }
0x80: {  	v6 =	vsub.f32 v12, v6;
	[tilespmem:s21+$0x1150] =	vst v10  }
0x81: {  	[tilespmem:s21+$0x1160] =	vst v7  }
0x82: {  	s19 =	simm.s32 $0x0;
	[tilespmem:s21+$0x1170] =	vst v6  }
0x83: {  	v10 =	vld [tilespmem:s19+$0x117F]  }
0x84: {  	v8 =	vld [tilespmem:s19+$0x115F]  }
0x85: {  	v6 =	vld [tilespmem:s19+$0x114F]  }
0x86: {  	v7 =	vld [tilespmem:s19+$0x113F]  }
0x87: {  	v9 =	vld [tilespmem:s19+$0x112F]  }
0x88: {  	v12 =	vld [tilespmem:s19+$0x1111]  }
0x89: {  	v13 =	vld [tilespmem:s19+$0x110F]  }
0x8a: {  	v14 =	vld [tilespmem:s19+$0x1110]  }
0x8b: {  	v15 =	vld [tilespmem:s19+$0x111F]  }
0x8c: {  	v16 =	vld [tilespmem:s19+$0x1120]  }
0x8d: {  	v17 =	vld [tilespmem:s19+$0x1130]  }
0x8e: {  	v52 =	vld [tilespmem:s19+$0x1121]  }
0x8f: {  	v53 =	vld [tilespmem:s19+$0x1140]  }
0x90: {  	v55 =	vld [tilespmem:s19+$0x1141];
	v13 =	vmul.f32 v13, v4;
	v14 =	vmul.f32 v14, v5  }
0x91: {  	v54 =	vld [tilespmem:s19+$0x1131];
	v12 =	vmul.f32 v12, v3;
	v15 =	vmul.f32 v15, v4  }
0x92: {  	v16 =	vmul.f32 v16, v5;
	v9 =	vmul.f32 v9, v4;
	v13 =	vadd.f32 v14, v13;
	v14 =	vld [tilespmem:s19+$0x1150]  }
0x93: {  	v59 =	vimm.f32 $0.0e+00;
	v56 =	vld [tilespmem:s19+$0x1151];
	v17 =	vmul.f32 v17, v5;
	v7 =	vmul.f32 v7, v4  }
0x94: {  	v15 =	vadd.f32 v16, v15;
	v16 =	vmul.f32 v52, v3;
	v12 =	vadd.f32 v12, v13;
	v13 =	vld [tilespmem:s19+$0x1160]  }
0x95: {  	v11 =	vld [tilespmem:s19+$0x116F];
	v19 =	vmul.f32 v53, v5;
	v60 =	vmul.f32 v55, v3;
	v9 =	vadd.f32 v17, v9  }
0x96: {  	v57 =	vld [tilespmem:s19+$0x1161];
	v17 =	vmul.f32 v54, v3;
	v15 =	vadd.f32 v16, v15;
	[tilespmem:s19+$0x890] =	vst v12;
	v12 =	vadd.f32 v12, v59  }
0x97: {  	v6 =	vmul.f32 v6, v4;
	v7 =	vadd.f32 v19, v7;
	v16 =	vld [tilespmem:s19+$0x1170];
	v14 =	vmul.f32 v14, v5  }
0x98: {  	v62 =	vmul.f32 v8, v4;
	v9 =	vadd.f32 v17, v9;
	v17 =	vld [tilespmem:s19+$0x1180];
	v12 =	vadd.f32 v15, v12  }
0x99: {  	v58 =	vld [tilespmem:s19+$0x1171];
	[tilespmem:s19+$0x8A0] =	vst v15;
	v15 =	vmul.f32 v56, v3;
	v14 =	vadd.f32 v14, v6;
	v13 =	vmul.f32 v13, v5  }
0x9a: {  	s20 =	simm.s32 $0x80;
	v61 =	vld [tilespmem:s19+$0x1181];
	v19 =	vadd.f32 v60, v7;
	[tilespmem:s19+$0x8B0] =	vst v9;
	v12 =	vadd.f32 v9, v12  }
0x9b: {  	v7 =	vld [tilespmem:s20+$0x117F];
	v14 =	vadd.f32 v15, v14;
	v13 =	vadd.f32 v13, v62;
	v15 =	vmul.f32 v57, v3  }
0x9c: {  	v11 =	vmul.f32 v11, v4;
	v6 =	vld [tilespmem:s20+$0x116F];
	[tilespmem:s19+$0x8C0] =	vst v19;
	v16 =	vmul.f32 v16, v5;
	v12 =	vadd.f32 v19, v12  }
0x9d: {  	v63 =	vmul.f32 v10, v4;
	v17 =	vmul.f32 v17, v5;
	v8 =	vld [tilespmem:s20+$0x115F];
	v13 =	vadd.f32 v15, v13  }
0x9e: {  	v9 =	vld [tilespmem:s20+$0x114F];
	[tilespmem:s19+$0x8D0] =	vst v14;
	v15 =	vadd.f32 v16, v11;
	v12 =	vadd.f32 v14, v12;
	v14 =	vmul.f32 v58, v3  }
0x9f: {  	v16 =	vadd.f32 v17, v63;
	v10 =	vld [tilespmem:s20+$0x113F]  }
0xa0: {  	v17 =	vmul.f32 v61, v3;
	v11 =	vld [tilespmem:s20+$0x112F];
	[tilespmem:s19+$0x8E0] =	vst v13;
	v12 =	vadd.f32 v13, v12;
	v13 =	vadd.f32 v14, v15  }
0xa1: {  	v14 =	vld [tilespmem:s20+$0x1111]  }
0xa2: {  	s21 =	simm.s32 $0x400;
	v15 =	vld [tilespmem:s20+$0x110F];
	[tilespmem:s19+$0x8F0] =	vst v13;
	v12 =	vadd.f32 v13, v12;
	v13 =	vadd.f32 v17, v16  }
.LBB2_8:
0xa3: {  	p0 =	sne.s32 s21, $0x1C00;
	v16 =	vld [tilespmem:s20+$0x1110]  }
0xa4: {  	v17 =	vld [tilespmem:s20+$0x111F];
	[tilespmem:s19+$0x900] =	vst v13;
	v12 =	vadd.f32 v13, v12;
	s19 =	smov.u32 s20  }
0xa5: {  	v13 =	vld [tilespmem:s19+$0x1120]  }
0xa6: {  	v18 =	vld [tilespmem:s19+$0x1130]  }
0xa7: {  	v19 =	vld [tilespmem:s19+$0x1121]  }
0xa8: {  	v15 =	vmul.f32 v15, v4;
	v16 =	vmul.f32 v16, v5;
	v20 =	vld [tilespmem:s19+$0x1140]  }
0xa9: {  	v14 =	vmul.f32 v14, v3;
	v21 =	vld [tilespmem:s19+$0x1131]  }
0xaa: {  	v15 =	vadd.f32 v16, v15;
	v16 =	vmul.f32 v17, v4;
	v13 =	vmul.f32 v13, v5;
	v17 =	vld [tilespmem:s19+$0x1150]  }
0xab: {  	v11 =	vmul.f32 v11, v4;
	v18 =	vmul.f32 v18, v5;
	v22 =	vld [tilespmem:s19+$0x1141]  }
0xac: {  	v14 =	vadd.f32 v14, v15;
	v13 =	vadd.f32 v13, v16;
	v15 =	vmul.f32 v19, v3;
	v16 =	vld [tilespmem:s19+$0x1160]  }
0xad: {  	v10 =	vmul.f32 v10, v4;
	v11 =	vadd.f32 v18, v11;
	v18 =	vmul.f32 v20, v5;
	v19 =	vld [tilespmem:s19+$0x1151]  }
0xae: {  	[tilespmem:s19+$0x890] =	vst v14;
	v12 =	vadd.f32 v14, v12;
	v13 =	vadd.f32 v15, v13;
	v14 =	vmul.f32 v21, v3;
	v15 =	vld [tilespmem:s19+$0x1170]  }
0xaf: {  	v9 =	vmul.f32 v9, v4;
	v10 =	vadd.f32 v18, v10;
	v17 =	vmul.f32 v17, v5;
	v18 =	vld [tilespmem:s19+$0x1161]  }
0xb0: {  	[tilespmem:s19+$0x8A0] =	vst v13;
	v12 =	vadd.f32 v13, v12;
	v11 =	vadd.f32 v14, v11;
	v13 =	vmul.f32 v22, v3;
	v14 =	vld [tilespmem:s19+$0x1180]  }
0xb1: {  	v8 =	vmul.f32 v8, v4;
	v9 =	vadd.f32 v17, v9;
	v16 =	vmul.f32 v16, v5;
	v17 =	vld [tilespmem:s19+$0x1171]  }
0xb2: {  	s20 =	sshra.s32 s21, $0x2;
	[tilespmem:s19+$0x8B0] =	vst v11;
	v11 =	vadd.f32 v11, v12;
	v10 =	vadd.f32 v13, v10;
	v12 =	vmul.f32 v19, v3;
	v13 =	vld [tilespmem:s19+$0x1181]  }
0xb3: {  	v20 =	vmul.f32 v6, v4;
	v19 =	vld [tilespmem:s20+$0x117F];
	v16 =	vadd.f32 v16, v8;
	v15 =	vmul.f32 v15, v5  }
0xb4: {  	v6 =	vld [tilespmem:s20+$0x116F];
	[tilespmem:s19+$0x8C0] =	vst v10;
	v10 =	vadd.f32 v10, v11;
	v11 =	vadd.f32 v12, v9;
	v12 =	vmul.f32 v18, v3  }
0xb5: {  	v7 =	vmul.f32 v7, v4;
	v8 =	vld [tilespmem:s20+$0x115F];
	v15 =	vadd.f32 v15, v20;
	v14 =	vmul.f32 v14, v5  }
.Ltmp6:
0xb6: {  	v9 =	vld [tilespmem:s20+$0x114F];
	[tilespmem:s19+$0x8D0] =	vst v11;
	v18 =	vadd.f32 v11, v10;
	v12 =	vadd.f32 v12, v16;
	v16 =	vmul.f32 v17, v3;
	(pc) =	sbr.rel @p0 .LBB2_8-.Ltmp6, $4  }
0xb7: {  	v10 =	vld [tilespmem:s20+$0x113F];
	v17 =	vadd.f32 v14, v7  }
0xb8: {  	v13 =	vmul.f32 v13, v3;
	v11 =	vld [tilespmem:s20+$0x112F];
	[tilespmem:s19+$0x8E0] =	vst v12;
	v12 =	vadd.f32 v12, v18;
	v16 =	vadd.f32 v16, v15  }
0xb9: {  	v7 =	vmov v19;
	v14 =	vld [tilespmem:s20+$0x1111]  }
0xba: {  	s21 =	sadd.s32 $0x200, s21;
	v13 =	vadd.f32 v13, v17;
	v15 =	vld [tilespmem:s20+$0x110F];
	[tilespmem:s19+$0x8F0] =	vst v16;
	v12 =	vadd.f32 v16, v12  }
0xbb: {  	v16 =	vld [tilespmem:s20+$0x1110]  }
0xbc: {  	v17 =	vld [tilespmem:s20+$0x111F];
	[tilespmem:s19+$0x900] =	vst v13  }
0xbd: {  	v18 =	vld [tilespmem:s20+$0x1120]  }
0xbe: {  	v19 =	vld [tilespmem:s20+$0x1130]  }
0xbf: {  	v20 =	vld [tilespmem:s20+$0x1121]  }
0xc0: {  	v21 =	vld [tilespmem:s20+$0x1140];
	v15 =	vmul.f32 v15, v4;
	v16 =	vmul.f32 v16, v5  }
0xc1: {  	v22 =	vld [tilespmem:s20+$0x1131]  }
0xc2: {  	v23 =	vld [tilespmem:s20+$0x1141];
	v14 =	vmul.f32 v14, v3;
	v15 =	vadd.f32 v16, v15  }
0xc3: {  	v17 =	vmul.f32 v17, v4;
	v16 =	vld [tilespmem:s20+$0x1150];
	v18 =	vmul.f32 v18, v5  }
0xc4: {  	v11 =	vmul.f32 v11, v4;
	v19 =	vmul.f32 v19, v5;
	v14 =	vadd.f32 v14, v15;
	v15 =	vld [tilespmem:s20+$0x1160]  }
0xc5: {  	v17 =	vadd.f32 v18, v17;
	v18 =	vmul.f32 v20, v3;
	v20 =	vld [tilespmem:s20+$0x1151]  }
0xc6: {  	v11 =	vadd.f32 v19, v11;
	v19 =	vmul.f32 v22, v3;
	v22 =	vld [tilespmem:s20+$0x1161]  }
0xc7: {  	v10 =	vmul.f32 v10, v4;
	v21 =	vmul.f32 v21, v5;
	v17 =	vadd.f32 v18, v17;
	v18 =	vld [tilespmem:s20+$0x1170]  }
0xc8: {  	v9 =	vmul.f32 v9, v4;
	v11 =	vadd.f32 v19, v11;
	v19 =	vld [tilespmem:s20+$0x1180]  }
0xc9: {  	v8 =	vmul.f32 v8, v4;
	v24 =	vld [tilespmem:s20+$0x1171];
	v23 =	vmul.f32 v23, v3;
	v10 =	vadd.f32 v21, v10  }
0xca: {  	v6 =	vmul.f32 v6, v4;
	v21 =	vld [tilespmem:s20+$0x1181];
	v16 =	vmul.f32 v16, v5  }
0xcb: {  	v7 =	vmul.f32 v7, v4;
	v10 =	vadd.f32 v23, v10;
	v15 =	vmul.f32 v15, v5  }
0xcc: {  	[tilespmem:s20+$0x890] =	vst v14;
	v9 =	vadd.f32 v16, v9;
	v16 =	vmul.f32 v20, v3;
	v18 =	vmul.f32 v18, v5  }
0xcd: {  	[tilespmem:s20+$0x8A0] =	vst v17;
	v20 =	vmul.f32 v22, v3;
	v8 =	vadd.f32 v15, v8;
	v15 =	vmul.f32 v19, v5  }
0xce: {  	[tilespmem:s20+$0x8B0] =	vst v11;
	v9 =	vadd.f32 v16, v9;
	v16 =	vmul.f32 v24, v3;
	v6 =	vadd.f32 v18, v6  }
0xcf: {  	[tilespmem:s20+$0x8C0] =	vst v10;
	v8 =	vadd.f32 v20, v8;
	v7 =	vadd.f32 v15, v7;
	v15 =	vmul.f32 v21, v3  }
0xd0: {  	[tilespmem:s20+$0x8D0] =	vst v9;
	v6 =	vadd.f32 v16, v6  }
0xd1: {  	[tilespmem:s20+$0x8E0] =	vst v8;
	v7 =	vadd.f32 v15, v7  }
0xd2: {  	v12 =	vadd.f32 v13, v12;
	[tilespmem:s20+$0x8F0] =	vst v6  }
0xd3: {  	[tilespmem:s20+$0x900] =	vst v7  }
0xd4: {  	v12 =	vadd.f32 v14, v12;
	v13 =	vld [tilespmem:$0x188F]  }
0xd5: {  	v14 =	vld [tilespmem:$0x1890]  }
0xd6: {  	v12 =	vadd.f32 v17, v12;
	v15 =	vld [tilespmem:$0x1891]  }
0xd7: {  	v16 =	vld [tilespmem:$0x189F]  }
0xd8: {  	v11 =	vadd.f32 v11, v12;
	v12 =	vld [tilespmem:$0x18A0]  }
0xd9: {  	v17 =	vld [tilespmem:$0x18A1]  }
0xda: {  	v10 =	vadd.f32 v10, v11;
	v11 =	vld [tilespmem:$0x18AF]  }
0xdb: {  	v18 =	vld [tilespmem:$0x18B0]  }
0xdc: {  	v9 =	vadd.f32 v9, v10;
	v10 =	vld [tilespmem:$0x18B1]  }
0xdd: {  	v19 =	vld [tilespmem:$0x18BF]  }
0xde: {  	v8 =	vadd.f32 v8, v9;
	v20 =	vld [tilespmem:$0x18C1];
	v9 =	vmul.f32 v13, v4;
	v13 =	vmul.f32 v14, v5  }
0xdf: {  	v21 =	vld [tilespmem:$0x1900]  }
0xe0: {  	v6 =	vadd.f32 v6, v8;
	v14 =	vld [tilespmem:$0x18C0];
	v8 =	vadd.f32 v13, v9;
	v9 =	vmul.f32 v15, v3  }
0xe1: {  	v12 =	vmul.f32 v12, v5;
	v13 =	vld [tilespmem:$0x18CF];
	v15 =	vmul.f32 v16, v4  }
0xe2: {  	v6 =	vadd.f32 v7, v6;
	v11 =	vmul.f32 v11, v4;
	v16 =	vld [tilespmem:$0x18D0];
	v7 =	vadd.f32 v9, v8  }
0xe3: {  	v8 =	vmul.f32 v17, v3;
	v9 =	vld [tilespmem:$0x18D1];
	v12 =	vadd.f32 v12, v15;
	v15 =	vmul.f32 v18, v5  }
0xe4: {  	v17 =	vld [tilespmem:$0x18DF];
	v6 =	vadd.f32 v7, v6  }
0xe5: {  	v10 =	vmul.f32 v10, v3;
	v18 =	vld [tilespmem:$0x18E0];
	v8 =	vadd.f32 v8, v12;
	v11 =	vadd.f32 v15, v11  }
0xe6: {  	v14 =	vmul.f32 v14, v5;
	v12 =	vld [tilespmem:$0x18E1];
	v15 =	vmul.f32 v19, v4  }
0xe7: {  	v19 =	vld [tilespmem:$0x18EF];
	v13 =	vmul.f32 v13, v4;
	v6 =	vadd.f32 v8, v6;
	v10 =	vadd.f32 v10, v11  }
0xe8: {  	v11 =	vmul.f32 v20, v3;
	v20 =	vld [tilespmem:$0x18F0];
	v14 =	vadd.f32 v14, v15;
	v15 =	vmul.f32 v16, v5  }
0xe9: {  	v16 =	vld [tilespmem:$0x18FF];
	v6 =	vadd.f32 v10, v6  }
0xea: {  	v9 =	vmul.f32 v9, v3;
	v11 =	vadd.f32 v11, v14;
	v13 =	vadd.f32 v15, v13;
	v14 =	vld [tilespmem:$0x18F1]  }
0xeb: {  	v15 =	vmul.f32 v17, v4;
	v17 =	vmul.f32 v18, v5;
	v18 =	vld [tilespmem:$0x1901]  }
0xec: {  	v12 =	vmul.f32 v12, v3;
	v6 =	vadd.f32 v11, v6;
	v9 =	vadd.f32 v9, v13  }
0xed: {  	v13 =	vadd.f32 v17, v15;
	v15 =	vmul.f32 v19, v4;
	v17 =	vmul.f32 v20, v5  }
0xee: {  	v19 =	vmul.f32 v21, v5;
	v16 =	vmul.f32 v16, v4;
	v6 =	vadd.f32 v9, v6  }
0xef: {  	v12 =	vadd.f32 v12, v13;
	v13 =	vadd.f32 v17, v15  }
0xf0: {  	v14 =	vmul.f32 v14, v3;
	v15 =	vadd.f32 v19, v16;
	v16 =	vmul.f32 v18, v3  }
0xf1: {  	v6 =	vadd.f32 v12, v6  }
0xf2: {  	v13 =	vadd.f32 v14, v13;
	v14 =	vadd.f32 v16, v15;
	_ =	sdelay $0x1  }
0xf3: {  	v6 =	vadd.f32 v13, v6;
	v14 =	vmul.f32 v14, v2;
	_ =	sdelay $0x1  }
0xf4: {  	v6 =	vadd.f32 v14, v6;
	_ =	sdelay $0x1  }
0xf5: {  	[tilespmem:$0x2290] =	vst v6  }
0xf6: {  	v15 =	vld [tilespmem:$0x2298];
	_ =	sdelay $0x4  }
0xf7: {  	v6 =	vadd.f32 v6, v15;
	_ =	sdelay $0x1  }
0xf8: {  	[tilespmem:$0x2290] =	vst v6  }
0xf9: {  	v15 =	vld [tilespmem:$0x2294];
	_ =	sdelay $0x4  }
0xfa: {  	v6 =	vadd.f32 v15, v6;
	_ =	sdelay $0x1  }
0xfb: {  	[tilespmem:$0x2290] =	vst v6  }
0xfc: {  	v15 =	vld [tilespmem:$0x2292];
	_ =	sdelay $0x4  }
0xfd: {  	v6 =	vadd.f32 v15, v6;
	_ =	sdelay $0x1  }
0xfe: {  	[tilespmem:$0x2290] =	vst v6  }
0xff: {  	v15 =	vld [tilespmem:$0x2291];
	_ =	sdelay $0x3  }
0x100: {  	(v2sf) =	vpush v6, $0x0  }
0x101: {  	(v2sf) =	vpush v15, $0x0;
	_ =	sdelay $0xd  }
0x102: {  	s30 =	spop (v2sf)  }
0x103: {  	[tilespmem:$0x1010] =	vst v7;
	s31 =	spop (v2sf)  }
0x104: {  	[tilespmem:$0x1020] =	vst v8;
	s19 =	sadd.f32 s31, s30  }
0x105: {  	[tilespmem:$0x1030] =	vst v10  }
0x106: {  	[tilespmem:$0x1040] =	vst v11;
	v6 =	vmov s19  }
0x107: {  	[tilespmem:$0x1050] =	vst v9;
	(erf) = vrcp.f32 v6  }
0x108: {  	[tilespmem:$0x1060] =	vst v12  }
0x109: {  	[tilespmem:$0x1070] =	vst v13  }
0x10a: {  	[tilespmem:$0x1080] =	vst v14;
	s19 =	simm.s32 $0x0  }
0x10b: {  	v8 =	vld [tilespmem:s19+$0x900]  }
0x10c: {  	v9 =	vld [tilespmem:s19+$0x890]  }
0x10d: {  	v10 =	vld [tilespmem:s19+$0x8A0]  }
0x10e: {  	v11 =	vld [tilespmem:s19+$0x8B0]  }
0x10f: {  	v12 =	vld [tilespmem:s19+$0x8C0]  }
0x110: {  	v13 =	vld [tilespmem:s19+$0x8D0];
	v7 =	vpop (erf)  }
0x111: {  	v15 =	vld [tilespmem:s19+$0x8E0];
	v8 =	vmul.f32 v8, v7  }
0x112: {  	s20 =	simm.s32 $0x80;
	v16 =	vld [tilespmem:s19+$0x8F0]  }
0x113: {  	v17 =	vld [tilespmem:s20+$0x900];
	v14 =	vmul.f32 $6.553700000e+04, v8  }
0x114: {  	v9 =	vmul.f32 v9, v7;
	v10 =	vmul.f32 v10, v7  }
0x115: {  	v11 =	vmul.f32 v11, v7;
	v12 =	vmul.f32 v12, v7;
	v8 =	vsub.f32 v14, v8  }
0x116: {  	v13 =	vmul.f32 v13, v7;
	v18 =	vmul.f32 $6.553700000e+04, v9  }
0x117: {  	v15 =	vmul.f32 v15, v7;
	v16 =	vmul.f32 v16, v7;
	v8 =	vsub.f32 v14, v8  }
0x118: {  	v20 =	vld [tilespmem:s20+$0x8A0];
	v17 =	vmul.f32 v17, v7;
	v19 =	vmul.f32 $6.553700000e+04, v10;
	v9 =	vsub.f32 v18, v9  }
0x119: {  	v21 =	vmul.f32 $6.553700000e+04, v11;
	v63 =	vmul.f32 $6.553700000e+04, v15;
	v14 =	vld [tilespmem:s20+$0x890];
	[tilespmem:s19+$0x1180] =	vst v8  }
0x11a: {  	v23 =	vmul.f32 $6.553700000e+04, v13;
	v10 =	vsub.f32 v19, v10;
	v9 =	vsub.f32 v18, v9;
	v22 =	vld [tilespmem:s20+$0x8B0]  }
0x11b: {  	v26 =	vmul.f32 $6.553700000e+04, v16;
	v11 =	vsub.f32 v21, v11;
	v15 =	vsub.f32 v63, v15;
	v18 =	vld [tilespmem:s20+$0x8C0]  }
0x11c: {  	v19 =	vsub.f32 v19, v10;
	v8 =	vmul.f32 $6.553700000e+04, v12;
	v25 =	vld [tilespmem:s20+$0x8D0];
	[tilespmem:s19+$0x1110] =	vst v9;
	v9 =	vsub.f32 v23, v13  }
0x11d: {  	v27 =	vsub.f32 v26, v16;
	v16 =	vmul.f32 $6.553700000e+04, v17;
	v21 =	vsub.f32 v21, v11  }
0x11e: {  	v12 =	vsub.f32 v8, v12;
	v10 =	vld [tilespmem:s20+$0x8E0];
	[tilespmem:s19+$0x1120] =	vst v19;
	v28 =	vmul.f32 v14, v7;
	v23 =	vsub.f32 v23, v9  }
0x11f: {  	v13 =	vmul.f32 v20, v7;
	v20 =	vsub.f32 v16, v17;
	v11 =	vld [tilespmem:s20+$0x8F0];
	[tilespmem:s19+$0x1130] =	vst v21;
	v21 =	vsub.f32 v63, v15  }
0x120: {  	v12 =	vsub.f32 v8, v12;
	v8 =	vmul.f32 $6.553700000e+04, v28;
	[tilespmem:s19+$0x1150] =	vst v23;
	v14 =	vmul.f32 v22, v7  }
0x121: {  	s21 =	simm.s32 $0x400;
	s23 =	simm.s32 $0x100;
	v19 =	vsub.f32 v26, v27;
	v9 =	vmul.f32 $6.553700000e+04, v13;
	[tilespmem:s19+$0x1160] =	vst v21;
	v15 =	vmul.f32 v18, v7  }
0x122: {  	s24 =	simm.s32 $0x600;
	s25 =	simm.s32 $0x0;
	s22 =	simm.s32 $0x80;
	[tilespmem:s19+$0x1140] =	vst v12;
	v18 =	vmul.f32 v25, v7;
	v17 =	vsub.f32 v8, v28;
	v12 =	vmul.f32 $6.553700000e+04, v14  }
.LBB2_10:
0x123: {  	p0 =	sne.s32 s24, $0x1E00;
	v21 =	vld [tilespmem:s23+$0x900];
	v22 =	vmul.f32 $6.553700000e+04, v15;
	v10 =	vmul.f32 v10, v7;
	v16 =	vsub.f32 v16, v20;
	[tilespmem:s25+$0x1170] =	vst v19;
	s25 =	smov.u32 s22;
	s22 =	smov.u32 s23  }
0x124: {  	v13 =	vsub.f32 v9, v13;
	v19 =	vld [tilespmem:s22+$0x890];
	v20 =	vmul.f32 $6.553700000e+04, v18;
	v11 =	vmul.f32 v11, v7  }
0x125: {  	v14 =	vsub.f32 v12, v14;
	v23 =	vld [tilespmem:s22+$0x8A0];
	v15 =	vsub.f32 v22, v15;
	v24 =	vmul.f32 $6.553700000e+04, v10;
	[tilespmem:s25+$0x1180] =	vst v16  }
0x126: {  	v8 =	vsub.f32 v8, v17;
	v25 =	vld [tilespmem:s22+$0x8B0];
	v16 =	vsub.f32 v20, v18;
	v17 =	vmul.f32 $6.553700000e+04, v11  }
0x127: {  	v9 =	vsub.f32 v9, v13;
	v18 =	vld [tilespmem:s22+$0x8C0];
	v26 =	vsub.f32 v24, v10  }
0x128: {  	v27 =	vld [tilespmem:s22+$0x8D0];
	v21 =	vmul.f32 v21, v7;
	[tilespmem:s25+$0x1110] =	vst v8;
	v8 =	vsub.f32 v12, v14;
	v12 =	vsub.f32 v17, v11  }
.Ltmp7:
0x129: {  	v28 =	vmul.f32 v19, v7;
	v10 =	vld [tilespmem:s22+$0x8E0];
	[tilespmem:s25+$0x1120] =	vst v9;
	v9 =	vsub.f32 v22, v15;
	v22 =	vsub.f32 v20, v16;
	(pc) =	sbr.rel @p0 .LBB2_10-.Ltmp7, $4  }
0x12a: {  	v13 =	vmul.f32 v23, v7;
	v11 =	vld [tilespmem:s22+$0x8F0];
	v16 =	vmul.f32 $6.553700000e+04, v21;
	[tilespmem:s25+$0x1130] =	vst v8;
	v23 =	vsub.f32 v24, v26  }
0x12b: {  	v19 =	vsub.f32 v17, v12;
	v8 =	vmul.f32 $6.553700000e+04, v28;
	v14 =	vmul.f32 v25, v7;
	[tilespmem:s25+$0x1140] =	vst v9  }
0x12c: {  	v9 =	vmul.f32 $6.553700000e+04, v13;
	v15 =	vmul.f32 v18, v7;
	v20 =	vsub.f32 v16, v21;
	[tilespmem:s25+$0x1150] =	vst v22  }
0x12d: {  	s23 =	sshra.s32 s24, $0x2;
	s24 =	sadd.s32 $0x200, s24;
	v17 =	vsub.f32 v8, v28;
	v12 =	vmul.f32 $6.553700000e+04, v14;
	v18 =	vmul.f32 v27, v7;
	[tilespmem:s25+$0x1160] =	vst v23  }
0x12e: {  	v21 =	vld [tilespmem:s23+$0x900];
	[tilespmem:s25+$0x1170] =	vst v19;
	v16 =	vsub.f32 v16, v20  }
0x12f: {  	v19 =	vld [tilespmem:s23+$0x890]  }
0x130: {  	v22 =	vmul.f32 $6.553700000e+04, v15;
	v10 =	vmul.f32 v10, v7;
	v13 =	vsub.f32 v9, v13;
	v52 =	vld [tilespmem:s23+$0x8A0];
	[tilespmem:s22+$0x1180] =	vst v16  }
0x131: {  	v11 =	vmul.f32 v11, v7;
	v14 =	vsub.f32 v12, v14;
	v8 =	vsub.f32 v8, v17;
	v23 =	vld [tilespmem:s23+$0x8B0]  }
0x132: {  	v16 =	vmul.f32 $6.553700000e+04, v18;
	v15 =	vsub.f32 v22, v15;
	v24 =	vmul.f32 $6.553700000e+04, v10;
	v17 =	vld [tilespmem:s23+$0x8C0]  }
0x133: {  	v9 =	vsub.f32 v9, v13;
	v25 =	vmul.f32 $6.553700000e+04, v11;
	v13 =	vld [tilespmem:s23+$0x8D0];
	[tilespmem:s22+$0x1110] =	vst v8;
	v8 =	vsub.f32 v12, v14  }
0x134: {  	v18 =	vsub.f32 v16, v18;
	v10 =	vsub.f32 v24, v10;
	v14 =	vld [tilespmem:s23+$0x8E0];
	v21 =	vmul.f32 v21, v7  }
0x135: {  	v15 =	vsub.f32 v22, v15;
	v11 =	vsub.f32 v25, v11;
	v12 =	vmul.f32 v19, v7  }
0x136: {  	[tilespmem:s22+$0x1120] =	vst v9;
	v9 =	vsub.f32 v16, v18;
	v16 =	vmul.f32 v52, v7;
	v18 =	vmul.f32 $6.553700000e+04, v21  }
0x137: {  	v19 =	vld [tilespmem:s23+$0x8F0];
	v10 =	vsub.f32 v24, v10;
	v53 =	vmul.f32 $6.553700000e+04, v12;
	v54 =	vmul.f32 v23, v7  }
0x138: {  	[tilespmem:s22+$0x1130] =	vst v8;
	v8 =	vsub.f32 v25, v11;
	v11 =	vmul.f32 $6.553700000e+04, v16;
	v17 =	vmul.f32 v17, v7  }
0x139: {  	[tilespmem:s22+$0x1140] =	vst v15;
	v13 =	vmul.f32 v13, v7;
	v15 =	vsub.f32 v18, v21;
	v14 =	vmul.f32 v14, v7  }
0x13a: {  	[tilespmem:s22+$0x1150] =	vst v9;
	v55 =	vmul.f32 $6.553700000e+04, v54;
	v9 =	vsub.f32 v53, v12;
	v12 =	vmul.f32 $6.553700000e+04, v17  }
0x13b: {  	[tilespmem:s22+$0x1160] =	vst v10;
	v10 =	vsub.f32 v18, v15;
	v15 =	vsub.f32 v11, v16;
	v16 =	vmul.f32 $6.553700000e+04, v13  }
0x13c: {  	[tilespmem:s22+$0x1170] =	vst v8;
	v7 =	vmul.f32 v19, v7;
	v8 =	vsub.f32 v55, v54;
	v9 =	vsub.f32 v53, v9  }
0x13d: {  	v18 =	vmul.f32 $6.553700000e+04, v14;
	v17 =	vsub.f32 v12, v17;
	[tilespmem:s23+$0x1180] =	vst v10;
	v10 =	vsub.f32 v11, v15  }
0x13e: {  	v11 =	vsub.f32 v16, v13;
	v13 =	vmul.f32 $6.553700000e+04, v7;
	[tilespmem:s23+$0x1110] =	vst v9;
	v8 =	vsub.f32 v55, v8  }
0x13f: {  	v9 =	vsub.f32 v18, v14;
	[tilespmem:s23+$0x1120] =	vst v10;
	v10 =	vsub.f32 v12, v17  }
0x140: {  	v7 =	vsub.f32 v13, v7;
	v11 =	vsub.f32 v16, v11;
	[tilespmem:s23+$0x1130] =	vst v8  }
0x141: {  	v8 =	vsub.f32 v18, v9;
	[tilespmem:s23+$0x1140] =	vst v10  }
0x142: {  	v7 =	vsub.f32 v13, v7;
	[tilespmem:s23+$0x1150] =	vst v11  }
0x143: {  	[tilespmem:s23+$0x1160] =	vst v8  }
0x144: {  	[tilespmem:s23+$0x1170] =	vst v7  }
0x145: {  	v11 =	vld [tilespmem:s19+$0x117F]  }
0x146: {  	v12 =	vld [tilespmem:s19+$0x116F]  }
0x147: {  	v7 =	vld [tilespmem:s19+$0x114F]  }
0x148: {  	v8 =	vld [tilespmem:s19+$0x113F]  }
0x149: {  	v10 =	vld [tilespmem:s19+$0x112F]  }
0x14a: {  	v13 =	vld [tilespmem:s19+$0x1111]  }
0x14b: {  	v14 =	vld [tilespmem:s19+$0x110F]  }
0x14c: {  	v15 =	vld [tilespmem:s19+$0x1110]  }
0x14d: {  	v16 =	vld [tilespmem:s19+$0x111F]  }
0x14e: {  	v17 =	vld [tilespmem:s19+$0x1120]  }
0x14f: {  	v18 =	vld [tilespmem:s19+$0x1130]  }
0x150: {  	v19 =	vld [tilespmem:s19+$0x1121]  }
0x151: {  	v56 =	vld [tilespmem:s19+$0x1140]  }
0x152: {  	v58 =	vld [tilespmem:s19+$0x1141];
	v14 =	vmul.f32 v14, v4;
	v15 =	vmul.f32 v15, v5  }
0x153: {  	v57 =	vld [tilespmem:s19+$0x1131];
	v13 =	vmul.f32 v13, v3;
	v16 =	vmul.f32 v16, v4  }
0x154: {  	v17 =	vmul.f32 v17, v5;
	v10 =	vmul.f32 v10, v4;
	v14 =	vadd.f32 v15, v14;
	v15 =	vld [tilespmem:s19+$0x1150]  }
0x155: {  	v61 =	vimm.f32 $0.0e+00;
	v9 =	vld [tilespmem:s19+$0x115F];
	v18 =	vmul.f32 v18, v5;
	v8 =	vmul.f32 v8, v4  }
0x156: {  	v16 =	vadd.f32 v17, v16;
	v17 =	vmul.f32 v19, v3;
	v19 =	vld [tilespmem:s19+$0x1151];
	v13 =	vadd.f32 v13, v14  }
0x157: {  	v20 =	vmul.f32 v56, v5;
	v62 =	vmul.f32 v58, v3;
	v10 =	vadd.f32 v18, v10;
	v14 =	vld [tilespmem:s19+$0x1160]  }
0x158: {  	v18 =	vmul.f32 v57, v3;
	v16 =	vadd.f32 v17, v16;
	v17 =	vld [tilespmem:s19+$0x1170];
	[tilespmem:s19+$0x10] =	vst v13;
	v13 =	vadd.f32 v13, v61  }
0x159: {  	v59 =	vld [tilespmem:s19+$0x1161];
	v7 =	vmul.f32 v7, v4;
	v8 =	vadd.f32 v20, v8;
	v15 =	vmul.f32 v15, v5  }
0x15a: {  	v10 =	vadd.f32 v18, v10;
	v18 =	vld [tilespmem:s19+$0x1180];
	v13 =	vadd.f32 v16, v13  }
0x15b: {  	v60 =	vld [tilespmem:s19+$0x1171];
	v20 =	vadd.f32 v62, v8;
	[tilespmem:s19+$0x20] =	vst v16;
	v16 =	vmul.f32 v19, v3;
	v15 =	vadd.f32 v15, v7  }
0x15c: {  	v63 =	vld [tilespmem:s19+$0x1181];
	[tilespmem:s19+$0x30] =	vst v10;
	v19 =	vmul.f32 v9, v4;
	v14 =	vmul.f32 v14, v5;
	v13 =	vadd.f32 v10, v13  }
0x15d: {  	v12 =	vmul.f32 v12, v4;
	v8 =	vld [tilespmem:s20+$0x117F];
	v17 =	vmul.f32 v17, v5;
	v15 =	vadd.f32 v16, v15  }
0x15e: {  	v7 =	vld [tilespmem:s20+$0x116F];
	[tilespmem:s19+$0x40] =	vst v20;
	v14 =	vadd.f32 v14, v19;
	v16 =	vmul.f32 v59, v3;
	v13 =	vadd.f32 v20, v13  }
0x15f: {  	v18 =	vmul.f32 v18, v5;
	v9 =	vld [tilespmem:s20+$0x115F];
	v19 =	vmul.f32 v11, v4;
	v12 =	vadd.f32 v17, v12  }
0x160: {  	v10 =	vld [tilespmem:s20+$0x114F];
	[tilespmem:s19+$0x50] =	vst v15;
	v14 =	vadd.f32 v16, v14;
	v16 =	vmul.f32 v60, v3;
	v15 =	vadd.f32 v15, v13  }
0x161: {  	v17 =	vadd.f32 v18, v19;
	v11 =	vld [tilespmem:s20+$0x113F]  }
0x162: {  	v18 =	vmul.f32 v63, v3;
	v13 =	vld [tilespmem:s20+$0x112F];
	[tilespmem:s19+$0x60] =	vst v14;
	v12 =	vadd.f32 v16, v12;
	v14 =	vadd.f32 v14, v15  }
0x163: {  	v15 =	vld [tilespmem:s20+$0x1111]  }
0x164: {  	v16 =	vld [tilespmem:s20+$0x110F];
	[tilespmem:s19+$0x70] =	vst v12;
	v12 =	vadd.f32 v12, v14;
	v14 =	vadd.f32 v18, v17  }
.LBB2_12:
0x165: {  	p0 =	sne.s32 s21, $0x1C00;
	v17 =	vld [tilespmem:s20+$0x1110]  }
0x166: {  	v18 =	vld [tilespmem:s20+$0x111F];
	[tilespmem:s19+$0x80] =	vst v14;
	v12 =	vadd.f32 v14, v12;
	s19 =	smov.u32 s20  }
0x167: {  	v14 =	vld [tilespmem:s19+$0x1120]  }
0x168: {  	v19 =	vld [tilespmem:s19+$0x1130]  }
0x169: {  	v20 =	vld [tilespmem:s19+$0x1121]  }
0x16a: {  	v16 =	vmul.f32 v16, v4;
	v17 =	vmul.f32 v17, v5;
	v21 =	vld [tilespmem:s19+$0x1140]  }
0x16b: {  	v15 =	vmul.f32 v15, v3;
	v22 =	vld [tilespmem:s19+$0x1131]  }
0x16c: {  	v16 =	vadd.f32 v17, v16;
	v17 =	vmul.f32 v18, v4;
	v14 =	vmul.f32 v14, v5;
	v18 =	vld [tilespmem:s19+$0x1150]  }
0x16d: {  	v13 =	vmul.f32 v13, v4;
	v19 =	vmul.f32 v19, v5;
	v23 =	vld [tilespmem:s19+$0x1141]  }
0x16e: {  	v15 =	vadd.f32 v15, v16;
	v14 =	vadd.f32 v14, v17;
	v16 =	vmul.f32 v20, v3;
	v17 =	vld [tilespmem:s19+$0x1160]  }
0x16f: {  	v11 =	vmul.f32 v11, v4;
	v13 =	vadd.f32 v19, v13;
	v19 =	vmul.f32 v21, v5;
	v20 =	vld [tilespmem:s19+$0x1151]  }
0x170: {  	[tilespmem:s19+$0x10] =	vst v15;
	v12 =	vadd.f32 v15, v12;
	v14 =	vadd.f32 v16, v14;
	v15 =	vmul.f32 v22, v3;
	v16 =	vld [tilespmem:s19+$0x1170]  }
0x171: {  	v10 =	vmul.f32 v10, v4;
	v11 =	vadd.f32 v19, v11;
	v18 =	vmul.f32 v18, v5;
	v19 =	vld [tilespmem:s19+$0x1161]  }
0x172: {  	[tilespmem:s19+$0x20] =	vst v14;
	v12 =	vadd.f32 v14, v12;
	v13 =	vadd.f32 v15, v13;
	v14 =	vmul.f32 v23, v3;
	v15 =	vld [tilespmem:s19+$0x1180]  }
0x173: {  	v9 =	vmul.f32 v9, v4;
	v10 =	vadd.f32 v18, v10;
	v17 =	vmul.f32 v17, v5;
	v18 =	vld [tilespmem:s19+$0x1171]  }
0x174: {  	s20 =	sshra.s32 s21, $0x2;
	[tilespmem:s19+$0x30] =	vst v13;
	v12 =	vadd.f32 v13, v12;
	v11 =	vadd.f32 v14, v11;
	v13 =	vmul.f32 v20, v3;
	v14 =	vld [tilespmem:s19+$0x1181]  }
0x175: {  	v21 =	vmul.f32 v7, v4;
	v20 =	vld [tilespmem:s20+$0x117F];
	v17 =	vadd.f32 v17, v9;
	v16 =	vmul.f32 v16, v5  }
0x176: {  	v7 =	vld [tilespmem:s20+$0x116F];
	[tilespmem:s19+$0x40] =	vst v11;
	v11 =	vadd.f32 v11, v12;
	v12 =	vadd.f32 v13, v10;
	v13 =	vmul.f32 v19, v3  }
0x177: {  	v8 =	vmul.f32 v8, v4;
	v9 =	vld [tilespmem:s20+$0x115F];
	v16 =	vadd.f32 v16, v21;
	v15 =	vmul.f32 v15, v5  }
.Ltmp8:
0x178: {  	v10 =	vld [tilespmem:s20+$0x114F];
	[tilespmem:s19+$0x50] =	vst v12;
	v12 =	vadd.f32 v12, v11;
	v17 =	vadd.f32 v13, v17;
	v18 =	vmul.f32 v18, v3;
	(pc) =	sbr.rel @p0 .LBB2_12-.Ltmp8, $4  }
0x179: {  	v11 =	vld [tilespmem:s20+$0x113F];
	v19 =	vadd.f32 v15, v8  }
0x17a: {  	v14 =	vmul.f32 v14, v3;
	v13 =	vld [tilespmem:s20+$0x112F];
	[tilespmem:s19+$0x60] =	vst v17;
	v12 =	vadd.f32 v17, v12;
	v17 =	vadd.f32 v18, v16  }
0x17b: {  	v8 =	vmov v20;
	v15 =	vld [tilespmem:s20+$0x1111]  }
0x17c: {  	s21 =	sadd.s32 $0x200, s21;
	v14 =	vadd.f32 v14, v19;
	v16 =	vld [tilespmem:s20+$0x110F];
	[tilespmem:s19+$0x70] =	vst v17;
	v12 =	vadd.f32 v17, v12  }
0x17d: {  	v17 =	vld [tilespmem:s20+$0x1110]  }
0x17e: {  	v18 =	vld [tilespmem:s20+$0x111F];
	[tilespmem:s19+$0x80] =	vst v14  }
0x17f: {  	v19 =	vld [tilespmem:s20+$0x1120]  }
0x180: {  	v20 =	vld [tilespmem:s20+$0x1130]  }
0x181: {  	v21 =	vld [tilespmem:s20+$0x1121]  }
0x182: {  	v22 =	vld [tilespmem:s20+$0x1140]  }
0x183: {  	v10 =	vmul.f32 v10, v4;
	v9 =	vmul.f32 v9, v4;
	v23 =	vld [tilespmem:s20+$0x1131]  }
0x184: {  	v7 =	vmul.f32 v7, v4;
	v8 =	vmul.f32 v8, v4;
	v42 =	vld [tilespmem:s20+$0x1150]  }
0x185: {  	v11 =	vmul.f32 v11, v4;
	v24 =	vld [tilespmem:s20+$0x1141];
	v13 =	vmul.f32 v13, v4  }
0x186: {  	v45 =	vld [tilespmem:s20+$0x1151];
	v15 =	vmul.f32 v15, v3;
	v16 =	vmul.f32 v16, v4  }
0x187: {  	v49 =	vld [tilespmem:s20+$0x1180];
	v17 =	vmul.f32 v17, v5;
	v18 =	vmul.f32 v18, v4  }
0x188: {  	v50 =	vld [tilespmem:s20+$0x1181];
	v19 =	vmul.f32 v19, v5;
	v44 =	vmul.f32 v21, v3  }
0x189: {  	v43 =	vld [tilespmem:s20+$0x1160];
	v20 =	vmul.f32 v20, v5;
	v47 =	vmul.f32 v23, v3  }
0x18a: {  	v46 =	vld [tilespmem:s20+$0x1170];
	v16 =	vadd.f32 v17, v16;
	v22 =	vmul.f32 v22, v5;
	v17 =	vmul.f32 v42, v5  }
0x18b: {  	v48 =	vld [tilespmem:s20+$0x1161];
	v24 =	vmul.f32 v24, v3;
	v51 =	vmul.f32 v45, v3;
	v18 =	vadd.f32 v19, v18  }
0x18c: {  	v25 =	vld [tilespmem:s20+$0x1171];
	v53 =	vmul.f32 v49, v5;
	v15 =	vadd.f32 v15, v16;
	v13 =	vadd.f32 v20, v13  }
0x18d: {  	v55 =	vmul.f32 v50, v3;
	v11 =	vadd.f32 v22, v11;
	v18 =	vadd.f32 v44, v18  }
0x18e: {  	v16 =	vmul.f32 v43, v5;
	v10 =	vadd.f32 v17, v10;
	[tilespmem:s20+$0x10] =	vst v15;
	v13 =	vadd.f32 v47, v13  }
0x18f: {  	v19 =	vmul.f32 v46, v5;
	v8 =	vadd.f32 v53, v8;
	v11 =	vadd.f32 v24, v11;
	[tilespmem:s20+$0x20] =	vst v18  }
0x190: {  	v52 =	vmul.f32 v48, v3;
	v9 =	vadd.f32 v16, v9;
	v10 =	vadd.f32 v51, v10;
	[tilespmem:s20+$0x30] =	vst v13  }
0x191: {  	v54 =	vmul.f32 v25, v3;
	v7 =	vadd.f32 v19, v7;
	v8 =	vadd.f32 v55, v8;
	[tilespmem:s20+$0x40] =	vst v11  }
0x192: {  	v9 =	vadd.f32 v52, v9;
	[tilespmem:s20+$0x50] =	vst v10  }
0x193: {  	v7 =	vadd.f32 v54, v7;
	[tilespmem:s20+$0x80] =	vst v8  }
0x194: {  	[tilespmem:s20+$0x60] =	vst v9  }
0x195: {  	[tilespmem:s20+$0x70] =	vst v7  }
0x196: {  	v56 =	vld [tilespmem:$0x188F]  }
0x197: {  	v57 =	vld [tilespmem:$0x1890]  }
0x198: {  	v12 =	vadd.f32 v14, v12;
	v58 =	vld [tilespmem:$0x1891]  }
0x199: {  	v59 =	vld [tilespmem:$0x189F]  }
0x19a: {  	v12 =	vadd.f32 v15, v12;
	v60 =	vld [tilespmem:$0x18A0]  }
0x19b: {  	v61 =	vld [tilespmem:$0x18A1]  }
0x19c: {  	v12 =	vadd.f32 v18, v12;
	v62 =	vld [tilespmem:$0x18AF]  }
0x19d: {  	v63 =	vld [tilespmem:$0x18B0]  }
0x19e: {  	v12 =	vadd.f32 v13, v12;
	v24 =	vld [tilespmem:$0x18B1]  }
0x19f: {  	v25 =	vld [tilespmem:$0x18BF]  }
0x1a0: {  	v28 =	vld [tilespmem:$0x18C0];
	v11 =	vadd.f32 v11, v12  }
0x1a1: {  	v29 =	vld [tilespmem:$0x18C1]  }
0x1a2: {  	v32 =	vld [tilespmem:$0x18CF];
	v10 =	vadd.f32 v10, v11  }
0x1a3: {  	v34 =	vld [tilespmem:$0x18D0];
	v26 =	vmul.f32 v56, v4;
	v27 =	vmul.f32 v57, v5  }
0x1a4: {  	v36 =	vld [tilespmem:$0x18D1];
	v9 =	vadd.f32 v9, v10;
	v31 =	vmul.f32 v58, v3;
	v33 =	vmul.f32 v59, v4  }
0x1a5: {  	v38 =	vld [tilespmem:$0x18DF];
	v13 =	vmul.f32 v60, v5;
	v35 =	vmul.f32 v61, v3  }
0x1a6: {  	v39 =	vld [tilespmem:$0x18E0];
	v12 =	vmul.f32 v62, v4;
	v7 =	vadd.f32 v7, v9;
	v30 =	vadd.f32 v27, v26  }
0x1a7: {  	v42 =	vld [tilespmem:$0x18EF];
	v37 =	vmul.f32 v63, v5;
	v11 =	vmul.f32 v24, v3;
	v13 =	vadd.f32 v13, v33  }
0x1a8: {  	v44 =	vld [tilespmem:$0x18F0];
	v41 =	vmul.f32 v25, v4;
	v7 =	vadd.f32 v8, v7;
	v8 =	vadd.f32 v31, v30  }
0x1a9: {  	v46 =	vld [tilespmem:$0x18FF];
	v15 =	vmul.f32 v28, v5;
	v43 =	vmul.f32 v29, v3;
	v12 =	vadd.f32 v37, v12  }
0x1aa: {  	v47 =	vld [tilespmem:$0x1900];
	v14 =	vmul.f32 v32, v4;
	v9 =	vadd.f32 v35, v13;
	v7 =	vadd.f32 v8, v7  }
0x1ab: {  	v40 =	vld [tilespmem:$0x18E1];
	v45 =	vmul.f32 v34, v5;
	v10 =	vmul.f32 v36, v3;
	v15 =	vadd.f32 v15, v41  }
0x1ac: {  	v51 =	vld [tilespmem:$0x1901];
	v49 =	vmul.f32 v38, v4;
	v11 =	vadd.f32 v11, v12;
	v7 =	vadd.f32 v9, v7  }
0x1ad: {  	v48 =	vld [tilespmem:$0x18F1];
	v50 =	vmul.f32 v39, v5;
	v53 =	vmul.f32 v42, v4;
	v14 =	vadd.f32 v45, v14  }
0x1ae: {  	v54 =	vmul.f32 v44, v5;
	v12 =	vadd.f32 v43, v15;
	v7 =	vadd.f32 v11, v7  }
0x1af: {  	v17 =	vmul.f32 v46, v4;
	v55 =	vmul.f32 v47, v5;
	v52 =	vadd.f32 v50, v49  }
0x1b0: {  	v10 =	vadd.f32 v10, v14;
	v13 =	vmul.f32 v40, v3;
	v7 =	vadd.f32 v12, v7  }
0x1b1: {  	v58 =	vmul.f32 v51, v3;
	v56 =	vadd.f32 v54, v53;
	v57 =	vadd.f32 v55, v17  }
0x1b2: {  	v15 =	vmul.f32 v48, v3;
	v13 =	vadd.f32 v13, v52;
	v7 =	vadd.f32 v10, v7  }
0x1b3: {  	v59 =	vadd.f32 v58, v57  }
0x1b4: {  	v14 =	vadd.f32 v15, v56;
	v7 =	vadd.f32 v13, v7;
	_ =	sdelay $0x1  }
0x1b5: {  	v15 =	vmul.f32 v59, v2;
	v7 =	vadd.f32 v14, v7;
	_ =	sdelay $0x1  }
0x1b6: {  	v7 =	vadd.f32 v15, v7;
	_ =	sdelay $0x1  }
0x1b7: {  	[tilespmem:$0x2290] =	vst v7  }
0x1b8: {  	v60 =	vld [tilespmem:$0x2298];
	_ =	sdelay $0x4  }
0x1b9: {  	v7 =	vadd.f32 v7, v60;
	_ =	sdelay $0x1  }
0x1ba: {  	[tilespmem:$0x2290] =	vst v7  }
0x1bb: {  	v61 =	vld [tilespmem:$0x2294];
	_ =	sdelay $0x4  }
0x1bc: {  	v7 =	vadd.f32 v61, v7;
	_ =	sdelay $0x1  }
0x1bd: {  	[tilespmem:$0x2290] =	vst v7  }
0x1be: {  	v62 =	vld [tilespmem:$0x2292];
	_ =	sdelay $0x4  }
0x1bf: {  	v7 =	vadd.f32 v62, v7;
	_ =	sdelay $0x1  }
0x1c0: {  	[tilespmem:$0x2290] =	vst v7  }
0x1c1: {  	v63 =	vld [tilespmem:$0x2291];
	_ =	sdelay $0x3  }
0x1c2: {  	(v2sf) =	vpush v7, $0x0  }
0x1c3: {  	(v2sf) =	vpush v63, $0x0;
	_ =	sdelay $0xa  }
0x1c4: {  	[tilespmem:$0x790] =	vst v8  }
0x1c5: {  	s16 =	sadd.s32 $0x1, s16;
	[tilespmem:$0x7A0] =	vst v9  }
0x1c6: {  	p0 =	sne.s32 s16, s18;
	[tilespmem:$0x7B0] =	vst v11  }
.Ltmp9:
0x1c7: {  	[tilespmem:$0x7C0] =	vst v12;
	s30 =	spop (v2sf);
	(pc) =	sbr.rel @p0 .LBB2_5-.Ltmp9, $4  }
0x1c8: {  	[tilespmem:$0x7D0] =	vst v10;
	s31 =	spop (v2sf)  }
0x1c9: {  	v1 =	vmul.f32 v6, v1;
	[tilespmem:$0x7E0] =	vst v13;
	s19 =	sadd.f32 s31, s30  }
0x1ca: {  	[tilespmem:$0x7F0] =	vst v14  }
0x1cb: {  	[tilespmem:$0x800] =	vst v15;
	v6 =	vmov s19;
	v1 =	vmul.f32 s19, v1  }
.LBB2_14:
0x1cc: {  	(erf) = vrcp.f32 v6;
	_ =	sdelay $0x2  }
0x1cd: {  	s16 =	sand.u32 $0x1, s17  }
0x1ce: {  	p0 =	seq.s32 s16, $0x0  }
.Ltmp10:
0x1cf: {  	_ = 	snop;
	(pc) =	sbr.rel @!p0 .LBB2_15-.Ltmp10, $2  }
0x1d0: {  	_ =	sdelay $0x2  }
0x1d1: {  	v7 =	vimm.f32 $0.0e+00;
	v6 =	vpop (erf)  }
0x1d2: {  	s18 =	simm.s32 $0x0  }
0x1d3: {  	v2 =	vld [tilespmem:s18+$0x10];
	_ =	sdelay $0x4  }
0x1d4: {  	s16 =	simm.s32 $0x10;
	v5 =	vmul.f32 v2, v6  }
0x1d5: {  	v4 =	vld [tilespmem:s16+$0x10]  }
0x1d6: {  	v3 =	vmul.f32 $6.553700000e+04, v5  }
0x1d7: {  	v2 =	vld [tilespmem:s18+$0x1980]  }
0x1d8: {  	s17 =	simm.s32 $0x80;
	v5 =	vsub.f32 v3, v5  }
.LBB2_23:
0x1d9: {  	p0 =	sne.s32 s17, $0x1FC0  }
.Ltmp11:
0x1da: {  	s18 =	sshra.s32 s17, $0x2;
	s17 =	sadd.s32 $0x40, s17;
	v8 =	vmul.f32 v4, v6;
	v5 =	vsub.f32 v3, v5;
	(pc) =	sbr.rel @p0 .LBB2_23-.Ltmp11, $4  }
0x1db: {  	v4 =	vld [tilespmem:s18+$0x10]  }
0x1dc: {  	v3 =	vmul.f32 $6.553700000e+04, v8;
	v9 =	vmul.f32 v5, v2  }
0x1dd: {  	v2 =	vld [tilespmem:s16+$0x1980];
	s16 =	smov.u32 s18  }
0x1de: {  	v5 =	vsub.f32 v3, v8;
	v7 =	vadd.f32 v9, v7  }
0x1df: {  	_ = 	snop  }
0x1e0: {  	v4 =	vmul.f32 v4, v6;
	_ =	sdelay $0x1  }
0x1e1: {  	v6 =	vmul.f32 $6.553700000e+04, v4  }
0x1e2: {  	v8 =	vld [tilespmem:s16+$0x1980]  }
0x1e3: {  	v3 =	vsub.f32 v3, v5;
	v4 =	vsub.f32 v6, v4;
	_ =	sdelay $0x1  }
0x1e4: {  	v2 =	vmul.f32 v3, v2;
	v3 =	vsub.f32 v6, v4;
	_ =	sdelay $0x1  }
.Ltmp12:
0x1e5: {  	v2 =	vadd.f32 v2, v7;
	v3 =	vmul.f32 v3, v8;
	(pc) =	sbr.rel .LBB2_25-.Ltmp12, $3  }
0x1e6: {  	_ = 	snop  }
0x1e7: {  	v2 =	vadd.f32 v3, v2;
	_ =	sdelay $0x1  }
0x1e8: {  	v1 =	vmul.f32 v2, v1  }
.LBB2_15:
0x1e9: {  	s16 =	simm.s32 $0x0  }
0x1ea: {  	v7 =	vld [tilespmem:s16+$0x80]  }
0x1eb: {  	v8 =	vld [tilespmem:s16+$0x10]  }
0x1ec: {  	v9 =	vld [tilespmem:s16+$0x20]  }
0x1ed: {  	v10 =	vld [tilespmem:s16+$0x30]  }
0x1ee: {  	v11 =	vld [tilespmem:s16+$0x40]  }
0x1ef: {  	v12 =	vld [tilespmem:s16+$0x50]  }
0x1f0: {  	v14 =	vld [tilespmem:s16+$0x60];
	v7 =	vmul.f32 v7, v6  }
0x1f1: {  	s17 =	simm.s32 $0x80;
	v15 =	vld [tilespmem:s16+$0x70]  }
0x1f2: {  	v16 =	vld [tilespmem:s17+$0x80];
	v13 =	vmul.f32 $6.553700000e+04, v7  }
0x1f3: {  	v8 =	vmul.f32 v8, v6;
	v9 =	vmul.f32 v9, v6  }
0x1f4: {  	v10 =	vmul.f32 v10, v6;
	v11 =	vmul.f32 v11, v6;
	v7 =	vsub.f32 v13, v7  }
0x1f5: {  	v12 =	vmul.f32 v12, v6;
	v17 =	vmul.f32 $6.553700000e+04, v8  }
0x1f6: {  	v14 =	vmul.f32 v14, v6;
	v15 =	vmul.f32 v15, v6;
	v7 =	vsub.f32 v13, v7  }
0x1f7: {  	v19 =	vld [tilespmem:s17+$0x20];
	v16 =	vmul.f32 v16, v6;
	v18 =	vmul.f32 $6.553700000e+04, v9;
	v8 =	vsub.f32 v17, v8  }
0x1f8: {  	v20 =	vmul.f32 $6.553700000e+04, v10;
	v23 =	vmul.f32 $6.553700000e+04, v14;
	v13 =	vld [tilespmem:s17+$0x10];
	[tilespmem:s16+$0x1180] =	vst v7  }
0x1f9: {  	v22 =	vmul.f32 $6.553700000e+04, v12;
	v9 =	vsub.f32 v18, v9;
	v8 =	vsub.f32 v17, v8;
	v21 =	vld [tilespmem:s17+$0x30]  }
0x1fa: {  	v25 =	vmul.f32 $6.553700000e+04, v15;
	v10 =	vsub.f32 v20, v10;
	v14 =	vsub.f32 v23, v14;
	v17 =	vld [tilespmem:s17+$0x40]  }
0x1fb: {  	v18 =	vsub.f32 v18, v9;
	v7 =	vmul.f32 $6.553700000e+04, v11;
	v24 =	vld [tilespmem:s17+$0x50];
	[tilespmem:s16+$0x1110] =	vst v8;
	v8 =	vsub.f32 v22, v12  }
0x1fc: {  	v26 =	vsub.f32 v25, v15;
	v15 =	vmul.f32 $6.553700000e+04, v16;
	v20 =	vsub.f32 v20, v10  }
0x1fd: {  	v11 =	vsub.f32 v7, v11;
	v9 =	vld [tilespmem:s17+$0x60];
	[tilespmem:s16+$0x1120] =	vst v18;
	v27 =	vmul.f32 v13, v6;
	v22 =	vsub.f32 v22, v8  }
0x1fe: {  	v12 =	vmul.f32 v19, v6;
	v19 =	vsub.f32 v15, v16;
	v10 =	vld [tilespmem:s17+$0x70];
	[tilespmem:s16+$0x1130] =	vst v20;
	v20 =	vsub.f32 v23, v14  }
0x1ff: {  	v11 =	vsub.f32 v7, v11;
	v7 =	vmul.f32 $6.553700000e+04, v27;
	[tilespmem:s16+$0x1150] =	vst v22;
	v13 =	vmul.f32 v21, v6  }
0x200: {  	s18 =	simm.s32 $0x400;
	s20 =	simm.s32 $0x100;
	v18 =	vsub.f32 v25, v26;
	v8 =	vmul.f32 $6.553700000e+04, v12;
	[tilespmem:s16+$0x1160] =	vst v20;
	v14 =	vmul.f32 v17, v6  }
0x201: {  	s21 =	simm.s32 $0x600;
	s22 =	simm.s32 $0x0;
	s19 =	simm.s32 $0x80;
	[tilespmem:s16+$0x1140] =	vst v11;
	v17 =	vmul.f32 v24, v6;
	v16 =	vsub.f32 v7, v27;
	v11 =	vmul.f32 $6.553700000e+04, v13  }
.LBB2_16:
0x202: {  	p0 =	sne.s32 s21, $0x1E00;
	v20 =	vld [tilespmem:s20+$0x80];
	v21 =	vmul.f32 $6.553700000e+04, v14;
	v9 =	vmul.f32 v9, v6;
	v15 =	vsub.f32 v15, v19;
	[tilespmem:s22+$0x1170] =	vst v18;
	s22 =	smov.u32 s19;
	s19 =	smov.u32 s20  }
0x203: {  	v12 =	vsub.f32 v8, v12;
	v18 =	vld [tilespmem:s19+$0x10];
	v19 =	vmul.f32 $6.553700000e+04, v17;
	v10 =	vmul.f32 v10, v6  }
0x204: {  	v13 =	vsub.f32 v11, v13;
	v22 =	vld [tilespmem:s19+$0x20];
	v14 =	vsub.f32 v21, v14;
	v23 =	vmul.f32 $6.553700000e+04, v9;
	[tilespmem:s22+$0x1180] =	vst v15  }
0x205: {  	v7 =	vsub.f32 v7, v16;
	v24 =	vld [tilespmem:s19+$0x30];
	v15 =	vsub.f32 v19, v17;
	v16 =	vmul.f32 $6.553700000e+04, v10  }
0x206: {  	v8 =	vsub.f32 v8, v12;
	v17 =	vld [tilespmem:s19+$0x40];
	v25 =	vsub.f32 v23, v9  }
0x207: {  	v26 =	vld [tilespmem:s19+$0x50];
	v20 =	vmul.f32 v20, v6;
	[tilespmem:s22+$0x1110] =	vst v7;
	v7 =	vsub.f32 v11, v13;
	v11 =	vsub.f32 v16, v10  }
.Ltmp13:
0x208: {  	v27 =	vmul.f32 v18, v6;
	v9 =	vld [tilespmem:s19+$0x60];
	[tilespmem:s22+$0x1120] =	vst v8;
	v8 =	vsub.f32 v21, v14;
	v21 =	vsub.f32 v19, v15;
	(pc) =	sbr.rel @p0 .LBB2_16-.Ltmp13, $4  }
0x209: {  	v12 =	vmul.f32 v22, v6;
	v10 =	vld [tilespmem:s19+$0x70];
	v15 =	vmul.f32 $6.553700000e+04, v20;
	[tilespmem:s22+$0x1130] =	vst v7;
	v22 =	vsub.f32 v23, v25  }
0x20a: {  	v18 =	vsub.f32 v16, v11;
	v7 =	vmul.f32 $6.553700000e+04, v27;
	v13 =	vmul.f32 v24, v6;
	[tilespmem:s22+$0x1140] =	vst v8  }
0x20b: {  	v8 =	vmul.f32 $6.553700000e+04, v12;
	v14 =	vmul.f32 v17, v6;
	v19 =	vsub.f32 v15, v20;
	[tilespmem:s22+$0x1150] =	vst v21  }
0x20c: {  	s20 =	sshra.s32 s21, $0x2;
	s21 =	sadd.s32 $0x200, s21;
	v16 =	vsub.f32 v7, v27;
	v11 =	vmul.f32 $6.553700000e+04, v13;
	v17 =	vmul.f32 v26, v6;
	[tilespmem:s22+$0x1160] =	vst v22  }
0x20d: {  	v20 =	vld [tilespmem:s20+$0x80];
	[tilespmem:s22+$0x1170] =	vst v18;
	v15 =	vsub.f32 v15, v19  }
0x20e: {  	v18 =	vld [tilespmem:s20+$0x10]  }
0x20f: {  	v21 =	vmul.f32 $6.553700000e+04, v14;
	v9 =	vmul.f32 v9, v6;
	v12 =	vsub.f32 v8, v12;
	v47 =	vld [tilespmem:s20+$0x20];
	[tilespmem:s19+$0x1180] =	vst v15  }
0x210: {  	v10 =	vmul.f32 v10, v6;
	v13 =	vsub.f32 v11, v13;
	v7 =	vsub.f32 v7, v16;
	v22 =	vld [tilespmem:s20+$0x30]  }
0x211: {  	v15 =	vmul.f32 $6.553700000e+04, v17;
	v14 =	vsub.f32 v21, v14;
	v23 =	vmul.f32 $6.553700000e+04, v9;
	v16 =	vld [tilespmem:s20+$0x40]  }
0x212: {  	v8 =	vsub.f32 v8, v12;
	v24 =	vmul.f32 $6.553700000e+04, v10;
	v12 =	vld [tilespmem:s20+$0x50];
	[tilespmem:s19+$0x1110] =	vst v7;
	v7 =	vsub.f32 v11, v13  }
0x213: {  	v17 =	vsub.f32 v15, v17;
	v9 =	vsub.f32 v23, v9;
	v13 =	vld [tilespmem:s20+$0x60];
	v20 =	vmul.f32 v20, v6  }
0x214: {  	v14 =	vsub.f32 v21, v14;
	[tilespmem:s19+$0x1120] =	vst v8;
	v10 =	vsub.f32 v24, v10;
	v11 =	vmul.f32 v18, v6  }
0x215: {  	v48 =	vld [tilespmem:s20+$0x70];
	v8 =	vsub.f32 v15, v17;
	v15 =	vmul.f32 v47, v6;
	v17 =	vmul.f32 $6.553700000e+04, v20  }
0x216: {  	v9 =	vsub.f32 v23, v9;
	v49 =	vmul.f32 $6.553700000e+04, v11;
	v50 =	vmul.f32 v22, v6  }
0x217: {  	[tilespmem:s19+$0x1130] =	vst v7;
	v7 =	vsub.f32 v24, v10;
	v10 =	vmul.f32 $6.553700000e+04, v15;
	v16 =	vmul.f32 v16, v6  }
0x218: {  	[tilespmem:s19+$0x1140] =	vst v14;
	v12 =	vmul.f32 v12, v6;
	v14 =	vsub.f32 v17, v20;
	v13 =	vmul.f32 v13, v6  }
0x219: {  	[tilespmem:s19+$0x1150] =	vst v8;
	v51 =	vmul.f32 $6.553700000e+04, v50;
	v8 =	vsub.f32 v49, v11;
	v11 =	vmul.f32 $6.553700000e+04, v16  }
0x21a: {  	[tilespmem:s19+$0x1160] =	vst v9;
	v6 =	vmul.f32 v48, v6;
	v9 =	vsub.f32 v17, v14;
	v14 =	vsub.f32 v10, v15  }
0x21b: {  	[tilespmem:s19+$0x1170] =	vst v7;
	v15 =	vmul.f32 $6.553700000e+04, v12;
	v7 =	vsub.f32 v51, v50;
	v8 =	vsub.f32 v49, v8  }
0x21c: {  	v17 =	vmul.f32 $6.553700000e+04, v13;
	v16 =	vsub.f32 v11, v16;
	[tilespmem:s20+$0x1180] =	vst v9;
	v9 =	vsub.f32 v10, v14  }
0x21d: {  	v10 =	vsub.f32 v15, v12;
	v12 =	vmul.f32 $6.553700000e+04, v6;
	[tilespmem:s20+$0x1110] =	vst v8;
	v7 =	vsub.f32 v51, v7  }
0x21e: {  	v8 =	vsub.f32 v17, v13;
	[tilespmem:s20+$0x1120] =	vst v9;
	v9 =	vsub.f32 v11, v16  }
0x21f: {  	v6 =	vsub.f32 v12, v6;
	v10 =	vsub.f32 v15, v10;
	[tilespmem:s20+$0x1130] =	vst v7  }
0x220: {  	v7 =	vsub.f32 v17, v8;
	[tilespmem:s20+$0x1140] =	vst v9  }
0x221: {  	v6 =	vsub.f32 v12, v6;
	[tilespmem:s20+$0x1150] =	vst v10  }
0x222: {  	[tilespmem:s20+$0x1160] =	vst v7  }
0x223: {  	[tilespmem:s20+$0x1170] =	vst v6  }
0x224: {  	v10 =	vld [tilespmem:s16+$0x117F]  }
0x225: {  	v11 =	vld [tilespmem:s16+$0x116F]  }
0x226: {  	v8 =	vld [tilespmem:s16+$0x115F]  }
0x227: {  	v6 =	vld [tilespmem:s16+$0x114F]  }
0x228: {  	v7 =	vld [tilespmem:s16+$0x113F]  }
0x229: {  	v9 =	vld [tilespmem:s16+$0x112F]  }
0x22a: {  	v12 =	vld [tilespmem:s16+$0x1111]  }
0x22b: {  	v13 =	vld [tilespmem:s16+$0x110F]  }
0x22c: {  	v14 =	vld [tilespmem:s16+$0x1110]  }
0x22d: {  	v15 =	vld [tilespmem:s16+$0x111F]  }
0x22e: {  	v16 =	vld [tilespmem:s16+$0x1120]  }
0x22f: {  	v17 =	vld [tilespmem:s16+$0x1130]  }
0x230: {  	v52 =	vld [tilespmem:s16+$0x1121]  }
0x231: {  	v53 =	vld [tilespmem:s16+$0x1140];
	v13 =	vmul.f32 v13, v4;
	v14 =	vmul.f32 v14, v5  }
0x232: {  	v54 =	vld [tilespmem:s16+$0x1131];
	v12 =	vmul.f32 v12, v3  }
0x233: {  	v15 =	vmul.f32 v15, v4;
	v16 =	vmul.f32 v16, v5;
	v13 =	vadd.f32 v14, v13;
	v14 =	vld [tilespmem:s16+$0x1150]  }
0x234: {  	v59 =	vimm.f32 $0.0e+00;
	v55 =	vld [tilespmem:s16+$0x1141];
	v9 =	vmul.f32 v9, v4;
	v17 =	vmul.f32 v17, v5  }
0x235: {  	v56 =	vld [tilespmem:s16+$0x1151];
	v15 =	vadd.f32 v16, v15;
	v16 =	vmul.f32 v52, v3;
	v12 =	vadd.f32 v12, v13  }
0x236: {  	v7 =	vmul.f32 v7, v4;
	v19 =	vmul.f32 v53, v5;
	v9 =	vadd.f32 v17, v9;
	v13 =	vld [tilespmem:s16+$0x1160]  }
0x237: {  	v17 =	vmul.f32 v54, v3;
	v15 =	vadd.f32 v16, v15;
	v16 =	vld [tilespmem:s16+$0x1170];
	[tilespmem:s16+$0x890] =	vst v12;
	v12 =	vadd.f32 v12, v59  }
0x238: {  	v57 =	vld [tilespmem:s16+$0x1161];
	v6 =	vmul.f32 v6, v4;
	v7 =	vadd.f32 v19, v7;
	v14 =	vmul.f32 v14, v5  }
0x239: {  	v60 =	vmul.f32 v55, v3;
	v9 =	vadd.f32 v17, v9;
	v17 =	vld [tilespmem:s16+$0x1180];
	v12 =	vadd.f32 v15, v12  }
0x23a: {  	v58 =	vld [tilespmem:s16+$0x1171];
	v62 =	vmul.f32 v8, v4;
	[tilespmem:s16+$0x8A0] =	vst v15;
	v15 =	vmul.f32 v56, v3;
	v14 =	vadd.f32 v14, v6  }
0x23b: {  	v61 =	vld [tilespmem:s16+$0x1181];
	v19 =	vadd.f32 v60, v7;
	[tilespmem:s16+$0x8B0] =	vst v9;
	v13 =	vmul.f32 v13, v5;
	v12 =	vadd.f32 v9, v12  }
0x23c: {  	v11 =	vmul.f32 v11, v4;
	v7 =	vld [tilespmem:s17+$0x117F];
	v16 =	vmul.f32 v16, v5;
	v14 =	vadd.f32 v15, v14  }
0x23d: {  	v6 =	vld [tilespmem:s17+$0x116F];
	[tilespmem:s16+$0x8C0] =	vst v19;
	v13 =	vadd.f32 v13, v62;
	v15 =	vmul.f32 v57, v3;
	v12 =	vadd.f32 v19, v12  }
0x23e: {  	v63 =	vmul.f32 v10, v4;
	v17 =	vmul.f32 v17, v5;
	v8 =	vld [tilespmem:s17+$0x115F];
	v11 =	vadd.f32 v16, v11  }
0x23f: {  	v9 =	vld [tilespmem:s17+$0x114F];
	[tilespmem:s16+$0x8D0] =	vst v14;
	v13 =	vadd.f32 v15, v13;
	v15 =	vmul.f32 v58, v3;
	v14 =	vadd.f32 v14, v12  }
0x240: {  	v16 =	vadd.f32 v17, v63;
	v10 =	vld [tilespmem:s17+$0x113F]  }
0x241: {  	v17 =	vmul.f32 v61, v3;
	v12 =	vld [tilespmem:s17+$0x112F];
	[tilespmem:s16+$0x8E0] =	vst v13;
	v11 =	vadd.f32 v15, v11;
	v13 =	vadd.f32 v13, v14  }
0x242: {  	v14 =	vld [tilespmem:s17+$0x1111]  }
0x243: {  	v15 =	vld [tilespmem:s17+$0x110F];
	[tilespmem:s16+$0x8F0] =	vst v11;
	v11 =	vadd.f32 v11, v13;
	v13 =	vadd.f32 v17, v16  }
.LBB2_18:
0x244: {  	p0 =	sne.s32 s18, $0x1C00;
	v16 =	vld [tilespmem:s17+$0x1110]  }
0x245: {  	v17 =	vld [tilespmem:s17+$0x111F];
	[tilespmem:s16+$0x900] =	vst v13;
	v11 =	vadd.f32 v13, v11;
	s16 =	smov.u32 s17  }
0x246: {  	v13 =	vld [tilespmem:s16+$0x1120]  }
0x247: {  	v18 =	vld [tilespmem:s16+$0x1130]  }
0x248: {  	v19 =	vld [tilespmem:s16+$0x1121]  }
0x249: {  	v15 =	vmul.f32 v15, v4;
	v16 =	vmul.f32 v16, v5;
	v20 =	vld [tilespmem:s16+$0x1140]  }
0x24a: {  	v14 =	vmul.f32 v14, v3;
	v21 =	vld [tilespmem:s16+$0x1131]  }
0x24b: {  	v15 =	vadd.f32 v16, v15;
	v16 =	vmul.f32 v17, v4;
	v13 =	vmul.f32 v13, v5;
	v17 =	vld [tilespmem:s16+$0x1150]  }
0x24c: {  	v12 =	vmul.f32 v12, v4;
	v18 =	vmul.f32 v18, v5;
	v22 =	vld [tilespmem:s16+$0x1141]  }
0x24d: {  	v14 =	vadd.f32 v14, v15;
	v13 =	vadd.f32 v13, v16;
	v15 =	vmul.f32 v19, v3;
	v16 =	vld [tilespmem:s16+$0x1160]  }
0x24e: {  	v10 =	vmul.f32 v10, v4;
	v12 =	vadd.f32 v18, v12;
	v18 =	vmul.f32 v20, v5;
	v19 =	vld [tilespmem:s16+$0x1151]  }
0x24f: {  	[tilespmem:s16+$0x890] =	vst v14;
	v11 =	vadd.f32 v14, v11;
	v13 =	vadd.f32 v15, v13;
	v14 =	vmul.f32 v21, v3;
	v15 =	vld [tilespmem:s16+$0x1170]  }
0x250: {  	v9 =	vmul.f32 v9, v4;
	v10 =	vadd.f32 v18, v10;
	v17 =	vmul.f32 v17, v5;
	v18 =	vld [tilespmem:s16+$0x1161]  }
0x251: {  	[tilespmem:s16+$0x8A0] =	vst v13;
	v11 =	vadd.f32 v13, v11;
	v12 =	vadd.f32 v14, v12;
	v13 =	vmul.f32 v22, v3;
	v14 =	vld [tilespmem:s16+$0x1180]  }
0x252: {  	v8 =	vmul.f32 v8, v4;
	v9 =	vadd.f32 v17, v9;
	v16 =	vmul.f32 v16, v5;
	v17 =	vld [tilespmem:s16+$0x1171]  }
0x253: {  	s17 =	sshra.s32 s18, $0x2;
	[tilespmem:s16+$0x8B0] =	vst v12;
	v11 =	vadd.f32 v12, v11;
	v10 =	vadd.f32 v13, v10;
	v12 =	vmul.f32 v19, v3;
	v13 =	vld [tilespmem:s16+$0x1181]  }
0x254: {  	v20 =	vmul.f32 v6, v4;
	v19 =	vld [tilespmem:s17+$0x117F];
	v16 =	vadd.f32 v16, v8;
	v15 =	vmul.f32 v15, v5  }
0x255: {  	v6 =	vld [tilespmem:s17+$0x116F];
	[tilespmem:s16+$0x8C0] =	vst v10;
	v10 =	vadd.f32 v10, v11;
	v11 =	vadd.f32 v12, v9;
	v12 =	vmul.f32 v18, v3  }
0x256: {  	v7 =	vmul.f32 v7, v4;
	v8 =	vld [tilespmem:s17+$0x115F];
	v15 =	vadd.f32 v15, v20;
	v14 =	vmul.f32 v14, v5  }
.Ltmp14:
0x257: {  	v9 =	vld [tilespmem:s17+$0x114F];
	[tilespmem:s16+$0x8D0] =	vst v11;
	v11 =	vadd.f32 v11, v10;
	v16 =	vadd.f32 v12, v16;
	v17 =	vmul.f32 v17, v3;
	(pc) =	sbr.rel @p0 .LBB2_18-.Ltmp14, $4  }
0x258: {  	v10 =	vld [tilespmem:s17+$0x113F];
	v18 =	vadd.f32 v14, v7  }
0x259: {  	v13 =	vmul.f32 v13, v3;
	v12 =	vld [tilespmem:s17+$0x112F];
	[tilespmem:s16+$0x8E0] =	vst v16;
	v11 =	vadd.f32 v16, v11;
	v16 =	vadd.f32 v17, v15  }
0x25a: {  	v7 =	vmov v19;
	v14 =	vld [tilespmem:s17+$0x1111]  }
0x25b: {  	s18 =	sadd.s32 $0x200, s18;
	v13 =	vadd.f32 v13, v18;
	v15 =	vld [tilespmem:s17+$0x110F];
	[tilespmem:s16+$0x8F0] =	vst v16;
	v11 =	vadd.f32 v16, v11  }
0x25c: {  	v16 =	vld [tilespmem:s17+$0x1110]  }
0x25d: {  	v17 =	vld [tilespmem:s17+$0x111F];
	[tilespmem:s16+$0x900] =	vst v13  }
0x25e: {  	v18 =	vld [tilespmem:s17+$0x1120]  }
0x25f: {  	v19 =	vld [tilespmem:s17+$0x1130]  }
0x260: {  	v20 =	vld [tilespmem:s17+$0x1121]  }
0x261: {  	v21 =	vld [tilespmem:s17+$0x1140]  }
0x262: {  	v9 =	vmul.f32 v9, v4;
	v8 =	vmul.f32 v8, v4;
	v22 =	vld [tilespmem:s17+$0x1131]  }
0x263: {  	v6 =	vmul.f32 v6, v4;
	v7 =	vmul.f32 v7, v4;
	v56 =	vld [tilespmem:s17+$0x1150]  }
0x264: {  	v10 =	vmul.f32 v10, v4;
	v23 =	vld [tilespmem:s17+$0x1141];
	v12 =	vmul.f32 v12, v4  }
0x265: {  	v59 =	vld [tilespmem:s17+$0x1151];
	v14 =	vmul.f32 v14, v3;
	v15 =	vmul.f32 v15, v4  }
0x266: {  	v63 =	vld [tilespmem:s17+$0x1180];
	v16 =	vmul.f32 v16, v5;
	v17 =	vmul.f32 v17, v4  }
0x267: {  	v26 =	vld [tilespmem:s17+$0x1181];
	v18 =	vmul.f32 v18, v5;
	v58 =	vmul.f32 v20, v3  }
0x268: {  	v57 =	vld [tilespmem:s17+$0x1160];
	v19 =	vmul.f32 v19, v5;
	v61 =	vmul.f32 v22, v3  }
0x269: {  	v60 =	vld [tilespmem:s17+$0x1170];
	v15 =	vadd.f32 v16, v15;
	v21 =	vmul.f32 v21, v5;
	v16 =	vmul.f32 v56, v5  }
0x26a: {  	v62 =	vld [tilespmem:s17+$0x1161];
	v23 =	vmul.f32 v23, v3;
	v27 =	vmul.f32 v59, v3;
	v17 =	vadd.f32 v18, v17  }
0x26b: {  	v24 =	vld [tilespmem:s17+$0x1171];
	v29 =	vmul.f32 v63, v5;
	v14 =	vadd.f32 v14, v15;
	v12 =	vadd.f32 v19, v12  }
0x26c: {  	v31 =	vmul.f32 v26, v3;
	v10 =	vadd.f32 v21, v10;
	v17 =	vadd.f32 v58, v17  }
0x26d: {  	v15 =	vmul.f32 v57, v5;
	v9 =	vadd.f32 v16, v9;
	[tilespmem:s17+$0x890] =	vst v14;
	v12 =	vadd.f32 v61, v12  }
0x26e: {  	v18 =	vmul.f32 v60, v5;
	v7 =	vadd.f32 v29, v7;
	v10 =	vadd.f32 v23, v10;
	[tilespmem:s17+$0x8A0] =	vst v17  }
0x26f: {  	v28 =	vmul.f32 v62, v3;
	v8 =	vadd.f32 v15, v8;
	v9 =	vadd.f32 v27, v9;
	[tilespmem:s17+$0x8B0] =	vst v12  }
0x270: {  	v30 =	vmul.f32 v24, v3;
	v6 =	vadd.f32 v18, v6;
	v7 =	vadd.f32 v31, v7;
	[tilespmem:s17+$0x8C0] =	vst v10  }
0x271: {  	v8 =	vadd.f32 v28, v8;
	[tilespmem:s17+$0x8D0] =	vst v9  }
0x272: {  	v6 =	vadd.f32 v30, v6;
	[tilespmem:s17+$0x900] =	vst v7  }
0x273: {  	[tilespmem:s17+$0x8E0] =	vst v8  }
0x274: {  	[tilespmem:s17+$0x8F0] =	vst v6  }
0x275: {  	v32 =	vld [tilespmem:$0x188F]  }
0x276: {  	v11 =	vadd.f32 v13, v11;
	v33 =	vld [tilespmem:$0x1890]  }
0x277: {  	v34 =	vld [tilespmem:$0x1891]  }
0x278: {  	v11 =	vadd.f32 v14, v11;
	v35 =	vld [tilespmem:$0x189F]  }
0x279: {  	v36 =	vld [tilespmem:$0x18A0]  }
0x27a: {  	v11 =	vadd.f32 v17, v11;
	v37 =	vld [tilespmem:$0x18A1]  }
0x27b: {  	v38 =	vld [tilespmem:$0x18B0]  }
0x27c: {  	v11 =	vadd.f32 v12, v11;
	v39 =	vld [tilespmem:$0x18BF]  }
0x27d: {  	v41 =	vld [tilespmem:$0x18C0]  }
0x27e: {  	v42 =	vld [tilespmem:$0x18C1];
	v10 =	vadd.f32 v10, v11  }
0x27f: {  	v43 =	vld [tilespmem:$0x18CF]  }
0x280: {  	v45 =	vld [tilespmem:$0x18D0];
	v9 =	vadd.f32 v9, v10  }
0x281: {  	v47 =	vld [tilespmem:$0x18DF]  }
0x282: {  	v11 =	vld [tilespmem:$0x18AF];
	v8 =	vadd.f32 v8, v9;
	v9 =	vmul.f32 v32, v4  }
0x283: {  	v48 =	vld [tilespmem:$0x18E0];
	v40 =	vmul.f32 v33, v5;
	v44 =	vmul.f32 v35, v4  }
0x284: {  	v49 =	vld [tilespmem:$0x18E1];
	v12 =	vmul.f32 v36, v5;
	v46 =	vmul.f32 v38, v5  }
0x285: {  	v10 =	vld [tilespmem:$0x18B1];
	v50 =	vmul.f32 v39, v4;
	v14 =	vmul.f32 v41, v5  }
0x286: {  	v51 =	vld [tilespmem:$0x18EF];
	v6 =	vadd.f32 v6, v8;
	v8 =	vadd.f32 v40, v9;
	v9 =	vmul.f32 v34, v3  }
0x287: {  	v52 =	vld [tilespmem:$0x18F0];
	v13 =	vmul.f32 v43, v4;
	v11 =	vmul.f32 v11, v4;
	v12 =	vadd.f32 v12, v44  }
0x288: {  	v55 =	vld [tilespmem:$0x1900];
	v6 =	vadd.f32 v7, v6;
	v7 =	vadd.f32 v9, v8;
	v8 =	vmul.f32 v37, v3  }
0x289: {  	v53 =	vmul.f32 v45, v5;
	v57 =	vmul.f32 v47, v4;
	v11 =	vadd.f32 v46, v11;
	v9 =	vld [tilespmem:$0x18D1]  }
0x28a: {  	v54 =	vld [tilespmem:$0x18FF];
	v10 =	vmul.f32 v10, v3;
	v6 =	vadd.f32 v7, v6;
	v8 =	vadd.f32 v8, v12  }
0x28b: {  	v56 =	vld [tilespmem:$0x18F1];
	v58 =	vmul.f32 v48, v5;
	v61 =	vmul.f32 v51, v4;
	v14 =	vadd.f32 v14, v50  }
0x28c: {  	v59 =	vld [tilespmem:$0x1901];
	v10 =	vadd.f32 v10, v11;
	v11 =	vmul.f32 v42, v3;
	v6 =	vadd.f32 v8, v6  }
0x28d: {  	v62 =	vmul.f32 v52, v5;
	v5 =	vmul.f32 v55, v5;
	v13 =	vadd.f32 v53, v13  }
0x28e: {  	v11 =	vadd.f32 v11, v14;
	v9 =	vmul.f32 v9, v3;
	v6 =	vadd.f32 v10, v6  }
0x28f: {  	v4 =	vmul.f32 v54, v4;
	v60 =	vadd.f32 v58, v57;
	v63 =	vadd.f32 v62, v61  }
0x290: {  	v12 =	vmul.f32 v49, v3;
	v9 =	vadd.f32 v9, v13;
	v6 =	vadd.f32 v11, v6  }
0x291: {  	v4 =	vadd.f32 v5, v4;
	v14 =	vmul.f32 v56, v3;
	v3 =	vmul.f32 v59, v3  }
0x292: {  	v12 =	vadd.f32 v12, v60;
	v6 =	vadd.f32 v9, v6  }
0x293: {  	v3 =	vadd.f32 v3, v4  }
0x294: {  	v5 =	vadd.f32 v12, v6;
	v6 =	vadd.f32 v14, v63;
	_ =	sdelay $0x1  }
0x295: {  	v3 =	vmul.f32 v3, v2;
	v4 =	vadd.f32 v6, v5;
	_ =	sdelay $0x1  }
0x296: {  	v2 =	vadd.f32 v3, v4;
	_ =	sdelay $0x1  }
0x297: {  	[tilespmem:$0x2290] =	vst v2  }
0x298: {  	v4 =	vld [tilespmem:$0x2298];
	_ =	sdelay $0x4  }
0x299: {  	v2 =	vadd.f32 v2, v4;
	_ =	sdelay $0x1  }
0x29a: {  	[tilespmem:$0x2290] =	vst v2  }
0x29b: {  	v4 =	vld [tilespmem:$0x2294];
	_ =	sdelay $0x4  }
0x29c: {  	v2 =	vadd.f32 v4, v2;
	_ =	sdelay $0x1  }
0x29d: {  	[tilespmem:$0x2290] =	vst v2  }
0x29e: {  	v4 =	vld [tilespmem:$0x2292];
	_ =	sdelay $0x4  }
0x29f: {  	v2 =	vadd.f32 v4, v2;
	_ =	sdelay $0x1  }
0x2a0: {  	[tilespmem:$0x2290] =	vst v2  }
0x2a1: {  	v4 =	vld [tilespmem:$0x2291];
	_ =	sdelay $0x3  }
0x2a2: {  	(v2sf) =	vpush v2, $0x0  }
0x2a3: {  	(v2sf) =	vpush v4, $0x0;
	_ =	sdelay $0xd  }
0x2a4: {  	s30 =	spop (v2sf)  }
0x2a5: {  	s31 =	spop (v2sf)  }
0x2a6: {  	[tilespmem:$0x1010] =	vst v7;
	s16 =	sadd.f32 s31, s30  }
0x2a7: {  	[tilespmem:$0x1030] =	vst v10  }
0x2a8: {  	[tilespmem:$0x1020] =	vst v8;
	v2 =	vmov s16  }
0x2a9: {  	[tilespmem:$0x1040] =	vst v11;
	(erf) = vrcp.f32 v2  }
0x2aa: {  	[tilespmem:$0x1060] =	vst v12  }
0x2ab: {  	[tilespmem:$0x1050] =	vst v9  }
0x2ac: {  	[tilespmem:$0x1080] =	vst v3  }
0x2ad: {  	s18 =	simm.s32 $0x0;
	[tilespmem:$0x1070] =	vst v6  }
0x2ae: {  	v3 =	vld [tilespmem:s18+$0x890];
	_ =	sdelay $0x3  }
0x2af: {  	v4 =	vpop (erf)  }
0x2b0: {  	s16 =	simm.s32 $0x10;
	v8 =	vmul.f32 v3, v4  }
0x2b1: {  	v7 =	vld [tilespmem:s16+$0x890]  }
0x2b2: {  	v5 =	vmul.f32 $6.553700000e+04, v8  }
0x2b3: {  	v6 =	vld [tilespmem:s18+$0x1980]  }
0x2b4: {  	s17 =	simm.s32 $0x80;
	v3 =	vimm.f32 $0.0e+00;
	v8 =	vsub.f32 v5, v8  }
.LBB2_20:
0x2b5: {  	p0 =	sne.s32 s17, $0x1FC0  }
.Ltmp15:
0x2b6: {  	s18 =	sshra.s32 s17, $0x2;
	s17 =	sadd.s32 $0x40, s17;
	v9 =	vmul.f32 v7, v4;
	v8 =	vsub.f32 v5, v8;
	(pc) =	sbr.rel @p0 .LBB2_20-.Ltmp15, $4  }
0x2b7: {  	v7 =	vld [tilespmem:s18+$0x890]  }
0x2b8: {  	v5 =	vmul.f32 $6.553700000e+04, v9;
	v10 =	vmul.f32 v8, v6  }
0x2b9: {  	v6 =	vld [tilespmem:s16+$0x1980];
	s16 =	smov.u32 s18  }
0x2ba: {  	v8 =	vsub.f32 v5, v9;
	v3 =	vadd.f32 v10, v3  }
0x2bb: {  	_ = 	snop  }
0x2bc: {  	v4 =	vmul.f32 v7, v4;
	_ =	sdelay $0x1  }
0x2bd: {  	v7 =	vmul.f32 $6.553700000e+04, v4  }
0x2be: {  	v9 =	vld [tilespmem:s16+$0x1980]  }
0x2bf: {  	v5 =	vsub.f32 v5, v8;
	v4 =	vsub.f32 v7, v4;
	_ =	sdelay $0x1  }
0x2c0: {  	v5 =	vmul.f32 v5, v6;
	v4 =	vsub.f32 v7, v4;
	_ =	sdelay $0x1  }
.Ltmp16:
0x2c1: {  	v3 =	vadd.f32 v5, v3;
	v4 =	vmul.f32 v4, v9;
	(pc) =	sbr.rel .LBB2_25-.Ltmp16, $3  }
0x2c2: {  	_ = 	snop  }
0x2c3: {  	v1 =	vmul.f32 v2, v1;
	v3 =	vadd.f32 v4, v3;
	_ =	sdelay $0x1  }
0x2c4: {  	v1 =	vmul.f32 v3, v1  }
.Lfunc_end2:
_tile_overlayer_lowered:
.L_overlay_start_2:
0x2c5: {  	(tag) =	ssettag $0x2  }
0x2c6: {  	s0 =	rddreg [dreg:$0x0];
	s2 =	stileid.u32  }
0x2c7: {  	s1 =	rddreg [dreg:$0x1];
	p0 =	sne.s32 s2, $0x0  }
0x2c8: {  	s3 =	rddreg [dreg:$0x2];
	[bflag:$0x3] =	sbarrier.arrive $0xFFFF;
	s2 =	simm.s32 @!p0 $0x1C01  }
0x2c9: {  	[timem:s3], [sflag:s2] =	dma.local @!p0 [hbm:s0], s1  }
0x2ca: {  	s0 =	simm.s32 @!p0 $0x1  }
0x2cb: {  	_ =	swait.ge @!p0 [sflag:s0], s1  }
0x2cc: {  	s1 =	ssub.s32 @!p0 $0x0, s1;
	[sflag:s0] =	ssyncset.done @!p0 $0x0  }
0x2cd: {  	[sflag:s0] =	ssyncadd.s32 @!p0 s1  }
0x2ce: {  	[bflag:$0x3] =	sbarrier.arrive $0xFFFF  }
0x2cf: {  	_ =	shalt  }

</sc_bundles>
